<compile_context>
chip_gen: v7x
topology: tpu7x:2x2x1
jax: 0.10.2.dev20260603
libtpu: 0.0.44.dev20260713+nightly
codegen_flags: <defaults>
</compile_context>

<pallas_src>
import functools

import jax
import jax.numpy as jnp
from jax import lax
from jax.experimental import pallas as pl
from jax.experimental.pallas import tpu as pltpu
from jax.experimental.pallas import tpu_sc as plsc

VOCAB = 1000008
DIM = 300
B_ROWS = 4096
B_COLS = 200
NUM_IDX = B_ROWS * B_COLS

NC = 2
NS = 16
C_PER_SC = DIM // NC
J_PER_TILE = NUM_IDX // NS
GCHUNK = 3200
N_G = J_PER_TILE // GCHUNK

CHUNK = 3840
LAST_CHUNK = 1024
N_CHUNKS = 17
PER_TILE_LOAD = CHUNK * 16 + LAST_CHUNK
MAIN_N = NS * PER_TILE_LOAD
TAIL_A = 512
TAIL_B = VOCAB - MAIN_N - TAIL_A
TAIL_B_OFF = MAIN_N + TAIL_A


def _csize(k):
    return CHUNK if k < 16 else LAST_CHUNK


def _body(table_hbm, idx_hbm, tail_hbm, out_hbm,
          img, tail_sp, idx_v, buf0, buf1, buf2, buf3, cbuf, tailrow,
          isem0, isem1, isem2, isem3, fsem,
          gsem0, gsem1, gsem2, gsem3, wsem0, wsem1, wsem2, wsem3):
    sc = lax.axis_index("c")
    tid = lax.axis_index("s")
    cbase = sc * C_PER_SC
    jbase = tid * J_PER_TILE
    lbase = tid * PER_TILE_LOAD

    pltpu.sync_copy(idx_hbm.at[pl.ds(jbase, J_PER_TILE)], idx_v)

    @pl.when(tid == 0)
    def _():
        pltpu.sync_copy(tail_hbm, tail_sp)

    bufs = (buf0, buf1, buf2, buf3)
    isems = (isem0, isem1, isem2, isem3)
    gsems = (gsem0, gsem1, gsem2, gsem3)
    wsems = (wsem0, wsem1, wsem2, wsem3)

    def ind_desc(k):
        cref = cbuf.at[pl.ds(0, 1)]
        n = _csize(k)
        return pltpu.make_async_copy(
            table_hbm.at[cref, pl.ds(lbase + k * CHUNK, n)],
            bufs[k % 4].at[:, pl.ds(0, n)],
            isems[k % 4],
        )

    def fwd_desc(k):
        n = _csize(k)
        return pltpu.make_async_copy(
            bufs[k % 4].at[0, pl.ds(0, n)],
            img.at[pl.ds(lbase + k * CHUNK, n)],
            fsem,
        )

    def indA_desc():
        cref = cbuf.at[pl.ds(0, 1)]
        return pltpu.make_async_copy(
            table_hbm.at[cref, pl.ds(MAIN_N, TAIL_A)],
            buf1.at[:, pl.ds(0, TAIL_A)],
            isems[1],
        )

    tailA_fwd = pltpu.make_async_copy(
        buf1.at[0, pl.ds(0, TAIL_A)], img.at[pl.ds(MAIN_N, TAIL_A)], fsem)
    tailB_fwd = pltpu.make_async_copy(
        tailrow, img.at[pl.ds(TAIL_B_OFF, TAIL_B)], fsem)

    def start_load(c):
        cbuf[...] = jnp.full((16,), c, jnp.int32)
        for q in range(4):
            ind_desc(q).start()
        for k in range(N_CHUNKS):
            ind_desc(k).wait()
            fwd_desc(k).start()
            if k + 4 < N_CHUNKS:
                fwd_desc(k).wait()
                ind_desc(k + 4).start()

        @pl.when(tid == 15)
        def _():
            fwd_desc(13).wait()
            ia = indA_desc()
            ia.start()
            ia.wait()
            tailA_fwd.start()

        @pl.when(tid == 0)
        def _():
            tb = pltpu.make_async_copy(
                tail_sp.at[pl.ds(c * TAIL_B, TAIL_B)], tailrow, isem1)
            tb.start()
            tb.wait()
            tailB_fwd.start()

    def wait_load():
        @pl.when(tid != 15)
        def _():
            fwd_desc(13).wait()
        fwd_desc(14).wait()
        fwd_desc(15).wait()
        fwd_desc(16).wait()

        @pl.when(tid == 15)
        def _():
            tailA_fwd.wait()

        @pl.when(tid == 0)
        def _():
            tailB_fwd.wait()

    def g_desc(b):
        return pltpu.make_async_copy(
            img.at[idx_v.at[pl.ds(b * GCHUNK, GCHUNK)]],
            bufs[b % 4].at[0, pl.ds(0, GCHUNK)],
            gsems[b % 4],
        )

    def w_desc(c, b):
        return pltpu.make_async_copy(
            bufs[b % 4].at[0, pl.ds(0, GCHUNK)],
            out_hbm.at[pl.ds(c * NUM_IDX + jbase + b * GCHUNK, GCHUNK)],
            wsems[b % 4],
        )

    def iter_body(i, carry):
        c = cbase + i
        wait_load()
        plsc.subcore_barrier()
        for q in range(4):
            g_desc(q).start()
        for b in range(N_G):
            g_desc(b).wait()
            w_desc(c, b).start()
            if b + 4 < N_G:
                w_desc(c, b).wait()
                g_desc(b + 4).start()
        for b in range(N_G - 4, N_G):
            w_desc(c, b).wait()
        plsc.subcore_barrier()

        @pl.when(i + 1 < C_PER_SC)
        def _():
            start_load(c + 1)

        return carry

    start_load(cbase)
    lax.fori_loop(0, C_PER_SC, iter_body, 0)


def _gather_t(table_t, idx_flat, tail_1d):
    mesh = plsc.VectorSubcoreMesh(core_axis_name="c", subcore_axis_name="s")
    k = functools.partial(
        pl.kernel,
        mesh=mesh,
        out_type=jax.ShapeDtypeStruct((DIM * NUM_IDX,), jnp.float32),
        scratch_types=[
            pltpu.VMEM_SHARED((VOCAB,), jnp.float32),
            pltpu.VMEM_SHARED((DIM * TAIL_B,), jnp.float32),
            pltpu.VMEM((J_PER_TILE,), jnp.int32),
            pltpu.VMEM((1, CHUNK), jnp.float32),
            pltpu.VMEM((1, CHUNK), jnp.float32),
            pltpu.VMEM((1, CHUNK), jnp.float32),
            pltpu.VMEM((1, CHUNK), jnp.float32),
            pltpu.VMEM((16,), jnp.int32),
            pltpu.VMEM((TAIL_B,), jnp.float32),
            pltpu.SemaphoreType.DMA,
            pltpu.SemaphoreType.DMA,
            pltpu.SemaphoreType.DMA,
            pltpu.SemaphoreType.DMA,
            pltpu.SemaphoreType.DMA,
            pltpu.SemaphoreType.DMA,
            pltpu.SemaphoreType.DMA,
            pltpu.SemaphoreType.DMA,
            pltpu.SemaphoreType.DMA,
            pltpu.SemaphoreType.DMA,
            pltpu.SemaphoreType.DMA,
            pltpu.SemaphoreType.DMA,
            pltpu.SemaphoreType.DMA,
        ],
    )(_body)
    return k(table_t, idx_flat, tail_1d)


def kernel(table, idxes):
    table_t = jnp.transpose(table)
    idx_flat = jnp.transpose(idxes).reshape(NUM_IDX).astype(jnp.int32)
    tail_1d = jnp.transpose(table[TAIL_B_OFF:, :]).reshape(DIM * TAIL_B)
    out_flat = _gather_t(table_t, idx_flat, tail_1d)
    out3 = out_flat.reshape(DIM, B_COLS, B_ROWS)
    return jnp.transpose(out3, (2, 1, 0))

# --- scband reference (transcript-rebuilt; emitter-appended) ---
"""Pipeline reference for scband-word-embedding-6751688589509 (READ-ONLY COPY).

The authoritative reference and input builder live on the scoring server;
editing this copy changes nothing except your own understanding.
"""

import jax, jax.numpy as jnp
import numpy as np

VOCAB_ROWS = 1000008  # 1,000,000 words + UNK + PAD + 6 special tokens
DIM = 300

def setup_inputs(seed: int = 0) -> dict:
    key = jax.random.key(seed)
    k_idx, k_tab = jax.random.split(key)
    idxes = jax.random.randint(k_idx, (4096, 200), 0, VOCAB_ROWS, dtype=jnp.int64 if jax.config.read('jax_enable_x64') else jnp.int32)
    table = jax.random.normal(k_tab, (VOCAB_ROWS, DIM), dtype=jnp.float32) * 0.01
    return {"table": table, "idxes": idxes}

def reference(table, idxes):
    # WordEmbedding.forward: nn.Embedding lookup on pretrained table
    return jnp.take(table, idxes, axis=0)

if __name__ == "__main__":
    import jax
    _d = setup_inputs()
    print(jax.jit(kernel)(*tuple(_d.values())))

</pallas_src>

<mosaic_0001>
#map = affine_map<(d0, d1) -> (0, 0)>
#map1 = affine_map<(d0, d1) -> (0)>
module attributes {stable_mosaic.version = 14 : i64} {
  func.func @_body(%arg0: i32, %arg1: i32, %arg2: memref<300x1000008xf32, #tpu.memory_space<hbm>>, %arg3: memref<819200xi32, #tpu.memory_space<hbm>>, %arg4: memref<21600xf32, #tpu.memory_space<hbm>>, %arg5: memref<245760000xf32, #tpu.memory_space<hbm>>, %arg6: memref<1000008xf32, #tpu.memory_space<vmem_shared>>, %arg7: memref<21600xf32, #tpu.memory_space<vmem_shared>>, %arg8: memref<51200xi32, #tpu.memory_space<vmem>>, %arg9: memref<1x3840xf32, #tpu.memory_space<vmem>>, %arg10: memref<1x3840xf32, #tpu.memory_space<vmem>>, %arg11: memref<1x3840xf32, #tpu.memory_space<vmem>>, %arg12: memref<1x3840xf32, #tpu.memory_space<vmem>>, %arg13: memref<16xi32, #tpu.memory_space<vmem>>, %arg14: memref<72xf32, #tpu.memory_space<vmem>>, %arg15: memref<!tpu.dma_semaphore, #tpu.memory_space<semaphore_mem>>, %arg16: memref<!tpu.dma_semaphore, #tpu.memory_space<semaphore_mem>>, %arg17: memref<!tpu.dma_semaphore, #tpu.memory_space<semaphore_mem>>, %arg18: memref<!tpu.dma_semaphore, #tpu.memory_space<semaphore_mem>>, %arg19: memref<!tpu.dma_semaphore, #tpu.memory_space<semaphore_mem>>, %arg20: memref<!tpu.dma_semaphore, #tpu.memory_space<semaphore_mem>>, %arg21: memref<!tpu.dma_semaphore, #tpu.memory_space<semaphore_mem>>, %arg22: memref<!tpu.dma_semaphore, #tpu.memory_space<semaphore_mem>>, %arg23: memref<!tpu.dma_semaphore, #tpu.memory_space<semaphore_mem>>, %arg24: memref<!tpu.dma_semaphore, #tpu.memory_space<semaphore_mem>>, %arg25: memref<!tpu.dma_semaphore, #tpu.memory_space<semaphore_mem>>, %arg26: memref<!tpu.dma_semaphore, #tpu.memory_space<semaphore_mem>>, %arg27: memref<!tpu.dma_semaphore, #tpu.memory_space<semaphore_mem>>) attributes {dimension_semantics = [#tpu.dimension_semantics<core_parallel>, #tpu.dimension_semantics<subcore_parallel>], iteration_bounds = array<i64: 2, 16>, scalar_prefetch = 0 : i64, scratch_operands = 22 : i64, tpu.core_type = #tpu.core_type<sc_vector_subcore>, window_params = [{transform_indices = #map}, {transform_indices = #map1}, {transform_indices = #map1}, {transform_indices = #map1}]} {
    %mul3A = arith.constant 150 : i32
    %mul3A_0 = arith.muli %arg0, %mul3A : i32
    %mul3A_1 = arith.constant 51200 : i32
    %mul3A_2 = arith.muli %arg1, %mul3A_1 : i32
    %mul3A_3 = arith.constant 62464 : i32
    %mul3A_4 = arith.muli %arg1, %mul3A_3 : i32
    "tpu.region"() ({
      %run_scoped3A = tpu.sem_alloc : memref<!tpu.dma_semaphore, #tpu.memory_space<semaphore_mem>>
      %dma_start3A_660 = tpu.memref_slice %arg3[%mul3A_2] : memref<819200xi32, #tpu.memory_space<hbm>> -> memref<51200xi32, #tpu.memory_space<hbm>>
      %dma_start3A_661 = tpu.memref_slice %arg3[%mul3A_2] : memref<819200xi32, #tpu.memory_space<hbm>> -> memref<51200xi32, #tpu.memory_space<hbm>>
      tpu.enqueue_dma source(%dma_start3A_661 : memref<51200xi32, #tpu.memory_space<hbm>>) target(%arg8 : memref<51200xi32, #tpu.memory_space<vmem>>) target_semaphore(%run_scoped3A : memref<!tpu.dma_semaphore, #tpu.memory_space<semaphore_mem>>)
      %dma_wait3A_662 = tpu.memref_slice %arg3[%mul3A_2] : memref<819200xi32, #tpu.memory_space<hbm>> -> memref<51200xi32, #tpu.memory_space<hbm>>
      %dma_wait3A_663 = tpu.memref_slice %arg3[%mul3A_2] : memref<819200xi32, #tpu.memory_space<hbm>> -> memref<51200xi32, #tpu.memory_space<hbm>>
      tpu.wait_dma2 semaphore(%run_scoped3A : memref<!tpu.dma_semaphore, #tpu.memory_space<semaphore_mem>>) src(%dma_wait3A_663 : memref<51200xi32, #tpu.memory_space<hbm>>) dst(%arg8 : memref<51200xi32, #tpu.memory_space<vmem>>)
      tpu.yield
    }) : () -> ()
    %eq3A = arith.constant 0 : i32
    %eq3A_5 = arith.cmpi eq, %arg1, %eq3A : i32
    %convert_element_type3A = arith.extui %eq3A_5 : i1 to i32
    %cond3A = arith.constant 0 : i32
    %cond3A_6 = arith.cmpi ne, %convert_element_type3A, %cond3A : i32
    scf.if %cond3A_6 {
      "tpu.region"() ({
        %run_scoped3A = tpu.sem_alloc : memref<!tpu.dma_semaphore, #tpu.memory_space<semaphore_mem>>
        tpu.enqueue_dma source(%arg4 : memref<21600xf32, #tpu.memory_space<hbm>>) target(%arg7 : memref<21600xf32, #tpu.memory_space<vmem_shared>>) target_semaphore(%run_scoped3A : memref<!tpu.dma_semaphore, #tpu.memory_space<semaphore_mem>>)
        tpu.wait_dma2 semaphore(%run_scoped3A : memref<!tpu.dma_semaphore, #tpu.memory_space<semaphore_mem>>) src(%arg4 : memref<21600xf32, #tpu.memory_space<hbm>>) dst(%arg7 : memref<21600xf32, #tpu.memory_space<vmem_shared>>)
        tpu.yield
      }) : () -> ()
    } else {
    }
    %broadcast_in_dim3A = vector.broadcast %mul3A_0 : i32 to vector<16xi32>
    %swap3A = arith.constant 0 : index
    %swap3A_7 = tpu.vector_load %arg13[%swap3A] {strides = array<i32>} : memref<16xi32, #tpu.memory_space<vmem>>, vector<16xi32>,
    %swap3A_8 = vector.shape_cast %swap3A_7 : vector<16xi32> to vector<16xi32>
    %swap3A_9 = vector.shape_cast %broadcast_in_dim3A : vector<16xi32> to vector<16xi32>
    tpu.vector_store %arg13[%swap3A], %swap3A_9 {strides = array<i32>} : memref<16xi32, #tpu.memory_space<vmem>>, vector<16xi32>,
    %add3A = arith.constant 0 : i32
    %add3A_10 = arith.addi %mul3A_4, %add3A : i32
    %dma_start3A = arith.constant 0 : i32
    %dma_start3A_11 = arith.constant 0 : i32
    %dma_start3A_12 = tpu.memref_slice %arg9[%dma_start3A, %dma_start3A_11] : memref<1x3840xf32, #tpu.memory_space<vmem>> -> memref<1x3840xf32, #tpu.memory_space<vmem>>
    %dma_start3A_13 = arith.constant 0 : i32
    %dma_start3A_14 = tpu.memref_slice %arg13[%dma_start3A_13] : memref<16xi32, #tpu.memory_space<vmem>> -> memref<1xi32, #tpu.memory_space<vmem>>
    %dma_start3A_15 = arith.constant 0 : i32
    %dma_start3A_16 = tpu.memref_slice %arg2[%dma_start3A_15, %add3A_10] : memref<300x1000008xf32, #tpu.memory_space<hbm>> -> memref<300x3840xf32, #tpu.memory_space<hbm>>
    tpu.enqueue_indirect_dma source(%dma_start3A_16 : memref<300x3840xf32, #tpu.memory_space<hbm>>) target(%dma_start3A_12 : memref<1x3840xf32, #tpu.memory_space<vmem>>) offsets(%dma_start3A_14 : memref<1xi32, #tpu.memory_space<vmem>>) semaphore(%arg15 : memref<!tpu.dma_semaphore, #tpu.memory_space<semaphore_mem>>)
    %add3A_17 = arith.constant 3840 : i32
    %add3A_18 = arith.addi %mul3A_4, %add3A_17 : i32
    %dma_start3A_19 = arith.constant 0 : i32
    %dma_start3A_20 = arith.constant 0 : i32
    %dma_start3A_21 = tpu.memref_slice %arg10[%dma_start3A_19, %dma_start3A_20] : memref<1x3840xf32, #tpu.memory_space<vmem>> -> memref<1x3840xf32, #tpu.memory_space<vmem>>
    %dma_start3A_22 = arith.constant 0 : i32
    %dma_start3A_23 = tpu.memref_slice %arg13[%dma_start3A_22] : memref<16xi32, #tpu.memory_space<vmem>> -> memref<1xi32, #tpu.memory_space<vmem>>
    %dma_start3A_24 = arith.constant 0 : i32
    %dma_start3A_25 = tpu.memref_slice %arg2[%dma_start3A_24, %add3A_18] : memref<300x1000008xf32, #tpu.memory_space<hbm>> -> memref<300x3840xf32, #tpu.memory_space<hbm>>
    tpu.enqueue_indirect_dma source(%dma_start3A_25 : memref<300x3840xf32, #tpu.memory_space<hbm>>) target(%dma_start3A_21 : memref<1x3840xf32, #tpu.memory_space<vmem>>) offsets(%dma_start3A_23 : memref<1xi32, #tpu.memory_space<vmem>>) semaphore(%arg16 : memref<!tpu.dma_semaphore, #tpu.memory_space<semaphore_mem>>)
    %add3A_26 = arith.constant 7680 : i32
    %add3A_27 = arith.addi %mul3A_4, %add3A_26 : i32
    %dma_start3A_28 = arith.constant 0 : i32
    %dma_start3A_29 = arith.constant 0 : i32
    %dma_start3A_30 = tpu.memref_slice %arg11[%dma_start3A_28, %dma_start3A_29] : memref<1x3840xf32, #tpu.memory_space<vmem>> -> memref<1x3840xf32, #tpu.memory_space<vmem>>
    %dma_start3A_31 = arith.constant 0 : i32
    %dma_start3A_32 = tpu.memref_slice %arg13[%dma_start3A_31] : memref<16xi32, #tpu.memory_space<vmem>> -> memref<1xi32, #tpu.memory_space<vmem>>
    %dma_start3A_33 = arith.constant 0 : i32
    %dma_start3A_34 = tpu.memref_slice %arg2[%dma_start3A_33, %add3A_27] : memref<300x1000008xf32, #tpu.memory_space<hbm>> -> memref<300x3840xf32, #tpu.memory_space<hbm>>
    tpu.enqueue_indirect_dma source(%dma_start3A_34 : memref<300x3840xf32, #tpu.memory_space<hbm>>) target(%dma_start3A_30 : memref<1x3840xf32, #tpu.memory_space<vmem>>) offsets(%dma_start3A_32 : memref<1xi32, #tpu.memory_space<vmem>>) semaphore(%arg17 : memref<!tpu.dma_semaphore, #tpu.memory_space<semaphore_mem>>)
    %add3A_35 = arith.constant 11520 : i32
    %add3A_36 = arith.addi %mul3A_4, %add3A_35 : i32
    %dma_start3A_37 = arith.constant 0 : i32
    %dma_start3A_38 = arith.constant 0 : i32
    %dma_start3A_39 = tpu.memref_slice %arg12[%dma_start3A_37, %dma_start3A_38] : memref<1x3840xf32, #tpu.memory_space<vmem>> -> memref<1x3840xf32, #tpu.memory_space<vmem>>
    %dma_start3A_40 = arith.constant 0 : i32
    %dma_start3A_41 = tpu.memref_slice %arg13[%dma_start3A_40] : memref<16xi32, #tpu.memory_space<vmem>> -> memref<1xi32, #tpu.memory_space<vmem>>
    %dma_start3A_42 = arith.constant 0 : i32
    %dma_start3A_43 = tpu.memref_slice %arg2[%dma_start3A_42, %add3A_36] : memref<300x1000008xf32, #tpu.memory_space<hbm>> -> memref<300x3840xf32, #tpu.memory_space<hbm>>
    tpu.enqueue_indirect_dma source(%dma_start3A_43 : memref<300x3840xf32, #tpu.memory_space<hbm>>) target(%dma_start3A_39 : memref<1x3840xf32, #tpu.memory_space<vmem>>) offsets(%dma_start3A_41 : memref<1xi32, #tpu.memory_space<vmem>>) semaphore(%arg18 : memref<!tpu.dma_semaphore, #tpu.memory_space<semaphore_mem>>)
    %add3A_44 = arith.constant 0 : i32
    %add3A_45 = arith.addi %mul3A_4, %add3A_44 : i32
    %dma_wait3A = arith.constant 0 : i32
    %dma_wait3A_46 = arith.constant 0 : i32
    %dma_wait3A_47 = tpu.memref_slice %arg9[%dma_wait3A, %dma_wait3A_46] : memref<1x3840xf32, #tpu.memory_space<vmem>> -> memref<1x3840xf32, #tpu.memory_space<vmem>>
    %dma_wait3A_48 = arith.constant 0 : i32
    %dma_wait3A_49 = tpu.memref_slice %arg13[%dma_wait3A_48] : memref<16xi32, #tpu.memory_space<vmem>> -> memref<1xi32, #tpu.memory_space<vmem>>
    %dma_wait3A_50 = arith.constant 0 : i32
    %dma_wait3A_51 = tpu.memref_slice %arg2[%dma_wait3A_50, %add3A_45] : memref<300x1000008xf32, #tpu.memory_space<hbm>> -> memref<300x3840xf32, #tpu.memory_space<hbm>>
    tpu.wait_indirect_dma semaphore(%arg15 : memref<!tpu.dma_semaphore, #tpu.memory_space<semaphore_mem>>) src(%dma_wait3A_51 : memref<300x3840xf32, #tpu.memory_space<hbm>>) dst(%dma_wait3A_47 : memref<1x3840xf32, #tpu.memory_space<vmem>>)
    %add3A_52 = arith.constant 0 : i32
    %add3A_53 = arith.addi %mul3A_4, %add3A_52 : i32
    %dma_start3A_54 = arith.constant 0 : i32
    %dma_start3A_55 = arith.constant 0 : i32
    %dma_start3A_56 = tpu.memref_slice %arg9[%dma_start3A_54, %dma_start3A_55] : memref<1x3840xf32, #tpu.memory_space<vmem>> -> memref<1x3840xf32, #tpu.memory_space<vmem>>
    %dma_start3A_57 = tpu.memref_squeeze %dma_start3A_56 : memref<1x3840xf32, #tpu.memory_space<vmem>> -> memref<3840xf32, #tpu.memory_space<vmem>>
    %dma_start3A_58 = tpu.memref_slice %arg6[%add3A_53] : memref<1000008xf32, #tpu.memory_space<vmem_shared>> -> memref<3840xf32, #tpu.memory_space<vmem_shared>>
    %dma_start3A_59 = tpu.memref_slice %arg6[%add3A_53] : memref<1000008xf32, #tpu.memory_space<vmem_shared>> -> memref<3840xf32, #tpu.memory_space<vmem_shared>>
    %dma_start3A_60 = arith.constant 0 : i32
    %dma_start3A_61 = tpu.memref_slice %arg9[%dma_start3A_54, %dma_start3A_60] : memref<1x3840xf32, #tpu.memory_space<vmem>> -> memref<1x3840xf32, #tpu.memory_space<vmem>>
    %dma_start3A_62 = tpu.memref_squeeze %dma_start3A_61 : memref<1x3840xf32, #tpu.memory_space<vmem>> -> memref<3840xf32, #tpu.memory_space<vmem>>
    tpu.enqueue_dma source(%dma_start3A_62 : memref<3840xf32, #tpu.memory_space<vmem>>) target(%dma_start3A_59 : memref<3840xf32, #tpu.memory_space<vmem_shared>>) target_semaphore(%arg19 : memref<!tpu.dma_semaphore, #tpu.memory_space<semaphore_mem>>)
    %add3A_63 = arith.constant 0 : i32
    %add3A_64 = arith.addi %mul3A_4, %add3A_63 : i32
    %dma_wait3A_65 = arith.constant 0 : i32
    %dma_wait3A_66 = arith.constant 0 : i32
    %dma_wait3A_67 = tpu.memref_slice %arg9[%dma_wait3A_65, %dma_wait3A_66] : memref<1x3840xf32, #tpu.memory_space<vmem>> -> memref<1x3840xf32, #tpu.memory_space<vmem>>
    %dma_wait3A_68 = tpu.memref_squeeze %dma_wait3A_67 : memref<1x3840xf32, #tpu.memory_space<vmem>> -> memref<3840xf32, #tpu.memory_space<vmem>>
    %dma_wait3A_69 = tpu.memref_slice %arg6[%add3A_64] : memref<1000008xf32, #tpu.memory_space<vmem_shared>> -> memref<3840xf32, #tpu.memory_space<vmem_shared>>
    %dma_wait3A_70 = tpu.memref_slice %arg6[%add3A_64] : memref<1000008xf32, #tpu.memory_space<vmem_shared>> -> memref<3840xf32, #tpu.memory_space<vmem_shared>>
    %dma_wait3A_71 = arith.constant 0 : i32
    %dma_wait3A_72 = tpu.memref_slice %arg9[%dma_wait3A_65, %dma_wait3A_71] : memref<1x3840xf32, #tpu.memory_space<vmem>> -> memref<1x3840xf32, #tpu.memory_space<vmem>>
    %dma_wait3A_73 = tpu.memref_squeeze %dma_wait3A_72 : memref<1x3840xf32, #tpu.memory_space<vmem>> -> memref<3840xf32, #tpu.memory_space<vmem>>
    tpu.wait_dma2 semaphore(%arg19 : memref<!tpu.dma_semaphore, #tpu.memory_space<semaphore_mem>>) src(%dma_wait3A_73 : memref<3840xf32, #tpu.memory_space<vmem>>) dst(%dma_wait3A_70 : memref<3840xf32, #tpu.memory_space<vmem_shared>>)
    %add3A_74 = arith.constant 15360 : i32
    %add3A_75 = arith.addi %mul3A_4, %add3A_74 : i32
    %dma_start3A_76 = arith.constant 0 : i32
    %dma_start3A_77 = arith.constant 0 : i32
    %dma_start3A_78 = tpu.memref_slice %arg9[%dma_start3A_76, %dma_start3A_77] : memref<1x3840xf32, #tpu.memory_space<vmem>> -> memref<1x3840xf32, #tpu.memory_space<vmem>>
    %dma_start3A_79 = arith.constant 0 : i32
    %dma_start3A_80 = tpu.memref_slice %arg13[%dma_start3A_79] : memref<16xi32, #tpu.memory_space<vmem>> -> memref<1xi32, #tpu.memory_space<vmem>>
    %dma_start3A_81 = arith.constant 0 : i32
    %dma_start3A_82 = tpu.memref_slice %arg2[%dma_start3A_81, %add3A_75] : memref<300x1000008xf32, #tpu.memory_space<hbm>> -> memref<300x3840xf32, #tpu.memory_space<hbm>>
    tpu.enqueue_indirect_dma source(%dma_start3A_82 : memref<300x3840xf32, #tpu.memory_space<hbm>>) target(%dma_start3A_78 : memref<1x3840xf32, #tpu.memory_space<vmem>>) offsets(%dma_start3A_80 : memref<1xi32, #tpu.memory_space<vmem>>) semaphore(%arg15 : memref<!tpu.dma_semaphore, #tpu.memory_space<semaphore_mem>>)
    %add3A_83 = arith.constant 3840 : i32
    %add3A_84 = arith.addi %mul3A_4, %add3A_83 : i32
    %dma_wait3A_85 = arith.constant 0 : i32
    %dma_wait3A_86 = arith.constant 0 : i32
    %dma_wait3A_87 = tpu.memref_slice %arg10[%dma_wait3A_85, %dma_wait3A_86] : memref<1x3840xf32, #tpu.memory_space<vmem>> -> memref<1x3840xf32, #tpu.memory_space<vmem>>
    %dma_wait3A_88 = arith.constant 0 : i32
    %dma_wait3A_89 = tpu.memref_slice %arg13[%dma_wait3A_88] : memref<16xi32, #tpu.memory_space<vmem>> -> memref<1xi32, #tpu.memory_space<vmem>>
    %dma_wait3A_90 = arith.constant 0 : i32
    %dma_wait3A_91 = tpu.memref_slice %arg2[%dma_wait3A_90, %add3A_84] : memref<300x1000008xf32, #tpu.memory_space<hbm>> -> memref<300x3840xf32, #tpu.memory_space<hbm>>
    tpu.wait_indirect_dma semaphore(%arg16 : memref<!tpu.dma_semaphore, #tpu.memory_space<semaphore_mem>>) src(%dma_wait3A_91 : memref<300x3840xf32, #tpu.memory_space<hbm>>) dst(%dma_wait3A_87 : memref<1x3840xf32, #tpu.memory_space<vmem>>)
    %add3A_92 = arith.constant 3840 : i32
    %add3A_93 = arith.addi %mul3A_4, %add3A_92 : i32
    %dma_start3A_94 = arith.constant 0 : i32
    %dma_start3A_95 = arith.constant 0 : i32
    %dma_start3A_96 = tpu.memref_slice %arg10[%dma_start3A_94, %dma_start3A_95] : memref<1x3840xf32, #tpu.memory_space<vmem>> -> memref<1x3840xf32, #tpu.memory_space<vmem>>
    %dma_start3A_97 = tpu.memref_squeeze %dma_start3A_96 : memref<1x3840xf32, #tpu.memory_space<vmem>> -> memref<3840xf32, #tpu.memory_space<vmem>>
    %dma_start3A_98 = tpu.memref_slice %arg6[%add3A_93] : memref<1000008xf32, #tpu.memory_space<vmem_shared>> -> memref<3840xf32, #tpu.memory_space<vmem_shared>>
    %dma_start3A_99 = tpu.memref_slice %arg6[%add3A_93] : memref<1000008xf32, #tpu.memory_space<vmem_shared>> -> memref<3840xf32, #tpu.memory_space<vmem_shared>>
    %dma_start3A_100 = arith.constant 0 : i32
    %dma_start3A_101 = tpu.memref_slice %arg10[%dma_start3A_94, %dma_start3A_100] : memref<1x3840xf32, #tpu.memory_space<vmem>> -> memref<1x3840xf32, #tpu.memory_space<vmem>>
    %dma_start3A_102 = tpu.memref_squeeze %dma_start3A_101 : memref<1x3840xf32, #tpu.memory_space<vmem>> -> memref<3840xf32, #tpu.memory_space<vmem>>
    tpu.enqueue_dma source(%dma_start3A_102 : memref<3840xf32, #tpu.memory_space<vmem>>) target(%dma_start3A_99 : memref<3840xf32, #tpu.memory_space<vmem_shared>>) target_semaphore(%arg19 : memref<!tpu.dma_semaphore, #tpu.memory_space<semaphore_mem>>)
    %add3A_103 = arith.constant 3840 : i32
    %add3A_104 = arith.addi %mul3A_4, %add3A_103 : i32
    %dma_wait3A_105 = arith.constant 0 : i32
    %dma_wait3A_106 = arith.constant 0 : i32
    %dma_wait3A_107 = tpu.memref_slice %arg10[%dma_wait3A_105, %dma_wait3A_106] : memref<1x3840xf32, #tpu.memory_space<vmem>> -> memref<1x3840xf32, #tpu.memory_space<vmem>>
    %dma_wait3A_108 = tpu.memref_squeeze %dma_wait3A_107 : memref<1x3840xf32, #tpu.memory_space<vmem>> -> memref<3840xf32, #tpu.memory_space<vmem>>
    %dma_wait3A_109 = tpu.memref_slice %arg6[%add3A_104] : memref<1000008xf32, #tpu.memory_space<vmem_shared>> -> memref<3840xf32, #tpu.memory_space<vmem_shared>>
    %dma_wait3A_110 = tpu.memref_slice %arg6[%add3A_104] : memref<1000008xf32, #tpu.memory_space<vmem_shared>> -> memref<3840xf32, #tpu.memory_space<vmem_shared>>
    %dma_wait3A_111 = arith.constant 0 : i32
    %dma_wait3A_112 = tpu.memref_slice %arg10[%dma_wait3A_105, %dma_wait3A_111] : memref<1x3840xf32, #tpu.memory_space<vmem>> -> memref<1x3840xf32, #tpu.memory_space<vmem>>
    %dma_wait3A_113 = tpu.memref_squeeze %dma_wait3A_112 : memref<1x3840xf32, #tpu.memory_space<vmem>> -> memref<3840xf32, #tpu.memory_space<vmem>>
    tpu.wait_dma2 semaphore(%arg19 : memref<!tpu.dma_semaphore, #tpu.memory_space<semaphore_mem>>) src(%dma_wait3A_113 : memref<3840xf32, #tpu.memory_space<vmem>>) dst(%dma_wait3A_110 : memref<3840xf32, #tpu.memory_space<vmem_shared>>)
    %add3A_114 = arith.constant 19200 : i32
    %add3A_115 = arith.addi %mul3A_4, %add3A_114 : i32
    %dma_start3A_116 = arith.constant 0 : i32
    %dma_start3A_117 = arith.constant 0 : i32
    %dma_start3A_118 = tpu.memref_slice %arg10[%dma_start3A_116, %dma_start3A_117] : memref<1x3840xf32, #tpu.memory_space<vmem>> -> memref<1x3840xf32, #tpu.memory_space<vmem>>
    %dma_start3A_119 = arith.constant 0 : i32
    %dma_start3A_120 = tpu.memref_slice %arg13[%dma_start3A_119] : memref<16xi32, #tpu.memory_space<vmem>> -> memref<1xi32, #tpu.memory_space<vmem>>
    %dma_start3A_121 = arith.constant 0 : i32
    %dma_start3A_122 = tpu.memref_slice %arg2[%dma_start3A_121, %add3A_115] : memref<300x1000008xf32, #tpu.memory_space<hbm>> -> memref<300x3840xf32, #tpu.memory_space<hbm>>
    tpu.enqueue_indirect_dma source(%dma_start3A_122 : memref<300x3840xf32, #tpu.memory_space<hbm>>) target(%dma_start3A_118 : memref<1x3840xf32, #tpu.memory_space<vmem>>) offsets(%dma_start3A_120 : memref<1xi32, #tpu.memory_space<vmem>>) semaphore(%arg16 : memref<!tpu.dma_semaphore, #tpu.memory_space<semaphore_mem>>)
    %add3A_123 = arith.constant 7680 : i32
    %add3A_124 = arith.addi %mul3A_4, %add3A_123 : i32
    %dma_wait3A_125 = arith.constant 0 : i32
    %dma_wait3A_126 = arith.constant 0 : i32
    %dma_wait3A_127 = tpu.memref_slice %arg11[%dma_wait3A_125, %dma_wait3A_126] : memref<1x3840xf32, #tpu.memory_space<vmem>> -> memref<1x3840xf32, #tpu.memory_space<vmem>>
    %dma_wait3A_128 = arith.constant 0 : i32
    %dma_wait3A_129 = tpu.memref_slice %arg13[%dma_wait3A_128] : memref<16xi32, #tpu.memory_space<vmem>> -> memref<1xi32, #tpu.memory_space<vmem>>
    %dma_wait3A_130 = arith.constant 0 : i32
    %dma_wait3A_131 = tpu.memref_slice %arg2[%dma_wait3A_130, %add3A_124] : memref<300x1000008xf32, #tpu.memory_space<hbm>> -> memref<300x3840xf32, #tpu.memory_space<hbm>>
    tpu.wait_indirect_dma semaphore(%arg17 : memref<!tpu.dma_semaphore, #tpu.memory_space<semaphore_mem>>) src(%dma_wait3A_131 : memref<300x3840xf32, #tpu.memory_space<hbm>>) dst(%dma_wait3A_127 : memref<1x3840xf32, #tpu.memory_space<vmem>>)
    %add3A_132 = arith.constant 7680 : i32
    %add3A_133 = arith.addi %mul3A_4, %add3A_132 : i32
    %dma_start3A_134 = arith.constant 0 : i32
    %dma_start3A_135 = arith.constant 0 : i32
    %dma_start3A_136 = tpu.memref_slice %arg11[%dma_start3A_134, %dma_start3A_135] : memref<1x3840xf32, #tpu.memory_space<vmem>> -> memref<1x3840xf32, #tpu.memory_space<vmem>>
    %dma_start3A_137 = tpu.memref_squeeze %dma_start3A_136 : memref<1x3840xf32, #tpu.memory_space<vmem>> -> memref<3840xf32, #tpu.memory_space<vmem>>
    %dma_start3A_138 = tpu.memref_slice %arg6[%add3A_133] : memref<1000008xf32, #tpu.memory_space<vmem_shared>> -> memref<3840xf32, #tpu.memory_space<vmem_shared>>
    %dma_start3A_139 = tpu.memref_slice %arg6[%add3A_133] : memref<1000008xf32, #tpu.memory_space<vmem_shared>> -> memref<3840xf32, #tpu.memory_space<vmem_shared>>
    %dma_start3A_140 = arith.constant 0 : i32
    %dma_start3A_141 = tpu.memref_slice %arg11[%dma_start3A_134, %dma_start3A_140] : memref<1x3840xf32, #tpu.memory_space<vmem>> -> memref<1x3840xf32, #tpu.memory_space<vmem>>
    %dma_start3A_142 = tpu.memref_squeeze %dma_start3A_141 : memref<1x3840xf32, #tpu.memory_space<vmem>> -> memref<3840xf32, #tpu.memory_space<vmem>>
    tpu.enqueue_dma source(%dma_start3A_142 : memref<3840xf32, #tpu.memory_space<vmem>>) target(%dma_start3A_139 : memref<3840xf32, #tpu.memory_space<vmem_shared>>) target_semaphore(%arg19 : memref<!tpu.dma_semaphore, #tpu.memory_space<semaphore_mem>>)
    %add3A_143 = arith.constant 7680 : i32
    %add3A_144 = arith.addi %mul3A_4, %add3A_143 : i32
    %dma_wait3A_145 = arith.constant 0 : i32
    %dma_wait3A_146 = arith.constant 0 : i32
    %dma_wait3A_147 = tpu.memref_slice %arg11[%dma_wait3A_145, %dma_wait3A_146] : memref<1x3840xf32, #tpu.memory_space<vmem>> -> memref<1x3840xf32, #tpu.memory_space<vmem>>
    %dma_wait3A_148 = tpu.memref_squeeze %dma_wait3A_147 : memref<1x3840xf32, #tpu.memory_space<vmem>> -> memref<3840xf32, #tpu.memory_space<vmem>>
    %dma_wait3A_149 = tpu.memref_slice %arg6[%add3A_144] : memref<1000008xf32, #tpu.memory_space<vmem_shared>> -> memref<3840xf32, #tpu.memory_space<vmem_shared>>
    %dma_wait3A_150 = tpu.memref_slice %arg6[%add3A_144] : memref<1000008xf32, #tpu.memory_space<vmem_shared>> -> memref<3840xf32, #tpu.memory_space<vmem_shared>>
    %dma_wait3A_151 = arith.constant 0 : i32
    %dma_wait3A_152 = tpu.memref_slice %arg11[%dma_wait3A_145, %dma_wait3A_151] : memref<1x3840xf32, #tpu.memory_space<vmem>> -> memref<1x3840xf32, #tpu.memory_space<vmem>>
    %dma_wait3A_153 = tpu.memref_squeeze %dma_wait3A_152 : memref<1x3840xf32, #tpu.memory_space<vmem>> -> memref<3840xf32, #tpu.memory_space<vmem>>
    tpu.wait_dma2 semaphore(%arg19 : memref<!tpu.dma_semaphore, #tpu.memory_space<semaphore_mem>>) src(%dma_wait3A_153 : memref<3840xf32, #tpu.memory_space<vmem>>) dst(%dma_wait3A_150 : memref<3840xf32, #tpu.memory_space<vmem_shared>>)
    %add3A_154 = arith.constant 23040 : i32
    %add3A_155 = arith.addi %mul3A_4, %add3A_154 : i32
    %dma_start3A_156 = arith.constant 0 : i32
    %dma_start3A_157 = arith.constant 0 : i32
    %dma_start3A_158 = tpu.memref_slice %arg11[%dma_start3A_156, %dma_start3A_157] : memref<1x3840xf32, #tpu.memory_space<vmem>> -> memref<1x3840xf32, #tpu.memory_space<vmem>>
    %dma_start3A_159 = arith.constant 0 : i32
    %dma_start3A_160 = tpu.memref_slice %arg13[%dma_start3A_159] : memref<16xi32, #tpu.memory_space<vmem>> -> memref<1xi32, #tpu.memory_space<vmem>>
    %dma_start3A_161 = arith.constant 0 : i32
    %dma_start3A_162 = tpu.memref_slice %arg2[%dma_start3A_161, %add3A_155] : memref<300x1000008xf32, #tpu.memory_space<hbm>> -> memref<300x3840xf32, #tpu.memory_space<hbm>>
    tpu.enqueue_indirect_dma source(%dma_start3A_162 : memref<300x3840xf32, #tpu.memory_space<hbm>>) target(%dma_start3A_158 : memref<1x3840xf32, #tpu.memory_space<vmem>>) offsets(%dma_start3A_160 : memref<1xi32, #tpu.memory_space<vmem>>) semaphore(%arg17 : memref<!tpu.dma_semaphore, #tpu.memory_space<semaphore_mem>>)
    %add3A_163 = arith.constant 11520 : i32
    %add3A_164 = arith.addi %mul3A_4, %add3A_163 : i32
    %dma_wait3A_165 = arith.constant 0 : i32
    %dma_wait3A_166 = arith.constant 0 : i32
    %dma_wait3A_167 = tpu.memref_slice %arg12[%dma_wait3A_165, %dma_wait3A_166] : memref<1x3840xf32, #tpu.memory_space<vmem>> -> memref<1x3840xf32, #tpu.memory_space<vmem>>
    %dma_wait3A_168 = arith.constant 0 : i32
    %dma_wait3A_169 = tpu.memref_slice %arg13[%dma_wait3A_168] : memref<16xi32, #tpu.memory_space<vmem>> -> memref<1xi32, #tpu.memory_space<vmem>>
    %dma_wait3A_170 = arith.constant 0 : i32
    %dma_wait3A_171 = tpu.memref_slice %arg2[%dma_wait3A_170, %add3A_164] : memref<300x1000008xf32, #tpu.memory_space<hbm>> -> memref<300x3840xf32, #tpu.memory_space<hbm>>
    tpu.wait_indirect_dma semaphore(%arg18 : memref<!tpu.dma_semaphore, #tpu.memory_space<semaphore_mem>>) src(%dma_wait3A_171 : memref<300x3840xf32, #tpu.memory_space<hbm>>) dst(%dma_wait3A_167 : memref<1x3840xf32, #tpu.memory_space<vmem>>)
    %add3A_172 = arith.constant 11520 : i32
    %add3A_173 = arith.addi %mul3A_4, %add3A_172 : i32
    %dma_start3A_174 = arith.constant 0 : i32
    %dma_start3A_175 = arith.constant 0 : i32
    %dma_start3A_176 = tpu.memref_slice %arg12[%dma_start3A_174, %dma_start3A_175] : memref<1x3840xf32, #tpu.memory_space<vmem>> -> memref<1x3840xf32, #tpu.memory_space<vmem>>
    %dma_start3A_177 = tpu.memref_squeeze %dma_start3A_176 : memref<1x3840xf32, #tpu.memory_space<vmem>> -> memref<3840xf32, #tpu.memory_space<vmem>>
    %dma_start3A_178 = tpu.memref_slice %arg6[%add3A_173] : memref<1000008xf32, #tpu.memory_space<vmem_shared>> -> memref<3840xf32, #tpu.memory_space<vmem_shared>>
    %dma_start3A_179 = tpu.memref_slice %arg6[%add3A_173] : memref<1000008xf32, #tpu.memory_space<vmem_shared>> -> memref<3840xf32, #tpu.memory_space<vmem_shared>>
    %dma_start3A_180 = arith.constant 0 : i32
    %dma_start3A_181 = tpu.memref_slice %arg12[%dma_start3A_174, %dma_start3A_180] : memref<1x3840xf32, #tpu.memory_space<vmem>> -> memref<1x3840xf32, #tpu.memory_space<vmem>>
    %dma_start3A_182 = tpu.memref_squeeze %dma_start3A_181 : memref<1x3840xf32, #tpu.memory_space<vmem>> -> memref<3840xf32, #tpu.memory_space<vmem>>
    tpu.enqueue_dma source(%dma_start3A_182 : memref<3840xf32, #tpu.memory_space<vmem>>) target(%dma_start3A_179 : memref<3840xf32, #tpu.memory_space<vmem_shared>>) target_semaphore(%arg19 : memref<!tpu.dma_semaphore, #tpu.memory_space<semaphore_mem>>)
    %add3A_183 = arith.constant 11520 : i32
    %add3A_184 = arith.addi %mul3A_4, %add3A_183 : i32
    %dma_wait3A_185 = arith.constant 0 : i32
    %dma_wait3A_186 = arith.constant 0 : i32
    %dma_wait3A_187 = tpu.memref_slice %arg12[%dma_wait3A_185, %dma_wait3A_186] : memref<1x3840xf32, #tpu.memory_space<vmem>> -> memref<1x3840xf32, #tpu.memory_space<vmem>>
    %dma_wait3A_188 = tpu.memref_squeeze %dma_wait3A_187 : memref<1x3840xf32, #tpu.memory_space<vmem>> -> memref<3840xf32, #tpu.memory_space<vmem>>
    %dma_wait3A_189 = tpu.memref_slice %arg6[%add3A_184] : memref<1000008xf32, #tpu.memory_space<vmem_shared>> -> memref<3840xf32, #tpu.memory_space<vmem_shared>>
    %dma_wait3A_190 = tpu.memref_slice %arg6[%add3A_184] : memref<1000008xf32, #tpu.memory_space<vmem_shared>> -> memref<3840xf32, #tpu.memory_space<vmem_shared>>
    %dma_wait3A_191 = arith.constant 0 : i32
    %dma_wait3A_192 = tpu.memref_slice %arg12[%dma_wait3A_185, %dma_wait3A_191] : memref<1x3840xf32, #tpu.memory_space<vmem>> -> memref<1x3840xf32, #tpu.memory_space<vmem>>
    %dma_wait3A_193 = tpu.memref_squeeze %dma_wait3A_192 : memref<1x3840xf32, #tpu.memory_space<vmem>> -> memref<3840xf32, #tpu.memory_space<vmem>>
    tpu.wait_dma2 semaphore(%arg19 : memref<!tpu.dma_semaphore, #tpu.memory_space<semaphore_mem>>) src(%dma_wait3A_193 : memref<3840xf32, #tpu.memory_space<vmem>>) dst(%dma_wait3A_190 : memref<3840xf32, #tpu.memory_space<vmem_shared>>)
    %add3A_194 = arith.constant 26880 : i32
    %add3A_195 = arith.addi %mul3A_4, %add3A_194 : i32
    %dma_start3A_196 = arith.constant 0 : i32
    %dma_start3A_197 = arith.constant 0 : i32
    %dma_start3A_198 = tpu.memref_slice %arg12[%dma_start3A_196, %dma_start3A_197] : memref<1x3840xf32, #tpu.memory_space<vmem>> -> memref<1x3840xf32, #tpu.memory_space<vmem>>
    %dma_start3A_199 = arith.constant 0 : i32
    %dma_start3A_200 = tpu.memref_slice %arg13[%dma_start3A_199] : memref<16xi32, #tpu.memory_space<vmem>> -> memref<1xi32, #tpu.memory_space<vmem>>
    %dma_start3A_201 = arith.constant 0 : i32
    %dma_start3A_202 = tpu.memref_slice %arg2[%dma_start3A_201, %add3A_195] : memref<300x1000008xf32, #tpu.memory_space<hbm>> -> memref<300x3840xf32, #tpu.memory_space<hbm>>
    tpu.enqueue_indirect_dma source(%dma_start3A_202 : memref<300x3840xf32, #tpu.memory_space<hbm>>) target(%dma_start3A_198 : memref<1x3840xf32, #tpu.memory_space<vmem>>) offsets(%dma_start3A_200 : memref<1xi32, #tpu.memory_space<vmem>>) semaphore(%arg18 : memref<!tpu.dma_semaphore, #tpu.memory_space<semaphore_mem>>)
    %add3A_203 = arith.constant 15360 : i32
    %add3A_204 = arith.addi %mul3A_4, %add3A_203 : i32
    %dma_wait3A_205 = arith.constant 0 : i32
    %dma_wait3A_206 = arith.constant 0 : i32
    %dma_wait3A_207 = tpu.memref_slice %arg9[%dma_wait3A_205, %dma_wait3A_206] : memref<1x3840xf32, #tpu.memory_space<vmem>> -> memref<1x3840xf32, #tpu.memory_space<vmem>>
    %dma_wait3A_208 = arith.constant 0 : i32
    %dma_wait3A_209 = tpu.memref_slice %arg13[%dma_wait3A_208] : memref<16xi32, #tpu.memory_space<vmem>> -> memref<1xi32, #tpu.memory_space<vmem>>
    %dma_wait3A_210 = arith.constant 0 : i32
    %dma_wait3A_211 = tpu.memref_slice %arg2[%dma_wait3A_210, %add3A_204] : memref<300x1000008xf32, #tpu.memory_space<hbm>> -> memref<300x3840xf32, #tpu.memory_space<hbm>>
    tpu.wait_indirect_dma semaphore(%arg15 : memref<!tpu.dma_semaphore, #tpu.memory_space<semaphore_mem>>) src(%dma_wait3A_211 : memref<300x3840xf32, #tpu.memory_space<hbm>>) dst(%dma_wait3A_207 : memref<1x3840xf32, #tpu.memory_space<vmem>>)
    %add3A_212 = arith.constant 15360 : i32
    %add3A_213 = arith.addi %mul3A_4, %add3A_212 : i32
    %dma_start3A_214 = arith.constant 0 : i32
    %dma_start3A_215 = arith.constant 0 : i32
    %dma_start3A_216 = tpu.memref_slice %arg9[%dma_start3A_214, %dma_start3A_215] : memref<1x3840xf32, #tpu.memory_space<vmem>> -> memref<1x3840xf32, #tpu.memory_space<vmem>>
    %dma_start3A_217 = tpu.memref_squeeze %dma_start3A_216 : memref<1x3840xf32, #tpu.memory_space<vmem>> -> memref<3840xf32, #tpu.memory_space<vmem>>
    %dma_start3A_218 = tpu.memref_slice %arg6[%add3A_213] : memref<1000008xf32, #tpu.memory_space<vmem_shared>> -> memref<3840xf32, #tpu.memory_space<vmem_shared>>
    %dma_start3A_219 = tpu.memref_slice %arg6[%add3A_213] : memref<1000008xf32, #tpu.memory_space<vmem_shared>> -> memref<3840xf32, #tpu.memory_space<vmem_shared>>
    %dma_start3A_220 = arith.constant 0 : i32
    %dma_start3A_221 = tpu.memref_slice %arg9[%dma_start3A_214, %dma_start3A_220] : memref<1x3840xf32, #tpu.memory_space<vmem>> -> memref<1x3840xf32, #tpu.memory_space<vmem>>
    %dma_start3A_222 = tpu.memref_squeeze %dma_start3A_221 : memref<1x3840xf32, #tpu.memory_space<vmem>> -> memref<3840xf32, #tpu.memory_space<vmem>>
    tpu.enqueue_dma source(%dma_start3A_222 : memref<3840xf32, #tpu.memory_space<vmem>>) target(%dma_start3A_219 : memref<3840xf32, #tpu.memory_space<vmem_shared>>) target_semaphore(%arg19 : memref<!tpu.dma_semaphore, #tpu.memory_space<semaphore_mem>>)
    %add3A_223 = arith.constant 15360 : i32
    %add3A_224 = arith.addi %mul3A_4, %add3A_223 : i32
    %dma_wait3A_225 = arith.constant 0 : i32
    %dma_wait3A_226 = arith.constant 0 : i32
    %dma_wait3A_227 = tpu.memref_slice %arg9[%dma_wait3A_225, %dma_wait3A_226] : memref<1x3840xf32, #tpu.memory_space<vmem>> -> memref<1x3840xf32, #tpu.memory_space<vmem>>
    %dma_wait3A_228 = tpu.memref_squeeze %dma_wait3A_227 : memref<1x3840xf32, #tpu.memory_space<vmem>> -> memref<3840xf32, #tpu.memory_space<vmem>>
    %dma_wait3A_229 = tpu.memref_slice %arg6[%add3A_224] : memref<1000008xf32, #tpu.memory_space<vmem_shared>> -> memref<3840xf32, #tpu.memory_space<vmem_shared>>
    %dma_wait3A_230 = tpu.memref_slice %arg6[%add3A_224] : memref<1000008xf32, #tpu.memory_space<vmem_shared>> -> memref<3840xf32, #tpu.memory_space<vmem_shared>>
    %dma_wait3A_231 = arith.constant 0 : i32
    %dma_wait3A_232 = tpu.memref_slice %arg9[%dma_wait3A_225, %dma_wait3A_231] : memref<1x3840xf32, #tpu.memory_space<vmem>> -> memref<1x3840xf32, #tpu.memory_space<vmem>>
    %dma_wait3A_233 = tpu.memref_squeeze %dma_wait3A_232 : memref<1x3840xf32, #tpu.memory_space<vmem>> -> memref<3840xf32, #tpu.memory_space<vmem>>
    tpu.wait_dma2 semaphore(%arg19 : memref<!tpu.dma_semaphore, #tpu.memory_space<semaphore_mem>>) src(%dma_wait3A_233 : memref<3840xf32, #tpu.memory_space<vmem>>) dst(%dma_wait3A_230 : memref<3840xf32, #tpu.memory_space<vmem_shared>>)
    %add3A_234 = arith.constant 30720 : i32
    %add3A_235 = arith.addi %mul3A_4, %add3A_234 : i32
    %dma_start3A_236 = arith.constant 0 : i32
    %dma_start3A_237 = arith.constant 0 : i32
    %dma_start3A_238 = tpu.memref_slice %arg9[%dma_start3A_236, %dma_start3A_237] : memref<1x3840xf32, #tpu.memory_space<vmem>> -> memref<1x3840xf32, #tpu.memory_space<vmem>>
    %dma_start3A_239 = arith.constant 0 : i32
    %dma_start3A_240 = tpu.memref_slice %arg13[%dma_start3A_239] : memref<16xi32, #tpu.memory_space<vmem>> -> memref<1xi32, #tpu.memory_space<vmem>>
    %dma_start3A_241 = arith.constant 0 : i32
    %dma_start3A_242 = tpu.memref_slice %arg2[%dma_start3A_241, %add3A_235] : memref<300x1000008xf32, #tpu.memory_space<hbm>> -> memref<300x3840xf32, #tpu.memory_space<hbm>>
    tpu.enqueue_indirect_dma source(%dma_start3A_242 : memref<300x3840xf32, #tpu.memory_space<hbm>>) target(%dma_start3A_238 : memref<1x3840xf32, #tpu.memory_space<vmem>>) offsets(%dma_start3A_240 : memref<1xi32, #tpu.memory_space<vmem>>) semaphore(%arg15 : memref<!tpu.dma_semaphore, #tpu.memory_space<semaphore_mem>>)
    %add3A_243 = arith.constant 19200 : i32
    %add3A_244 = arith.addi %mul3A_4, %add3A_243 : i32
    %dma_wait3A_245 = arith.constant 0 : i32
    %dma_wait3A_246 = arith.constant 0 : i32
    %dma_wait3A_247 = tpu.memref_slice %arg10[%dma_wait3A_245, %dma_wait3A_246] : memref<1x3840xf32, #tpu.memory_space<vmem>> -> memref<1x3840xf32, #tpu.memory_space<vmem>>
    %dma_wait3A_248 = arith.constant 0 : i32
    %dma_wait3A_249 = tpu.memref_slice %arg13[%dma_wait3A_248] : memref<16xi32, #tpu.memory_space<vmem>> -> memref<1xi32, #tpu.memory_space<vmem>>
    %dma_wait3A_250 = arith.constant 0 : i32
    %dma_wait3A_251 = tpu.memref_slice %arg2[%dma_wait3A_250, %add3A_244] : memref<300x1000008xf32, #tpu.memory_space<hbm>> -> memref<300x3840xf32, #tpu.memory_space<hbm>>
    tpu.wait_indirect_dma semaphore(%arg16 : memref<!tpu.dma_semaphore, #tpu.memory_space<semaphore_mem>>) src(%dma_wait3A_251 : memref<300x3840xf32, #tpu.memory_space<hbm>>) dst(%dma_wait3A_247 : memref<1x3840xf32, #tpu.memory_space<vmem>>)
    %add3A_252 = arith.constant 19200 : i32
    %add3A_253 = arith.addi %mul3A_4, %add3A_252 : i32
    %dma_start3A_254 = arith.constant 0 : i32
    %dma_start3A_255 = arith.constant 0 : i32
    %dma_start3A_256 = tpu.memref_slice %arg10[%dma_start3A_254, %dma_start3A_255] : memref<1x3840xf32, #tpu.memory_space<vmem>> -> memref<1x3840xf32, #tpu.memory_space<vmem>>
    %dma_start3A_257 = tpu.memref_squeeze %dma_start3A_256 : memref<1x3840xf32, #tpu.memory_space<vmem>> -> memref<3840xf32, #tpu.memory_space<vmem>>
    %dma_start3A_258 = tpu.memref_slice %arg6[%add3A_253] : memref<1000008xf32, #tpu.memory_space<vmem_shared>> -> memref<3840xf32, #tpu.memory_space<vmem_shared>>
    %dma_start3A_259 = tpu.memref_slice %arg6[%add3A_253] : memref<1000008xf32, #tpu.memory_space<vmem_shared>> -> memref<3840xf32, #tpu.memory_space<vmem_shared>>
    %dma_start3A_260 = arith.constant 0 : i32
    %dma_start3A_261 = tpu.memref_slice %arg10[%dma_start3A_254, %dma_start3A_260] : memref<1x3840xf32, #tpu.memory_space<vmem>> -> memref<1x3840xf32, #tpu.memory_space<vmem>>
    %dma_start3A_262 = tpu.memref_squeeze %dma_start3A_261 : memref<1x3840xf32, #tpu.memory_space<vmem>> -> memref<3840xf32, #tpu.memory_space<vmem>>
    tpu.enqueue_dma source(%dma_start3A_262 : memref<3840xf32, #tpu.memory_space<vmem>>) target(%dma_start3A_259 : memref<3840xf32, #tpu.memory_space<vmem_shared>>) target_semaphore(%arg19 : memref<!tpu.dma_semaphore, #tpu.memory_space<semaphore_mem>>)
    %add3A_263 = arith.constant 19200 : i32
    %add3A_264 = arith.addi %mul3A_4, %add3A_263 : i32
    %dma_wait3A_265 = arith.constant 0 : i32
    %dma_wait3A_266 = arith.constant 0 : i32
    %dma_wait3A_267 = tpu.memref_slice %arg10[%dma_wait3A_265, %dma_wait3A_266] : memref<1x3840xf32, #tpu.memory_space<vmem>> -> memref<1x3840xf32, #tpu.memory_space<vmem>>
    %dma_wait3A_268 = tpu.memref_squeeze %dma_wait3A_267 : memref<1x3840xf32, #tpu.memory_space<vmem>> -> memref<3840xf32, #tpu.memory_space<vmem>>
    %dma_wait3A_269 = tpu.memref_slice %arg6[%add3A_264] : memref<1000008xf32, #tpu.memory_space<vmem_shared>> -> memref<3840xf32, #tpu.memory_space<vmem_shared>>
    %dma_wait3A_270 = tpu.memref_slice %arg6[%add3A_264] : memref<1000008xf32, #tpu.memory_space<vmem_shared>> -> memref<3840xf32, #tpu.memory_space<vmem_shared>>
    %dma_wait3A_271 = arith.constant 0 : i32
    %dma_wait3A_272 = tpu.memref_slice %arg10[%dma_wait3A_265, %dma_wait3A_271] : memref<1x3840xf32, #tpu.memory_space<vmem>> -> memref<1x3840xf32, #tpu.memory_space<vmem>>
    %dma_wait3A_273 = tpu.memref_squeeze %dma_wait3A_272 : memref<1x3840xf32, #tpu.memory_space<vmem>> -> memref<3840xf32, #tpu.memory_space<vmem>>
    tpu.wait_dma2 semaphore(%arg19 : memref<!tpu.dma_semaphore, #tpu.memory_space<semaphore_mem>>) src(%dma_wait3A_273 : memref<3840xf32, #tpu.memory_space<vmem>>) dst(%dma_wait3A_270 : memref<3840xf32, #tpu.memory_space<vmem_shared>>)
    %add3A_274 = arith.constant 34560 : i32
    %add3A_275 = arith.addi %mul3A_4, %add3A_274 : i32
    %dma_start3A_276 = arith.constant 0 : i32
    %dma_start3A_277 = arith.constant 0 : i32
    %dma_start3A_278 = tpu.memref_slice %arg10[%dma_start3A_276, %dma_start3A_277] : memref<1x3840xf32, #tpu.memory_space<vmem>> -> memref<1x3840xf32, #tpu.memory_space<vmem>>
    %dma_start3A_279 = arith.constant 0 : i32
    %dma_start3A_280 = tpu.memref_slice %arg13[%dma_start3A_279] : memref<16xi32, #tpu.memory_space<vmem>> -> memref<1xi32, #tpu.memory_space<vmem>>
    %dma_start3A_281 = arith.constant 0 : i32
    %dma_start3A_282 = tpu.memref_slice %arg2[%dma_start3A_281, %add3A_275] : memref<300x1000008xf32, #tpu.memory_space<hbm>> -> memref<300x3840xf32, #tpu.memory_space<hbm>>
    tpu.enqueue_indirect_dma source(%dma_start3A_282 : memref<300x3840xf32, #tpu.memory_space<hbm>>) target(%dma_start3A_278 : memref<1x3840xf32, #tpu.memory_space<vmem>>) offsets(%dma_start3A_280 : memref<1xi32, #tpu.memory_space<vmem>>) semaphore(%arg16 : memref<!tpu.dma_semaphore, #tpu.memory_space<semaphore_mem>>)
    %add3A_283 = arith.constant 23040 : i32
    %add3A_284 = arith.addi %mul3A_4, %add3A_283 : i32
    %dma_wait3A_285 = arith.constant 0 : i32
    %dma_wait3A_286 = arith.constant 0 : i32
    %dma_wait3A_287 = tpu.memref_slice %arg11[%dma_wait3A_285, %dma_wait3A_286] : memref<1x3840xf32, #tpu.memory_space<vmem>> -> memref<1x3840xf32, #tpu.memory_space<vmem>>
    %dma_wait3A_288 = arith.constant 0 : i32
    %dma_wait3A_289 = tpu.memref_slice %arg13[%dma_wait3A_288] : memref<16xi32, #tpu.memory_space<vmem>> -> memref<1xi32, #tpu.memory_space<vmem>>
    %dma_wait3A_290 = arith.constant 0 : i32
    %dma_wait3A_291 = tpu.memref_slice %arg2[%dma_wait3A_290, %add3A_284] : memref<300x1000008xf32, #tpu.memory_space<hbm>> -> memref<300x3840xf32, #tpu.memory_space<hbm>>
    tpu.wait_indirect_dma semaphore(%arg17 : memref<!tpu.dma_semaphore, #tpu.memory_space<semaphore_mem>>) src(%dma_wait3A_291 : memref<300x3840xf32, #tpu.memory_space<hbm>>) dst(%dma_wait3A_287 : memref<1x3840xf32, #tpu.memory_space<vmem>>)
    %add3A_292 = arith.constant 23040 : i32
    %add3A_293 = arith.addi %mul3A_4, %add3A_292 : i32
    %dma_start3A_294 = arith.constant 0 : i32
    %dma_start3A_295 = arith.constant 0 : i32
    %dma_start3A_296 = tpu.memref_slice %arg11[%dma_start3A_294, %dma_start3A_295] : memref<1x3840xf32, #tpu.memory_space<vmem>> -> memref<1x3840xf32, #tpu.memory_space<vmem>>
    %dma_start3A_297 = tpu.memref_squeeze %dma_start3A_296 : memref<1x3840xf32, #tpu.memory_space<vmem>> -> memref<3840xf32, #tpu.memory_space<vmem>>
    %dma_start3A_298 = tpu.memref_slice %arg6[%add3A_293] : memref<1000008xf32, #tpu.memory_space<vmem_shared>> -> memref<3840xf32, #tpu.memory_space<vmem_shared>>
    %dma_start3A_299 = tpu.memref_slice %arg6[%add3A_293] : memref<1000008xf32, #tpu.memory_space<vmem_shared>> -> memref<3840xf32, #tpu.memory_space<vmem_shared>>
    %dma_start3A_300 = arith.constant 0 : i32
    %dma_start3A_301 = tpu.memref_slice %arg11[%dma_start3A_294, %dma_start3A_300] : memref<1x3840xf32, #tpu.memory_space<vmem>> -> memref<1x3840xf32, #tpu.memory_space<vmem>>
    %dma_start3A_302 = tpu.memref_squeeze %dma_start3A_301 : memref<1x3840xf32, #tpu.memory_space<vmem>> -> memref<3840xf32, #tpu.memory_space<vmem>>
    tpu.enqueue_dma source(%dma_start3A_302 : memref<3840xf32, #tpu.memory_space<vmem>>) target(%dma_start3A_299 : memref<3840xf32, #tpu.memory_space<vmem_shared>>) target_semaphore(%arg19 : memref<!tpu.dma_semaphore, #tpu.memory_space<semaphore_mem>>)
    %add3A_303 = arith.constant 23040 : i32
    %add3A_304 = arith.addi %mul3A_4, %add3A_303 : i32
    %dma_wait3A_305 = arith.constant 0 : i32
    %dma_wait3A_306 = arith.constant 0 : i32
    %dma_wait3A_307 = tpu.memref_slice %arg11[%dma_wait3A_305, %dma_wait3A_306] : memref<1x3840xf32, #tpu.memory_space<vmem>> -> memref<1x3840xf32, #tpu.memory_space<vmem>>
    %dma_wait3A_308 = tpu.memref_squeeze %dma_wait3A_307 : memref<1x3840xf32, #tpu.memory_space<vmem>> -> memref<3840xf32, #tpu.memory_space<vmem>>
    %dma_wait3A_309 = tpu.memref_slice %arg6[%add3A_304] : memref<1000008xf32, #tpu.memory_space<vmem_shared>> -> memref<3840xf32, #tpu.memory_space<vmem_shared>>
    %dma_wait3A_310 = tpu.memref_slice %arg6[%add3A_304] : memref<1000008xf32, #tpu.memory_space<vmem_shared>> -> memref<3840xf32, #tpu.memory_space<vmem_shared>>
    %dma_wait3A_311 = arith.constant 0 : i32
    %dma_wait3A_312 = tpu.memref_slice %arg11[%dma_wait3A_305, %dma_wait3A_311] : memref<1x3840xf32, #tpu.memory_space<vmem>> -> memref<1x3840xf32, #tpu.memory_space<vmem>>
    %dma_wait3A_313 = tpu.memref_squeeze %dma_wait3A_312 : memref<1x3840xf32, #tpu.memory_space<vmem>> -> memref<3840xf32, #tpu.memory_space<vmem>>
    tpu.wait_dma2 semaphore(%arg19 : memref<!tpu.dma_semaphore, #tpu.memory_space<semaphore_mem>>) src(%dma_wait3A_313 : memref<3840xf32, #tpu.memory_space<vmem>>) dst(%dma_wait3A_310 : memref<3840xf32, #tpu.memory_space<vmem_shared>>)
    %add3A_314 = arith.constant 38400 : i32
    %add3A_315 = arith.addi %mul3A_4, %add3A_314 : i32
    %dma_start3A_316 = arith.constant 0 : i32
    %dma_start3A_317 = arith.constant 0 : i32
    %dma_start3A_318 = tpu.memref_slice %arg11[%dma_start3A_316, %dma_start3A_317] : memref<1x3840xf32, #tpu.memory_space<vmem>> -> memref<1x3840xf32, #tpu.memory_space<vmem>>
    %dma_start3A_319 = arith.constant 0 : i32
    %dma_start3A_320 = tpu.memref_slice %arg13[%dma_start3A_319] : memref<16xi32, #tpu.memory_space<vmem>> -> memref<1xi32, #tpu.memory_space<vmem>>
    %dma_start3A_321 = arith.constant 0 : i32
    %dma_start3A_322 = tpu.memref_slice %arg2[%dma_start3A_321, %add3A_315] : memref<300x1000008xf32, #tpu.memory_space<hbm>> -> memref<300x3840xf32, #tpu.memory_space<hbm>>
    tpu.enqueue_indirect_dma source(%dma_start3A_322 : memref<300x3840xf32, #tpu.memory_space<hbm>>) target(%dma_start3A_318 : memref<1x3840xf32, #tpu.memory_space<vmem>>) offsets(%dma_start3A_320 : memref<1xi32, #tpu.memory_space<vmem>>) semaphore(%arg17 : memref<!tpu.dma_semaphore, #tpu.memory_space<semaphore_mem>>)
    %add3A_323 = arith.constant 26880 : i32
    %add3A_324 = arith.addi %mul3A_4, %add3A_323 : i32
    %dma_wait3A_325 = arith.constant 0 : i32
    %dma_wait3A_326 = arith.constant 0 : i32
    %dma_wait3A_327 = tpu.memref_slice %arg12[%dma_wait3A_325, %dma_wait3A_326] : memref<1x3840xf32, #tpu.memory_space<vmem>> -> memref<1x3840xf32, #tpu.memory_space<vmem>>
    %dma_wait3A_328 = arith.constant 0 : i32
    %dma_wait3A_329 = tpu.memref_slice %arg13[%dma_wait3A_328] : memref<16xi32, #tpu.memory_space<vmem>> -> memref<1xi32, #tpu.memory_space<vmem>>
    %dma_wait3A_330 = arith.constant 0 : i32
    %dma_wait3A_331 = tpu.memref_slice %arg2[%dma_wait3A_330, %add3A_324] : memref<300x1000008xf32, #tpu.memory_space<hbm>> -> memref<300x3840xf32, #tpu.memory_space<hbm>>
    tpu.wait_indirect_dma semaphore(%arg18 : memref<!tpu.dma_semaphore, #tpu.memory_space<semaphore_mem>>) src(%dma_wait3A_331 : memref<300x3840xf32, #tpu.memory_space<hbm>>) dst(%dma_wait3A_327 : memref<1x3840xf32, #tpu.memory_space<vmem>>)
    %add3A_332 = arith.constant 26880 : i32
    %add3A_333 = arith.addi %mul3A_4, %add3A_332 : i32
    %dma_start3A_334 = arith.constant 0 : i32
    %dma_start3A_335 = arith.constant 0 : i32
    %dma_start3A_336 = tpu.memref_slice %arg12[%dma_start3A_334, %dma_start3A_335] : memref<1x3840xf32, #tpu.memory_space<vmem>> -> memref<1x3840xf32, #tpu.memory_space<vmem>>
    %dma_start3A_337 = tpu.memref_squeeze %dma_start3A_336 : memref<1x3840xf32, #tpu.memory_space<vmem>> -> memref<3840xf32, #tpu.memory_space<vmem>>
    %dma_start3A_338 = tpu.memref_slice %arg6[%add3A_333] : memref<1000008xf32, #tpu.memory_space<vmem_shared>> -> memref<3840xf32, #tpu.memory_space<vmem_shared>>
    %dma_start3A_339 = tpu.memref_slice %arg6[%add3A_333] : memref<1000008xf32, #tpu.memory_space<vmem_shared>> -> memref<3840xf32, #tpu.memory_space<vmem_shared>>
    %dma_start3A_340 = arith.constant 0 : i32
    %dma_start3A_341 = tpu.memref_slice %arg12[%dma_start3A_334, %dma_start3A_340] : memref<1x3840xf32, #tpu.memory_space<vmem>> -> memref<1x3840xf32, #tpu.memory_space<vmem>>
    %dma_start3A_342 = tpu.memref_squeeze %dma_start3A_341 : memref<1x3840xf32, #tpu.memory_space<vmem>> -> memref<3840xf32, #tpu.memory_space<vmem>>
    tpu.enqueue_dma source(%dma_start3A_342 : memref<3840xf32, #tpu.memory_space<vmem>>) target(%dma_start3A_339 : memref<3840xf32, #tpu.memory_space<vmem_shared>>) target_semaphore(%arg19 : memref<!tpu.dma_semaphore, #tpu.memory_space<semaphore_mem>>)
    %add3A_343 = arith.constant 26880 : i32
    %add3A_344 = arith.addi %mul3A_4, %add3A_343 : i32
    %dma_wait3A_345 = arith.constant 0 : i32
    %dma_wait3A_346 = arith.constant 0 : i32
    %dma_wait3A_347 = tpu.memref_slice %arg12[%dma_wait3A_345, %dma_wait3A_346] : memref<1x3840xf32, #tpu.memory_space<vmem>> -> memref<1x3840xf32, #tpu.memory_space<vmem>>
    %dma_wait3A_348 = tpu.memref_squeeze %dma_wait3A_347 : memref<1x3840xf32, #tpu.memory_space<vmem>> -> memref<3840xf32, #tpu.memory_space<vmem>>
    %dma_wait3A_349 = tpu.memref_slice %arg6[%add3A_344] : memref<1000008xf32, #tpu.memory_space<vmem_shared>> -> memref<3840xf32, #tpu.memory_space<vmem_shared>>
    %dma_wait3A_350 = tpu.memref_slice %arg6[%add3A_344] : memref<1000008xf32, #tpu.memory_space<vmem_shared>> -> memref<3840xf32, #tpu.memory_space<vmem_shared>>
    %dma_wait3A_351 = arith.constant 0 : i32
    %dma_wait3A_352 = tpu.memref_slice %arg12[%dma_wait3A_345, %dma_wait3A_351] : memref<1x3840xf32, #tpu.memory_space<vmem>> -> memref<1x3840xf32, #tpu.memory_space<vmem>>
    %dma_wait3A_353 = tpu.memref_squeeze %dma_wait3A_352 : memref<1x3840xf32, #tpu.memory_space<vmem>> -> memref<3840xf32, #tpu.memory_space<vmem>>
    tpu.wait_dma2 semaphore(%arg19 : memref<!tpu.dma_semaphore, #tpu.memory_space<semaphore_mem>>) src(%dma_wait3A_353 : memref<3840xf32, #tpu.memory_space<vmem>>) dst(%dma_wait3A_350 : memref<3840xf32, #tpu.memory_space<vmem_shared>>)
    %add3A_354 = arith.constant 42240 : i32
    %add3A_355 = arith.addi %mul3A_4, %add3A_354 : i32
    %dma_start3A_356 = arith.constant 0 : i32
    %dma_start3A_357 = arith.constant 0 : i32
    %dma_start3A_358 = tpu.memref_slice %arg12[%dma_start3A_356, %dma_start3A_357] : memref<1x3840xf32, #tpu.memory_space<vmem>> -> memref<1x3840xf32, #tpu.memory_space<vmem>>
    %dma_start3A_359 = arith.constant 0 : i32
    %dma_start3A_360 = tpu.memref_slice %arg13[%dma_start3A_359] : memref<16xi32, #tpu.memory_space<vmem>> -> memref<1xi32, #tpu.memory_space<vmem>>
    %dma_start3A_361 = arith.constant 0 : i32
    %dma_start3A_362 = tpu.memref_slice %arg2[%dma_start3A_361, %add3A_355] : memref<300x1000008xf32, #tpu.memory_space<hbm>> -> memref<300x3840xf32, #tpu.memory_space<hbm>>
    tpu.enqueue_indirect_dma source(%dma_start3A_362 : memref<300x3840xf32, #tpu.memory_space<hbm>>) target(%dma_start3A_358 : memref<1x3840xf32, #tpu.memory_space<vmem>>) offsets(%dma_start3A_360 : memref<1xi32, #tpu.memory_space<vmem>>) semaphore(%arg18 : memref<!tpu.dma_semaphore, #tpu.memory_space<semaphore_mem>>)
    %add3A_363 = arith.constant 30720 : i32
    %add3A_364 = arith.addi %mul3A_4, %add3A_363 : i32
    %dma_wait3A_365 = arith.constant 0 : i32
    %dma_wait3A_366 = arith.constant 0 : i32
    %dma_wait3A_367 = tpu.memref_slice %arg9[%dma_wait3A_365, %dma_wait3A_366] : memref<1x3840xf32, #tpu.memory_space<vmem>> -> memref<1x3840xf32, #tpu.memory_space<vmem>>
    %dma_wait3A_368 = arith.constant 0 : i32
    %dma_wait3A_369 = tpu.memref_slice %arg13[%dma_wait3A_368] : memref<16xi32, #tpu.memory_space<vmem>> -> memref<1xi32, #tpu.memory_space<vmem>>
    %dma_wait3A_370 = arith.constant 0 : i32
    %dma_wait3A_371 = tpu.memref_slice %arg2[%dma_wait3A_370, %add3A_364] : memref<300x1000008xf32, #tpu.memory_space<hbm>> -> memref<300x3840xf32, #tpu.memory_space<hbm>>
    tpu.wait_indirect_dma semaphore(%arg15 : memref<!tpu.dma_semaphore, #tpu.memory_space<semaphore_mem>>) src(%dma_wait3A_371 : memref<300x3840xf32, #tpu.memory_space<hbm>>) dst(%dma_wait3A_367 : memref<1x3840xf32, #tpu.memory_space<vmem>>)
    %add3A_372 = arith.constant 30720 : i32
    %add3A_373 = arith.addi %mul3A_4, %add3A_372 : i32
    %dma_start3A_374 = arith.constant 0 : i32
    %dma_start3A_375 = arith.constant 0 : i32
    %dma_start3A_376 = tpu.memref_slice %arg9[%dma_start3A_374, %dma_start3A_375] : memref<1x3840xf32, #tpu.memory_space<vmem>> -> memref<1x3840xf32, #tpu.memory_space<vmem>>
    %dma_start3A_377 = tpu.memref_squeeze %dma_start3A_376 : memref<1x3840xf32, #tpu.memory_space<vmem>> -> memref<3840xf32, #tpu.memory_space<vmem>>
    %dma_start3A_378 = tpu.memref_slice %arg6[%add3A_373] : memref<1000008xf32, #tpu.memory_space<vmem_shared>> -> memref<3840xf32, #tpu.memory_space<vmem_shared>>
    %dma_start3A_379 = tpu.memref_slice %arg6[%add3A_373] : memref<1000008xf32, #tpu.memory_space<vmem_shared>> -> memref<3840xf32, #tpu.memory_space<vmem_shared>>
    %dma_start3A_380 = arith.constant 0 : i32
    %dma_start3A_381 = tpu.memref_slice %arg9[%dma_start3A_374, %dma_start3A_380] : memref<1x3840xf32, #tpu.memory_space<vmem>> -> memref<1x3840xf32, #tpu.memory_space<vmem>>
    %dma_start3A_382 = tpu.memref_squeeze %dma_start3A_381 : memref<1x3840xf32, #tpu.memory_space<vmem>> -> memref<3840xf32, #tpu.memory_space<vmem>>
    tpu.enqueue_dma source(%dma_start3A_382 : memref<3840xf32, #tpu.memory_space<vmem>>) target(%dma_start3A_379 : memref<3840xf32, #tpu.memory_space<vmem_shared>>) target_semaphore(%arg19 : memref<!tpu.dma_semaphore, #tpu.memory_space<semaphore_mem>>)
    %add3A_383 = arith.constant 30720 : i32
    %add3A_384 = arith.addi %mul3A_4, %add3A_383 : i32
    %dma_wait3A_385 = arith.constant 0 : i32
    %dma_wait3A_386 = arith.constant 0 : i32
    %dma_wait3A_387 = tpu.memref_slice %arg9[%dma_wait3A_385, %dma_wait3A_386] : memref<1x3840xf32, #tpu.memory_space<vmem>> -> memref<1x3840xf32, #tpu.memory_space<vmem>>
    %dma_wait3A_388 = tpu.memref_squeeze %dma_wait3A_387 : memref<1x3840xf32, #tpu.memory_space<vmem>> -> memref<3840xf32, #tpu.memory_space<vmem>>
    %dma_wait3A_389 = tpu.memref_slice %arg6[%add3A_384] : memref<1000008xf32, #tpu.memory_space<vmem_shared>> -> memref<3840xf32, #tpu.memory_space<vmem_shared>>
    %dma_wait3A_390 = tpu.memref_slice %arg6[%add3A_384] : memref<1000008xf32, #tpu.memory_space<vmem_shared>> -> memref<3840xf32, #tpu.memory_space<vmem_shared>>
    %dma_wait3A_391 = arith.constant 0 : i32
    %dma_wait3A_392 = tpu.memref_slice %arg9[%dma_wait3A_385, %dma_wait3A_391] : memref<1x3840xf32, #tpu.memory_space<vmem>> -> memref<1x3840xf32, #tpu.memory_space<vmem>>
    %dma_wait3A_393 = tpu.memref_squeeze %dma_wait3A_392 : memref<1x3840xf32, #tpu.memory_space<vmem>> -> memref<3840xf32, #tpu.memory_space<vmem>>
    tpu.wait_dma2 semaphore(%arg19 : memref<!tpu.dma_semaphore, #tpu.memory_space<semaphore_mem>>) src(%dma_wait3A_393 : memref<3840xf32, #tpu.memory_space<vmem>>) dst(%dma_wait3A_390 : memref<3840xf32, #tpu.memory_space<vmem_shared>>)
    %add3A_394 = arith.constant 46080 : i32
    %add3A_395 = arith.addi %mul3A_4, %add3A_394 : i32
    %dma_start3A_396 = arith.constant 0 : i32
    %dma_start3A_397 = arith.constant 0 : i32
    %dma_start3A_398 = tpu.memref_slice %arg9[%dma_start3A_396, %dma_start3A_397] : memref<1x3840xf32, #tpu.memory_space<vmem>> -> memref<1x3840xf32, #tpu.memory_space<vmem>>
    %dma_start3A_399 = arith.constant 0 : i32
    %dma_start3A_400 = tpu.memref_slice %arg13[%dma_start3A_399] : memref<16xi32, #tpu.memory_space<vmem>> -> memref<1xi32, #tpu.memory_space<vmem>>
    %dma_start3A_401 = arith.constant 0 : i32
    %dma_start3A_402 = tpu.memref_slice %arg2[%dma_start3A_401, %add3A_395] : memref<300x1000008xf32, #tpu.memory_space<hbm>> -> memref<300x3840xf32, #tpu.memory_space<hbm>>
    tpu.enqueue_indirect_dma source(%dma_start3A_402 : memref<300x3840xf32, #tpu.memory_space<hbm>>) target(%dma_start3A_398 : memref<1x3840xf32, #tpu.memory_space<vmem>>) offsets(%dma_start3A_400 : memref<1xi32, #tpu.memory_space<vmem>>) semaphore(%arg15 : memref<!tpu.dma_semaphore, #tpu.memory_space<semaphore_mem>>)
    %add3A_403 = arith.constant 34560 : i32
    %add3A_404 = arith.addi %mul3A_4, %add3A_403 : i32
    %dma_wait3A_405 = arith.constant 0 : i32
    %dma_wait3A_406 = arith.constant 0 : i32
    %dma_wait3A_407 = tpu.memref_slice %arg10[%dma_wait3A_405, %dma_wait3A_406] : memref<1x3840xf32, #tpu.memory_space<vmem>> -> memref<1x3840xf32, #tpu.memory_space<vmem>>
    %dma_wait3A_408 = arith.constant 0 : i32
    %dma_wait3A_409 = tpu.memref_slice %arg13[%dma_wait3A_408] : memref<16xi32, #tpu.memory_space<vmem>> -> memref<1xi32, #tpu.memory_space<vmem>>
    %dma_wait3A_410 = arith.constant 0 : i32
    %dma_wait3A_411 = tpu.memref_slice %arg2[%dma_wait3A_410, %add3A_404] : memref<300x1000008xf32, #tpu.memory_space<hbm>> -> memref<300x3840xf32, #tpu.memory_space<hbm>>
    tpu.wait_indirect_dma semaphore(%arg16 : memref<!tpu.dma_semaphore, #tpu.memory_space<semaphore_mem>>) src(%dma_wait3A_411 : memref<300x3840xf32, #tpu.memory_space<hbm>>) dst(%dma_wait3A_407 : memref<1x3840xf32, #tpu.memory_space<vmem>>)
    %add3A_412 = arith.constant 34560 : i32
    %add3A_413 = arith.addi %mul3A_4, %add3A_412 : i32
    %dma_start3A_414 = arith.constant 0 : i32
    %dma_start3A_415 = arith.constant 0 : i32
    %dma_start3A_416 = tpu.memref_slice %arg10[%dma_start3A_414, %dma_start3A_415] : memref<1x3840xf32, #tpu.memory_space<vmem>> -> memref<1x3840xf32, #tpu.memory_space<vmem>>
    %dma_start3A_417 = tpu.memref_squeeze %dma_start3A_416 : memref<1x3840xf32, #tpu.memory_space<vmem>> -> memref<3840xf32, #tpu.memory_space<vmem>>
    %dma_start3A_418 = tpu.memref_slice %arg6[%add3A_413] : memref<1000008xf32, #tpu.memory_space<vmem_shared>> -> memref<3840xf32, #tpu.memory_space<vmem_shared>>
    %dma_start3A_419 = tpu.memref_slice %arg6[%add3A_413] : memref<1000008xf32, #tpu.memory_space<vmem_shared>> -> memref<3840xf32, #tpu.memory_space<vmem_shared>>
    %dma_start3A_420 = arith.constant 0 : i32
    %dma_start3A_421 = tpu.memref_slice %arg10[%dma_start3A_414, %dma_start3A_420] : memref<1x3840xf32, #tpu.memory_space<vmem>> -> memref<1x3840xf32, #tpu.memory_space<vmem>>
    %dma_start3A_422 = tpu.memref_squeeze %dma_start3A_421 : memref<1x3840xf32, #tpu.memory_space<vmem>> -> memref<3840xf32, #tpu.memory_space<vmem>>
    tpu.enqueue_dma source(%dma_start3A_422 : memref<3840xf32, #tpu.memory_space<vmem>>) target(%dma_start3A_419 : memref<3840xf32, #tpu.memory_space<vmem_shared>>) target_semaphore(%arg19 : memref<!tpu.dma_semaphore, #tpu.memory_space<semaphore_mem>>)
    %add3A_423 = arith.constant 34560 : i32
    %add3A_424 = arith.addi %mul3A_4, %add3A_423 : i32
    %dma_wait3A_425 = arith.constant 0 : i32
    %dma_wait3A_426 = arith.constant 0 : i32
    %dma_wait3A_427 = tpu.memref_slice %arg10[%dma_wait3A_425, %dma_wait3A_426] : memref<1x3840xf32, #tpu.memory_space<vmem>> -> memref<1x3840xf32, #tpu.memory_space<vmem>>
    %dma_wait3A_428 = tpu.memref_squeeze %dma_wait3A_427 : memref<1x3840xf32, #tpu.memory_space<vmem>> -> memref<3840xf32, #tpu.memory_space<vmem>>
    %dma_wait3A_429 = tpu.memref_slice %arg6[%add3A_424] : memref<1000008xf32, #tpu.memory_space<vmem_shared>> -> memref<3840xf32, #tpu.memory_space<vmem_shared>>
    %dma_wait3A_430 = tpu.memref_slice %arg6[%add3A_424] : memref<1000008xf32, #tpu.memory_space<vmem_shared>> -> memref<3840xf32, #tpu.memory_space<vmem_shared>>
    %dma_wait3A_431 = arith.constant 0 : i32
    %dma_wait3A_432 = tpu.memref_slice %arg10[%dma_wait3A_425, %dma_wait3A_431] : memref<1x3840xf32, #tpu.memory_space<vmem>> -> memref<1x3840xf32, #tpu.memory_space<vmem>>
    %dma_wait3A_433 = tpu.memref_squeeze %dma_wait3A_432 : memref<1x3840xf32, #tpu.memory_space<vmem>> -> memref<3840xf32, #tpu.memory_space<vmem>>
    tpu.wait_dma2 semaphore(%arg19 : memref<!tpu.dma_semaphore, #tpu.memory_space<semaphore_mem>>) src(%dma_wait3A_433 : memref<3840xf32, #tpu.memory_space<vmem>>) dst(%dma_wait3A_430 : memref<3840xf32, #tpu.memory_space<vmem_shared>>)
    %add3A_434 = arith.constant 49920 : i32
    %add3A_435 = arith.addi %mul3A_4, %add3A_434 : i32
    %dma_start3A_436 = arith.constant 0 : i32
    %dma_start3A_437 = arith.constant 0 : i32
    %dma_start3A_438 = tpu.memref_slice %arg10[%dma_start3A_436, %dma_start3A_437] : memref<1x3840xf32, #tpu.memory_space<vmem>> -> memref<1x3840xf32, #tpu.memory_space<vmem>>
    %dma_start3A_439 = arith.constant 0 : i32
    %dma_start3A_440 = tpu.memref_slice %arg13[%dma_start3A_439] : memref<16xi32, #tpu.memory_space<vmem>> -> memref<1xi32, #tpu.memory_space<vmem>>
    %dma_start3A_441 = arith.constant 0 : i32
    %dma_start3A_442 = tpu.memref_slice %arg2[%dma_start3A_441, %add3A_435] : memref<300x1000008xf32, #tpu.memory_space<hbm>> -> memref<300x3840xf32, #tpu.memory_space<hbm>>
    tpu.enqueue_indirect_dma source(%dma_start3A_442 : memref<300x3840xf32, #tpu.memory_space<hbm>>) target(%dma_start3A_438 : memref<1x3840xf32, #tpu.memory_space<vmem>>) offsets(%dma_start3A_440 : memref<1xi32, #tpu.memory_space<vmem>>) semaphore(%arg16 : memref<!tpu.dma_semaphore, #tpu.memory_space<semaphore_mem>>)
    %add3A_443 = arith.constant 38400 : i32
    %add3A_444 = arith.addi %mul3A_4, %add3A_443 : i32
    %dma_wait3A_445 = arith.constant 0 : i32
    %dma_wait3A_446 = arith.constant 0 : i32
    %dma_wait3A_447 = tpu.memref_slice %arg11[%dma_wait3A_445, %dma_wait3A_446] : memref<1x3840xf32, #tpu.memory_space<vmem>> -> memref<1x3840xf32, #tpu.memory_space<vmem>>
    %dma_wait3A_448 = arith.constant 0 : i32
    %dma_wait3A_449 = tpu.memref_slice %arg13[%dma_wait3A_448] : memref<16xi32, #tpu.memory_space<vmem>> -> memref<1xi32, #tpu.memory_space<vmem>>
    %dma_wait3A_450 = arith.constant 0 : i32
    %dma_wait3A_451 = tpu.memref_slice %arg2[%dma_wait3A_450, %add3A_444] : memref<300x1000008xf32, #tpu.memory_space<hbm>> -> memref<300x3840xf32, #tpu.memory_space<hbm>>
    tpu.wait_indirect_dma semaphore(%arg17 : memref<!tpu.dma_semaphore, #tpu.memory_space<semaphore_mem>>) src(%dma_wait3A_451 : memref<300x3840xf32, #tpu.memory_space<hbm>>) dst(%dma_wait3A_447 : memref<1x3840xf32, #tpu.memory_space<vmem>>)
    %add3A_452 = arith.constant 38400 : i32
    %add3A_453 = arith.addi %mul3A_4, %add3A_452 : i32
    %dma_start3A_454 = arith.constant 0 : i32
    %dma_start3A_455 = arith.constant 0 : i32
    %dma_start3A_456 = tpu.memref_slice %arg11[%dma_start3A_454, %dma_start3A_455] : memref<1x3840xf32, #tpu.memory_space<vmem>> -> memref<1x3840xf32, #tpu.memory_space<vmem>>
    %dma_start3A_457 = tpu.memref_squeeze %dma_start3A_456 : memref<1x3840xf32, #tpu.memory_space<vmem>> -> memref<3840xf32, #tpu.memory_space<vmem>>
    %dma_start3A_458 = tpu.memref_slice %arg6[%add3A_453] : memref<1000008xf32, #tpu.memory_space<vmem_shared>> -> memref<3840xf32, #tpu.memory_space<vmem_shared>>
    %dma_start3A_459 = tpu.memref_slice %arg6[%add3A_453] : memref<1000008xf32, #tpu.memory_space<vmem_shared>> -> memref<3840xf32, #tpu.memory_space<vmem_shared>>
    %dma_start3A_460 = arith.constant 0 : i32
    %dma_start3A_461 = tpu.memref_slice %arg11[%dma_start3A_454, %dma_start3A_460] : memref<1x3840xf32, #tpu.memory_space<vmem>> -> memref<1x3840xf32, #tpu.memory_space<vmem>>
    %dma_start3A_462 = tpu.memref_squeeze %dma_start3A_461 : memref<1x3840xf32, #tpu.memory_space<vmem>> -> memref<3840xf32, #tpu.memory_space<vmem>>
    tpu.enqueue_dma source(%dma_start3A_462 : memref<3840xf32, #tpu.memory_space<vmem>>) target(%dma_start3A_459 : memref<3840xf32, #tpu.memory_space<vmem_shared>>) target_semaphore(%arg19 : memref<!tpu.dma_semaphore, #tpu.memory_space<semaphore_mem>>)
    %add3A_463 = arith.constant 38400 : i32
    %add3A_464 = arith.addi %mul3A_4, %add3A_463 : i32
    %dma_wait3A_465 = arith.constant 0 : i32
    %dma_wait3A_466 = arith.constant 0 : i32
    %dma_wait3A_467 = tpu.memref_slice %arg11[%dma_wait3A_465, %dma_wait3A_466] : memref<1x3840xf32, #tpu.memory_space<vmem>> -> memref<1x3840xf32, #tpu.memory_space<vmem>>
    %dma_wait3A_468 = tpu.memref_squeeze %dma_wait3A_467 : memref<1x3840xf32, #tpu.memory_space<vmem>> -> memref<3840xf32, #tpu.memory_space<vmem>>
    %dma_wait3A_469 = tpu.memref_slice %arg6[%add3A_464] : memref<1000008xf32, #tpu.memory_space<vmem_shared>> -> memref<3840xf32, #tpu.memory_space<vmem_shared>>
    %dma_wait3A_470 = tpu.memref_slice %arg6[%add3A_464] : memref<1000008xf32, #tpu.memory_space<vmem_shared>> -> memref<3840xf32, #tpu.memory_space<vmem_shared>>
    %dma_wait3A_471 = arith.constant 0 : i32
    %dma_wait3A_472 = tpu.memref_slice %arg11[%dma_wait3A_465, %dma_wait3A_471] : memref<1x3840xf32, #tpu.memory_space<vmem>> -> memref<1x3840xf32, #tpu.memory_space<vmem>>
    %dma_wait3A_473 = tpu.memref_squeeze %dma_wait3A_472 : memref<1x3840xf32, #tpu.memory_space<vmem>> -> memref<3840xf32, #tpu.memory_space<vmem>>
    tpu.wait_dma2 semaphore(%arg19 : memref<!tpu.dma_semaphore, #tpu.memory_space<semaphore_mem>>) src(%dma_wait3A_473 : memref<3840xf32, #tpu.memory_space<vmem>>) dst(%dma_wait3A_470 : memref<3840xf32, #tpu.memory_space<vmem_shared>>)
    %add3A_474 = arith.constant 53760 : i32
    %add3A_475 = arith.addi %mul3A_4, %add3A_474 : i32
    %dma_start3A_476 = arith.constant 0 : i32
    %dma_start3A_477 = arith.constant 0 : i32
    %dma_start3A_478 = tpu.memref_slice %arg11[%dma_start3A_476, %dma_start3A_477] : memref<1x3840xf32, #tpu.memory_space<vmem>> -> memref<1x3840xf32, #tpu.memory_space<vmem>>
    %dma_start3A_479 = arith.constant 0 : i32
    %dma_start3A_480 = tpu.memref_slice %arg13[%dma_start3A_479] : memref<16xi32, #tpu.memory_space<vmem>> -> memref<1xi32, #tpu.memory_space<vmem>>
    %dma_start3A_481 = arith.constant 0 : i32
    %dma_start3A_482 = tpu.memref_slice %arg2[%dma_start3A_481, %add3A_475] : memref<300x1000008xf32, #tpu.memory_space<hbm>> -> memref<300x3840xf32, #tpu.memory_space<hbm>>
    tpu.enqueue_indirect_dma source(%dma_start3A_482 : memref<300x3840xf32, #tpu.memory_space<hbm>>) target(%dma_start3A_478 : memref<1x3840xf32, #tpu.memory_space<vmem>>) offsets(%dma_start3A_480 : memref<1xi32, #tpu.memory_space<vmem>>) semaphore(%arg17 : memref<!tpu.dma_semaphore, #tpu.memory_space<semaphore_mem>>)
    %add3A_483 = arith.constant 42240 : i32
    %add3A_484 = arith.addi %mul3A_4, %add3A_483 : i32
    %dma_wait3A_485 = arith.constant 0 : i32
    %dma_wait3A_486 = arith.constant 0 : i32
    %dma_wait3A_487 = tpu.memref_slice %arg12[%dma_wait3A_485, %dma_wait3A_486] : memref<1x3840xf32, #tpu.memory_space<vmem>> -> memref<1x3840xf32, #tpu.memory_space<vmem>>
    %dma_wait3A_488 = arith.constant 0 : i32
    %dma_wait3A_489 = tpu.memref_slice %arg13[%dma_wait3A_488] : memref<16xi32, #tpu.memory_space<vmem>> -> memref<1xi32, #tpu.memory_space<vmem>>
    %dma_wait3A_490 = arith.constant 0 : i32
    %dma_wait3A_491 = tpu.memref_slice %arg2[%dma_wait3A_490, %add3A_484] : memref<300x1000008xf32, #tpu.memory_space<hbm>> -> memref<300x3840xf32, #tpu.memory_space<hbm>>
    tpu.wait_indirect_dma semaphore(%arg18 : memref<!tpu.dma_semaphore, #tpu.memory_space<semaphore_mem>>) src(%dma_wait3A_491 : memref<300x3840xf32, #tpu.memory_space<hbm>>) dst(%dma_wait3A_487 : memref<1x3840xf32, #tpu.memory_space<vmem>>)
    %add3A_492 = arith.constant 42240 : i32
    %add3A_493 = arith.addi %mul3A_4, %add3A_492 : i32
    %dma_start3A_494 = arith.constant 0 : i32
    %dma_start3A_495 = arith.constant 0 : i32
    %dma_start3A_496 = tpu.memref_slice %arg12[%dma_start3A_494, %dma_start3A_495] : memref<1x3840xf32, #tpu.memory_space<vmem>> -> memref<1x3840xf32, #tpu.memory_space<vmem>>
    %dma_start3A_497 = tpu.memref_squeeze %dma_start3A_496 : memref<1x3840xf32, #tpu.memory_space<vmem>> -> memref<3840xf32, #tpu.memory_space<vmem>>
    %dma_start3A_498 = tpu.memref_slice %arg6[%add3A_493] : memref<1000008xf32, #tpu.memory_space<vmem_shared>> -> memref<3840xf32, #tpu.memory_space<vmem_shared>>
    %dma_start3A_499 = tpu.memref_slice %arg6[%add3A_493] : memref<1000008xf32, #tpu.memory_space<vmem_shared>> -> memref<3840xf32, #tpu.memory_space<vmem_shared>>
    %dma_start3A_500 = arith.constant 0 : i32
    %dma_start3A_501 = tpu.memref_slice %arg12[%dma_start3A_494, %dma_start3A_500] : memref<1x3840xf32, #tpu.memory_space<vmem>> -> memref<1x3840xf32, #tpu.memory_space<vmem>>
    %dma_start3A_502 = tpu.memref_squeeze %dma_start3A_501 : memref<1x3840xf32, #tpu.memory_space<vmem>> -> memref<3840xf32, #tpu.memory_space<vmem>>
    tpu.enqueue_dma source(%dma_start3A_502 : memref<3840xf32, #tpu.memory_space<vmem>>) target(%dma_start3A_499 : memref<3840xf32, #tpu.memory_space<vmem_shared>>) target_semaphore(%arg19 : memref<!tpu.dma_semaphore, #tpu.memory_space<semaphore_mem>>)
    %add3A_503 = arith.constant 42240 : i32
    %add3A_504 = arith.addi %mul3A_4, %add3A_503 : i32
    %dma_wait3A_505 = arith.constant 0 : i32
    %dma_wait3A_506 = arith.constant 0 : i32
    %dma_wait3A_507 = tpu.memref_slice %arg12[%dma_wait3A_505, %dma_wait3A_506] : memref<1x3840xf32, #tpu.memory_space<vmem>> -> memref<1x3840xf32, #tpu.memory_space<vmem>>
    %dma_wait3A_508 = tpu.memref_squeeze %dma_wait3A_507 : memref<1x3840xf32, #tpu.memory_space<vmem>> -> memref<3840xf32, #tpu.memory_space<vmem>>
    %dma_wait3A_509 = tpu.memref_slice %arg6[%add3A_504] : memref<1000008xf32, #tpu.memory_space<vmem_shared>> -> memref<3840xf32, #tpu.memory_space<vmem_shared>>
    %dma_wait3A_510 = tpu.memref_slice %arg6[%add3A_504] : memref<1000008xf32, #tpu.memory_space<vmem_shared>> -> memref<3840xf32, #tpu.memory_space<vmem_shared>>
    %dma_wait3A_511 = arith.constant 0 : i32
    %dma_wait3A_512 = tpu.memref_slice %arg12[%dma_wait3A_505, %dma_wait3A_511] : memref<1x3840xf32, #tpu.memory_space<vmem>> -> memref<1x3840xf32, #tpu.memory_space<vmem>>
    %dma_wait3A_513 = tpu.memref_squeeze %dma_wait3A_512 : memref<1x3840xf32, #tpu.memory_space<vmem>> -> memref<3840xf32, #tpu.memory_space<vmem>>
    tpu.wait_dma2 semaphore(%arg19 : memref<!tpu.dma_semaphore, #tpu.memory_space<semaphore_mem>>) src(%dma_wait3A_513 : memref<3840xf32, #tpu.memory_space<vmem>>) dst(%dma_wait3A_510 : memref<3840xf32, #tpu.memory_space<vmem_shared>>)
    %add3A_514 = arith.constant 57600 : i32
    %add3A_515 = arith.addi %mul3A_4, %add3A_514 : i32
    %dma_start3A_516 = arith.constant 0 : i32
    %dma_start3A_517 = arith.constant 0 : i32
    %dma_start3A_518 = tpu.memref_slice %arg12[%dma_start3A_516, %dma_start3A_517] : memref<1x3840xf32, #tpu.memory_space<vmem>> -> memref<1x3840xf32, #tpu.memory_space<vmem>>
    %dma_start3A_519 = arith.constant 0 : i32
    %dma_start3A_520 = tpu.memref_slice %arg13[%dma_start3A_519] : memref<16xi32, #tpu.memory_space<vmem>> -> memref<1xi32, #tpu.memory_space<vmem>>
    %dma_start3A_521 = arith.constant 0 : i32
    %dma_start3A_522 = tpu.memref_slice %arg2[%dma_start3A_521, %add3A_515] : memref<300x1000008xf32, #tpu.memory_space<hbm>> -> memref<300x3840xf32, #tpu.memory_space<hbm>>
    tpu.enqueue_indirect_dma source(%dma_start3A_522 : memref<300x3840xf32, #tpu.memory_space<hbm>>) target(%dma_start3A_518 : memref<1x3840xf32, #tpu.memory_space<vmem>>) offsets(%dma_start3A_520 : memref<1xi32, #tpu.memory_space<vmem>>) semaphore(%arg18 : memref<!tpu.dma_semaphore, #tpu.memory_space<semaphore_mem>>)
    %add3A_523 = arith.constant 46080 : i32
    %add3A_524 = arith.addi %mul3A_4, %add3A_523 : i32
    %dma_wait3A_525 = arith.constant 0 : i32
    %dma_wait3A_526 = arith.constant 0 : i32
    %dma_wait3A_527 = tpu.memref_slice %arg9[%dma_wait3A_525, %dma_wait3A_526] : memref<1x3840xf32, #tpu.memory_space<vmem>> -> memref<1x3840xf32, #tpu.memory_space<vmem>>
    %dma_wait3A_528 = arith.constant 0 : i32
    %dma_wait3A_529 = tpu.memref_slice %arg13[%dma_wait3A_528] : memref<16xi32, #tpu.memory_space<vmem>> -> memref<1xi32, #tpu.memory_space<vmem>>
    %dma_wait3A_530 = arith.constant 0 : i32
    %dma_wait3A_531 = tpu.memref_slice %arg2[%dma_wait3A_530, %add3A_524] : memref<300x1000008xf32, #tpu.memory_space<hbm>> -> memref<300x3840xf32, #tpu.memory_space<hbm>>
    tpu.wait_indirect_dma semaphore(%arg15 : memref<!tpu.dma_semaphore, #tpu.memory_space<semaphore_mem>>) src(%dma_wait3A_531 : memref<300x3840xf32, #tpu.memory_space<hbm>>) dst(%dma_wait3A_527 : memref<1x3840xf32, #tpu.memory_space<vmem>>)
    %add3A_532 = arith.constant 46080 : i32
    %add3A_533 = arith.addi %mul3A_4, %add3A_532 : i32
    %dma_start3A_534 = arith.constant 0 : i32
    %dma_start3A_535 = arith.constant 0 : i32
    %dma_start3A_536 = tpu.memref_slice %arg9[%dma_start3A_534, %dma_start3A_535] : memref<1x3840xf32, #tpu.memory_space<vmem>> -> memref<1x3840xf32, #tpu.memory_space<vmem>>
    %dma_start3A_537 = tpu.memref_squeeze %dma_start3A_536 : memref<1x3840xf32, #tpu.memory_space<vmem>> -> memref<3840xf32, #tpu.memory_space<vmem>>
    %dma_start3A_538 = tpu.memref_slice %arg6[%add3A_533] : memref<1000008xf32, #tpu.memory_space<vmem_shared>> -> memref<3840xf32, #tpu.memory_space<vmem_shared>>
    %dma_start3A_539 = tpu.memref_slice %arg6[%add3A_533] : memref<1000008xf32, #tpu.memory_space<vmem_shared>> -> memref<3840xf32, #tpu.memory_space<vmem_shared>>
    %dma_start3A_540 = arith.constant 0 : i32
    %dma_start3A_541 = tpu.memref_slice %arg9[%dma_start3A_534, %dma_start3A_540] : memref<1x3840xf32, #tpu.memory_space<vmem>> -> memref<1x3840xf32, #tpu.memory_space<vmem>>
    %dma_start3A_542 = tpu.memref_squeeze %dma_start3A_541 : memref<1x3840xf32, #tpu.memory_space<vmem>> -> memref<3840xf32, #tpu.memory_space<vmem>>
    tpu.enqueue_dma source(%dma_start3A_542 : memref<3840xf32, #tpu.memory_space<vmem>>) target(%dma_start3A_539 : memref<3840xf32, #tpu.memory_space<vmem_shared>>) target_semaphore(%arg19 : memref<!tpu.dma_semaphore, #tpu.memory_space<semaphore_mem>>)
    %add3A_543 = arith.constant 46080 : i32
    %add3A_544 = arith.addi %mul3A_4, %add3A_543 : i32
    %dma_wait3A_545 = arith.constant 0 : i32
    %dma_wait3A_546 = arith.constant 0 : i32
    %dma_wait3A_547 = tpu.memref_slice %arg9[%dma_wait3A_545, %dma_wait3A_546] : memref<1x3840xf32, #tpu.memory_space<vmem>> -> memref<1x3840xf32, #tpu.memory_space<vmem>>
    %dma_wait3A_548 = tpu.memref_squeeze %dma_wait3A_547 : memref<1x3840xf32, #tpu.memory_space<vmem>> -> memref<3840xf32, #tpu.memory_space<vmem>>
    %dma_wait3A_549 = tpu.memref_slice %arg6[%add3A_544] : memref<1000008xf32, #tpu.memory_space<vmem_shared>> -> memref<3840xf32, #tpu.memory_space<vmem_shared>>
    %dma_wait3A_550 = tpu.memref_slice %arg6[%add3A_544] : memref<1000008xf32, #tpu.memory_space<vmem_shared>> -> memref<3840xf32, #tpu.memory_space<vmem_shared>>
    %dma_wait3A_551 = arith.constant 0 : i32
    %dma_wait3A_552 = tpu.memref_slice %arg9[%dma_wait3A_545, %dma_wait3A_551] : memref<1x3840xf32, #tpu.memory_space<vmem>> -> memref<1x3840xf32, #tpu.memory_space<vmem>>
    %dma_wait3A_553 = tpu.memref_squeeze %dma_wait3A_552 : memref<1x3840xf32, #tpu.memory_space<vmem>> -> memref<3840xf32, #tpu.memory_space<vmem>>
    tpu.wait_dma2 semaphore(%arg19 : memref<!tpu.dma_semaphore, #tpu.memory_space<semaphore_mem>>) src(%dma_wait3A_553 : memref<3840xf32, #tpu.memory_space<vmem>>) dst(%dma_wait3A_550 : memref<3840xf32, #tpu.memory_space<vmem_shared>>)
    %add3A_554 = arith.constant 61440 : i32
    %add3A_555 = arith.addi %mul3A_4, %add3A_554 : i32
    %dma_start3A_556 = arith.constant 0 : i32
    %dma_start3A_557 = arith.constant 0 : i32
    %dma_start3A_558 = tpu.memref_slice %arg9[%dma_start3A_556, %dma_start3A_557] : memref<1x3840xf32, #tpu.memory_space<vmem>> -> memref<1x1024xf32, #tpu.memory_space<vmem>>
    %dma_start3A_559 = arith.constant 0 : i32
    %dma_start3A_560 = tpu.memref_slice %arg13[%dma_start3A_559] : memref<16xi32, #tpu.memory_space<vmem>> -> memref<1xi32, #tpu.memory_space<vmem>>
    %dma_start3A_561 = arith.constant 0 : i32
    %dma_start3A_562 = tpu.memref_slice %arg2[%dma_start3A_561, %add3A_555] : memref<300x1000008xf32, #tpu.memory_space<hbm>> -> memref<300x1024xf32, #tpu.memory_space<hbm>>
    tpu.enqueue_indirect_dma source(%dma_start3A_562 : memref<300x1024xf32, #tpu.memory_space<hbm>>) target(%dma_start3A_558 : memref<1x1024xf32, #tpu.memory_space<vmem>>) offsets(%dma_start3A_560 : memref<1xi32, #tpu.memory_space<vmem>>) semaphore(%arg15 : memref<!tpu.dma_semaphore, #tpu.memory_space<semaphore_mem>>)
    %add3A_563 = arith.constant 49920 : i32
    %add3A_564 = arith.addi %mul3A_4, %add3A_563 : i32
    %dma_wait3A_565 = arith.constant 0 : i32
    %dma_wait3A_566 = arith.constant 0 : i32
    %dma_wait3A_567 = tpu.memref_slice %arg10[%dma_wait3A_565, %dma_wait3A_566] : memref<1x3840xf32, #tpu.memory_space<vmem>> -> memref<1x3840xf32, #tpu.memory_space<vmem>>
    %dma_wait3A_568 = arith.constant 0 : i32
    %dma_wait3A_569 = tpu.memref_slice %arg13[%dma_wait3A_568] : memref<16xi32, #tpu.memory_space<vmem>> -> memref<1xi32, #tpu.memory_space<vmem>>
    %dma_wait3A_570 = arith.constant 0 : i32
    %dma_wait3A_571 = tpu.memref_slice %arg2[%dma_wait3A_570, %add3A_564] : memref<300x1000008xf32, #tpu.memory_space<hbm>> -> memref<300x3840xf32, #tpu.memory_space<hbm>>
    tpu.wait_indirect_dma semaphore(%arg16 : memref<!tpu.dma_semaphore, #tpu.memory_space<semaphore_mem>>) src(%dma_wait3A_571 : memref<300x3840xf32, #tpu.memory_space<hbm>>) dst(%dma_wait3A_567 : memref<1x3840xf32, #tpu.memory_space<vmem>>)
    %add3A_572 = arith.constant 49920 : i32
    %add3A_573 = arith.addi %mul3A_4, %add3A_572 : i32
    %dma_start3A_574 = arith.constant 0 : i32
    %dma_start3A_575 = arith.constant 0 : i32
    %dma_start3A_576 = tpu.memref_slice %arg10[%dma_start3A_574, %dma_start3A_575] : memref<1x3840xf32, #tpu.memory_space<vmem>> -> memref<1x3840xf32, #tpu.memory_space<vmem>>
    %dma_start3A_577 = tpu.memref_squeeze %dma_start3A_576 : memref<1x3840xf32, #tpu.memory_space<vmem>> -> memref<3840xf32, #tpu.memory_space<vmem>>
    %dma_start3A_578 = tpu.memref_slice %arg6[%add3A_573] : memref<1000008xf32, #tpu.memory_space<vmem_shared>> -> memref<3840xf32, #tpu.memory_space<vmem_shared>>
    %dma_start3A_579 = tpu.memref_slice %arg6[%add3A_573] : memref<1000008xf32, #tpu.memory_space<vmem_shared>> -> memref<3840xf32, #tpu.memory_space<vmem_shared>>
    %dma_start3A_580 = arith.constant 0 : i32
    %dma_start3A_581 = tpu.memref_slice %arg10[%dma_start3A_574, %dma_start3A_580] : memref<1x3840xf32, #tpu.memory_space<vmem>> -> memref<1x3840xf32, #tpu.memory_space<vmem>>
    %dma_start3A_582 = tpu.memref_squeeze %dma_start3A_581 : memref<1x3840xf32, #tpu.memory_space<vmem>> -> memref<3840xf32, #tpu.memory_space<vmem>>
    tpu.enqueue_dma source(%dma_start3A_582 : memref<3840xf32, #tpu.memory_space<vmem>>) target(%dma_start3A_579 : memref<3840xf32, #tpu.memory_space<vmem_shared>>) target_semaphore(%arg19 : memref<!tpu.dma_semaphore, #tpu.memory_space<semaphore_mem>>)
    %add3A_583 = arith.constant 53760 : i32
    %add3A_584 = arith.addi %mul3A_4, %add3A_583 : i32
    %dma_wait3A_585 = arith.constant 0 : i32
    %dma_wait3A_586 = arith.constant 0 : i32
    %dma_wait3A_587 = tpu.memref_slice %arg11[%dma_wait3A_585, %dma_wait3A_586] : memref<1x3840xf32, #tpu.memory_space<vmem>> -> memref<1x3840xf32, #tpu.memory_space<vmem>>
    %dma_wait3A_588 = arith.constant 0 : i32
    %dma_wait3A_589 = tpu.memref_slice %arg13[%dma_wait3A_588] : memref<16xi32, #tpu.memory_space<vmem>> -> memref<1xi32, #tpu.memory_space<vmem>>
    %dma_wait3A_590 = arith.constant 0 : i32
    %dma_wait3A_591 = tpu.memref_slice %arg2[%dma_wait3A_590, %add3A_584] : memref<300x1000008xf32, #tpu.memory_space<hbm>> -> memref<300x3840xf32, #tpu.memory_space<hbm>>
    tpu.wait_indirect_dma semaphore(%arg17 : memref<!tpu.dma_semaphore, #tpu.memory_space<semaphore_mem>>) src(%dma_wait3A_591 : memref<300x3840xf32, #tpu.memory_space<hbm>>) dst(%dma_wait3A_587 : memref<1x3840xf32, #tpu.memory_space<vmem>>)
    %add3A_592 = arith.constant 53760 : i32
    %add3A_593 = arith.addi %mul3A_4, %add3A_592 : i32
    %dma_start3A_594 = arith.constant 0 : i32
    %dma_start3A_595 = arith.constant 0 : i32
    %dma_start3A_596 = tpu.memref_slice %arg11[%dma_start3A_594, %dma_start3A_595] : memref<1x3840xf32, #tpu.memory_space<vmem>> -> memref<1x3840xf32, #tpu.memory_space<vmem>>
    %dma_start3A_597 = tpu.memref_squeeze %dma_start3A_596 : memref<1x3840xf32, #tpu.memory_space<vmem>> -> memref<3840xf32, #tpu.memory_space<vmem>>
    %dma_start3A_598 = tpu.memref_slice %arg6[%add3A_593] : memref<1000008xf32, #tpu.memory_space<vmem_shared>> -> memref<3840xf32, #tpu.memory_space<vmem_shared>>
    %dma_start3A_599 = tpu.memref_slice %arg6[%add3A_593] : memref<1000008xf32, #tpu.memory_space<vmem_shared>> -> memref<3840xf32, #tpu.memory_space<vmem_shared>>
    %dma_start3A_600 = arith.constant 0 : i32
    %dma_start3A_601 = tpu.memref_slice %arg11[%dma_start3A_594, %dma_start3A_600] : memref<1x3840xf32, #tpu.memory_space<vmem>> -> memref<1x3840xf32, #tpu.memory_space<vmem>>
    %dma_start3A_602 = tpu.memref_squeeze %dma_start3A_601 : memref<1x3840xf32, #tpu.memory_space<vmem>> -> memref<3840xf32, #tpu.memory_space<vmem>>
    tpu.enqueue_dma source(%dma_start3A_602 : memref<3840xf32, #tpu.memory_space<vmem>>) target(%dma_start3A_599 : memref<3840xf32, #tpu.memory_space<vmem_shared>>) target_semaphore(%arg19 : memref<!tpu.dma_semaphore, #tpu.memory_space<semaphore_mem>>)
    %add3A_603 = arith.constant 57600 : i32
    %add3A_604 = arith.addi %mul3A_4, %add3A_603 : i32
    %dma_wait3A_605 = arith.constant 0 : i32
    %dma_wait3A_606 = arith.constant 0 : i32
    %dma_wait3A_607 = tpu.memref_slice %arg12[%dma_wait3A_605, %dma_wait3A_606] : memref<1x3840xf32, #tpu.memory_space<vmem>> -> memref<1x3840xf32, #tpu.memory_space<vmem>>
    %dma_wait3A_608 = arith.constant 0 : i32
    %dma_wait3A_609 = tpu.memref_slice %arg13[%dma_wait3A_608] : memref<16xi32, #tpu.memory_space<vmem>> -> memref<1xi32, #tpu.memory_space<vmem>>
    %dma_wait3A_610 = arith.constant 0 : i32
    %dma_wait3A_611 = tpu.memref_slice %arg2[%dma_wait3A_610, %add3A_604] : memref<300x1000008xf32, #tpu.memory_space<hbm>> -> memref<300x3840xf32, #tpu.memory_space<hbm>>
    tpu.wait_indirect_dma semaphore(%arg18 : memref<!tpu.dma_semaphore, #tpu.memory_space<semaphore_mem>>) src(%dma_wait3A_611 : memref<300x3840xf32, #tpu.memory_space<hbm>>) dst(%dma_wait3A_607 : memref<1x3840xf32, #tpu.memory_space<vmem>>)
    %add3A_612 = arith.constant 57600 : i32
    %add3A_613 = arith.addi %mul3A_4, %add3A_612 : i32
    %dma_start3A_614 = arith.constant 0 : i32
    %dma_start3A_615 = arith.constant 0 : i32
    %dma_start3A_616 = tpu.memref_slice %arg12[%dma_start3A_614, %dma_start3A_615] : memref<1x3840xf32, #tpu.memory_space<vmem>> -> memref<1x3840xf32, #tpu.memory_space<vmem>>
    %dma_start3A_617 = tpu.memref_squeeze %dma_start3A_616 : memref<1x3840xf32, #tpu.memory_space<vmem>> -> memref<3840xf32, #tpu.memory_space<vmem>>
    %dma_start3A_618 = tpu.memref_slice %arg6[%add3A_613] : memref<1000008xf32, #tpu.memory_space<vmem_shared>> -> memref<3840xf32, #tpu.memory_space<vmem_shared>>
    %dma_start3A_619 = tpu.memref_slice %arg6[%add3A_613] : memref<1000008xf32, #tpu.memory_space<vmem_shared>> -> memref<3840xf32, #tpu.memory_space<vmem_shared>>
    %dma_start3A_620 = arith.constant 0 : i32
    %dma_start3A_621 = tpu.memref_slice %arg12[%dma_start3A_614, %dma_start3A_620] : memref<1x3840xf32, #tpu.memory_space<vmem>> -> memref<1x3840xf32, #tpu.memory_space<vmem>>
    %dma_start3A_622 = tpu.memref_squeeze %dma_start3A_621 : memref<1x3840xf32, #tpu.memory_space<vmem>> -> memref<3840xf32, #tpu.memory_space<vmem>>
    tpu.enqueue_dma source(%dma_start3A_622 : memref<3840xf32, #tpu.memory_space<vmem>>) target(%dma_start3A_619 : memref<3840xf32, #tpu.memory_space<vmem_shared>>) target_semaphore(%arg19 : memref<!tpu.dma_semaphore, #tpu.memory_space<semaphore_mem>>)
    %add3A_623 = arith.constant 61440 : i32
    %add3A_624 = arith.addi %mul3A_4, %add3A_623 : i32
    %dma_wait3A_625 = arith.constant 0 : i32
    %dma_wait3A_626 = arith.constant 0 : i32
    %dma_wait3A_627 = tpu.memref_slice %arg9[%dma_wait3A_625, %dma_wait3A_626] : memref<1x3840xf32, #tpu.memory_space<vmem>> -> memref<1x1024xf32, #tpu.memory_space<vmem>>
    %dma_wait3A_628 = arith.constant 0 : i32
    %dma_wait3A_629 = tpu.memref_slice %arg13[%dma_wait3A_628] : memref<16xi32, #tpu.memory_space<vmem>> -> memref<1xi32, #tpu.memory_space<vmem>>
    %dma_wait3A_630 = arith.constant 0 : i32
    %dma_wait3A_631 = tpu.memref_slice %arg2[%dma_wait3A_630, %add3A_624] : memref<300x1000008xf32, #tpu.memory_space<hbm>> -> memref<300x1024xf32, #tpu.memory_space<hbm>>
    tpu.wait_indirect_dma semaphore(%arg15 : memref<!tpu.dma_semaphore, #tpu.memory_space<semaphore_mem>>) src(%dma_wait3A_631 : memref<300x1024xf32, #tpu.memory_space<hbm>>) dst(%dma_wait3A_627 : memref<1x1024xf32, #tpu.memory_space<vmem>>)
    %add3A_632 = arith.constant 61440 : i32
    %add3A_633 = arith.addi %mul3A_4, %add3A_632 : i32
    %dma_start3A_634 = arith.constant 0 : i32
    %dma_start3A_635 = arith.constant 0 : i32
    %dma_start3A_636 = tpu.memref_slice %arg9[%dma_start3A_634, %dma_start3A_635] : memref<1x3840xf32, #tpu.memory_space<vmem>> -> memref<1x1024xf32, #tpu.memory_space<vmem>>
    %dma_start3A_637 = tpu.memref_squeeze %dma_start3A_636 : memref<1x1024xf32, #tpu.memory_space<vmem>> -> memref<1024xf32, #tpu.memory_space<vmem>>
    %dma_start3A_638 = tpu.memref_slice %arg6[%add3A_633] : memref<1000008xf32, #tpu.memory_space<vmem_shared>> -> memref<1024xf32, #tpu.memory_space<vmem_shared>>
    %dma_start3A_639 = tpu.memref_slice %arg6[%add3A_633] : memref<1000008xf32, #tpu.memory_space<vmem_shared>> -> memref<1024xf32, #tpu.memory_space<vmem_shared>>
    %dma_start3A_640 = arith.constant 0 : i32
    %dma_start3A_641 = tpu.memref_slice %arg9[%dma_start3A_634, %dma_start3A_640] : memref<1x3840xf32, #tpu.memory_space<vmem>> -> memref<1x1024xf32, #tpu.memory_space<vmem>>
    %dma_start3A_642 = tpu.memref_squeeze %dma_start3A_641 : memref<1x1024xf32, #tpu.memory_space<vmem>> -> memref<1024xf32, #tpu.memory_space<vmem>>
    tpu.enqueue_dma source(%dma_start3A_642 : memref<1024xf32, #tpu.memory_space<vmem>>) target(%dma_start3A_639 : memref<1024xf32, #tpu.memory_space<vmem_shared>>) target_semaphore(%arg19 : memref<!tpu.dma_semaphore, #tpu.memory_space<semaphore_mem>>)
    %eq3A_643 = arith.constant 15 : i32
    %eq3A_644 = arith.cmpi eq, %arg1, %eq3A_643 : i32
    %convert_element_type3A_645 = arith.extui %eq3A_644 : i1 to i32
    %cond3A_646 = arith.constant 0 : i32
    %cond3A_647 = arith.constant 0 : i32
    %cond3A_648 = arith.cmpi ne, %convert_element_type3A_645, %cond3A_647 : i32
    scf.if %cond3A_648 {
      %add3A_660 = arith.constant 49920 : i32
      %add3A_661 = arith.addi %mul3A_4, %add3A_660 : i32
      %dma_wait3A_662 = arith.constant 0 : i32
      %dma_wait3A_663 = arith.constant 0 : i32
      %dma_wait3A_664 = tpu.memref_slice %arg10[%dma_wait3A_662, %dma_wait3A_663] : memref<1x3840xf32, #tpu.memory_space<vmem>> -> memref<1x3840xf32, #tpu.memory_space<vmem>>
      %dma_wait3A_665 = tpu.memref_squeeze %dma_wait3A_664 : memref<1x3840xf32, #tpu.memory_space<vmem>> -> memref<3840xf32, #tpu.memory_space<vmem>>
      %dma_wait3A_666 = tpu.memref_slice %arg6[%add3A_661] : memref<1000008xf32, #tpu.memory_space<vmem_shared>> -> memref<3840xf32, #tpu.memory_space<vmem_shared>>
      %dma_wait3A_667 = tpu.memref_slice %arg6[%add3A_661] : memref<1000008xf32, #tpu.memory_space<vmem_shared>> -> memref<3840xf32, #tpu.memory_space<vmem_shared>>
      %dma_wait3A_668 = arith.constant 0 : i32
      %dma_wait3A_669 = tpu.memref_slice %arg10[%dma_wait3A_662, %dma_wait3A_668] : memref<1x3840xf32, #tpu.memory_space<vmem>> -> memref<1x3840xf32, #tpu.memory_space<vmem>>
      %dma_wait3A_670 = tpu.memref_squeeze %dma_wait3A_669 : memref<1x3840xf32, #tpu.memory_space<vmem>> -> memref<3840xf32, #tpu.memory_space<vmem>>
      tpu.wait_dma2 semaphore(%arg19 : memref<!tpu.dma_semaphore, #tpu.memory_space<semaphore_mem>>) src(%dma_wait3A_670 : memref<3840xf32, #tpu.memory_space<vmem>>) dst(%dma_wait3A_667 : memref<3840xf32, #tpu.memory_space<vmem_shared>>)
      %dma_start3A_671 = arith.constant 0 : i32
      %dma_start3A_672 = arith.constant 0 : i32
      %dma_start3A_673 = tpu.memref_slice %arg10[%dma_start3A_671, %dma_start3A_672] : memref<1x3840xf32, #tpu.memory_space<vmem>> -> memref<1x512xf32, #tpu.memory_space<vmem>>
      %dma_start3A_674 = arith.constant 0 : i32
      %dma_start3A_675 = tpu.memref_slice %arg13[%dma_start3A_674] : memref<16xi32, #tpu.memory_space<vmem>> -> memref<1xi32, #tpu.memory_space<vmem>>
      %dma_start3A_676 = arith.constant 0 : i32
      %dma_start3A_677 = arith.constant 999424 : i32
      %dma_start3A_678 = tpu.memref_slice %arg2[%dma_start3A_676, %dma_start3A_677] : memref<300x1000008xf32, #tpu.memory_space<hbm>> -> memref<300x512xf32, #tpu.memory_space<hbm>>
      tpu.enqueue_indirect_dma source(%dma_start3A_678 : memref<300x512xf32, #tpu.memory_space<hbm>>) target(%dma_start3A_673 : memref<1x512xf32, #tpu.memory_space<vmem>>) offsets(%dma_start3A_675 : memref<1xi32, #tpu.memory_space<vmem>>) semaphore(%arg16 : memref<!tpu.dma_semaphore, #tpu.memory_space<semaphore_mem>>)
      %dma_wait3A_679 = arith.constant 0 : i32
      %dma_wait3A_680 = arith.constant 0 : i32
      %dma_wait3A_681 = tpu.memref_slice %arg10[%dma_wait3A_679, %dma_wait3A_680] : memref<1x3840xf32, #tpu.memory_space<vmem>> -> memref<1x512xf32, #tpu.memory_space<vmem>>
      %dma_wait3A_682 = arith.constant 0 : i32
      %dma_wait3A_683 = tpu.memref_slice %arg13[%dma_wait3A_682] : memref<16xi32, #tpu.memory_space<vmem>> -> memref<1xi32, #tpu.memory_space<vmem>>
      %dma_wait3A_684 = arith.constant 0 : i32
      %dma_wait3A_685 = arith.constant 999424 : i32
      %dma_wait3A_686 = tpu.memref_slice %arg2[%dma_wait3A_684, %dma_wait3A_685] : memref<300x1000008xf32, #tpu.memory_space<hbm>> -> memref<300x512xf32, #tpu.memory_space<hbm>>
      tpu.wait_indirect_dma semaphore(%arg16 : memref<!tpu.dma_semaphore, #tpu.memory_space<semaphore_mem>>) src(%dma_wait3A_686 : memref<300x512xf32, #tpu.memory_space<hbm>>) dst(%dma_wait3A_681 : memref<1x512xf32, #tpu.memory_space<vmem>>)
      %dma_start3A_687 = arith.constant 0 : i32
      %dma_start3A_688 = tpu.memref_slice %arg10[%cond3A_646, %dma_start3A_687] : memref<1x3840xf32, #tpu.memory_space<vmem>> -> memref<1x512xf32, #tpu.memory_space<vmem>>
      %dma_start3A_689 = tpu.memref_squeeze %dma_start3A_688 : memref<1x512xf32, #tpu.memory_space<vmem>> -> memref<512xf32, #tpu.memory_space<vmem>>
      %dma_start3A_690 = arith.constant 999424 : i32
      %dma_start3A_691 = tpu.memref_slice %arg6[%dma_start3A_690] : memref<1000008xf32, #tpu.memory_space<vmem_shared>> -> memref<512xf32, #tpu.memory_space<vmem_shared>>
      %dma_start3A_692 = arith.constant 999424 : i32
      %dma_start3A_693 = tpu.memref_slice %arg6[%dma_start3A_692] : memref<1000008xf32, #tpu.memory_space<vmem_shared>> -> memref<512xf32, #tpu.memory_space<vmem_shared>>
      %dma_start3A_694 = arith.constant 0 : i32
      %dma_start3A_695 = tpu.memref_slice %arg10[%cond3A_646, %dma_start3A_694] : memref<1x3840xf32, #tpu.memory_space<vmem>> -> memref<1x512xf32, #tpu.memory_space<vmem>>
      %dma_start3A_696 = tpu.memref_squeeze %dma_start3A_695 : memref<1x512xf32, #tpu.memory_space<vmem>> -> memref<512xf32, #tpu.memory_space<vmem>>
      tpu.enqueue_dma source(%dma_start3A_696 : memref<512xf32, #tpu.memory_space<vmem>>) target(%dma_start3A_693 : memref<512xf32, #tpu.memory_space<vmem_shared>>) target_semaphore(%arg19 : memref<!tpu.dma_semaphore, #tpu.memory_space<semaphore_mem>>)
    } else {
    }
    %eq3A_649 = arith.constant 0 : i32
    %eq3A_650 = arith.cmpi eq, %arg1, %eq3A_649 : i32
    %convert_element_type3A_651 = arith.extui %eq3A_650 : i1 to i32
    %cond3A_652 = arith.constant 0 : i32
    %cond3A_653 = arith.cmpi ne, %convert_element_type3A_651, %cond3A_652 : i32
    scf.if %cond3A_653 {
      %mul3A_660 = arith.constant 72 : i32
      %mul3A_661 = arith.muli %mul3A_0, %mul3A_660 : i32
      %dma_start3A_662 = tpu.memref_slice %arg7[%mul3A_661] : memref<21600xf32, #tpu.memory_space<vmem_shared>> -> memref<72xf32, #tpu.memory_space<vmem_shared>>
      %dma_start3A_663 = tpu.memref_slice %arg7[%mul3A_661] : memref<21600xf32, #tpu.memory_space<vmem_shared>> -> memref<72xf32, #tpu.memory_space<vmem_shared>>
      tpu.enqueue_dma source(%dma_start3A_663 : memref<72xf32, #tpu.memory_space<vmem_shared>>) target(%arg14 : memref<72xf32, #tpu.memory_space<vmem>>) target_semaphore(%arg16 : memref<!tpu.dma_semaphore, #tpu.memory_space<semaphore_mem>>)
      %dma_wait3A_664 = tpu.memref_slice %arg7[%mul3A_661] : memref<21600xf32, #tpu.memory_space<vmem_shared>> -> memref<72xf32, #tpu.memory_space<vmem_shared>>
      %dma_wait3A_665 = tpu.memref_slice %arg7[%mul3A_661] : memref<21600xf32, #tpu.memory_space<vmem_shared>> -> memref<72xf32, #tpu.memory_space<vmem_shared>>
      tpu.wait_dma2 semaphore(%arg16 : memref<!tpu.dma_semaphore, #tpu.memory_space<semaphore_mem>>) src(%dma_wait3A_665 : memref<72xf32, #tpu.memory_space<vmem_shared>>) dst(%arg14 : memref<72xf32, #tpu.memory_space<vmem>>)
      %dma_start3A_666 = arith.constant 999936 : i32
      %dma_start3A_667 = tpu.memref_slice %arg6[%dma_start3A_666] : memref<1000008xf32, #tpu.memory_space<vmem_shared>> -> memref<72xf32, #tpu.memory_space<vmem_shared>>
      %dma_start3A_668 = arith.constant 999936 : i32
      %dma_start3A_669 = tpu.memref_slice %arg6[%dma_start3A_668] : memref<1000008xf32, #tpu.memory_space<vmem_shared>> -> memref<72xf32, #tpu.memory_space<vmem_shared>>
      tpu.enqueue_dma source(%arg14 : memref<72xf32, #tpu.memory_space<vmem>>) target(%dma_start3A_669 : memref<72xf32, #tpu.memory_space<vmem_shared>>) target_semaphore(%arg19 : memref<!tpu.dma_semaphore, #tpu.memory_space<semaphore_mem>>)
    } else {
    }
    %scan3A = arith.constant 0 : i32
    %scan3A_654 = arith.constant 0 : i32
    %scan3A_655 = arith.constant 0 : i32
    %scan3A_656 = arith.constant 150 : i32
    %scan3A_657 = arith.addi %scan3A_655, %scan3A_656 : i32
    %scan3A_658 = arith.constant 1 : i32
    scf.for %scan3A_660 = %scan3A_655 to %scan3A_657 step %scan3A_658  : i32 {
      %add3A_661 = arith.addi %mul3A_0, %scan3A_660 : i32
      %ne3A = arith.constant 15 : i32
      %ne3A_662 = arith.cmpi ne, %arg1, %ne3A : i32
      %convert_element_type3A_663 = arith.extui %ne3A_662 : i1 to i32
      %cond3A_664 = arith.constant 0 : i32
      %cond3A_665 = arith.cmpi ne, %convert_element_type3A_663, %cond3A_664 : i32
      scf.if %cond3A_665 {
        %add3A_1420 = arith.constant 49920 : i32
        %add3A_1421 = arith.addi %mul3A_4, %add3A_1420 : i32
        %dma_wait3A_1422 = arith.constant 0 : i32
        %dma_wait3A_1423 = arith.constant 0 : i32
        %dma_wait3A_1424 = tpu.memref_slice %arg10[%dma_wait3A_1422, %dma_wait3A_1423] : memref<1x3840xf32, #tpu.memory_space<vmem>> -> memref<1x3840xf32, #tpu.memory_space<vmem>>
        %dma_wait3A_1425 = tpu.memref_squeeze %dma_wait3A_1424 : memref<1x3840xf32, #tpu.memory_space<vmem>> -> memref<3840xf32, #tpu.memory_space<vmem>>
        %dma_wait3A_1426 = tpu.memref_slice %arg6[%add3A_1421] : memref<1000008xf32, #tpu.memory_space<vmem_shared>> -> memref<3840xf32, #tpu.memory_space<vmem_shared>>
        %dma_wait3A_1427 = tpu.memref_slice %arg6[%add3A_1421] : memref<1000008xf32, #tpu.memory_space<vmem_shared>> -> memref<3840xf32, #tpu.memory_space<vmem_shared>>
        %dma_wait3A_1428 = arith.constant 0 : i32
        %dma_wait3A_1429 = tpu.memref_slice %arg10[%dma_wait3A_1422, %dma_wait3A_1428] : memref<1x3840xf32, #tpu.memory_space<vmem>> -> memref<1x3840xf32, #tpu.memory_space<vmem>>
        %dma_wait3A_1430 = tpu.memref_squeeze %dma_wait3A_1429 : memref<1x3840xf32, #tpu.memory_space<vmem>> -> memref<3840xf32, #tpu.memory_space<vmem>>
        tpu.wait_dma2 semaphore(%arg19 : memref<!tpu.dma_semaphore, #tpu.memory_space<semaphore_mem>>) src(%dma_wait3A_1430 : memref<3840xf32, #tpu.memory_space<vmem>>) dst(%dma_wait3A_1427 : memref<3840xf32, #tpu.memory_space<vmem_shared>>)
      } else {
      }
      %add3A_666 = arith.constant 53760 : i32
      %add3A_667 = arith.addi %mul3A_4, %add3A_666 : i32
      %dma_wait3A_668 = arith.constant 0 : i32
      %dma_wait3A_669 = arith.constant 0 : i32
      %dma_wait3A_670 = tpu.memref_slice %arg11[%dma_wait3A_668, %dma_wait3A_669] : memref<1x3840xf32, #tpu.memory_space<vmem>> -> memref<1x3840xf32, #tpu.memory_space<vmem>>
      %dma_wait3A_671 = tpu.memref_squeeze %dma_wait3A_670 : memref<1x3840xf32, #tpu.memory_space<vmem>> -> memref<3840xf32, #tpu.memory_space<vmem>>
      %dma_wait3A_672 = tpu.memref_slice %arg6[%add3A_667] : memref<1000008xf32, #tpu.memory_space<vmem_shared>> -> memref<3840xf32, #tpu.memory_space<vmem_shared>>
      %dma_wait3A_673 = tpu.memref_slice %arg6[%add3A_667] : memref<1000008xf32, #tpu.memory_space<vmem_shared>> -> memref<3840xf32, #tpu.memory_space<vmem_shared>>
      %dma_wait3A_674 = arith.constant 0 : i32
      %dma_wait3A_675 = tpu.memref_slice %arg11[%dma_wait3A_668, %dma_wait3A_674] : memref<1x3840xf32, #tpu.memory_space<vmem>> -> memref<1x3840xf32, #tpu.memory_space<vmem>>
      %dma_wait3A_676 = tpu.memref_squeeze %dma_wait3A_675 : memref<1x3840xf32, #tpu.memory_space<vmem>> -> memref<3840xf32, #tpu.memory_space<vmem>>
      tpu.wait_dma2 semaphore(%arg19 : memref<!tpu.dma_semaphore, #tpu.memory_space<semaphore_mem>>) src(%dma_wait3A_676 : memref<3840xf32, #tpu.memory_space<vmem>>) dst(%dma_wait3A_673 : memref<3840xf32, #tpu.memory_space<vmem_shared>>)
      %add3A_677 = arith.constant 57600 : i32
      %add3A_678 = arith.addi %mul3A_4, %add3A_677 : i32
      %dma_wait3A_679 = arith.constant 0 : i32
      %dma_wait3A_680 = arith.constant 0 : i32
      %dma_wait3A_681 = tpu.memref_slice %arg12[%dma_wait3A_679, %dma_wait3A_680] : memref<1x3840xf32, #tpu.memory_space<vmem>> -> memref<1x3840xf32, #tpu.memory_space<vmem>>
      %dma_wait3A_682 = tpu.memref_squeeze %dma_wait3A_681 : memref<1x3840xf32, #tpu.memory_space<vmem>> -> memref<3840xf32, #tpu.memory_space<vmem>>
      %dma_wait3A_683 = tpu.memref_slice %arg6[%add3A_678] : memref<1000008xf32, #tpu.memory_space<vmem_shared>> -> memref<3840xf32, #tpu.memory_space<vmem_shared>>
      %dma_wait3A_684 = tpu.memref_slice %arg6[%add3A_678] : memref<1000008xf32, #tpu.memory_space<vmem_shared>> -> memref<3840xf32, #tpu.memory_space<vmem_shared>>
      %dma_wait3A_685 = arith.constant 0 : i32
      %dma_wait3A_686 = tpu.memref_slice %arg12[%dma_wait3A_679, %dma_wait3A_685] : memref<1x3840xf32, #tpu.memory_space<vmem>> -> memref<1x3840xf32, #tpu.memory_space<vmem>>
      %dma_wait3A_687 = tpu.memref_squeeze %dma_wait3A_686 : memref<1x3840xf32, #tpu.memory_space<vmem>> -> memref<3840xf32, #tpu.memory_space<vmem>>
      tpu.wait_dma2 semaphore(%arg19 : memref<!tpu.dma_semaphore, #tpu.memory_space<semaphore_mem>>) src(%dma_wait3A_687 : memref<3840xf32, #tpu.memory_space<vmem>>) dst(%dma_wait3A_684 : memref<3840xf32, #tpu.memory_space<vmem_shared>>)
      %add3A_688 = arith.constant 61440 : i32
      %add3A_689 = arith.addi %mul3A_4, %add3A_688 : i32
      %dma_wait3A_690 = arith.constant 0 : i32
      %dma_wait3A_691 = arith.constant 0 : i32
      %dma_wait3A_692 = tpu.memref_slice %arg9[%dma_wait3A_690, %dma_wait3A_691] : memref<1x3840xf32, #tpu.memory_space<vmem>> -> memref<1x1024xf32, #tpu.memory_space<vmem>>
      %dma_wait3A_693 = tpu.memref_squeeze %dma_wait3A_692 : memref<1x1024xf32, #tpu.memory_space<vmem>> -> memref<1024xf32, #tpu.memory_space<vmem>>
      %dma_wait3A_694 = tpu.memref_slice %arg6[%add3A_689] : memref<1000008xf32, #tpu.memory_space<vmem_shared>> -> memref<1024xf32, #tpu.memory_space<vmem_shared>>
      %dma_wait3A_695 = tpu.memref_slice %arg6[%add3A_689] : memref<1000008xf32, #tpu.memory_space<vmem_shared>> -> memref<1024xf32, #tpu.memory_space<vmem_shared>>
      %dma_wait3A_696 = arith.constant 0 : i32
      %dma_wait3A_697 = tpu.memref_slice %arg9[%dma_wait3A_690, %dma_wait3A_696] : memref<1x3840xf32, #tpu.memory_space<vmem>> -> memref<1x1024xf32, #tpu.memory_space<vmem>>
      %dma_wait3A_698 = tpu.memref_squeeze %dma_wait3A_697 : memref<1x1024xf32, #tpu.memory_space<vmem>> -> memref<1024xf32, #tpu.memory_space<vmem>>
      tpu.wait_dma2 semaphore(%arg19 : memref<!tpu.dma_semaphore, #tpu.memory_space<semaphore_mem>>) src(%dma_wait3A_698 : memref<1024xf32, #tpu.memory_space<vmem>>) dst(%dma_wait3A_695 : memref<1024xf32, #tpu.memory_space<vmem_shared>>)
      %eq3A_699 = arith.constant 15 : i32
      %eq3A_700 = arith.cmpi eq, %arg1, %eq3A_699 : i32
      %convert_element_type3A_701 = arith.extui %eq3A_700 : i1 to i32
      %cond3A_702 = arith.constant 0 : i32
      %cond3A_703 = arith.cmpi ne, %convert_element_type3A_701, %cond3A_702 : i32
      scf.if %cond3A_703 {
        %dma_wait3A_1420 = arith.constant 0 : i32
        %dma_wait3A_1421 = tpu.memref_slice %arg10[%scan3A_654, %dma_wait3A_1420] : memref<1x3840xf32, #tpu.memory_space<vmem>> -> memref<1x512xf32, #tpu.memory_space<vmem>>
        %dma_wait3A_1422 = tpu.memref_squeeze %dma_wait3A_1421 : memref<1x512xf32, #tpu.memory_space<vmem>> -> memref<512xf32, #tpu.memory_space<vmem>>
        %dma_wait3A_1423 = arith.constant 999424 : i32
        %dma_wait3A_1424 = tpu.memref_slice %arg6[%dma_wait3A_1423] : memref<1000008xf32, #tpu.memory_space<vmem_shared>> -> memref<512xf32, #tpu.memory_space<vmem_shared>>
        %dma_wait3A_1425 = arith.constant 999424 : i32
        %dma_wait3A_1426 = tpu.memref_slice %arg6[%dma_wait3A_1425] : memref<1000008xf32, #tpu.memory_space<vmem_shared>> -> memref<512xf32, #tpu.memory_space<vmem_shared>>
        %dma_wait3A_1427 = arith.constant 0 : i32
        %dma_wait3A_1428 = tpu.memref_slice %arg10[%scan3A_654, %dma_wait3A_1427] : memref<1x3840xf32, #tpu.memory_space<vmem>> -> memref<1x512xf32, #tpu.memory_space<vmem>>
        %dma_wait3A_1429 = tpu.memref_squeeze %dma_wait3A_1428 : memref<1x512xf32, #tpu.memory_space<vmem>> -> memref<512xf32, #tpu.memory_space<vmem>>
        tpu.wait_dma2 semaphore(%arg19 : memref<!tpu.dma_semaphore, #tpu.memory_space<semaphore_mem>>) src(%dma_wait3A_1429 : memref<512xf32, #tpu.memory_space<vmem>>) dst(%dma_wait3A_1426 : memref<512xf32, #tpu.memory_space<vmem_shared>>)
      } else {
      }
      %eq3A_704 = arith.constant 0 : i32
      %eq3A_705 = arith.cmpi eq, %arg1, %eq3A_704 : i32
      %convert_element_type3A_706 = arith.extui %eq3A_705 : i1 to i32
      %cond3A_707 = arith.constant 0 : i32
      %cond3A_708 = arith.cmpi ne, %convert_element_type3A_706, %cond3A_707 : i32
      scf.if %cond3A_708 {
        %dma_wait3A_1420 = arith.constant 999936 : i32
        %dma_wait3A_1421 = tpu.memref_slice %arg6[%dma_wait3A_1420] : memref<1000008xf32, #tpu.memory_space<vmem_shared>> -> memref<72xf32, #tpu.memory_space<vmem_shared>>
        %dma_wait3A_1422 = arith.constant 999936 : i32
        %dma_wait3A_1423 = tpu.memref_slice %arg6[%dma_wait3A_1422] : memref<1000008xf32, #tpu.memory_space<vmem_shared>> -> memref<72xf32, #tpu.memory_space<vmem_shared>>
        tpu.wait_dma2 semaphore(%arg19 : memref<!tpu.dma_semaphore, #tpu.memory_space<semaphore_mem>>) src(%arg14 : memref<72xf32, #tpu.memory_space<vmem>>) dst(%dma_wait3A_1423 : memref<72xf32, #tpu.memory_space<vmem_shared>>)
      } else {
      }
      %barrier3A = arith.constant 0 : index
      tpu.barrier barrier_id(%barrier3A)
      %dma_start3A_709 = arith.constant 0 : i32
      %dma_start3A_710 = arith.constant 0 : i32
      %dma_start3A_711 = tpu.memref_slice %arg9[%dma_start3A_709, %dma_start3A_710] : memref<1x3840xf32, #tpu.memory_space<vmem>> -> memref<1x3200xf32, #tpu.memory_space<vmem>>
      %dma_start3A_712 = tpu.memref_squeeze %dma_start3A_711 : memref<1x3200xf32, #tpu.memory_space<vmem>> -> memref<3200xf32, #tpu.memory_space<vmem>>
      %dma_start3A_713 = arith.constant 0 : i32
      %dma_start3A_714 = tpu.memref_slice %arg8[%dma_start3A_713] : memref<51200xi32, #tpu.memory_space<vmem>> -> memref<3200xi32, #tpu.memory_space<vmem>>
      %dma_start3A_715 = arith.constant 0 : i32
      %dma_start3A_716 = tpu.memref_slice %arg6[%dma_start3A_715] : memref<1000008xf32, #tpu.memory_space<vmem_shared>> -> memref<1000008xf32, #tpu.memory_space<vmem_shared>>
      tpu.enqueue_indirect_dma source(%dma_start3A_716 : memref<1000008xf32, #tpu.memory_space<vmem_shared>>) target(%dma_start3A_712 : memref<3200xf32, #tpu.memory_space<vmem>>) offsets(%dma_start3A_714 : memref<3200xi32, #tpu.memory_space<vmem>>) semaphore(%arg20 : memref<!tpu.dma_semaphore, #tpu.memory_space<semaphore_mem>>)
      %dma_start3A_717 = arith.constant 0 : i32
      %dma_start3A_718 = arith.constant 0 : i32
      %dma_start3A_719 = tpu.memref_slice %arg10[%dma_start3A_717, %dma_start3A_718] : memref<1x3840xf32, #tpu.memory_space<vmem>> -> memref<1x3200xf32, #tpu.memory_space<vmem>>
      %dma_start3A_720 = tpu.memref_squeeze %dma_start3A_719 : memref<1x3200xf32, #tpu.memory_space<vmem>> -> memref<3200xf32, #tpu.memory_space<vmem>>
      %dma_start3A_721 = arith.constant 3200 : i32
      %dma_start3A_722 = tpu.memref_slice %arg8[%dma_start3A_721] : memref<51200xi32, #tpu.memory_space<vmem>> -> memref<3200xi32, #tpu.memory_space<vmem>>
      %dma_start3A_723 = arith.constant 0 : i32
      %dma_start3A_724 = tpu.memref_slice %arg6[%dma_start3A_723] : memref<1000008xf32, #tpu.memory_space<vmem_shared>> -> memref<1000008xf32, #tpu.memory_space<vmem_shared>>
      tpu.enqueue_indirect_dma source(%dma_start3A_724 : memref<1000008xf32, #tpu.memory_space<vmem_shared>>) target(%dma_start3A_720 : memref<3200xf32, #tpu.memory_space<vmem>>) offsets(%dma_start3A_722 : memref<3200xi32, #tpu.memory_space<vmem>>) semaphore(%arg21 : memref<!tpu.dma_semaphore, #tpu.memory_space<semaphore_mem>>)
      %dma_start3A_725 = arith.constant 0 : i32
      %dma_start3A_726 = arith.constant 0 : i32
      %dma_start3A_727 = tpu.memref_slice %arg11[%dma_start3A_725, %dma_start3A_726] : memref<1x3840xf32, #tpu.memory_space<vmem>> -> memref<1x3200xf32, #tpu.memory_space<vmem>>
      %dma_start3A_728 = tpu.memref_squeeze %dma_start3A_727 : memref<1x3200xf32, #tpu.memory_space<vmem>> -> memref<3200xf32, #tpu.memory_space<vmem>>
      %dma_start3A_729 = arith.constant 6400 : i32
      %dma_start3A_730 = tpu.memref_slice %arg8[%dma_start3A_729] : memref<51200xi32, #tpu.memory_space<vmem>> -> memref<3200xi32, #tpu.memory_space<vmem>>
      %dma_start3A_731 = arith.constant 0 : i32
      %dma_start3A_732 = tpu.memref_slice %arg6[%dma_start3A_731] : memref<1000008xf32, #tpu.memory_space<vmem_shared>> -> memref<1000008xf32, #tpu.memory_space<vmem_shared>>
      tpu.enqueue_indirect_dma source(%dma_start3A_732 : memref<1000008xf32, #tpu.memory_space<vmem_shared>>) target(%dma_start3A_728 : memref<3200xf32, #tpu.memory_space<vmem>>) offsets(%dma_start3A_730 : memref<3200xi32, #tpu.memory_space<vmem>>) semaphore(%arg22 : memref<!tpu.dma_semaphore, #tpu.memory_space<semaphore_mem>>)
      %dma_start3A_733 = arith.constant 0 : i32
      %dma_start3A_734 = arith.constant 0 : i32
      %dma_start3A_735 = tpu.memref_slice %arg12[%dma_start3A_733, %dma_start3A_734] : memref<1x3840xf32, #tpu.memory_space<vmem>> -> memref<1x3200xf32, #tpu.memory_space<vmem>>
      %dma_start3A_736 = tpu.memref_squeeze %dma_start3A_735 : memref<1x3200xf32, #tpu.memory_space<vmem>> -> memref<3200xf32, #tpu.memory_space<vmem>>
      %dma_start3A_737 = arith.constant 9600 : i32
      %dma_start3A_738 = tpu.memref_slice %arg8[%dma_start3A_737] : memref<51200xi32, #tpu.memory_space<vmem>> -> memref<3200xi32, #tpu.memory_space<vmem>>
      %dma_start3A_739 = arith.constant 0 : i32
      %dma_start3A_740 = tpu.memref_slice %arg6[%dma_start3A_739] : memref<1000008xf32, #tpu.memory_space<vmem_shared>> -> memref<1000008xf32, #tpu.memory_space<vmem_shared>>
      tpu.enqueue_indirect_dma source(%dma_start3A_740 : memref<1000008xf32, #tpu.memory_space<vmem_shared>>) target(%dma_start3A_736 : memref<3200xf32, #tpu.memory_space<vmem>>) offsets(%dma_start3A_738 : memref<3200xi32, #tpu.memory_space<vmem>>) semaphore(%arg23 : memref<!tpu.dma_semaphore, #tpu.memory_space<semaphore_mem>>)
      %dma_wait3A_741 = arith.constant 0 : i32
      %dma_wait3A_742 = arith.constant 0 : i32
      %dma_wait3A_743 = tpu.memref_slice %arg9[%dma_wait3A_741, %dma_wait3A_742] : memref<1x3840xf32, #tpu.memory_space<vmem>> -> memref<1x3200xf32, #tpu.memory_space<vmem>>
      %dma_wait3A_744 = tpu.memref_squeeze %dma_wait3A_743 : memref<1x3200xf32, #tpu.memory_space<vmem>> -> memref<3200xf32, #tpu.memory_space<vmem>>
      %dma_wait3A_745 = arith.constant 0 : i32
      %dma_wait3A_746 = tpu.memref_slice %arg8[%dma_wait3A_745] : memref<51200xi32, #tpu.memory_space<vmem>> -> memref<3200xi32, #tpu.memory_space<vmem>>
      %dma_wait3A_747 = arith.constant 0 : i32
      %dma_wait3A_748 = tpu.memref_slice %arg6[%dma_wait3A_747] : memref<1000008xf32, #tpu.memory_space<vmem_shared>> -> memref<1000008xf32, #tpu.memory_space<vmem_shared>>
      tpu.wait_indirect_dma semaphore(%arg20 : memref<!tpu.dma_semaphore, #tpu.memory_space<semaphore_mem>>) src(%dma_wait3A_748 : memref<1000008xf32, #tpu.memory_space<vmem_shared>>) dst(%dma_wait3A_744 : memref<3200xf32, #tpu.memory_space<vmem>>)
      %mul3A_749 = arith.constant 819200 : i32
      %mul3A_750 = arith.muli %add3A_661, %mul3A_749 : i32
      %add3A_751 = arith.addi %mul3A_750, %mul3A_2 : i32
      %add3A_752 = arith.constant 0 : i32
      %add3A_753 = arith.addi %add3A_751, %add3A_752 : i32
      %dma_start3A_754 = arith.constant 0 : i32
      %dma_start3A_755 = arith.constant 0 : i32
      %dma_start3A_756 = tpu.memref_slice %arg9[%dma_start3A_754, %dma_start3A_755] : memref<1x3840xf32, #tpu.memory_space<vmem>> -> memref<1x3200xf32, #tpu.memory_space<vmem>>
      %dma_start3A_757 = tpu.memref_squeeze %dma_start3A_756 : memref<1x3200xf32, #tpu.memory_space<vmem>> -> memref<3200xf32, #tpu.memory_space<vmem>>
      %dma_start3A_758 = tpu.memref_slice %arg5[%add3A_753] : memref<245760000xf32, #tpu.memory_space<hbm>> -> memref<3200xf32, #tpu.memory_space<hbm>>
      %dma_start3A_759 = tpu.memref_slice %arg5[%add3A_753] : memref<245760000xf32, #tpu.memory_space<hbm>> -> memref<3200xf32, #tpu.memory_space<hbm>>
      %dma_start3A_760 = arith.constant 0 : i32
      %dma_start3A_761 = tpu.memref_slice %arg9[%dma_start3A_754, %dma_start3A_760] : memref<1x3840xf32, #tpu.memory_space<vmem>> -> memref<1x3200xf32, #tpu.memory_space<vmem>>
      %dma_start3A_762 = tpu.memref_squeeze %dma_start3A_761 : memref<1x3200xf32, #tpu.memory_space<vmem>> -> memref<3200xf32, #tpu.memory_space<vmem>>
      tpu.enqueue_dma source(%dma_start3A_762 : memref<3200xf32, #tpu.memory_space<vmem>>) target(%dma_start3A_759 : memref<3200xf32, #tpu.memory_space<hbm>>) target_semaphore(%arg24 : memref<!tpu.dma_semaphore, #tpu.memory_space<semaphore_mem>>)
      %mul3A_763 = arith.constant 819200 : i32
      %mul3A_764 = arith.muli %add3A_661, %mul3A_763 : i32
      %add3A_765 = arith.addi %mul3A_764, %mul3A_2 : i32
      %add3A_766 = arith.constant 0 : i32
      %add3A_767 = arith.addi %add3A_765, %add3A_766 : i32
      %dma_wait3A_768 = arith.constant 0 : i32
      %dma_wait3A_769 = arith.constant 0 : i32
      %dma_wait3A_770 = tpu.memref_slice %arg9[%dma_wait3A_768, %dma_wait3A_769] : memref<1x3840xf32, #tpu.memory_space<vmem>> -> memref<1x3200xf32, #tpu.memory_space<vmem>>
      %dma_wait3A_771 = tpu.memref_squeeze %dma_wait3A_770 : memref<1x3200xf32, #tpu.memory_space<vmem>> -> memref<3200xf32, #tpu.memory_space<vmem>>
      %dma_wait3A_772 = tpu.memref_slice %arg5[%add3A_767] : memref<245760000xf32, #tpu.memory_space<hbm>> -> memref<3200xf32, #tpu.memory_space<hbm>>
      %dma_wait3A_773 = tpu.memref_slice %arg5[%add3A_767] : memref<245760000xf32, #tpu.memory_space<hbm>> -> memref<3200xf32, #tpu.memory_space<hbm>>
      %dma_wait3A_774 = arith.constant 0 : i32
      %dma_wait3A_775 = tpu.memref_slice %arg9[%dma_wait3A_768, %dma_wait3A_774] : memref<1x3840xf32, #tpu.memory_space<vmem>> -> memref<1x3200xf32, #tpu.memory_space<vmem>>
      %dma_wait3A_776 = tpu.memref_squeeze %dma_wait3A_775 : memref<1x3200xf32, #tpu.memory_space<vmem>> -> memref<3200xf32, #tpu.memory_space<vmem>>
      tpu.wait_dma2 semaphore(%arg24 : memref<!tpu.dma_semaphore, #tpu.memory_space<semaphore_mem>>) src(%dma_wait3A_776 : memref<3200xf32, #tpu.memory_space<vmem>>) dst(%dma_wait3A_773 : memref<3200xf32, #tpu.memory_space<hbm>>)
      %dma_start3A_777 = arith.constant 0 : i32
      %dma_start3A_778 = arith.constant 0 : i32
      %dma_start3A_779 = tpu.memref_slice %arg9[%dma_start3A_777, %dma_start3A_778] : memref<1x3840xf32, #tpu.memory_space<vmem>> -> memref<1x3200xf32, #tpu.memory_space<vmem>>
      %dma_start3A_780 = tpu.memref_squeeze %dma_start3A_779 : memref<1x3200xf32, #tpu.memory_space<vmem>> -> memref<3200xf32, #tpu.memory_space<vmem>>
      %dma_start3A_781 = arith.constant 12800 : i32
      %dma_start3A_782 = tpu.memref_slice %arg8[%dma_start3A_781] : memref<51200xi32, #tpu.memory_space<vmem>> -> memref<3200xi32, #tpu.memory_space<vmem>>
      %dma_start3A_783 = arith.constant 0 : i32
      %dma_start3A_784 = tpu.memref_slice %arg6[%dma_start3A_783] : memref<1000008xf32, #tpu.memory_space<vmem_shared>> -> memref<1000008xf32, #tpu.memory_space<vmem_shared>>
      tpu.enqueue_indirect_dma source(%dma_start3A_784 : memref<1000008xf32, #tpu.memory_space<vmem_shared>>) target(%dma_start3A_780 : memref<3200xf32, #tpu.memory_space<vmem>>) offsets(%dma_start3A_782 : memref<3200xi32, #tpu.memory_space<vmem>>) semaphore(%arg20 : memref<!tpu.dma_semaphore, #tpu.memory_space<semaphore_mem>>)
      %dma_wait3A_785 = arith.constant 0 : i32
      %dma_wait3A_786 = arith.constant 0 : i32
      %dma_wait3A_787 = tpu.memref_slice %arg10[%dma_wait3A_785, %dma_wait3A_786] : memref<1x3840xf32, #tpu.memory_space<vmem>> -> memref<1x3200xf32, #tpu.memory_space<vmem>>
      %dma_wait3A_788 = tpu.memref_squeeze %dma_wait3A_787 : memref<1x3200xf32, #tpu.memory_space<vmem>> -> memref<3200xf32, #tpu.memory_space<vmem>>
      %dma_wait3A_789 = arith.constant 3200 : i32
      %dma_wait3A_790 = tpu.memref_slice %arg8[%dma_wait3A_789] : memref<51200xi32, #tpu.memory_space<vmem>> -> memref<3200xi32, #tpu.memory_space<vmem>>
      %dma_wait3A_791 = arith.constant 0 : i32
      %dma_wait3A_792 = tpu.memref_slice %arg6[%dma_wait3A_791] : memref<1000008xf32, #tpu.memory_space<vmem_shared>> -> memref<1000008xf32, #tpu.memory_space<vmem_shared>>
      tpu.wait_indirect_dma semaphore(%arg21 : memref<!tpu.dma_semaphore, #tpu.memory_space<semaphore_mem>>) src(%dma_wait3A_792 : memref<1000008xf32, #tpu.memory_space<vmem_shared>>) dst(%dma_wait3A_788 : memref<3200xf32, #tpu.memory_space<vmem>>)
      %mul3A_793 = arith.constant 819200 : i32
      %mul3A_794 = arith.muli %add3A_661, %mul3A_793 : i32
      %add3A_795 = arith.addi %mul3A_794, %mul3A_2 : i32
      %add3A_796 = arith.constant 3200 : i32
      %add3A_797 = arith.addi %add3A_795, %add3A_796 : i32
      %dma_start3A_798 = arith.constant 0 : i32
      %dma_start3A_799 = arith.constant 0 : i32
      %dma_start3A_800 = tpu.memref_slice %arg10[%dma_start3A_798, %dma_start3A_799] : memref<1x3840xf32, #tpu.memory_space<vmem>> -> memref<1x3200xf32, #tpu.memory_space<vmem>>
      %dma_start3A_801 = tpu.memref_squeeze %dma_start3A_800 : memref<1x3200xf32, #tpu.memory_space<vmem>> -> memref<3200xf32, #tpu.memory_space<vmem>>
      %dma_start3A_802 = tpu.memref_slice %arg5[%add3A_797] : memref<245760000xf32, #tpu.memory_space<hbm>> -> memref<3200xf32, #tpu.memory_space<hbm>>
      %dma_start3A_803 = tpu.memref_slice %arg5[%add3A_797] : memref<245760000xf32, #tpu.memory_space<hbm>> -> memref<3200xf32, #tpu.memory_space<hbm>>
      %dma_start3A_804 = arith.constant 0 : i32
      %dma_start3A_805 = tpu.memref_slice %arg10[%dma_start3A_798, %dma_start3A_804] : memref<1x3840xf32, #tpu.memory_space<vmem>> -> memref<1x3200xf32, #tpu.memory_space<vmem>>
      %dma_start3A_806 = tpu.memref_squeeze %dma_start3A_805 : memref<1x3200xf32, #tpu.memory_space<vmem>> -> memref<3200xf32, #tpu.memory_space<vmem>>
      tpu.enqueue_dma source(%dma_start3A_806 : memref<3200xf32, #tpu.memory_space<vmem>>) target(%dma_start3A_803 : memref<3200xf32, #tpu.memory_space<hbm>>) target_semaphore(%arg25 : memref<!tpu.dma_semaphore, #tpu.memory_space<semaphore_mem>>)
      %mul3A_807 = arith.constant 819200 : i32
      %mul3A_808 = arith.muli %add3A_661, %mul3A_807 : i32
      %add3A_809 = arith.addi %mul3A_808, %mul3A_2 : i32
      %add3A_810 = arith.constant 3200 : i32
      %add3A_811 = arith.addi %add3A_809, %add3A_810 : i32
      %dma_wait3A_812 = arith.constant 0 : i32
      %dma_wait3A_813 = arith.constant 0 : i32
      %dma_wait3A_814 = tpu.memref_slice %arg10[%dma_wait3A_812, %dma_wait3A_813] : memref<1x3840xf32, #tpu.memory_space<vmem>> -> memref<1x3200xf32, #tpu.memory_space<vmem>>
      %dma_wait3A_815 = tpu.memref_squeeze %dma_wait3A_814 : memref<1x3200xf32, #tpu.memory_space<vmem>> -> memref<3200xf32, #tpu.memory_space<vmem>>
      %dma_wait3A_816 = tpu.memref_slice %arg5[%add3A_811] : memref<245760000xf32, #tpu.memory_space<hbm>> -> memref<3200xf32, #tpu.memory_space<hbm>>
      %dma_wait3A_817 = tpu.memref_slice %arg5[%add3A_811] : memref<245760000xf32, #tpu.memory_space<hbm>> -> memref<3200xf32, #tpu.memory_space<hbm>>
      %dma_wait3A_818 = arith.constant 0 : i32
      %dma_wait3A_819 = tpu.memref_slice %arg10[%dma_wait3A_812, %dma_wait3A_818] : memref<1x3840xf32, #tpu.memory_space<vmem>> -> memref<1x3200xf32, #tpu.memory_space<vmem>>
      %dma_wait3A_820 = tpu.memref_squeeze %dma_wait3A_819 : memref<1x3200xf32, #tpu.memory_space<vmem>> -> memref<3200xf32, #tpu.memory_space<vmem>>
      tpu.wait_dma2 semaphore(%arg25 : memref<!tpu.dma_semaphore, #tpu.memory_space<semaphore_mem>>) src(%dma_wait3A_820 : memref<3200xf32, #tpu.memory_space<vmem>>) dst(%dma_wait3A_817 : memref<3200xf32, #tpu.memory_space<hbm>>)
      %dma_start3A_821 = arith.constant 0 : i32
      %dma_start3A_822 = arith.constant 0 : i32
      %dma_start3A_823 = tpu.memref_slice %arg10[%dma_start3A_821, %dma_start3A_822] : memref<1x3840xf32, #tpu.memory_space<vmem>> -> memref<1x3200xf32, #tpu.memory_space<vmem>>
      %dma_start3A_824 = tpu.memref_squeeze %dma_start3A_823 : memref<1x3200xf32, #tpu.memory_space<vmem>> -> memref<3200xf32, #tpu.memory_space<vmem>>
      %dma_start3A_825 = arith.constant 16000 : i32
      %dma_start3A_826 = tpu.memref_slice %arg8[%dma_start3A_825] : memref<51200xi32, #tpu.memory_space<vmem>> -> memref<3200xi32, #tpu.memory_space<vmem>>
      %dma_start3A_827 = arith.constant 0 : i32
      %dma_start3A_828 = tpu.memref_slice %arg6[%dma_start3A_827] : memref<1000008xf32, #tpu.memory_space<vmem_shared>> -> memref<1000008xf32, #tpu.memory_space<vmem_shared>>
      tpu.enqueue_indirect_dma source(%dma_start3A_828 : memref<1000008xf32, #tpu.memory_space<vmem_shared>>) target(%dma_start3A_824 : memref<3200xf32, #tpu.memory_space<vmem>>) offsets(%dma_start3A_826 : memref<3200xi32, #tpu.memory_space<vmem>>) semaphore(%arg21 : memref<!tpu.dma_semaphore, #tpu.memory_space<semaphore_mem>>)
      %dma_wait3A_829 = arith.constant 0 : i32
      %dma_wait3A_830 = arith.constant 0 : i32
      %dma_wait3A_831 = tpu.memref_slice %arg11[%dma_wait3A_829, %dma_wait3A_830] : memref<1x3840xf32, #tpu.memory_space<vmem>> -> memref<1x3200xf32, #tpu.memory_space<vmem>>
      %dma_wait3A_832 = tpu.memref_squeeze %dma_wait3A_831 : memref<1x3200xf32, #tpu.memory_space<vmem>> -> memref<3200xf32, #tpu.memory_space<vmem>>
      %dma_wait3A_833 = arith.constant 6400 : i32
      %dma_wait3A_834 = tpu.memref_slice %arg8[%dma_wait3A_833] : memref<51200xi32, #tpu.memory_space<vmem>> -> memref<3200xi32, #tpu.memory_space<vmem>>
      %dma_wait3A_835 = arith.constant 0 : i32
      %dma_wait3A_836 = tpu.memref_slice %arg6[%dma_wait3A_835] : memref<1000008xf32, #tpu.memory_space<vmem_shared>> -> memref<1000008xf32, #tpu.memory_space<vmem_shared>>
      tpu.wait_indirect_dma semaphore(%arg22 : memref<!tpu.dma_semaphore, #tpu.memory_space<semaphore_mem>>) src(%dma_wait3A_836 : memref<1000008xf32, #tpu.memory_space<vmem_shared>>) dst(%dma_wait3A_832 : memref<3200xf32, #tpu.memory_space<vmem>>)
      %mul3A_837 = arith.constant 819200 : i32
      %mul3A_838 = arith.muli %add3A_661, %mul3A_837 : i32
      %add3A_839 = arith.addi %mul3A_838, %mul3A_2 : i32
      %add3A_840 = arith.constant 6400 : i32
      %add3A_841 = arith.addi %add3A_839, %add3A_840 : i32
      %dma_start3A_842 = arith.constant 0 : i32
      %dma_start3A_843 = arith.constant 0 : i32
      %dma_start3A_844 = tpu.memref_slice %arg11[%dma_start3A_842, %dma_start3A_843] : memref<1x3840xf32, #tpu.memory_space<vmem>> -> memref<1x3200xf32, #tpu.memory_space<vmem>>
      %dma_start3A_845 = tpu.memref_squeeze %dma_start3A_844 : memref<1x3200xf32, #tpu.memory_space<vmem>> -> memref<3200xf32, #tpu.memory_space<vmem>>
      %dma_start3A_846 = tpu.memref_slice %arg5[%add3A_841] : memref<245760000xf32, #tpu.memory_space<hbm>> -> memref<3200xf32, #tpu.memory_space<hbm>>
      %dma_start3A_847 = tpu.memref_slice %arg5[%add3A_841] : memref<245760000xf32, #tpu.memory_space<hbm>> -> memref<3200xf32, #tpu.memory_space<hbm>>
      %dma_start3A_848 = arith.constant 0 : i32
      %dma_start3A_849 = tpu.memref_slice %arg11[%dma_start3A_842, %dma_start3A_848] : memref<1x3840xf32, #tpu.memory_space<vmem>> -> memref<1x3200xf32, #tpu.memory_space<vmem>>
      %dma_start3A_850 = tpu.memref_squeeze %dma_start3A_849 : memref<1x3200xf32, #tpu.memory_space<vmem>> -> memref<3200xf32, #tpu.memory_space<vmem>>
      tpu.enqueue_dma source(%dma_start3A_850 : memref<3200xf32, #tpu.memory_space<vmem>>) target(%dma_start3A_847 : memref<3200xf32, #tpu.memory_space<hbm>>) target_semaphore(%arg26 : memref<!tpu.dma_semaphore, #tpu.memory_space<semaphore_mem>>)
      %mul3A_851 = arith.constant 819200 : i32
      %mul3A_852 = arith.muli %add3A_661, %mul3A_851 : i32
      %add3A_853 = arith.addi %mul3A_852, %mul3A_2 : i32
      %add3A_854 = arith.constant 6400 : i32
      %add3A_855 = arith.addi %add3A_853, %add3A_854 : i32
      %dma_wait3A_856 = arith.constant 0 : i32
      %dma_wait3A_857 = arith.constant 0 : i32
      %dma_wait3A_858 = tpu.memref_slice %arg11[%dma_wait3A_856, %dma_wait3A_857] : memref<1x3840xf32, #tpu.memory_space<vmem>> -> memref<1x3200xf32, #tpu.memory_space<vmem>>
      %dma_wait3A_859 = tpu.memref_squeeze %dma_wait3A_858 : memref<1x3200xf32, #tpu.memory_space<vmem>> -> memref<3200xf32, #tpu.memory_space<vmem>>
      %dma_wait3A_860 = tpu.memref_slice %arg5[%add3A_855] : memref<245760000xf32, #tpu.memory_space<hbm>> -> memref<3200xf32, #tpu.memory_space<hbm>>
      %dma_wait3A_861 = tpu.memref_slice %arg5[%add3A_855] : memref<245760000xf32, #tpu.memory_space<hbm>> -> memref<3200xf32, #tpu.memory_space<hbm>>
      %dma_wait3A_862 = arith.constant 0 : i32
      %dma_wait3A_863 = tpu.memref_slice %arg11[%dma_wait3A_856, %dma_wait3A_862] : memref<1x3840xf32, #tpu.memory_space<vmem>> -> memref<1x3200xf32, #tpu.memory_space<vmem>>
      %dma_wait3A_864 = tpu.memref_squeeze %dma_wait3A_863 : memref<1x3200xf32, #tpu.memory_space<vmem>> -> memref<3200xf32, #tpu.memory_space<vmem>>
      tpu.wait_dma2 semaphore(%arg26 : memref<!tpu.dma_semaphore, #tpu.memory_space<semaphore_mem>>) src(%dma_wait3A_864 : memref<3200xf32, #tpu.memory_space<vmem>>) dst(%dma_wait3A_861 : memref<3200xf32, #tpu.memory_space<hbm>>)
      %dma_start3A_865 = arith.constant 0 : i32
      %dma_start3A_866 = arith.constant 0 : i32
      %dma_start3A_867 = tpu.memref_slice %arg11[%dma_start3A_865, %dma_start3A_866] : memref<1x3840xf32, #tpu.memory_space<vmem>> -> memref<1x3200xf32, #tpu.memory_space<vmem>>
      %dma_start3A_868 = tpu.memref_squeeze %dma_start3A_867 : memref<1x3200xf32, #tpu.memory_space<vmem>> -> memref<3200xf32, #tpu.memory_space<vmem>>
      %dma_start3A_869 = arith.constant 19200 : i32
      %dma_start3A_870 = tpu.memref_slice %arg8[%dma_start3A_869] : memref<51200xi32, #tpu.memory_space<vmem>> -> memref<3200xi32, #tpu.memory_space<vmem>>
      %dma_start3A_871 = arith.constant 0 : i32
      %dma_start3A_872 = tpu.memref_slice %arg6[%dma_start3A_871] : memref<1000008xf32, #tpu.memory_space<vmem_shared>> -> memref<1000008xf32, #tpu.memory_space<vmem_shared>>
      tpu.enqueue_indirect_dma source(%dma_start3A_872 : memref<1000008xf32, #tpu.memory_space<vmem_shared>>) target(%dma_start3A_868 : memref<3200xf32, #tpu.memory_space<vmem>>) offsets(%dma_start3A_870 : memref<3200xi32, #tpu.memory_space<vmem>>) semaphore(%arg22 : memref<!tpu.dma_semaphore, #tpu.memory_space<semaphore_mem>>)
      %dma_wait3A_873 = arith.constant 0 : i32
      %dma_wait3A_874 = arith.constant 0 : i32
      %dma_wait3A_875 = tpu.memref_slice %arg12[%dma_wait3A_873, %dma_wait3A_874] : memref<1x3840xf32, #tpu.memory_space<vmem>> -> memref<1x3200xf32, #tpu.memory_space<vmem>>
      %dma_wait3A_876 = tpu.memref_squeeze %dma_wait3A_875 : memref<1x3200xf32, #tpu.memory_space<vmem>> -> memref<3200xf32, #tpu.memory_space<vmem>>
      %dma_wait3A_877 = arith.constant 9600 : i32
      %dma_wait3A_878 = tpu.memref_slice %arg8[%dma_wait3A_877] : memref<51200xi32, #tpu.memory_space<vmem>> -> memref<3200xi32, #tpu.memory_space<vmem>>
      %dma_wait3A_879 = arith.constant 0 : i32
      %dma_wait3A_880 = tpu.memref_slice %arg6[%dma_wait3A_879] : memref<1000008xf32, #tpu.memory_space<vmem_shared>> -> memref<1000008xf32, #tpu.memory_space<vmem_shared>>
      tpu.wait_indirect_dma semaphore(%arg23 : memref<!tpu.dma_semaphore, #tpu.memory_space<semaphore_mem>>) src(%dma_wait3A_880 : memref<1000008xf32, #tpu.memory_space<vmem_shared>>) dst(%dma_wait3A_876 : memref<3200xf32, #tpu.memory_space<vmem>>)
      %mul3A_881 = arith.constant 819200 : i32
      %mul3A_882 = arith.muli %add3A_661, %mul3A_881 : i32
      %add3A_883 = arith.addi %mul3A_882, %mul3A_2 : i32
      %add3A_884 = arith.constant 9600 : i32
      %add3A_885 = arith.addi %add3A_883, %add3A_884 : i32
      %dma_start3A_886 = arith.constant 0 : i32
      %dma_start3A_887 = arith.constant 0 : i32
      %dma_start3A_888 = tpu.memref_slice %arg12[%dma_start3A_886, %dma_start3A_887] : memref<1x3840xf32, #tpu.memory_space<vmem>> -> memref<1x3200xf32, #tpu.memory_space<vmem>>
      %dma_start3A_889 = tpu.memref_squeeze %dma_start3A_888 : memref<1x3200xf32, #tpu.memory_space<vmem>> -> memref<3200xf32, #tpu.memory_space<vmem>>
      %dma_start3A_890 = tpu.memref_slice %arg5[%add3A_885] : memref<245760000xf32, #tpu.memory_space<hbm>> -> memref<3200xf32, #tpu.memory_space<hbm>>
      %dma_start3A_891 = tpu.memref_slice %arg5[%add3A_885] : memref<245760000xf32, #tpu.memory_space<hbm>> -> memref<3200xf32, #tpu.memory_space<hbm>>
      %dma_start3A_892 = arith.constant 0 : i32
      %dma_start3A_893 = tpu.memref_slice %arg12[%dma_start3A_886, %dma_start3A_892] : memref<1x3840xf32, #tpu.memory_space<vmem>> -> memref<1x3200xf32, #tpu.memory_space<vmem>>
      %dma_start3A_894 = tpu.memref_squeeze %dma_start3A_893 : memref<1x3200xf32, #tpu.memory_space<vmem>> -> memref<3200xf32, #tpu.memory_space<vmem>>
      tpu.enqueue_dma source(%dma_start3A_894 : memref<3200xf32, #tpu.memory_space<vmem>>) target(%dma_start3A_891 : memref<3200xf32, #tpu.memory_space<hbm>>) target_semaphore(%arg27 : memref<!tpu.dma_semaphore, #tpu.memory_space<semaphore_mem>>)
      %mul3A_895 = arith.constant 819200 : i32
      %mul3A_896 = arith.muli %add3A_661, %mul3A_895 : i32
      %add3A_897 = arith.addi %mul3A_896, %mul3A_2 : i32
      %add3A_898 = arith.constant 9600 : i32
      %add3A_899 = arith.addi %add3A_897, %add3A_898 : i32
      %dma_wait3A_900 = arith.constant 0 : i32
      %dma_wait3A_901 = arith.constant 0 : i32
      %dma_wait3A_902 = tpu.memref_slice %arg12[%dma_wait3A_900, %dma_wait3A_901] : memref<1x3840xf32, #tpu.memory_space<vmem>> -> memref<1x3200xf32, #tpu.memory_space<vmem>>
      %dma_wait3A_903 = tpu.memref_squeeze %dma_wait3A_902 : memref<1x3200xf32, #tpu.memory_space<vmem>> -> memref<3200xf32, #tpu.memory_space<vmem>>
      %dma_wait3A_904 = tpu.memref_slice %arg5[%add3A_899] : memref<245760000xf32, #tpu.memory_space<hbm>> -> memref<3200xf32, #tpu.memory_space<hbm>>
      %dma_wait3A_905 = tpu.memref_slice %arg5[%add3A_899] : memref<245760000xf32, #tpu.memory_space<hbm>> -> memref<3200xf32, #tpu.memory_space<hbm>>
      %dma_wait3A_906 = arith.constant 0 : i32
      %dma_wait3A_907 = tpu.memref_slice %arg12[%dma_wait3A_900, %dma_wait3A_906] : memref<1x3840xf32, #tpu.memory_space<vmem>> -> memref<1x3200xf32, #tpu.memory_space<vmem>>
      %dma_wait3A_908 = tpu.memref_squeeze %dma_wait3A_907 : memref<1x3200xf32, #tpu.memory_space<vmem>> -> memref<3200xf32, #tpu.memory_space<vmem>>
      tpu.wait_dma2 semaphore(%arg27 : memref<!tpu.dma_semaphore, #tpu.memory_space<semaphore_mem>>) src(%dma_wait3A_908 : memref<3200xf32, #tpu.memory_space<vmem>>) dst(%dma_wait3A_905 : memref<3200xf32, #tpu.memory_space<hbm>>)
      %dma_start3A_909 = arith.constant 0 : i32
      %dma_start3A_910 = arith.constant 0 : i32
      %dma_start3A_911 = tpu.memref_slice %arg12[%dma_start3A_909, %dma_start3A_910] : memref<1x3840xf32, #tpu.memory_space<vmem>> -> memref<1x3200xf32, #tpu.memory_space<vmem>>
      %dma_start3A_912 = tpu.memref_squeeze %dma_start3A_911 : memref<1x3200xf32, #tpu.memory_space<vmem>> -> memref<3200xf32, #tpu.memory_space<vmem>>
      %dma_start3A_913 = arith.constant 22400 : i32
      %dma_start3A_914 = tpu.memref_slice %arg8[%dma_start3A_913] : memref<51200xi32, #tpu.memory_space<vmem>> -> memref<3200xi32, #tpu.memory_space<vmem>>
      %dma_start3A_915 = arith.constant 0 : i32
      %dma_start3A_916 = tpu.memref_slice %arg6[%dma_start3A_915] : memref<1000008xf32, #tpu.memory_space<vmem_shared>> -> memref<1000008xf32, #tpu.memory_space<vmem_shared>>
      tpu.enqueue_indirect_dma source(%dma_start3A_916 : memref<1000008xf32, #tpu.memory_space<vmem_shared>>) target(%dma_start3A_912 : memref<3200xf32, #tpu.memory_space<vmem>>) offsets(%dma_start3A_914 : memref<3200xi32, #tpu.memory_space<vmem>>) semaphore(%arg23 : memref<!tpu.dma_semaphore, #tpu.memory_space<semaphore_mem>>)
      %dma_wait3A_917 = arith.constant 0 : i32
      %dma_wait3A_918 = arith.constant 0 : i32
      %dma_wait3A_919 = tpu.memref_slice %arg9[%dma_wait3A_917, %dma_wait3A_918] : memref<1x3840xf32, #tpu.memory_space<vmem>> -> memref<1x3200xf32, #tpu.memory_space<vmem>>
      %dma_wait3A_920 = tpu.memref_squeeze %dma_wait3A_919 : memref<1x3200xf32, #tpu.memory_space<vmem>> -> memref<3200xf32, #tpu.memory_space<vmem>>
      %dma_wait3A_921 = arith.constant 12800 : i32
      %dma_wait3A_922 = tpu.memref_slice %arg8[%dma_wait3A_921] : memref<51200xi32, #tpu.memory_space<vmem>> -> memref<3200xi32, #tpu.memory_space<vmem>>
      %dma_wait3A_923 = arith.constant 0 : i32
      %dma_wait3A_924 = tpu.memref_slice %arg6[%dma_wait3A_923] : memref<1000008xf32, #tpu.memory_space<vmem_shared>> -> memref<1000008xf32, #tpu.memory_space<vmem_shared>>
      tpu.wait_indirect_dma semaphore(%arg20 : memref<!tpu.dma_semaphore, #tpu.memory_space<semaphore_mem>>) src(%dma_wait3A_924 : memref<1000008xf32, #tpu.memory_space<vmem_shared>>) dst(%dma_wait3A_920 : memref<3200xf32, #tpu.memory_space<vmem>>)
      %mul3A_925 = arith.constant 819200 : i32
      %mul3A_926 = arith.muli %add3A_661, %mul3A_925 : i32
      %add3A_927 = arith.addi %mul3A_926, %mul3A_2 : i32
      %add3A_928 = arith.constant 12800 : i32
      %add3A_929 = arith.addi %add3A_927, %add3A_928 : i32
      %dma_start3A_930 = arith.constant 0 : i32
      %dma_start3A_931 = arith.constant 0 : i32
      %dma_start3A_932 = tpu.memref_slice %arg9[%dma_start3A_930, %dma_start3A_931] : memref<1x3840xf32, #tpu.memory_space<vmem>> -> memref<1x3200xf32, #tpu.memory_space<vmem>>
      %dma_start3A_933 = tpu.memref_squeeze %dma_start3A_932 : memref<1x3200xf32, #tpu.memory_space<vmem>> -> memref<3200xf32, #tpu.memory_space<vmem>>
      %dma_start3A_934 = tpu.memref_slice %arg5[%add3A_929] : memref<245760000xf32, #tpu.memory_space<hbm>> -> memref<3200xf32, #tpu.memory_space<hbm>>
      %dma_start3A_935 = tpu.memref_slice %arg5[%add3A_929] : memref<245760000xf32, #tpu.memory_space<hbm>> -> memref<3200xf32, #tpu.memory_space<hbm>>
      %dma_start3A_936 = arith.constant 0 : i32
      %dma_start3A_937 = tpu.memref_slice %arg9[%dma_start3A_930, %dma_start3A_936] : memref<1x3840xf32, #tpu.memory_space<vmem>> -> memref<1x3200xf32, #tpu.memory_space<vmem>>
      %dma_start3A_938 = tpu.memref_squeeze %dma_start3A_937 : memref<1x3200xf32, #tpu.memory_space<vmem>> -> memref<3200xf32, #tpu.memory_space<vmem>>
      tpu.enqueue_dma source(%dma_start3A_938 : memref<3200xf32, #tpu.memory_space<vmem>>) target(%dma_start3A_935 : memref<3200xf32, #tpu.memory_space<hbm>>) target_semaphore(%arg24 : memref<!tpu.dma_semaphore, #tpu.memory_space<semaphore_mem>>)
      %mul3A_939 = arith.constant 819200 : i32
      %mul3A_940 = arith.muli %add3A_661, %mul3A_939 : i32
      %add3A_941 = arith.addi %mul3A_940, %mul3A_2 : i32
      %add3A_942 = arith.constant 12800 : i32
      %add3A_943 = arith.addi %add3A_941, %add3A_942 : i32
      %dma_wait3A_944 = arith.constant 0 : i32
      %dma_wait3A_945 = arith.constant 0 : i32
      %dma_wait3A_946 = tpu.memref_slice %arg9[%dma_wait3A_944, %dma_wait3A_945] : memref<1x3840xf32, #tpu.memory_space<vmem>> -> memref<1x3200xf32, #tpu.memory_space<vmem>>
      %dma_wait3A_947 = tpu.memref_squeeze %dma_wait3A_946 : memref<1x3200xf32, #tpu.memory_space<vmem>> -> memref<3200xf32, #tpu.memory_space<vmem>>
      %dma_wait3A_948 = tpu.memref_slice %arg5[%add3A_943] : memref<245760000xf32, #tpu.memory_space<hbm>> -> memref<3200xf32, #tpu.memory_space<hbm>>
      %dma_wait3A_949 = tpu.memref_slice %arg5[%add3A_943] : memref<245760000xf32, #tpu.memory_space<hbm>> -> memref<3200xf32, #tpu.memory_space<hbm>>
      %dma_wait3A_950 = arith.constant 0 : i32
      %dma_wait3A_951 = tpu.memref_slice %arg9[%dma_wait3A_944, %dma_wait3A_950] : memref<1x3840xf32, #tpu.memory_space<vmem>> -> memref<1x3200xf32, #tpu.memory_space<vmem>>
      %dma_wait3A_952 = tpu.memref_squeeze %dma_wait3A_951 : memref<1x3200xf32, #tpu.memory_space<vmem>> -> memref<3200xf32, #tpu.memory_space<vmem>>
      tpu.wait_dma2 semaphore(%arg24 : memref<!tpu.dma_semaphore, #tpu.memory_space<semaphore_mem>>) src(%dma_wait3A_952 : memref<3200xf32, #tpu.memory_space<vmem>>) dst(%dma_wait3A_949 : memref<3200xf32, #tpu.memory_space<hbm>>)
      %dma_start3A_953 = arith.constant 0 : i32
      %dma_start3A_954 = arith.constant 0 : i32
      %dma_start3A_955 = tpu.memref_slice %arg9[%dma_start3A_953, %dma_start3A_954] : memref<1x3840xf32, #tpu.memory_space<vmem>> -> memref<1x3200xf32, #tpu.memory_space<vmem>>
      %dma_start3A_956 = tpu.memref_squeeze %dma_start3A_955 : memref<1x3200xf32, #tpu.memory_space<vmem>> -> memref<3200xf32, #tpu.memory_space<vmem>>
      %dma_start3A_957 = arith.constant 25600 : i32
      %dma_start3A_958 = tpu.memref_slice %arg8[%dma_start3A_957] : memref<51200xi32, #tpu.memory_space<vmem>> -> memref<3200xi32, #tpu.memory_space<vmem>>
      %dma_start3A_959 = arith.constant 0 : i32
      %dma_start3A_960 = tpu.memref_slice %arg6[%dma_start3A_959] : memref<1000008xf32, #tpu.memory_space<vmem_shared>> -> memref<1000008xf32, #tpu.memory_space<vmem_shared>>
      tpu.enqueue_indirect_dma source(%dma_start3A_960 : memref<1000008xf32, #tpu.memory_space<vmem_shared>>) target(%dma_start3A_956 : memref<3200xf32, #tpu.memory_space<vmem>>) offsets(%dma_start3A_958 : memref<3200xi32, #tpu.memory_space<vmem>>) semaphore(%arg20 : memref<!tpu.dma_semaphore, #tpu.memory_space<semaphore_mem>>)
      %dma_wait3A_961 = arith.constant 0 : i32
      %dma_wait3A_962 = arith.constant 0 : i32
      %dma_wait3A_963 = tpu.memref_slice %arg10[%dma_wait3A_961, %dma_wait3A_962] : memref<1x3840xf32, #tpu.memory_space<vmem>> -> memref<1x3200xf32, #tpu.memory_space<vmem>>
      %dma_wait3A_964 = tpu.memref_squeeze %dma_wait3A_963 : memref<1x3200xf32, #tpu.memory_space<vmem>> -> memref<3200xf32, #tpu.memory_space<vmem>>
      %dma_wait3A_965 = arith.constant 16000 : i32
      %dma_wait3A_966 = tpu.memref_slice %arg8[%dma_wait3A_965] : memref<51200xi32, #tpu.memory_space<vmem>> -> memref<3200xi32, #tpu.memory_space<vmem>>
      %dma_wait3A_967 = arith.constant 0 : i32
      %dma_wait3A_968 = tpu.memref_slice %arg6[%dma_wait3A_967] : memref<1000008xf32, #tpu.memory_space<vmem_shared>> -> memref<1000008xf32, #tpu.memory_space<vmem_shared>>
      tpu.wait_indirect_dma semaphore(%arg21 : memref<!tpu.dma_semaphore, #tpu.memory_space<semaphore_mem>>) src(%dma_wait3A_968 : memref<1000008xf32, #tpu.memory_space<vmem_shared>>) dst(%dma_wait3A_964 : memref<3200xf32, #tpu.memory_space<vmem>>)
      %mul3A_969 = arith.constant 819200 : i32
      %mul3A_970 = arith.muli %add3A_661, %mul3A_969 : i32
      %add3A_971 = arith.addi %mul3A_970, %mul3A_2 : i32
      %add3A_972 = arith.constant 16000 : i32
      %add3A_973 = arith.addi %add3A_971, %add3A_972 : i32
      %dma_start3A_974 = arith.constant 0 : i32
      %dma_start3A_975 = arith.constant 0 : i32
      %dma_start3A_976 = tpu.memref_slice %arg10[%dma_start3A_974, %dma_start3A_975] : memref<1x3840xf32, #tpu.memory_space<vmem>> -> memref<1x3200xf32, #tpu.memory_space<vmem>>
      %dma_start3A_977 = tpu.memref_squeeze %dma_start3A_976 : memref<1x3200xf32, #tpu.memory_space<vmem>> -> memref<3200xf32, #tpu.memory_space<vmem>>
      %dma_start3A_978 = tpu.memref_slice %arg5[%add3A_973] : memref<245760000xf32, #tpu.memory_space<hbm>> -> memref<3200xf32, #tpu.memory_space<hbm>>
      %dma_start3A_979 = tpu.memref_slice %arg5[%add3A_973] : memref<245760000xf32, #tpu.memory_space<hbm>> -> memref<3200xf32, #tpu.memory_space<hbm>>
      %dma_start3A_980 = arith.constant 0 : i32
      %dma_start3A_981 = tpu.memref_slice %arg10[%dma_start3A_974, %dma_start3A_980] : memref<1x3840xf32, #tpu.memory_space<vmem>> -> memref<1x3200xf32, #tpu.memory_space<vmem>>
      %dma_start3A_982 = tpu.memref_squeeze %dma_start3A_981 : memref<1x3200xf32, #tpu.memory_space<vmem>> -> memref<3200xf32, #tpu.memory_space<vmem>>
      tpu.enqueue_dma source(%dma_start3A_982 : memref<3200xf32, #tpu.memory_space<vmem>>) target(%dma_start3A_979 : memref<3200xf32, #tpu.memory_space<hbm>>) target_semaphore(%arg25 : memref<!tpu.dma_semaphore, #tpu.memory_space<semaphore_mem>>)
      %mul3A_983 = arith.constant 819200 : i32
      %mul3A_984 = arith.muli %add3A_661, %mul3A_983 : i32
      %add3A_985 = arith.addi %mul3A_984, %mul3A_2 : i32
      %add3A_986 = arith.constant 16000 : i32
      %add3A_987 = arith.addi %add3A_985, %add3A_986 : i32
      %dma_wait3A_988 = arith.constant 0 : i32
      %dma_wait3A_989 = arith.constant 0 : i32
      %dma_wait3A_990 = tpu.memref_slice %arg10[%dma_wait3A_988, %dma_wait3A_989] : memref<1x3840xf32, #tpu.memory_space<vmem>> -> memref<1x3200xf32, #tpu.memory_space<vmem>>
      %dma_wait3A_991 = tpu.memref_squeeze %dma_wait3A_990 : memref<1x3200xf32, #tpu.memory_space<vmem>> -> memref<3200xf32, #tpu.memory_space<vmem>>
      %dma_wait3A_992 = tpu.memref_slice %arg5[%add3A_987] : memref<245760000xf32, #tpu.memory_space<hbm>> -> memref<3200xf32, #tpu.memory_space<hbm>>
      %dma_wait3A_993 = tpu.memref_slice %arg5[%add3A_987] : memref<245760000xf32, #tpu.memory_space<hbm>> -> memref<3200xf32, #tpu.memory_space<hbm>>
      %dma_wait3A_994 = arith.constant 0 : i32
      %dma_wait3A_995 = tpu.memref_slice %arg10[%dma_wait3A_988, %dma_wait3A_994] : memref<1x3840xf32, #tpu.memory_space<vmem>> -> memref<1x3200xf32, #tpu.memory_space<vmem>>
      %dma_wait3A_996 = tpu.memref_squeeze %dma_wait3A_995 : memref<1x3200xf32, #tpu.memory_space<vmem>> -> memref<3200xf32, #tpu.memory_space<vmem>>
      tpu.wait_dma2 semaphore(%arg25 : memref<!tpu.dma_semaphore, #tpu.memory_space<semaphore_mem>>) src(%dma_wait3A_996 : memref<3200xf32, #tpu.memory_space<vmem>>) dst(%dma_wait3A_993 : memref<3200xf32, #tpu.memory_space<hbm>>)
      %dma_start3A_997 = arith.constant 0 : i32
      %dma_start3A_998 = arith.constant 0 : i32
      %dma_start3A_999 = tpu.memref_slice %arg10[%dma_start3A_997, %dma_start3A_998] : memref<1x3840xf32, #tpu.memory_space<vmem>> -> memref<1x3200xf32, #tpu.memory_space<vmem>>
      %dma_start3A_1000 = tpu.memref_squeeze %dma_start3A_999 : memref<1x3200xf32, #tpu.memory_space<vmem>> -> memref<3200xf32, #tpu.memory_space<vmem>>
      %dma_start3A_1001 = arith.constant 28800 : i32
      %dma_start3A_1002 = tpu.memref_slice %arg8[%dma_start3A_1001] : memref<51200xi32, #tpu.memory_space<vmem>> -> memref<3200xi32, #tpu.memory_space<vmem>>
      %dma_start3A_1003 = arith.constant 0 : i32
      %dma_start3A_1004 = tpu.memref_slice %arg6[%dma_start3A_1003] : memref<1000008xf32, #tpu.memory_space<vmem_shared>> -> memref<1000008xf32, #tpu.memory_space<vmem_shared>>
      tpu.enqueue_indirect_dma source(%dma_start3A_1004 : memref<1000008xf32, #tpu.memory_space<vmem_shared>>) target(%dma_start3A_1000 : memref<3200xf32, #tpu.memory_space<vmem>>) offsets(%dma_start3A_1002 : memref<3200xi32, #tpu.memory_space<vmem>>) semaphore(%arg21 : memref<!tpu.dma_semaphore, #tpu.memory_space<semaphore_mem>>)
      %dma_wait3A_1005 = arith.constant 0 : i32
      %dma_wait3A_1006 = arith.constant 0 : i32
      %dma_wait3A_1007 = tpu.memref_slice %arg11[%dma_wait3A_1005, %dma_wait3A_1006] : memref<1x3840xf32, #tpu.memory_space<vmem>> -> memref<1x3200xf32, #tpu.memory_space<vmem>>
      %dma_wait3A_1008 = tpu.memref_squeeze %dma_wait3A_1007 : memref<1x3200xf32, #tpu.memory_space<vmem>> -> memref<3200xf32, #tpu.memory_space<vmem>>
      %dma_wait3A_1009 = arith.constant 19200 : i32
      %dma_wait3A_1010 = tpu.memref_slice %arg8[%dma_wait3A_1009] : memref<51200xi32, #tpu.memory_space<vmem>> -> memref<3200xi32, #tpu.memory_space<vmem>>
      %dma_wait3A_1011 = arith.constant 0 : i32
      %dma_wait3A_1012 = tpu.memref_slice %arg6[%dma_wait3A_1011] : memref<1000008xf32, #tpu.memory_space<vmem_shared>> -> memref<1000008xf32, #tpu.memory_space<vmem_shared>>
      tpu.wait_indirect_dma semaphore(%arg22 : memref<!tpu.dma_semaphore, #tpu.memory_space<semaphore_mem>>) src(%dma_wait3A_1012 : memref<1000008xf32, #tpu.memory_space<vmem_shared>>) dst(%dma_wait3A_1008 : memref<3200xf32, #tpu.memory_space<vmem>>)
      %mul3A_1013 = arith.constant 819200 : i32
      %mul3A_1014 = arith.muli %add3A_661, %mul3A_1013 : i32
      %add3A_1015 = arith.addi %mul3A_1014, %mul3A_2 : i32
      %add3A_1016 = arith.constant 19200 : i32
      %add3A_1017 = arith.addi %add3A_1015, %add3A_1016 : i32
      %dma_start3A_1018 = arith.constant 0 : i32
      %dma_start3A_1019 = arith.constant 0 : i32
      %dma_start3A_1020 = tpu.memref_slice %arg11[%dma_start3A_1018, %dma_start3A_1019] : memref<1x3840xf32, #tpu.memory_space<vmem>> -> memref<1x3200xf32, #tpu.memory_space<vmem>>
      %dma_start3A_1021 = tpu.memref_squeeze %dma_start3A_1020 : memref<1x3200xf32, #tpu.memory_space<vmem>> -> memref<3200xf32, #tpu.memory_space<vmem>>
      %dma_start3A_1022 = tpu.memref_slice %arg5[%add3A_1017] : memref<245760000xf32, #tpu.memory_space<hbm>> -> memref<3200xf32, #tpu.memory_space<hbm>>
      %dma_start3A_1023 = tpu.memref_slice %arg5[%add3A_1017] : memref<245760000xf32, #tpu.memory_space<hbm>> -> memref<3200xf32, #tpu.memory_space<hbm>>
      %dma_start3A_1024 = arith.constant 0 : i32
      %dma_start3A_1025 = tpu.memref_slice %arg11[%dma_start3A_1018, %dma_start3A_1024] : memref<1x3840xf32, #tpu.memory_space<vmem>> -> memref<1x3200xf32, #tpu.memory_space<vmem>>
      %dma_start3A_1026 = tpu.memref_squeeze %dma_start3A_1025 : memref<1x3200xf32, #tpu.memory_space<vmem>> -> memref<3200xf32, #tpu.memory_space<vmem>>
      tpu.enqueue_dma source(%dma_start3A_1026 : memref<3200xf32, #tpu.memory_space<vmem>>) target(%dma_start3A_1023 : memref<3200xf32, #tpu.memory_space<hbm>>) target_semaphore(%arg26 : memref<!tpu.dma_semaphore, #tpu.memory_space<semaphore_mem>>)
      %mul3A_1027 = arith.constant 819200 : i32
      %mul3A_1028 = arith.muli %add3A_661, %mul3A_1027 : i32
      %add3A_1029 = arith.addi %mul3A_1028, %mul3A_2 : i32
      %add3A_1030 = arith.constant 19200 : i32
      %add3A_1031 = arith.addi %add3A_1029, %add3A_1030 : i32
      %dma_wait3A_1032 = arith.constant 0 : i32
      %dma_wait3A_1033 = arith.constant 0 : i32
      %dma_wait3A_1034 = tpu.memref_slice %arg11[%dma_wait3A_1032, %dma_wait3A_1033] : memref<1x3840xf32, #tpu.memory_space<vmem>> -> memref<1x3200xf32, #tpu.memory_space<vmem>>
      %dma_wait3A_1035 = tpu.memref_squeeze %dma_wait3A_1034 : memref<1x3200xf32, #tpu.memory_space<vmem>> -> memref<3200xf32, #tpu.memory_space<vmem>>
      %dma_wait3A_1036 = tpu.memref_slice %arg5[%add3A_1031] : memref<245760000xf32, #tpu.memory_space<hbm>> -> memref<3200xf32, #tpu.memory_space<hbm>>
      %dma_wait3A_1037 = tpu.memref_slice %arg5[%add3A_1031] : memref<245760000xf32, #tpu.memory_space<hbm>> -> memref<3200xf32, #tpu.memory_space<hbm>>
      %dma_wait3A_1038 = arith.constant 0 : i32
      %dma_wait3A_1039 = tpu.memref_slice %arg11[%dma_wait3A_1032, %dma_wait3A_1038] : memref<1x3840xf32, #tpu.memory_space<vmem>> -> memref<1x3200xf32, #tpu.memory_space<vmem>>
      %dma_wait3A_1040 = tpu.memref_squeeze %dma_wait3A_1039 : memref<1x3200xf32, #tpu.memory_space<vmem>> -> memref<3200xf32, #tpu.memory_space<vmem>>
      tpu.wait_dma2 semaphore(%arg26 : memref<!tpu.dma_semaphore, #tpu.memory_space<semaphore_mem>>) src(%dma_wait3A_1040 : memref<3200xf32, #tpu.memory_space<vmem>>) dst(%dma_wait3A_1037 : memref<3200xf32, #tpu.memory_space<hbm>>)
      %dma_start3A_1041 = arith.constant 0 : i32
      %dma_start3A_1042 = arith.constant 0 : i32
      %dma_start3A_1043 = tpu.memref_slice %arg11[%dma_start3A_1041, %dma_start3A_1042] : memref<1x3840xf32, #tpu.memory_space<vmem>> -> memref<1x3200xf32, #tpu.memory_space<vmem>>
      %dma_start3A_1044 = tpu.memref_squeeze %dma_start3A_1043 : memref<1x3200xf32, #tpu.memory_space<vmem>> -> memref<3200xf32, #tpu.memory_space<vmem>>
      %dma_start3A_1045 = arith.constant 32000 : i32
      %dma_start3A_1046 = tpu.memref_slice %arg8[%dma_start3A_1045] : memref<51200xi32, #tpu.memory_space<vmem>> -> memref<3200xi32, #tpu.memory_space<vmem>>
      %dma_start3A_1047 = arith.constant 0 : i32
      %dma_start3A_1048 = tpu.memref_slice %arg6[%dma_start3A_1047] : memref<1000008xf32, #tpu.memory_space<vmem_shared>> -> memref<1000008xf32, #tpu.memory_space<vmem_shared>>
      tpu.enqueue_indirect_dma source(%dma_start3A_1048 : memref<1000008xf32, #tpu.memory_space<vmem_shared>>) target(%dma_start3A_1044 : memref<3200xf32, #tpu.memory_space<vmem>>) offsets(%dma_start3A_1046 : memref<3200xi32, #tpu.memory_space<vmem>>) semaphore(%arg22 : memref<!tpu.dma_semaphore, #tpu.memory_space<semaphore_mem>>)
      %dma_wait3A_1049 = arith.constant 0 : i32
      %dma_wait3A_1050 = arith.constant 0 : i32
      %dma_wait3A_1051 = tpu.memref_slice %arg12[%dma_wait3A_1049, %dma_wait3A_1050] : memref<1x3840xf32, #tpu.memory_space<vmem>> -> memref<1x3200xf32, #tpu.memory_space<vmem>>
      %dma_wait3A_1052 = tpu.memref_squeeze %dma_wait3A_1051 : memref<1x3200xf32, #tpu.memory_space<vmem>> -> memref<3200xf32, #tpu.memory_space<vmem>>
      %dma_wait3A_1053 = arith.constant 22400 : i32
      %dma_wait3A_1054 = tpu.memref_slice %arg8[%dma_wait3A_1053] : memref<51200xi32, #tpu.memory_space<vmem>> -> memref<3200xi32, #tpu.memory_space<vmem>>
      %dma_wait3A_1055 = arith.constant 0 : i32
      %dma_wait3A_1056 = tpu.memref_slice %arg6[%dma_wait3A_1055] : memref<1000008xf32, #tpu.memory_space<vmem_shared>> -> memref<1000008xf32, #tpu.memory_space<vmem_shared>>
      tpu.wait_indirect_dma semaphore(%arg23 : memref<!tpu.dma_semaphore, #tpu.memory_space<semaphore_mem>>) src(%dma_wait3A_1056 : memref<1000008xf32, #tpu.memory_space<vmem_shared>>) dst(%dma_wait3A_1052 : memref<3200xf32, #tpu.memory_space<vmem>>)
      %mul3A_1057 = arith.constant 819200 : i32
      %mul3A_1058 = arith.muli %add3A_661, %mul3A_1057 : i32
      %add3A_1059 = arith.addi %mul3A_1058, %mul3A_2 : i32
      %add3A_1060 = arith.constant 22400 : i32
      %add3A_1061 = arith.addi %add3A_1059, %add3A_1060 : i32
      %dma_start3A_1062 = arith.constant 0 : i32
      %dma_start3A_1063 = arith.constant 0 : i32
      %dma_start3A_1064 = tpu.memref_slice %arg12[%dma_start3A_1062, %dma_start3A_1063] : memref<1x3840xf32, #tpu.memory_space<vmem>> -> memref<1x3200xf32, #tpu.memory_space<vmem>>
      %dma_start3A_1065 = tpu.memref_squeeze %dma_start3A_1064 : memref<1x3200xf32, #tpu.memory_space<vmem>> -> memref<3200xf32, #tpu.memory_space<vmem>>
      %dma_start3A_1066 = tpu.memref_slice %arg5[%add3A_1061] : memref<245760000xf32, #tpu.memory_space<hbm>> -> memref<3200xf32, #tpu.memory_space<hbm>>
      %dma_start3A_1067 = tpu.memref_slice %arg5[%add3A_1061] : memref<245760000xf32, #tpu.memory_space<hbm>> -> memref<3200xf32, #tpu.memory_space<hbm>>
      %dma_start3A_1068 = arith.constant 0 : i32
      %dma_start3A_1069 = tpu.memref_slice %arg12[%dma_start3A_1062, %dma_start3A_1068] : memref<1x3840xf32, #tpu.memory_space<vmem>> -> memref<1x3200xf32, #tpu.memory_space<vmem>>
      %dma_start3A_1070 = tpu.memref_squeeze %dma_start3A_1069 : memref<1x3200xf32, #tpu.memory_space<vmem>> -> memref<3200xf32, #tpu.memory_space<vmem>>
      tpu.enqueue_dma source(%dma_start3A_1070 : memref<3200xf32, #tpu.memory_space<vmem>>) target(%dma_start3A_1067 : memref<3200xf32, #tpu.memory_space<hbm>>) target_semaphore(%arg27 : memref<!tpu.dma_semaphore, #tpu.memory_space<semaphore_mem>>)
      %mul3A_1071 = arith.constant 819200 : i32
      %mul3A_1072 = arith.muli %add3A_661, %mul3A_1071 : i32
      %add3A_1073 = arith.addi %mul3A_1072, %mul3A_2 : i32
      %add3A_1074 = arith.constant 22400 : i32
      %add3A_1075 = arith.addi %add3A_1073, %add3A_1074 : i32
      %dma_wait3A_1076 = arith.constant 0 : i32
      %dma_wait3A_1077 = arith.constant 0 : i32
      %dma_wait3A_1078 = tpu.memref_slice %arg12[%dma_wait3A_1076, %dma_wait3A_1077] : memref<1x3840xf32, #tpu.memory_space<vmem>> -> memref<1x3200xf32, #tpu.memory_space<vmem>>
      %dma_wait3A_1079 = tpu.memref_squeeze %dma_wait3A_1078 : memref<1x3200xf32, #tpu.memory_space<vmem>> -> memref<3200xf32, #tpu.memory_space<vmem>>
      %dma_wait3A_1080 = tpu.memref_slice %arg5[%add3A_1075] : memref<245760000xf32, #tpu.memory_space<hbm>> -> memref<3200xf32, #tpu.memory_space<hbm>>
      %dma_wait3A_1081 = tpu.memref_slice %arg5[%add3A_1075] : memref<245760000xf32, #tpu.memory_space<hbm>> -> memref<3200xf32, #tpu.memory_space<hbm>>
      %dma_wait3A_1082 = arith.constant 0 : i32
      %dma_wait3A_1083 = tpu.memref_slice %arg12[%dma_wait3A_1076, %dma_wait3A_1082] : memref<1x3840xf32, #tpu.memory_space<vmem>> -> memref<1x3200xf32, #tpu.memory_space<vmem>>
      %dma_wait3A_1084 = tpu.memref_squeeze %dma_wait3A_1083 : memref<1x3200xf32, #tpu.memory_space<vmem>> -> memref<3200xf32, #tpu.memory_space<vmem>>
      tpu.wait_dma2 semaphore(%arg27 : memref<!tpu.dma_semaphore, #tpu.memory_space<semaphore_mem>>) src(%dma_wait3A_1084 : memref<3200xf32, #tpu.memory_space<vmem>>) dst(%dma_wait3A_1081 : memref<3200xf32, #tpu.memory_space<hbm>>)
      %dma_start3A_1085 = arith.constant 0 : i32
      %dma_start3A_1086 = arith.constant 0 : i32
      %dma_start3A_1087 = tpu.memref_slice %arg12[%dma_start3A_1085, %dma_start3A_1086] : memref<1x3840xf32, #tpu.memory_space<vmem>> -> memref<1x3200xf32, #tpu.memory_space<vmem>>
      %dma_start3A_1088 = tpu.memref_squeeze %dma_start3A_1087 : memref<1x3200xf32, #tpu.memory_space<vmem>> -> memref<3200xf32, #tpu.memory_space<vmem>>
      %dma_start3A_1089 = arith.constant 35200 : i32
      %dma_start3A_1090 = tpu.memref_slice %arg8[%dma_start3A_1089] : memref<51200xi32, #tpu.memory_space<vmem>> -> memref<3200xi32, #tpu.memory_space<vmem>>
      %dma_start3A_1091 = arith.constant 0 : i32
      %dma_start3A_1092 = tpu.memref_slice %arg6[%dma_start3A_1091] : memref<1000008xf32, #tpu.memory_space<vmem_shared>> -> memref<1000008xf32, #tpu.memory_space<vmem_shared>>
      tpu.enqueue_indirect_dma source(%dma_start3A_1092 : memref<1000008xf32, #tpu.memory_space<vmem_shared>>) target(%dma_start3A_1088 : memref<3200xf32, #tpu.memory_space<vmem>>) offsets(%dma_start3A_1090 : memref<3200xi32, #tpu.memory_space<vmem>>) semaphore(%arg23 : memref<!tpu.dma_semaphore, #tpu.memory_space<semaphore_mem>>)
      %dma_wait3A_1093 = arith.constant 0 : i32
      %dma_wait3A_1094 = arith.constant 0 : i32
      %dma_wait3A_1095 = tpu.memref_slice %arg9[%dma_wait3A_1093, %dma_wait3A_1094] : memref<1x3840xf32, #tpu.memory_space<vmem>> -> memref<1x3200xf32, #tpu.memory_space<vmem>>
      %dma_wait3A_1096 = tpu.memref_squeeze %dma_wait3A_1095 : memref<1x3200xf32, #tpu.memory_space<vmem>> -> memref<3200xf32, #tpu.memory_space<vmem>>
      %dma_wait3A_1097 = arith.constant 25600 : i32
      %dma_wait3A_1098 = tpu.memref_slice %arg8[%dma_wait3A_1097] : memref<51200xi32, #tpu.memory_space<vmem>> -> memref<3200xi32, #tpu.memory_space<vmem>>
      %dma_wait3A_1099 = arith.constant 0 : i32
      %dma_wait3A_1100 = tpu.memref_slice %arg6[%dma_wait3A_1099] : memref<1000008xf32, #tpu.memory_space<vmem_shared>> -> memref<1000008xf32, #tpu.memory_space<vmem_shared>>
      tpu.wait_indirect_dma semaphore(%arg20 : memref<!tpu.dma_semaphore, #tpu.memory_space<semaphore_mem>>) src(%dma_wait3A_1100 : memref<1000008xf32, #tpu.memory_space<vmem_shared>>) dst(%dma_wait3A_1096 : memref<3200xf32, #tpu.memory_space<vmem>>)
      %mul3A_1101 = arith.constant 819200 : i32
      %mul3A_1102 = arith.muli %add3A_661, %mul3A_1101 : i32
      %add3A_1103 = arith.addi %mul3A_1102, %mul3A_2 : i32
      %add3A_1104 = arith.constant 25600 : i32
      %add3A_1105 = arith.addi %add3A_1103, %add3A_1104 : i32
      %dma_start3A_1106 = arith.constant 0 : i32
      %dma_start3A_1107 = arith.constant 0 : i32
      %dma_start3A_1108 = tpu.memref_slice %arg9[%dma_start3A_1106, %dma_start3A_1107] : memref<1x3840xf32, #tpu.memory_space<vmem>> -> memref<1x3200xf32, #tpu.memory_space<vmem>>
      %dma_start3A_1109 = tpu.memref_squeeze %dma_start3A_1108 : memref<1x3200xf32, #tpu.memory_space<vmem>> -> memref<3200xf32, #tpu.memory_space<vmem>>
      %dma_start3A_1110 = tpu.memref_slice %arg5[%add3A_1105] : memref<245760000xf32, #tpu.memory_space<hbm>> -> memref<3200xf32, #tpu.memory_space<hbm>>
      %dma_start3A_1111 = tpu.memref_slice %arg5[%add3A_1105] : memref<245760000xf32, #tpu.memory_space<hbm>> -> memref<3200xf32, #tpu.memory_space<hbm>>
      %dma_start3A_1112 = arith.constant 0 : i32
      %dma_start3A_1113 = tpu.memref_slice %arg9[%dma_start3A_1106, %dma_start3A_1112] : memref<1x3840xf32, #tpu.memory_space<vmem>> -> memref<1x3200xf32, #tpu.memory_space<vmem>>
      %dma_start3A_1114 = tpu.memref_squeeze %dma_start3A_1113 : memref<1x3200xf32, #tpu.memory_space<vmem>> -> memref<3200xf32, #tpu.memory_space<vmem>>
      tpu.enqueue_dma source(%dma_start3A_1114 : memref<3200xf32, #tpu.memory_space<vmem>>) target(%dma_start3A_1111 : memref<3200xf32, #tpu.memory_space<hbm>>) target_semaphore(%arg24 : memref<!tpu.dma_semaphore, #tpu.memory_space<semaphore_mem>>)
      %mul3A_1115 = arith.constant 819200 : i32
      %mul3A_1116 = arith.muli %add3A_661, %mul3A_1115 : i32
      %add3A_1117 = arith.addi %mul3A_1116, %mul3A_2 : i32
      %add3A_1118 = arith.constant 25600 : i32
      %add3A_1119 = arith.addi %add3A_1117, %add3A_1118 : i32
      %dma_wait3A_1120 = arith.constant 0 : i32
      %dma_wait3A_1121 = arith.constant 0 : i32
      %dma_wait3A_1122 = tpu.memref_slice %arg9[%dma_wait3A_1120, %dma_wait3A_1121] : memref<1x3840xf32, #tpu.memory_space<vmem>> -> memref<1x3200xf32, #tpu.memory_space<vmem>>
      %dma_wait3A_1123 = tpu.memref_squeeze %dma_wait3A_1122 : memref<1x3200xf32, #tpu.memory_space<vmem>> -> memref<3200xf32, #tpu.memory_space<vmem>>
      %dma_wait3A_1124 = tpu.memref_slice %arg5[%add3A_1119] : memref<245760000xf32, #tpu.memory_space<hbm>> -> memref<3200xf32, #tpu.memory_space<hbm>>
      %dma_wait3A_1125 = tpu.memref_slice %arg5[%add3A_1119] : memref<245760000xf32, #tpu.memory_space<hbm>> -> memref<3200xf32, #tpu.memory_space<hbm>>
      %dma_wait3A_1126 = arith.constant 0 : i32
      %dma_wait3A_1127 = tpu.memref_slice %arg9[%dma_wait3A_1120, %dma_wait3A_1126] : memref<1x3840xf32, #tpu.memory_space<vmem>> -> memref<1x3200xf32, #tpu.memory_space<vmem>>
      %dma_wait3A_1128 = tpu.memref_squeeze %dma_wait3A_1127 : memref<1x3200xf32, #tpu.memory_space<vmem>> -> memref<3200xf32, #tpu.memory_space<vmem>>
      tpu.wait_dma2 semaphore(%arg24 : memref<!tpu.dma_semaphore, #tpu.memory_space<semaphore_mem>>) src(%dma_wait3A_1128 : memref<3200xf32, #tpu.memory_space<vmem>>) dst(%dma_wait3A_1125 : memref<3200xf32, #tpu.memory_space<hbm>>)
      %dma_start3A_1129 = arith.constant 0 : i32
      %dma_start3A_1130 = arith.constant 0 : i32
      %dma_start3A_1131 = tpu.memref_slice %arg9[%dma_start3A_1129, %dma_start3A_1130] : memref<1x3840xf32, #tpu.memory_space<vmem>> -> memref<1x3200xf32, #tpu.memory_space<vmem>>
      %dma_start3A_1132 = tpu.memref_squeeze %dma_start3A_1131 : memref<1x3200xf32, #tpu.memory_space<vmem>> -> memref<3200xf32, #tpu.memory_space<vmem>>
      %dma_start3A_1133 = arith.constant 38400 : i32
      %dma_start3A_1134 = tpu.memref_slice %arg8[%dma_start3A_1133] : memref<51200xi32, #tpu.memory_space<vmem>> -> memref<3200xi32, #tpu.memory_space<vmem>>
      %dma_start3A_1135 = arith.constant 0 : i32
      %dma_start3A_1136 = tpu.memref_slice %arg6[%dma_start3A_1135] : memref<1000008xf32, #tpu.memory_space<vmem_shared>> -> memref<1000008xf32, #tpu.memory_space<vmem_shared>>
      tpu.enqueue_indirect_dma source(%dma_start3A_1136 : memref<1000008xf32, #tpu.memory_space<vmem_shared>>) target(%dma_start3A_1132 : memref<3200xf32, #tpu.memory_space<vmem>>) offsets(%dma_start3A_1134 : memref<3200xi32, #tpu.memory_space<vmem>>) semaphore(%arg20 : memref<!tpu.dma_semaphore, #tpu.memory_space<semaphore_mem>>)
      %dma_wait3A_1137 = arith.constant 0 : i32
      %dma_wait3A_1138 = arith.constant 0 : i32
      %dma_wait3A_1139 = tpu.memref_slice %arg10[%dma_wait3A_1137, %dma_wait3A_1138] : memref<1x3840xf32, #tpu.memory_space<vmem>> -> memref<1x3200xf32, #tpu.memory_space<vmem>>
      %dma_wait3A_1140 = tpu.memref_squeeze %dma_wait3A_1139 : memref<1x3200xf32, #tpu.memory_space<vmem>> -> memref<3200xf32, #tpu.memory_space<vmem>>
      %dma_wait3A_1141 = arith.constant 28800 : i32
      %dma_wait3A_1142 = tpu.memref_slice %arg8[%dma_wait3A_1141] : memref<51200xi32, #tpu.memory_space<vmem>> -> memref<3200xi32, #tpu.memory_space<vmem>>
      %dma_wait3A_1143 = arith.constant 0 : i32
      %dma_wait3A_1144 = tpu.memref_slice %arg6[%dma_wait3A_1143] : memref<1000008xf32, #tpu.memory_space<vmem_shared>> -> memref<1000008xf32, #tpu.memory_space<vmem_shared>>
      tpu.wait_indirect_dma semaphore(%arg21 : memref<!tpu.dma_semaphore, #tpu.memory_space<semaphore_mem>>) src(%dma_wait3A_1144 : memref<1000008xf32, #tpu.memory_space<vmem_shared>>) dst(%dma_wait3A_1140 : memref<3200xf32, #tpu.memory_space<vmem>>)
      %mul3A_1145 = arith.constant 819200 : i32
      %mul3A_1146 = arith.muli %add3A_661, %mul3A_1145 : i32
      %add3A_1147 = arith.addi %mul3A_1146, %mul3A_2 : i32
      %add3A_1148 = arith.constant 28800 : i32
      %add3A_1149 = arith.addi %add3A_1147, %add3A_1148 : i32
      %dma_start3A_1150 = arith.constant 0 : i32
      %dma_start3A_1151 = arith.constant 0 : i32
      %dma_start3A_1152 = tpu.memref_slice %arg10[%dma_start3A_1150, %dma_start3A_1151] : memref<1x3840xf32, #tpu.memory_space<vmem>> -> memref<1x3200xf32, #tpu.memory_space<vmem>>
      %dma_start3A_1153 = tpu.memref_squeeze %dma_start3A_1152 : memref<1x3200xf32, #tpu.memory_space<vmem>> -> memref<3200xf32, #tpu.memory_space<vmem>>
      %dma_start3A_1154 = tpu.memref_slice %arg5[%add3A_1149] : memref<245760000xf32, #tpu.memory_space<hbm>> -> memref<3200xf32, #tpu.memory_space<hbm>>
      %dma_start3A_1155 = tpu.memref_slice %arg5[%add3A_1149] : memref<245760000xf32, #tpu.memory_space<hbm>> -> memref<3200xf32, #tpu.memory_space<hbm>>
      %dma_start3A_1156 = arith.constant 0 : i32
      %dma_start3A_1157 = tpu.memref_slice %arg10[%dma_start3A_1150, %dma_start3A_1156] : memref<1x3840xf32, #tpu.memory_space<vmem>> -> memref<1x3200xf32, #tpu.memory_space<vmem>>
      %dma_start3A_1158 = tpu.memref_squeeze %dma_start3A_1157 : memref<1x3200xf32, #tpu.memory_space<vmem>> -> memref<3200xf32, #tpu.memory_space<vmem>>
      tpu.enqueue_dma source(%dma_start3A_1158 : memref<3200xf32, #tpu.memory_space<vmem>>) target(%dma_start3A_1155 : memref<3200xf32, #tpu.memory_space<hbm>>) target_semaphore(%arg25 : memref<!tpu.dma_semaphore, #tpu.memory_space<semaphore_mem>>)
      %mul3A_1159 = arith.constant 819200 : i32
      %mul3A_1160 = arith.muli %add3A_661, %mul3A_1159 : i32
      %add3A_1161 = arith.addi %mul3A_1160, %mul3A_2 : i32
      %add3A_1162 = arith.constant 28800 : i32
      %add3A_1163 = arith.addi %add3A_1161, %add3A_1162 : i32
      %dma_wait3A_1164 = arith.constant 0 : i32
      %dma_wait3A_1165 = arith.constant 0 : i32
      %dma_wait3A_1166 = tpu.memref_slice %arg10[%dma_wait3A_1164, %dma_wait3A_1165] : memref<1x3840xf32, #tpu.memory_space<vmem>> -> memref<1x3200xf32, #tpu.memory_space<vmem>>
      %dma_wait3A_1167 = tpu.memref_squeeze %dma_wait3A_1166 : memref<1x3200xf32, #tpu.memory_space<vmem>> -> memref<3200xf32, #tpu.memory_space<vmem>>
      %dma_wait3A_1168 = tpu.memref_slice %arg5[%add3A_1163] : memref<245760000xf32, #tpu.memory_space<hbm>> -> memref<3200xf32, #tpu.memory_space<hbm>>
      %dma_wait3A_1169 = tpu.memref_slice %arg5[%add3A_1163] : memref<245760000xf32, #tpu.memory_space<hbm>> -> memref<3200xf32, #tpu.memory_space<hbm>>
      %dma_wait3A_1170 = arith.constant 0 : i32
      %dma_wait3A_1171 = tpu.memref_slice %arg10[%dma_wait3A_1164, %dma_wait3A_1170] : memref<1x3840xf32, #tpu.memory_space<vmem>> -> memref<1x3200xf32, #tpu.memory_space<vmem>>
      %dma_wait3A_1172 = tpu.memref_squeeze %dma_wait3A_1171 : memref<1x3200xf32, #tpu.memory_space<vmem>> -> memref<3200xf32, #tpu.memory_space<vmem>>
      tpu.wait_dma2 semaphore(%arg25 : memref<!tpu.dma_semaphore, #tpu.memory_space<semaphore_mem>>) src(%dma_wait3A_1172 : memref<3200xf32, #tpu.memory_space<vmem>>) dst(%dma_wait3A_1169 : memref<3200xf32, #tpu.memory_space<hbm>>)
      %dma_start3A_1173 = arith.constant 0 : i32
      %dma_start3A_1174 = arith.constant 0 : i32
      %dma_start3A_1175 = tpu.memref_slice %arg10[%dma_start3A_1173, %dma_start3A_1174] : memref<1x3840xf32, #tpu.memory_space<vmem>> -> memref<1x3200xf32, #tpu.memory_space<vmem>>
      %dma_start3A_1176 = tpu.memref_squeeze %dma_start3A_1175 : memref<1x3200xf32, #tpu.memory_space<vmem>> -> memref<3200xf32, #tpu.memory_space<vmem>>
      %dma_start3A_1177 = arith.constant 41600 : i32
      %dma_start3A_1178 = tpu.memref_slice %arg8[%dma_start3A_1177] : memref<51200xi32, #tpu.memory_space<vmem>> -> memref<3200xi32, #tpu.memory_space<vmem>>
      %dma_start3A_1179 = arith.constant 0 : i32
      %dma_start3A_1180 = tpu.memref_slice %arg6[%dma_start3A_1179] : memref<1000008xf32, #tpu.memory_space<vmem_shared>> -> memref<1000008xf32, #tpu.memory_space<vmem_shared>>
      tpu.enqueue_indirect_dma source(%dma_start3A_1180 : memref<1000008xf32, #tpu.memory_space<vmem_shared>>) target(%dma_start3A_1176 : memref<3200xf32, #tpu.memory_space<vmem>>) offsets(%dma_start3A_1178 : memref<3200xi32, #tpu.memory_space<vmem>>) semaphore(%arg21 : memref<!tpu.dma_semaphore, #tpu.memory_space<semaphore_mem>>)
      %dma_wait3A_1181 = arith.constant 0 : i32
      %dma_wait3A_1182 = arith.constant 0 : i32
      %dma_wait3A_1183 = tpu.memref_slice %arg11[%dma_wait3A_1181, %dma_wait3A_1182] : memref<1x3840xf32, #tpu.memory_space<vmem>> -> memref<1x3200xf32, #tpu.memory_space<vmem>>
      %dma_wait3A_1184 = tpu.memref_squeeze %dma_wait3A_1183 : memref<1x3200xf32, #tpu.memory_space<vmem>> -> memref<3200xf32, #tpu.memory_space<vmem>>
      %dma_wait3A_1185 = arith.constant 32000 : i32
      %dma_wait3A_1186 = tpu.memref_slice %arg8[%dma_wait3A_1185] : memref<51200xi32, #tpu.memory_space<vmem>> -> memref<3200xi32, #tpu.memory_space<vmem>>
      %dma_wait3A_1187 = arith.constant 0 : i32
      %dma_wait3A_1188 = tpu.memref_slice %arg6[%dma_wait3A_1187] : memref<1000008xf32, #tpu.memory_space<vmem_shared>> -> memref<1000008xf32, #tpu.memory_space<vmem_shared>>
      tpu.wait_indirect_dma semaphore(%arg22 : memref<!tpu.dma_semaphore, #tpu.memory_space<semaphore_mem>>) src(%dma_wait3A_1188 : memref<1000008xf32, #tpu.memory_space<vmem_shared>>) dst(%dma_wait3A_1184 : memref<3200xf32, #tpu.memory_space<vmem>>)
      %mul3A_1189 = arith.constant 819200 : i32
      %mul3A_1190 = arith.muli %add3A_661, %mul3A_1189 : i32
      %add3A_1191 = arith.addi %mul3A_1190, %mul3A_2 : i32
      %add3A_1192 = arith.constant 32000 : i32
      %add3A_1193 = arith.addi %add3A_1191, %add3A_1192 : i32
      %dma_start3A_1194 = arith.constant 0 : i32
      %dma_start3A_1195 = arith.constant 0 : i32
      %dma_start3A_1196 = tpu.memref_slice %arg11[%dma_start3A_1194, %dma_start3A_1195] : memref<1x3840xf32, #tpu.memory_space<vmem>> -> memref<1x3200xf32, #tpu.memory_space<vmem>>
      %dma_start3A_1197 = tpu.memref_squeeze %dma_start3A_1196 : memref<1x3200xf32, #tpu.memory_space<vmem>> -> memref<3200xf32, #tpu.memory_space<vmem>>
      %dma_start3A_1198 = tpu.memref_slice %arg5[%add3A_1193] : memref<245760000xf32, #tpu.memory_space<hbm>> -> memref<3200xf32, #tpu.memory_space<hbm>>
      %dma_start3A_1199 = tpu.memref_slice %arg5[%add3A_1193] : memref<245760000xf32, #tpu.memory_space<hbm>> -> memref<3200xf32, #tpu.memory_space<hbm>>
      %dma_start3A_1200 = arith.constant 0 : i32
      %dma_start3A_1201 = tpu.memref_slice %arg11[%dma_start3A_1194, %dma_start3A_1200] : memref<1x3840xf32, #tpu.memory_space<vmem>> -> memref<1x3200xf32, #tpu.memory_space<vmem>>
      %dma_start3A_1202 = tpu.memref_squeeze %dma_start3A_1201 : memref<1x3200xf32, #tpu.memory_space<vmem>> -> memref<3200xf32, #tpu.memory_space<vmem>>
      tpu.enqueue_dma source(%dma_start3A_1202 : memref<3200xf32, #tpu.memory_space<vmem>>) target(%dma_start3A_1199 : memref<3200xf32, #tpu.memory_space<hbm>>) target_semaphore(%arg26 : memref<!tpu.dma_semaphore, #tpu.memory_space<semaphore_mem>>)
      %mul3A_1203 = arith.constant 819200 : i32
      %mul3A_1204 = arith.muli %add3A_661, %mul3A_1203 : i32
      %add3A_1205 = arith.addi %mul3A_1204, %mul3A_2 : i32
      %add3A_1206 = arith.constant 32000 : i32
      %add3A_1207 = arith.addi %add3A_1205, %add3A_1206 : i32
      %dma_wait3A_1208 = arith.constant 0 : i32
      %dma_wait3A_1209 = arith.constant 0 : i32
      %dma_wait3A_1210 = tpu.memref_slice %arg11[%dma_wait3A_1208, %dma_wait3A_1209] : memref<1x3840xf32, #tpu.memory_space<vmem>> -> memref<1x3200xf32, #tpu.memory_space<vmem>>
      %dma_wait3A_1211 = tpu.memref_squeeze %dma_wait3A_1210 : memref<1x3200xf32, #tpu.memory_space<vmem>> -> memref<3200xf32, #tpu.memory_space<vmem>>
      %dma_wait3A_1212 = tpu.memref_slice %arg5[%add3A_1207] : memref<245760000xf32, #tpu.memory_space<hbm>> -> memref<3200xf32, #tpu.memory_space<hbm>>
      %dma_wait3A_1213 = tpu.memref_slice %arg5[%add3A_1207] : memref<245760000xf32, #tpu.memory_space<hbm>> -> memref<3200xf32, #tpu.memory_space<hbm>>
      %dma_wait3A_1214 = arith.constant 0 : i32
      %dma_wait3A_1215 = tpu.memref_slice %arg11[%dma_wait3A_1208, %dma_wait3A_1214] : memref<1x3840xf32, #tpu.memory_space<vmem>> -> memref<1x3200xf32, #tpu.memory_space<vmem>>
      %dma_wait3A_1216 = tpu.memref_squeeze %dma_wait3A_1215 : memref<1x3200xf32, #tpu.memory_space<vmem>> -> memref<3200xf32, #tpu.memory_space<vmem>>
      tpu.wait_dma2 semaphore(%arg26 : memref<!tpu.dma_semaphore, #tpu.memory_space<semaphore_mem>>) src(%dma_wait3A_1216 : memref<3200xf32, #tpu.memory_space<vmem>>) dst(%dma_wait3A_1213 : memref<3200xf32, #tpu.memory_space<hbm>>)
      %dma_start3A_1217 = arith.constant 0 : i32
      %dma_start3A_1218 = arith.constant 0 : i32
      %dma_start3A_1219 = tpu.memref_slice %arg11[%dma_start3A_1217, %dma_start3A_1218] : memref<1x3840xf32, #tpu.memory_space<vmem>> -> memref<1x3200xf32, #tpu.memory_space<vmem>>
      %dma_start3A_1220 = tpu.memref_squeeze %dma_start3A_1219 : memref<1x3200xf32, #tpu.memory_space<vmem>> -> memref<3200xf32, #tpu.memory_space<vmem>>
      %dma_start3A_1221 = arith.constant 44800 : i32
      %dma_start3A_1222 = tpu.memref_slice %arg8[%dma_start3A_1221] : memref<51200xi32, #tpu.memory_space<vmem>> -> memref<3200xi32, #tpu.memory_space<vmem>>
      %dma_start3A_1223 = arith.constant 0 : i32
      %dma_start3A_1224 = tpu.memref_slice %arg6[%dma_start3A_1223] : memref<1000008xf32, #tpu.memory_space<vmem_shared>> -> memref<1000008xf32, #tpu.memory_space<vmem_shared>>
      tpu.enqueue_indirect_dma source(%dma_start3A_1224 : memref<1000008xf32, #tpu.memory_space<vmem_shared>>) target(%dma_start3A_1220 : memref<3200xf32, #tpu.memory_space<vmem>>) offsets(%dma_start3A_1222 : memref<3200xi32, #tpu.memory_space<vmem>>) semaphore(%arg22 : memref<!tpu.dma_semaphore, #tpu.memory_space<semaphore_mem>>)
      %dma_wait3A_1225 = arith.constant 0 : i32
      %dma_wait3A_1226 = arith.constant 0 : i32
      %dma_wait3A_1227 = tpu.memref_slice %arg12[%dma_wait3A_1225, %dma_wait3A_1226] : memref<1x3840xf32, #tpu.memory_space<vmem>> -> memref<1x3200xf32, #tpu.memory_space<vmem>>
      %dma_wait3A_1228 = tpu.memref_squeeze %dma_wait3A_1227 : memref<1x3200xf32, #tpu.memory_space<vmem>> -> memref<3200xf32, #tpu.memory_space<vmem>>
      %dma_wait3A_1229 = arith.constant 35200 : i32
      %dma_wait3A_1230 = tpu.memref_slice %arg8[%dma_wait3A_1229] : memref<51200xi32, #tpu.memory_space<vmem>> -> memref<3200xi32, #tpu.memory_space<vmem>>
      %dma_wait3A_1231 = arith.constant 0 : i32
      %dma_wait3A_1232 = tpu.memref_slice %arg6[%dma_wait3A_1231] : memref<1000008xf32, #tpu.memory_space<vmem_shared>> -> memref<1000008xf32, #tpu.memory_space<vmem_shared>>
      tpu.wait_indirect_dma semaphore(%arg23 : memref<!tpu.dma_semaphore, #tpu.memory_space<semaphore_mem>>) src(%dma_wait3A_1232 : memref<1000008xf32, #tpu.memory_space<vmem_shared>>) dst(%dma_wait3A_1228 : memref<3200xf32, #tpu.memory_space<vmem>>)
      %mul3A_1233 = arith.constant 819200 : i32
      %mul3A_1234 = arith.muli %add3A_661, %mul3A_1233 : i32
      %add3A_1235 = arith.addi %mul3A_1234, %mul3A_2 : i32
      %add3A_1236 = arith.constant 35200 : i32
      %add3A_1237 = arith.addi %add3A_1235, %add3A_1236 : i32
      %dma_start3A_1238 = arith.constant 0 : i32
      %dma_start3A_1239 = arith.constant 0 : i32
      %dma_start3A_1240 = tpu.memref_slice %arg12[%dma_start3A_1238, %dma_start3A_1239] : memref<1x3840xf32, #tpu.memory_space<vmem>> -> memref<1x3200xf32, #tpu.memory_space<vmem>>
      %dma_start3A_1241 = tpu.memref_squeeze %dma_start3A_1240 : memref<1x3200xf32, #tpu.memory_space<vmem>> -> memref<3200xf32, #tpu.memory_space<vmem>>
      %dma_start3A_1242 = tpu.memref_slice %arg5[%add3A_1237] : memref<245760000xf32, #tpu.memory_space<hbm>> -> memref<3200xf32, #tpu.memory_space<hbm>>
      %dma_start3A_1243 = tpu.memref_slice %arg5[%add3A_1237] : memref<245760000xf32, #tpu.memory_space<hbm>> -> memref<3200xf32, #tpu.memory_space<hbm>>
      %dma_start3A_1244 = arith.constant 0 : i32
      %dma_start3A_1245 = tpu.memref_slice %arg12[%dma_start3A_1238, %dma_start3A_1244] : memref<1x3840xf32, #tpu.memory_space<vmem>> -> memref<1x3200xf32, #tpu.memory_space<vmem>>
      %dma_start3A_1246 = tpu.memref_squeeze %dma_start3A_1245 : memref<1x3200xf32, #tpu.memory_space<vmem>> -> memref<3200xf32, #tpu.memory_space<vmem>>
      tpu.enqueue_dma source(%dma_start3A_1246 : memref<3200xf32, #tpu.memory_space<vmem>>) target(%dma_start3A_1243 : memref<3200xf32, #tpu.memory_space<hbm>>) target_semaphore(%arg27 : memref<!tpu.dma_semaphore, #tpu.memory_space<semaphore_mem>>)
      %mul3A_1247 = arith.constant 819200 : i32
      %mul3A_1248 = arith.muli %add3A_661, %mul3A_1247 : i32
      %add3A_1249 = arith.addi %mul3A_1248, %mul3A_2 : i32
      %add3A_1250 = arith.constant 35200 : i32
      %add3A_1251 = arith.addi %add3A_1249, %add3A_1250 : i32
      %dma_wait3A_1252 = arith.constant 0 : i32
      %dma_wait3A_1253 = arith.constant 0 : i32
      %dma_wait3A_1254 = tpu.memref_slice %arg12[%dma_wait3A_1252, %dma_wait3A_1253] : memref<1x3840xf32, #tpu.memory_space<vmem>> -> memref<1x3200xf32, #tpu.memory_space<vmem>>
      %dma_wait3A_1255 = tpu.memref_squeeze %dma_wait3A_1254 : memref<1x3200xf32, #tpu.memory_space<vmem>> -> memref<3200xf32, #tpu.memory_space<vmem>>
      %dma_wait3A_1256 = tpu.memref_slice %arg5[%add3A_1251] : memref<245760000xf32, #tpu.memory_space<hbm>> -> memref<3200xf32, #tpu.memory_space<hbm>>
      %dma_wait3A_1257 = tpu.memref_slice %arg5[%add3A_1251] : memref<245760000xf32, #tpu.memory_space<hbm>> -> memref<3200xf32, #tpu.memory_space<hbm>>
      %dma_wait3A_1258 = arith.constant 0 : i32
      %dma_wait3A_1259 = tpu.memref_slice %arg12[%dma_wait3A_1252, %dma_wait3A_1258] : memref<1x3840xf32, #tpu.memory_space<vmem>> -> memref<1x3200xf32, #tpu.memory_space<vmem>>
      %dma_wait3A_1260 = tpu.memref_squeeze %dma_wait3A_1259 : memref<1x3200xf32, #tpu.memory_space<vmem>> -> memref<3200xf32, #tpu.memory_space<vmem>>
      tpu.wait_dma2 semaphore(%arg27 : memref<!tpu.dma_semaphore, #tpu.memory_space<semaphore_mem>>) src(%dma_wait3A_1260 : memref<3200xf32, #tpu.memory_space<vmem>>) dst(%dma_wait3A_1257 : memref<3200xf32, #tpu.memory_space<hbm>>)
      %dma_start3A_1261 = arith.constant 0 : i32
      %dma_start3A_1262 = arith.constant 0 : i32
      %dma_start3A_1263 = tpu.memref_slice %arg12[%dma_start3A_1261, %dma_start3A_1262] : memref<1x3840xf32, #tpu.memory_space<vmem>> -> memref<1x3200xf32, #tpu.memory_space<vmem>>
      %dma_start3A_1264 = tpu.memref_squeeze %dma_start3A_1263 : memref<1x3200xf32, #tpu.memory_space<vmem>> -> memref<3200xf32, #tpu.memory_space<vmem>>
      %dma_start3A_1265 = arith.constant 48000 : i32
      %dma_start3A_1266 = tpu.memref_slice %arg8[%dma_start3A_1265] : memref<51200xi32, #tpu.memory_space<vmem>> -> memref<3200xi32, #tpu.memory_space<vmem>>
      %dma_start3A_1267 = arith.constant 0 : i32
      %dma_start3A_1268 = tpu.memref_slice %arg6[%dma_start3A_1267] : memref<1000008xf32, #tpu.memory_space<vmem_shared>> -> memref<1000008xf32, #tpu.memory_space<vmem_shared>>
      tpu.enqueue_indirect_dma source(%dma_start3A_1268 : memref<1000008xf32, #tpu.memory_space<vmem_shared>>) target(%dma_start3A_1264 : memref<3200xf32, #tpu.memory_space<vmem>>) offsets(%dma_start3A_1266 : memref<3200xi32, #tpu.memory_space<vmem>>) semaphore(%arg23 : memref<!tpu.dma_semaphore, #tpu.memory_space<semaphore_mem>>)
      %dma_wait3A_1269 = arith.constant 0 : i32
      %dma_wait3A_1270 = arith.constant 0 : i32
      %dma_wait3A_1271 = tpu.memref_slice %arg9[%dma_wait3A_1269, %dma_wait3A_1270] : memref<1x3840xf32, #tpu.memory_space<vmem>> -> memref<1x3200xf32, #tpu.memory_space<vmem>>
      %dma_wait3A_1272 = tpu.memref_squeeze %dma_wait3A_1271 : memref<1x3200xf32, #tpu.memory_space<vmem>> -> memref<3200xf32, #tpu.memory_space<vmem>>
      %dma_wait3A_1273 = arith.constant 38400 : i32
      %dma_wait3A_1274 = tpu.memref_slice %arg8[%dma_wait3A_1273] : memref<51200xi32, #tpu.memory_space<vmem>> -> memref<3200xi32, #tpu.memory_space<vmem>>
      %dma_wait3A_1275 = arith.constant 0 : i32
      %dma_wait3A_1276 = tpu.memref_slice %arg6[%dma_wait3A_1275] : memref<1000008xf32, #tpu.memory_space<vmem_shared>> -> memref<1000008xf32, #tpu.memory_space<vmem_shared>>
      tpu.wait_indirect_dma semaphore(%arg20 : memref<!tpu.dma_semaphore, #tpu.memory_space<semaphore_mem>>) src(%dma_wait3A_1276 : memref<1000008xf32, #tpu.memory_space<vmem_shared>>) dst(%dma_wait3A_1272 : memref<3200xf32, #tpu.memory_space<vmem>>)
      %mul3A_1277 = arith.constant 819200 : i32
      %mul3A_1278 = arith.muli %add3A_661, %mul3A_1277 : i32
      %add3A_1279 = arith.addi %mul3A_1278, %mul3A_2 : i32
      %add3A_1280 = arith.constant 38400 : i32
      %add3A_1281 = arith.addi %add3A_1279, %add3A_1280 : i32
      %dma_start3A_1282 = arith.constant 0 : i32
      %dma_start3A_1283 = arith.constant 0 : i32
      %dma_start3A_1284 = tpu.memref_slice %arg9[%dma_start3A_1282, %dma_start3A_1283] : memref<1x3840xf32, #tpu.memory_space<vmem>> -> memref<1x3200xf32, #tpu.memory_space<vmem>>
      %dma_start3A_1285 = tpu.memref_squeeze %dma_start3A_1284 : memref<1x3200xf32, #tpu.memory_space<vmem>> -> memref<3200xf32, #tpu.memory_space<vmem>>
      %dma_start3A_1286 = tpu.memref_slice %arg5[%add3A_1281] : memref<245760000xf32, #tpu.memory_space<hbm>> -> memref<3200xf32, #tpu.memory_space<hbm>>
      %dma_start3A_1287 = tpu.memref_slice %arg5[%add3A_1281] : memref<245760000xf32, #tpu.memory_space<hbm>> -> memref<3200xf32, #tpu.memory_space<hbm>>
      %dma_start3A_1288 = arith.constant 0 : i32
      %dma_start3A_1289 = tpu.memref_slice %arg9[%dma_start3A_1282, %dma_start3A_1288] : memref<1x3840xf32, #tpu.memory_space<vmem>> -> memref<1x3200xf32, #tpu.memory_space<vmem>>
      %dma_start3A_1290 = tpu.memref_squeeze %dma_start3A_1289 : memref<1x3200xf32, #tpu.memory_space<vmem>> -> memref<3200xf32, #tpu.memory_space<vmem>>
      tpu.enqueue_dma source(%dma_start3A_1290 : memref<3200xf32, #tpu.memory_space<vmem>>) target(%dma_start3A_1287 : memref<3200xf32, #tpu.memory_space<hbm>>) target_semaphore(%arg24 : memref<!tpu.dma_semaphore, #tpu.memory_space<semaphore_mem>>)
      %dma_wait3A_1291 = arith.constant 0 : i32
      %dma_wait3A_1292 = arith.constant 0 : i32
      %dma_wait3A_1293 = tpu.memref_slice %arg10[%dma_wait3A_1291, %dma_wait3A_1292] : memref<1x3840xf32, #tpu.memory_space<vmem>> -> memref<1x3200xf32, #tpu.memory_space<vmem>>
      %dma_wait3A_1294 = tpu.memref_squeeze %dma_wait3A_1293 : memref<1x3200xf32, #tpu.memory_space<vmem>> -> memref<3200xf32, #tpu.memory_space<vmem>>
      %dma_wait3A_1295 = arith.constant 41600 : i32
      %dma_wait3A_1296 = tpu.memref_slice %arg8[%dma_wait3A_1295] : memref<51200xi32, #tpu.memory_space<vmem>> -> memref<3200xi32, #tpu.memory_space<vmem>>
      %dma_wait3A_1297 = arith.constant 0 : i32
      %dma_wait3A_1298 = tpu.memref_slice %arg6[%dma_wait3A_1297] : memref<1000008xf32, #tpu.memory_space<vmem_shared>> -> memref<1000008xf32, #tpu.memory_space<vmem_shared>>
      tpu.wait_indirect_dma semaphore(%arg21 : memref<!tpu.dma_semaphore, #tpu.memory_space<semaphore_mem>>) src(%dma_wait3A_1298 : memref<1000008xf32, #tpu.memory_space<vmem_shared>>) dst(%dma_wait3A_1294 : memref<3200xf32, #tpu.memory_space<vmem>>)
      %mul3A_1299 = arith.constant 819200 : i32
      %mul3A_1300 = arith.muli %add3A_661, %mul3A_1299 : i32
      %add3A_1301 = arith.addi %mul3A_1300, %mul3A_2 : i32
      %add3A_1302 = arith.constant 41600 : i32
      %add3A_1303 = arith.addi %add3A_1301, %add3A_1302 : i32
      %dma_start3A_1304 = arith.constant 0 : i32
      %dma_start3A_1305 = arith.constant 0 : i32
      %dma_start3A_1306 = tpu.memref_slice %arg10[%dma_start3A_1304, %dma_start3A_1305] : memref<1x3840xf32, #tpu.memory_space<vmem>> -> memref<1x3200xf32, #tpu.memory_space<vmem>>
      %dma_start3A_1307 = tpu.memref_squeeze %dma_start3A_1306 : memref<1x3200xf32, #tpu.memory_space<vmem>> -> memref<3200xf32, #tpu.memory_space<vmem>>
      %dma_start3A_1308 = tpu.memref_slice %arg5[%add3A_1303] : memref<245760000xf32, #tpu.memory_space<hbm>> -> memref<3200xf32, #tpu.memory_space<hbm>>
      %dma_start3A_1309 = tpu.memref_slice %arg5[%add3A_1303] : memref<245760000xf32, #tpu.memory_space<hbm>> -> memref<3200xf32, #tpu.memory_space<hbm>>
      %dma_start3A_1310 = arith.constant 0 : i32
      %dma_start3A_1311 = tpu.memref_slice %arg10[%dma_start3A_1304, %dma_start3A_1310] : memref<1x3840xf32, #tpu.memory_space<vmem>> -> memref<1x3200xf32, #tpu.memory_space<vmem>>
      %dma_start3A_1312 = tpu.memref_squeeze %dma_start3A_1311 : memref<1x3200xf32, #tpu.memory_space<vmem>> -> memref<3200xf32, #tpu.memory_space<vmem>>
      tpu.enqueue_dma source(%dma_start3A_1312 : memref<3200xf32, #tpu.memory_space<vmem>>) target(%dma_start3A_1309 : memref<3200xf32, #tpu.memory_space<hbm>>) target_semaphore(%arg25 : memref<!tpu.dma_semaphore, #tpu.memory_space<semaphore_mem>>)
      %dma_wait3A_1313 = arith.constant 0 : i32
      %dma_wait3A_1314 = arith.constant 0 : i32
      %dma_wait3A_1315 = tpu.memref_slice %arg11[%dma_wait3A_1313, %dma_wait3A_1314] : memref<1x3840xf32, #tpu.memory_space<vmem>> -> memref<1x3200xf32, #tpu.memory_space<vmem>>
      %dma_wait3A_1316 = tpu.memref_squeeze %dma_wait3A_1315 : memref<1x3200xf32, #tpu.memory_space<vmem>> -> memref<3200xf32, #tpu.memory_space<vmem>>
      %dma_wait3A_1317 = arith.constant 44800 : i32
      %dma_wait3A_1318 = tpu.memref_slice %arg8[%dma_wait3A_1317] : memref<51200xi32, #tpu.memory_space<vmem>> -> memref<3200xi32, #tpu.memory_space<vmem>>
      %dma_wait3A_1319 = arith.constant 0 : i32
      %dma_wait3A_1320 = tpu.memref_slice %arg6[%dma_wait3A_1319] : memref<1000008xf32, #tpu.memory_space<vmem_shared>> -> memref<1000008xf32, #tpu.memory_space<vmem_shared>>
      tpu.wait_indirect_dma semaphore(%arg22 : memref<!tpu.dma_semaphore, #tpu.memory_space<semaphore_mem>>) src(%dma_wait3A_1320 : memref<1000008xf32, #tpu.memory_space<vmem_shared>>) dst(%dma_wait3A_1316 : memref<3200xf32, #tpu.memory_space<vmem>>)
      %mul3A_1321 = arith.constant 819200 : i32
      %mul3A_1322 = arith.muli %add3A_661, %mul3A_1321 : i32
      %add3A_1323 = arith.addi %mul3A_1322, %mul3A_2 : i32
      %add3A_1324 = arith.constant 44800 : i32
      %add3A_1325 = arith.addi %add3A_1323, %add3A_1324 : i32
      %dma_start3A_1326 = arith.constant 0 : i32
      %dma_start3A_1327 = arith.constant 0 : i32
      %dma_start3A_1328 = tpu.memref_slice %arg11[%dma_start3A_1326, %dma_start3A_1327] : memref<1x3840xf32, #tpu.memory_space<vmem>> -> memref<1x3200xf32, #tpu.memory_space<vmem>>
      %dma_start3A_1329 = tpu.memref_squeeze %dma_start3A_1328 : memref<1x3200xf32, #tpu.memory_space<vmem>> -> memref<3200xf32, #tpu.memory_space<vmem>>
      %dma_start3A_1330 = tpu.memref_slice %arg5[%add3A_1325] : memref<245760000xf32, #tpu.memory_space<hbm>> -> memref<3200xf32, #tpu.memory_space<hbm>>
      %dma_start3A_1331 = tpu.memref_slice %arg5[%add3A_1325] : memref<245760000xf32, #tpu.memory_space<hbm>> -> memref<3200xf32, #tpu.memory_space<hbm>>
      %dma_start3A_1332 = arith.constant 0 : i32
      %dma_start3A_1333 = tpu.memref_slice %arg11[%dma_start3A_1326, %dma_start3A_1332] : memref<1x3840xf32, #tpu.memory_space<vmem>> -> memref<1x3200xf32, #tpu.memory_space<vmem>>
      %dma_start3A_1334 = tpu.memref_squeeze %dma_start3A_1333 : memref<1x3200xf32, #tpu.memory_space<vmem>> -> memref<3200xf32, #tpu.memory_space<vmem>>
      tpu.enqueue_dma source(%dma_start3A_1334 : memref<3200xf32, #tpu.memory_space<vmem>>) target(%dma_start3A_1331 : memref<3200xf32, #tpu.memory_space<hbm>>) target_semaphore(%arg26 : memref<!tpu.dma_semaphore, #tpu.memory_space<semaphore_mem>>)
      %dma_wait3A_1335 = arith.constant 0 : i32
      %dma_wait3A_1336 = arith.constant 0 : i32
      %dma_wait3A_1337 = tpu.memref_slice %arg12[%dma_wait3A_1335, %dma_wait3A_1336] : memref<1x3840xf32, #tpu.memory_space<vmem>> -> memref<1x3200xf32, #tpu.memory_space<vmem>>
      %dma_wait3A_1338 = tpu.memref_squeeze %dma_wait3A_1337 : memref<1x3200xf32, #tpu.memory_space<vmem>> -> memref<3200xf32, #tpu.memory_space<vmem>>
      %dma_wait3A_1339 = arith.constant 48000 : i32
      %dma_wait3A_1340 = tpu.memref_slice %arg8[%dma_wait3A_1339] : memref<51200xi32, #tpu.memory_space<vmem>> -> memref<3200xi32, #tpu.memory_space<vmem>>
      %dma_wait3A_1341 = arith.constant 0 : i32
      %dma_wait3A_1342 = tpu.memref_slice %arg6[%dma_wait3A_1341] : memref<1000008xf32, #tpu.memory_space<vmem_shared>> -> memref<1000008xf32, #tpu.memory_space<vmem_shared>>
      tpu.wait_indirect_dma semaphore(%arg23 : memref<!tpu.dma_semaphore, #tpu.memory_space<semaphore_mem>>) src(%dma_wait3A_1342 : memref<1000008xf32, #tpu.memory_space<vmem_shared>>) dst(%dma_wait3A_1338 : memref<3200xf32, #tpu.memory_space<vmem>>)
      %mul3A_1343 = arith.constant 819200 : i32
      %mul3A_1344 = arith.muli %add3A_661, %mul3A_1343 : i32
      %add3A_1345 = arith.addi %mul3A_1344, %mul3A_2 : i32
      %add3A_1346 = arith.constant 48000 : i32
      %add3A_1347 = arith.addi %add3A_1345, %add3A_1346 : i32
      %dma_start3A_1348 = arith.constant 0 : i32
      %dma_start3A_1349 = arith.constant 0 : i32
      %dma_start3A_1350 = tpu.memref_slice %arg12[%dma_start3A_1348, %dma_start3A_1349] : memref<1x3840xf32, #tpu.memory_space<vmem>> -> memref<1x3200xf32, #tpu.memory_space<vmem>>
      %dma_start3A_1351 = tpu.memref_squeeze %dma_start3A_1350 : memref<1x3200xf32, #tpu.memory_space<vmem>> -> memref<3200xf32, #tpu.memory_space<vmem>>
      %dma_start3A_1352 = tpu.memref_slice %arg5[%add3A_1347] : memref<245760000xf32, #tpu.memory_space<hbm>> -> memref<3200xf32, #tpu.memory_space<hbm>>
      %dma_start3A_1353 = tpu.memref_slice %arg5[%add3A_1347] : memref<245760000xf32, #tpu.memory_space<hbm>> -> memref<3200xf32, #tpu.memory_space<hbm>>
      %dma_start3A_1354 = arith.constant 0 : i32
      %dma_start3A_1355 = tpu.memref_slice %arg12[%dma_start3A_1348, %dma_start3A_1354] : memref<1x3840xf32, #tpu.memory_space<vmem>> -> memref<1x3200xf32, #tpu.memory_space<vmem>>
      %dma_start3A_1356 = tpu.memref_squeeze %dma_start3A_1355 : memref<1x3200xf32, #tpu.memory_space<vmem>> -> memref<3200xf32, #tpu.memory_space<vmem>>
      tpu.enqueue_dma source(%dma_start3A_1356 : memref<3200xf32, #tpu.memory_space<vmem>>) target(%dma_start3A_1353 : memref<3200xf32, #tpu.memory_space<hbm>>) target_semaphore(%arg27 : memref<!tpu.dma_semaphore, #tpu.memory_space<semaphore_mem>>)
      %mul3A_1357 = arith.constant 819200 : i32
      %mul3A_1358 = arith.muli %add3A_661, %mul3A_1357 : i32
      %add3A_1359 = arith.addi %mul3A_1358, %mul3A_2 : i32
      %add3A_1360 = arith.constant 38400 : i32
      %add3A_1361 = arith.addi %add3A_1359, %add3A_1360 : i32
      %dma_wait3A_1362 = arith.constant 0 : i32
      %dma_wait3A_1363 = arith.constant 0 : i32
      %dma_wait3A_1364 = tpu.memref_slice %arg9[%dma_wait3A_1362, %dma_wait3A_1363] : memref<1x3840xf32, #tpu.memory_space<vmem>> -> memref<1x3200xf32, #tpu.memory_space<vmem>>
      %dma_wait3A_1365 = tpu.memref_squeeze %dma_wait3A_1364 : memref<1x3200xf32, #tpu.memory_space<vmem>> -> memref<3200xf32, #tpu.memory_space<vmem>>
      %dma_wait3A_1366 = tpu.memref_slice %arg5[%add3A_1361] : memref<245760000xf32, #tpu.memory_space<hbm>> -> memref<3200xf32, #tpu.memory_space<hbm>>
      %dma_wait3A_1367 = tpu.memref_slice %arg5[%add3A_1361] : memref<245760000xf32, #tpu.memory_space<hbm>> -> memref<3200xf32, #tpu.memory_space<hbm>>
      %dma_wait3A_1368 = arith.constant 0 : i32
      %dma_wait3A_1369 = tpu.memref_slice %arg9[%dma_wait3A_1362, %dma_wait3A_1368] : memref<1x3840xf32, #tpu.memory_space<vmem>> -> memref<1x3200xf32, #tpu.memory_space<vmem>>
      %dma_wait3A_1370 = tpu.memref_squeeze %dma_wait3A_1369 : memref<1x3200xf32, #tpu.memory_space<vmem>> -> memref<3200xf32, #tpu.memory_space<vmem>>
      tpu.wait_dma2 semaphore(%arg24 : memref<!tpu.dma_semaphore, #tpu.memory_space<semaphore_mem>>) src(%dma_wait3A_1370 : memref<3200xf32, #tpu.memory_space<vmem>>) dst(%dma_wait3A_1367 : memref<3200xf32, #tpu.memory_space<hbm>>)
      %mul3A_1371 = arith.constant 819200 : i32
      %mul3A_1372 = arith.muli %add3A_661, %mul3A_1371 : i32
      %add3A_1373 = arith.addi %mul3A_1372, %mul3A_2 : i32
      %add3A_1374 = arith.constant 41600 : i32
      %add3A_1375 = arith.addi %add3A_1373, %add3A_1374 : i32
      %dma_wait3A_1376 = arith.constant 0 : i32
      %dma_wait3A_1377 = arith.constant 0 : i32
      %dma_wait3A_1378 = tpu.memref_slice %arg10[%dma_wait3A_1376, %dma_wait3A_1377] : memref<1x3840xf32, #tpu.memory_space<vmem>> -> memref<1x3200xf32, #tpu.memory_space<vmem>>
      %dma_wait3A_1379 = tpu.memref_squeeze %dma_wait3A_1378 : memref<1x3200xf32, #tpu.memory_space<vmem>> -> memref<3200xf32, #tpu.memory_space<vmem>>
      %dma_wait3A_1380 = tpu.memref_slice %arg5[%add3A_1375] : memref<245760000xf32, #tpu.memory_space<hbm>> -> memref<3200xf32, #tpu.memory_space<hbm>>
      %dma_wait3A_1381 = tpu.memref_slice %arg5[%add3A_1375] : memref<245760000xf32, #tpu.memory_space<hbm>> -> memref<3200xf32, #tpu.memory_space<hbm>>
      %dma_wait3A_1382 = arith.constant 0 : i32
      %dma_wait3A_1383 = tpu.memref_slice %arg10[%dma_wait3A_1376, %dma_wait3A_1382] : memref<1x3840xf32, #tpu.memory_space<vmem>> -> memref<1x3200xf32, #tpu.memory_space<vmem>>
      %dma_wait3A_1384 = tpu.memref_squeeze %dma_wait3A_1383 : memref<1x3200xf32, #tpu.memory_space<vmem>> -> memref<3200xf32, #tpu.memory_space<vmem>>
      tpu.wait_dma2 semaphore(%arg25 : memref<!tpu.dma_semaphore, #tpu.memory_space<semaphore_mem>>) src(%dma_wait3A_1384 : memref<3200xf32, #tpu.memory_space<vmem>>) dst(%dma_wait3A_1381 : memref<3200xf32, #tpu.memory_space<hbm>>)
      %mul3A_1385 = arith.constant 819200 : i32
      %mul3A_1386 = arith.muli %add3A_661, %mul3A_1385 : i32
      %add3A_1387 = arith.addi %mul3A_1386, %mul3A_2 : i32
      %add3A_1388 = arith.constant 44800 : i32
      %add3A_1389 = arith.addi %add3A_1387, %add3A_1388 : i32
      %dma_wait3A_1390 = arith.constant 0 : i32
      %dma_wait3A_1391 = arith.constant 0 : i32
      %dma_wait3A_1392 = tpu.memref_slice %arg11[%dma_wait3A_1390, %dma_wait3A_1391] : memref<1x3840xf32, #tpu.memory_space<vmem>> -> memref<1x3200xf32, #tpu.memory_space<vmem>>
      %dma_wait3A_1393 = tpu.memref_squeeze %dma_wait3A_1392 : memref<1x3200xf32, #tpu.memory_space<vmem>> -> memref<3200xf32, #tpu.memory_space<vmem>>
      %dma_wait3A_1394 = tpu.memref_slice %arg5[%add3A_1389] : memref<245760000xf32, #tpu.memory_space<hbm>> -> memref<3200xf32, #tpu.memory_space<hbm>>
      %dma_wait3A_1395 = tpu.memref_slice %arg5[%add3A_1389] : memref<245760000xf32, #tpu.memory_space<hbm>> -> memref<3200xf32, #tpu.memory_space<hbm>>
      %dma_wait3A_1396 = arith.constant 0 : i32
      %dma_wait3A_1397 = tpu.memref_slice %arg11[%dma_wait3A_1390, %dma_wait3A_1396] : memref<1x3840xf32, #tpu.memory_space<vmem>> -> memref<1x3200xf32, #tpu.memory_space<vmem>>
      %dma_wait3A_1398 = tpu.memref_squeeze %dma_wait3A_1397 : memref<1x3200xf32, #tpu.memory_space<vmem>> -> memref<3200xf32, #tpu.memory_space<vmem>>
      tpu.wait_dma2 semaphore(%arg26 : memref<!tpu.dma_semaphore, #tpu.memory_space<semaphore_mem>>) src(%dma_wait3A_1398 : memref<3200xf32, #tpu.memory_space<vmem>>) dst(%dma_wait3A_1395 : memref<3200xf32, #tpu.memory_space<hbm>>)
      %mul3A_1399 = arith.constant 819200 : i32
      %mul3A_1400 = arith.muli %add3A_661, %mul3A_1399 : i32
      %add3A_1401 = arith.addi %mul3A_1400, %mul3A_2 : i32
      %add3A_1402 = arith.constant 48000 : i32
      %add3A_1403 = arith.addi %add3A_1401, %add3A_1402 : i32
      %dma_wait3A_1404 = arith.constant 0 : i32
      %dma_wait3A_1405 = arith.constant 0 : i32
      %dma_wait3A_1406 = tpu.memref_slice %arg12[%dma_wait3A_1404, %dma_wait3A_1405] : memref<1x3840xf32, #tpu.memory_space<vmem>> -> memref<1x3200xf32, #tpu.memory_space<vmem>>
      %dma_wait3A_1407 = tpu.memref_squeeze %dma_wait3A_1406 : memref<1x3200xf32, #tpu.memory_space<vmem>> -> memref<3200xf32, #tpu.memory_space<vmem>>
      %dma_wait3A_1408 = tpu.memref_slice %arg5[%add3A_1403] : memref<245760000xf32, #tpu.memory_space<hbm>> -> memref<3200xf32, #tpu.memory_space<hbm>>
      %dma_wait3A_1409 = tpu.memref_slice %arg5[%add3A_1403] : memref<245760000xf32, #tpu.memory_space<hbm>> -> memref<3200xf32, #tpu.memory_space<hbm>>
      %dma_wait3A_1410 = arith.constant 0 : i32
      %dma_wait3A_1411 = tpu.memref_slice %arg12[%dma_wait3A_1404, %dma_wait3A_1410] : memref<1x3840xf32, #tpu.memory_space<vmem>> -> memref<1x3200xf32, #tpu.memory_space<vmem>>
      %dma_wait3A_1412 = tpu.memref_squeeze %dma_wait3A_1411 : memref<1x3200xf32, #tpu.memory_space<vmem>> -> memref<3200xf32, #tpu.memory_space<vmem>>
      tpu.wait_dma2 semaphore(%arg27 : memref<!tpu.dma_semaphore, #tpu.memory_space<semaphore_mem>>) src(%dma_wait3A_1412 : memref<3200xf32, #tpu.memory_space<vmem>>) dst(%dma_wait3A_1409 : memref<3200xf32, #tpu.memory_space<hbm>>)
      %barrier3A_1413 = arith.constant 0 : index
      tpu.barrier barrier_id(%barrier3A_1413)
      %add3A_1414 = arith.constant 1 : i32
      %add3A_1415 = arith.addi %scan3A_660, %add3A_1414 : i32
      %lt3A = arith.constant 150 : i32
      %lt3A_1416 = arith.cmpi slt, %add3A_1415, %lt3A : i32
      %convert_element_type3A_1417 = arith.extui %lt3A_1416 : i1 to i32
      %cond3A_1418 = arith.constant 0 : i32
      %cond3A_1419 = arith.cmpi ne, %convert_element_type3A_1417, %cond3A_1418 : i32
      scf.if %cond3A_1419 {
        %add3A_1420 = arith.constant 1 : i32
        %add3A_1421 = arith.addi %add3A_661, %add3A_1420 : i32
        %broadcast_in_dim3A_1422 = vector.broadcast %add3A_1421 : i32 to vector<16xi32>
        %swap3A_1423 = arith.constant 0 : index
        %swap3A_1424 = tpu.vector_load %arg13[%swap3A_1423] {strides = array<i32>} : memref<16xi32, #tpu.memory_space<vmem>>, vector<16xi32>,
        %swap3A_1425 = vector.shape_cast %swap3A_1424 : vector<16xi32> to vector<16xi32>
        %swap3A_1426 = vector.shape_cast %broadcast_in_dim3A_1422 : vector<16xi32> to vector<16xi32>
        tpu.vector_store %arg13[%swap3A_1423], %swap3A_1426 {strides = array<i32>} : memref<16xi32, #tpu.memory_space<vmem>>, vector<16xi32>,
        %add3A_1427 = arith.constant 0 : i32
        %add3A_1428 = arith.addi %mul3A_4, %add3A_1427 : i32
        %dma_start3A_1429 = arith.constant 0 : i32
        %dma_start3A_1430 = arith.constant 0 : i32
        %dma_start3A_1431 = tpu.memref_slice %arg9[%dma_start3A_1429, %dma_start3A_1430] : memref<1x3840xf32, #tpu.memory_space<vmem>> -> memref<1x3840xf32, #tpu.memory_space<vmem>>
        %dma_start3A_1432 = arith.constant 0 : i32
        %dma_start3A_1433 = tpu.memref_slice %arg13[%dma_start3A_1432] : memref<16xi32, #tpu.memory_space<vmem>> -> memref<1xi32, #tpu.memory_space<vmem>>
        %dma_start3A_1434 = arith.constant 0 : i32
        %dma_start3A_1435 = tpu.memref_slice %arg2[%dma_start3A_1434, %add3A_1428] : memref<300x1000008xf32, #tpu.memory_space<hbm>> -> memref<300x3840xf32, #tpu.memory_space<hbm>>
        tpu.enqueue_indirect_dma source(%dma_start3A_1435 : memref<300x3840xf32, #tpu.memory_space<hbm>>) target(%dma_start3A_1431 : memref<1x3840xf32, #tpu.memory_space<vmem>>) offsets(%dma_start3A_1433 : memref<1xi32, #tpu.memory_space<vmem>>) semaphore(%arg15 : memref<!tpu.dma_semaphore, #tpu.memory_space<semaphore_mem>>)
        %add3A_1436 = arith.constant 3840 : i32
        %add3A_1437 = arith.addi %mul3A_4, %add3A_1436 : i32
        %dma_start3A_1438 = arith.constant 0 : i32
        %dma_start3A_1439 = arith.constant 0 : i32
        %dma_start3A_1440 = tpu.memref_slice %arg10[%dma_start3A_1438, %dma_start3A_1439] : memref<1x3840xf32, #tpu.memory_space<vmem>> -> memref<1x3840xf32, #tpu.memory_space<vmem>>
        %dma_start3A_1441 = arith.constant 0 : i32
        %dma_start3A_1442 = tpu.memref_slice %arg13[%dma_start3A_1441] : memref<16xi32, #tpu.memory_space<vmem>> -> memref<1xi32, #tpu.memory_space<vmem>>
        %dma_start3A_1443 = arith.constant 0 : i32
        %dma_start3A_1444 = tpu.memref_slice %arg2[%dma_start3A_1443, %add3A_1437] : memref<300x1000008xf32, #tpu.memory_space<hbm>> -> memref<300x3840xf32, #tpu.memory_space<hbm>>
        tpu.enqueue_indirect_dma source(%dma_start3A_1444 : memref<300x3840xf32, #tpu.memory_space<hbm>>) target(%dma_start3A_1440 : memref<1x3840xf32, #tpu.memory_space<vmem>>) offsets(%dma_start3A_1442 : memref<1xi32, #tpu.memory_space<vmem>>) semaphore(%arg16 : memref<!tpu.dma_semaphore, #tpu.memory_space<semaphore_mem>>)
        %add3A_1445 = arith.constant 7680 : i32
        %add3A_1446 = arith.addi %mul3A_4, %add3A_1445 : i32
        %dma_start3A_1447 = arith.constant 0 : i32
        %dma_start3A_1448 = arith.constant 0 : i32
        %dma_start3A_1449 = tpu.memref_slice %arg11[%dma_start3A_1447, %dma_start3A_1448] : memref<1x3840xf32, #tpu.memory_space<vmem>> -> memref<1x3840xf32, #tpu.memory_space<vmem>>
        %dma_start3A_1450 = arith.constant 0 : i32
        %dma_start3A_1451 = tpu.memref_slice %arg13[%dma_start3A_1450] : memref<16xi32, #tpu.memory_space<vmem>> -> memref<1xi32, #tpu.memory_space<vmem>>
        %dma_start3A_1452 = arith.constant 0 : i32
        %dma_start3A_1453 = tpu.memref_slice %arg2[%dma_start3A_1452, %add3A_1446] : memref<300x1000008xf32, #tpu.memory_space<hbm>> -> memref<300x3840xf32, #tpu.memory_space<hbm>>
        tpu.enqueue_indirect_dma source(%dma_start3A_1453 : memref<300x3840xf32, #tpu.memory_space<hbm>>) target(%dma_start3A_1449 : memref<1x3840xf32, #tpu.memory_space<vmem>>) offsets(%dma_start3A_1451 : memref<1xi32, #tpu.memory_space<vmem>>) semaphore(%arg17 : memref<!tpu.dma_semaphore, #tpu.memory_space<semaphore_mem>>)
        %add3A_1454 = arith.constant 11520 : i32
        %add3A_1455 = arith.addi %mul3A_4, %add3A_1454 : i32
        %dma_start3A_1456 = arith.constant 0 : i32
        %dma_start3A_1457 = arith.constant 0 : i32
        %dma_start3A_1458 = tpu.memref_slice %arg12[%dma_start3A_1456, %dma_start3A_1457] : memref<1x3840xf32, #tpu.memory_space<vmem>> -> memref<1x3840xf32, #tpu.memory_space<vmem>>
        %dma_start3A_1459 = arith.constant 0 : i32
        %dma_start3A_1460 = tpu.memref_slice %arg13[%dma_start3A_1459] : memref<16xi32, #tpu.memory_space<vmem>> -> memref<1xi32, #tpu.memory_space<vmem>>
        %dma_start3A_1461 = arith.constant 0 : i32
        %dma_start3A_1462 = tpu.memref_slice %arg2[%dma_start3A_1461, %add3A_1455] : memref<300x1000008xf32, #tpu.memory_space<hbm>> -> memref<300x3840xf32, #tpu.memory_space<hbm>>
        tpu.enqueue_indirect_dma source(%dma_start3A_1462 : memref<300x3840xf32, #tpu.memory_space<hbm>>) target(%dma_start3A_1458 : memref<1x3840xf32, #tpu.memory_space<vmem>>) offsets(%dma_start3A_1460 : memref<1xi32, #tpu.memory_space<vmem>>) semaphore(%arg18 : memref<!tpu.dma_semaphore, #tpu.memory_space<semaphore_mem>>)
        %add3A_1463 = arith.constant 0 : i32
        %add3A_1464 = arith.addi %mul3A_4, %add3A_1463 : i32
        %dma_wait3A_1465 = arith.constant 0 : i32
        %dma_wait3A_1466 = arith.constant 0 : i32
        %dma_wait3A_1467 = tpu.memref_slice %arg9[%dma_wait3A_1465, %dma_wait3A_1466] : memref<1x3840xf32, #tpu.memory_space<vmem>> -> memref<1x3840xf32, #tpu.memory_space<vmem>>
        %dma_wait3A_1468 = arith.constant 0 : i32
        %dma_wait3A_1469 = tpu.memref_slice %arg13[%dma_wait3A_1468] : memref<16xi32, #tpu.memory_space<vmem>> -> memref<1xi32, #tpu.memory_space<vmem>>
        %dma_wait3A_1470 = arith.constant 0 : i32
        %dma_wait3A_1471 = tpu.memref_slice %arg2[%dma_wait3A_1470, %add3A_1464] : memref<300x1000008xf32, #tpu.memory_space<hbm>> -> memref<300x3840xf32, #tpu.memory_space<hbm>>
        tpu.wait_indirect_dma semaphore(%arg15 : memref<!tpu.dma_semaphore, #tpu.memory_space<semaphore_mem>>) src(%dma_wait3A_1471 : memref<300x3840xf32, #tpu.memory_space<hbm>>) dst(%dma_wait3A_1467 : memref<1x3840xf32, #tpu.memory_space<vmem>>)
        %add3A_1472 = arith.constant 0 : i32
        %add3A_1473 = arith.addi %mul3A_4, %add3A_1472 : i32
        %dma_start3A_1474 = arith.constant 0 : i32
        %dma_start3A_1475 = arith.constant 0 : i32
        %dma_start3A_1476 = tpu.memref_slice %arg9[%dma_start3A_1474, %dma_start3A_1475] : memref<1x3840xf32, #tpu.memory_space<vmem>> -> memref<1x3840xf32, #tpu.memory_space<vmem>>
        %dma_start3A_1477 = tpu.memref_squeeze %dma_start3A_1476 : memref<1x3840xf32, #tpu.memory_space<vmem>> -> memref<3840xf32, #tpu.memory_space<vmem>>
        %dma_start3A_1478 = tpu.memref_slice %arg6[%add3A_1473] : memref<1000008xf32, #tpu.memory_space<vmem_shared>> -> memref<3840xf32, #tpu.memory_space<vmem_shared>>
        %dma_start3A_1479 = tpu.memref_slice %arg6[%add3A_1473] : memref<1000008xf32, #tpu.memory_space<vmem_shared>> -> memref<3840xf32, #tpu.memory_space<vmem_shared>>
        %dma_start3A_1480 = arith.constant 0 : i32
        %dma_start3A_1481 = tpu.memref_slice %arg9[%dma_start3A_1474, %dma_start3A_1480] : memref<1x3840xf32, #tpu.memory_space<vmem>> -> memref<1x3840xf32, #tpu.memory_space<vmem>>
        %dma_start3A_1482 = tpu.memref_squeeze %dma_start3A_1481 : memref<1x3840xf32, #tpu.memory_space<vmem>> -> memref<3840xf32, #tpu.memory_space<vmem>>
        tpu.enqueue_dma source(%dma_start3A_1482 : memref<3840xf32, #tpu.memory_space<vmem>>) target(%dma_start3A_1479 : memref<3840xf32, #tpu.memory_space<vmem_shared>>) target_semaphore(%arg19 : memref<!tpu.dma_semaphore, #tpu.memory_space<semaphore_mem>>)
        %add3A_1483 = arith.constant 0 : i32
        %add3A_1484 = arith.addi %mul3A_4, %add3A_1483 : i32
        %dma_wait3A_1485 = arith.constant 0 : i32
        %dma_wait3A_1486 = arith.constant 0 : i32
        %dma_wait3A_1487 = tpu.memref_slice %arg9[%dma_wait3A_1485, %dma_wait3A_1486] : memref<1x3840xf32, #tpu.memory_space<vmem>> -> memref<1x3840xf32, #tpu.memory_space<vmem>>
        %dma_wait3A_1488 = tpu.memref_squeeze %dma_wait3A_1487 : memref<1x3840xf32, #tpu.memory_space<vmem>> -> memref<3840xf32, #tpu.memory_space<vmem>>
        %dma_wait3A_1489 = tpu.memref_slice %arg6[%add3A_1484] : memref<1000008xf32, #tpu.memory_space<vmem_shared>> -> memref<3840xf32, #tpu.memory_space<vmem_shared>>
        %dma_wait3A_1490 = tpu.memref_slice %arg6[%add3A_1484] : memref<1000008xf32, #tpu.memory_space<vmem_shared>> -> memref<3840xf32, #tpu.memory_space<vmem_shared>>
        %dma_wait3A_1491 = arith.constant 0 : i32
        %dma_wait3A_1492 = tpu.memref_slice %arg9[%dma_wait3A_1485, %dma_wait3A_1491] : memref<1x3840xf32, #tpu.memory_space<vmem>> -> memref<1x3840xf32, #tpu.memory_space<vmem>>
        %dma_wait3A_1493 = tpu.memref_squeeze %dma_wait3A_1492 : memref<1x3840xf32, #tpu.memory_space<vmem>> -> memref<3840xf32, #tpu.memory_space<vmem>>
        tpu.wait_dma2 semaphore(%arg19 : memref<!tpu.dma_semaphore, #tpu.memory_space<semaphore_mem>>) src(%dma_wait3A_1493 : memref<3840xf32, #tpu.memory_space<vmem>>) dst(%dma_wait3A_1490 : memref<3840xf32, #tpu.memory_space<vmem_shared>>)
        %add3A_1494 = arith.constant 15360 : i32
        %add3A_1495 = arith.addi %mul3A_4, %add3A_1494 : i32
        %dma_start3A_1496 = arith.constant 0 : i32
        %dma_start3A_1497 = arith.constant 0 : i32
        %dma_start3A_1498 = tpu.memref_slice %arg9[%dma_start3A_1496, %dma_start3A_1497] : memref<1x3840xf32, #tpu.memory_space<vmem>> -> memref<1x3840xf32, #tpu.memory_space<vmem>>
        %dma_start3A_1499 = arith.constant 0 : i32
        %dma_start3A_1500 = tpu.memref_slice %arg13[%dma_start3A_1499] : memref<16xi32, #tpu.memory_space<vmem>> -> memref<1xi32, #tpu.memory_space<vmem>>
        %dma_start3A_1501 = arith.constant 0 : i32
        %dma_start3A_1502 = tpu.memref_slice %arg2[%dma_start3A_1501, %add3A_1495] : memref<300x1000008xf32, #tpu.memory_space<hbm>> -> memref<300x3840xf32, #tpu.memory_space<hbm>>
        tpu.enqueue_indirect_dma source(%dma_start3A_1502 : memref<300x3840xf32, #tpu.memory_space<hbm>>) target(%dma_start3A_1498 : memref<1x3840xf32, #tpu.memory_space<vmem>>) offsets(%dma_start3A_1500 : memref<1xi32, #tpu.memory_space<vmem>>) semaphore(%arg15 : memref<!tpu.dma_semaphore, #tpu.memory_space<semaphore_mem>>)
        %add3A_1503 = arith.constant 3840 : i32
        %add3A_1504 = arith.addi %mul3A_4, %add3A_1503 : i32
        %dma_wait3A_1505 = arith.constant 0 : i32
        %dma_wait3A_1506 = arith.constant 0 : i32
        %dma_wait3A_1507 = tpu.memref_slice %arg10[%dma_wait3A_1505, %dma_wait3A_1506] : memref<1x3840xf32, #tpu.memory_space<vmem>> -> memref<1x3840xf32, #tpu.memory_space<vmem>>
        %dma_wait3A_1508 = arith.constant 0 : i32
        %dma_wait3A_1509 = tpu.memref_slice %arg13[%dma_wait3A_1508] : memref<16xi32, #tpu.memory_space<vmem>> -> memref<1xi32, #tpu.memory_space<vmem>>
        %dma_wait3A_1510 = arith.constant 0 : i32
        %dma_wait3A_1511 = tpu.memref_slice %arg2[%dma_wait3A_1510, %add3A_1504] : memref<300x1000008xf32, #tpu.memory_space<hbm>> -> memref<300x3840xf32, #tpu.memory_space<hbm>>
        tpu.wait_indirect_dma semaphore(%arg16 : memref<!tpu.dma_semaphore, #tpu.memory_space<semaphore_mem>>) src(%dma_wait3A_1511 : memref<300x3840xf32, #tpu.memory_space<hbm>>) dst(%dma_wait3A_1507 : memref<1x3840xf32, #tpu.memory_space<vmem>>)
        %add3A_1512 = arith.constant 3840 : i32
        %add3A_1513 = arith.addi %mul3A_4, %add3A_1512 : i32
        %dma_start3A_1514 = arith.constant 0 : i32
        %dma_start3A_1515 = arith.constant 0 : i32
        %dma_start3A_1516 = tpu.memref_slice %arg10[%dma_start3A_1514, %dma_start3A_1515] : memref<1x3840xf32, #tpu.memory_space<vmem>> -> memref<1x3840xf32, #tpu.memory_space<vmem>>
        %dma_start3A_1517 = tpu.memref_squeeze %dma_start3A_1516 : memref<1x3840xf32, #tpu.memory_space<vmem>> -> memref<3840xf32, #tpu.memory_space<vmem>>
        %dma_start3A_1518 = tpu.memref_slice %arg6[%add3A_1513] : memref<1000008xf32, #tpu.memory_space<vmem_shared>> -> memref<3840xf32, #tpu.memory_space<vmem_shared>>
        %dma_start3A_1519 = tpu.memref_slice %arg6[%add3A_1513] : memref<1000008xf32, #tpu.memory_space<vmem_shared>> -> memref<3840xf32, #tpu.memory_space<vmem_shared>>
        %dma_start3A_1520 = arith.constant 0 : i32
        %dma_start3A_1521 = tpu.memref_slice %arg10[%dma_start3A_1514, %dma_start3A_1520] : memref<1x3840xf32, #tpu.memory_space<vmem>> -> memref<1x3840xf32, #tpu.memory_space<vmem>>
        %dma_start3A_1522 = tpu.memref_squeeze %dma_start3A_1521 : memref<1x3840xf32, #tpu.memory_space<vmem>> -> memref<3840xf32, #tpu.memory_space<vmem>>
        tpu.enqueue_dma source(%dma_start3A_1522 : memref<3840xf32, #tpu.memory_space<vmem>>) target(%dma_start3A_1519 : memref<3840xf32, #tpu.memory_space<vmem_shared>>) target_semaphore(%arg19 : memref<!tpu.dma_semaphore, #tpu.memory_space<semaphore_mem>>)
        %add3A_1523 = arith.constant 3840 : i32
        %add3A_1524 = arith.addi %mul3A_4, %add3A_1523 : i32
        %dma_wait3A_1525 = arith.constant 0 : i32
        %dma_wait3A_1526 = arith.constant 0 : i32
        %dma_wait3A_1527 = tpu.memref_slice %arg10[%dma_wait3A_1525, %dma_wait3A_1526] : memref<1x3840xf32, #tpu.memory_space<vmem>> -> memref<1x3840xf32, #tpu.memory_space<vmem>>
        %dma_wait3A_1528 = tpu.memref_squeeze %dma_wait3A_1527 : memref<1x3840xf32, #tpu.memory_space<vmem>> -> memref<3840xf32, #tpu.memory_space<vmem>>
        %dma_wait3A_1529 = tpu.memref_slice %arg6[%add3A_1524] : memref<1000008xf32, #tpu.memory_space<vmem_shared>> -> memref<3840xf32, #tpu.memory_space<vmem_shared>>
        %dma_wait3A_1530 = tpu.memref_slice %arg6[%add3A_1524] : memref<1000008xf32, #tpu.memory_space<vmem_shared>> -> memref<3840xf32, #tpu.memory_space<vmem_shared>>
        %dma_wait3A_1531 = arith.constant 0 : i32
        %dma_wait3A_1532 = tpu.memref_slice %arg10[%dma_wait3A_1525, %dma_wait3A_1531] : memref<1x3840xf32, #tpu.memory_space<vmem>> -> memref<1x3840xf32, #tpu.memory_space<vmem>>
        %dma_wait3A_1533 = tpu.memref_squeeze %dma_wait3A_1532 : memref<1x3840xf32, #tpu.memory_space<vmem>> -> memref<3840xf32, #tpu.memory_space<vmem>>
        tpu.wait_dma2 semaphore(%arg19 : memref<!tpu.dma_semaphore, #tpu.memory_space<semaphore_mem>>) src(%dma_wait3A_1533 : memref<3840xf32, #tpu.memory_space<vmem>>) dst(%dma_wait3A_1530 : memref<3840xf32, #tpu.memory_space<vmem_shared>>)
        %add3A_1534 = arith.constant 19200 : i32
        %add3A_1535 = arith.addi %mul3A_4, %add3A_1534 : i32
        %dma_start3A_1536 = arith.constant 0 : i32
        %dma_start3A_1537 = arith.constant 0 : i32
        %dma_start3A_1538 = tpu.memref_slice %arg10[%dma_start3A_1536, %dma_start3A_1537] : memref<1x3840xf32, #tpu.memory_space<vmem>> -> memref<1x3840xf32, #tpu.memory_space<vmem>>
        %dma_start3A_1539 = arith.constant 0 : i32
        %dma_start3A_1540 = tpu.memref_slice %arg13[%dma_start3A_1539] : memref<16xi32, #tpu.memory_space<vmem>> -> memref<1xi32, #tpu.memory_space<vmem>>
        %dma_start3A_1541 = arith.constant 0 : i32
        %dma_start3A_1542 = tpu.memref_slice %arg2[%dma_start3A_1541, %add3A_1535] : memref<300x1000008xf32, #tpu.memory_space<hbm>> -> memref<300x3840xf32, #tpu.memory_space<hbm>>
        tpu.enqueue_indirect_dma source(%dma_start3A_1542 : memref<300x3840xf32, #tpu.memory_space<hbm>>) target(%dma_start3A_1538 : memref<1x3840xf32, #tpu.memory_space<vmem>>) offsets(%dma_start3A_1540 : memref<1xi32, #tpu.memory_space<vmem>>) semaphore(%arg16 : memref<!tpu.dma_semaphore, #tpu.memory_space<semaphore_mem>>)
        %add3A_1543 = arith.constant 7680 : i32
        %add3A_1544 = arith.addi %mul3A_4, %add3A_1543 : i32
        %dma_wait3A_1545 = arith.constant 0 : i32
        %dma_wait3A_1546 = arith.constant 0 : i32
        %dma_wait3A_1547 = tpu.memref_slice %arg11[%dma_wait3A_1545, %dma_wait3A_1546] : memref<1x3840xf32, #tpu.memory_space<vmem>> -> memref<1x3840xf32, #tpu.memory_space<vmem>>
        %dma_wait3A_1548 = arith.constant 0 : i32
        %dma_wait3A_1549 = tpu.memref_slice %arg13[%dma_wait3A_1548] : memref<16xi32, #tpu.memory_space<vmem>> -> memref<1xi32, #tpu.memory_space<vmem>>
        %dma_wait3A_1550 = arith.constant 0 : i32
        %dma_wait3A_1551 = tpu.memref_slice %arg2[%dma_wait3A_1550, %add3A_1544] : memref<300x1000008xf32, #tpu.memory_space<hbm>> -> memref<300x3840xf32, #tpu.memory_space<hbm>>
        tpu.wait_indirect_dma semaphore(%arg17 : memref<!tpu.dma_semaphore, #tpu.memory_space<semaphore_mem>>) src(%dma_wait3A_1551 : memref<300x3840xf32, #tpu.memory_space<hbm>>) dst(%dma_wait3A_1547 : memref<1x3840xf32, #tpu.memory_space<vmem>>)
        %add3A_1552 = arith.constant 7680 : i32
        %add3A_1553 = arith.addi %mul3A_4, %add3A_1552 : i32
        %dma_start3A_1554 = arith.constant 0 : i32
        %dma_start3A_1555 = arith.constant 0 : i32
        %dma_start3A_1556 = tpu.memref_slice %arg11[%dma_start3A_1554, %dma_start3A_1555] : memref<1x3840xf32, #tpu.memory_space<vmem>> -> memref<1x3840xf32, #tpu.memory_space<vmem>>
        %dma_start3A_1557 = tpu.memref_squeeze %dma_start3A_1556 : memref<1x3840xf32, #tpu.memory_space<vmem>> -> memref<3840xf32, #tpu.memory_space<vmem>>
        %dma_start3A_1558 = tpu.memref_slice %arg6[%add3A_1553] : memref<1000008xf32, #tpu.memory_space<vmem_shared>> -> memref<3840xf32, #tpu.memory_space<vmem_shared>>
        %dma_start3A_1559 = tpu.memref_slice %arg6[%add3A_1553] : memref<1000008xf32, #tpu.memory_space<vmem_shared>> -> memref<3840xf32, #tpu.memory_space<vmem_shared>>
        %dma_start3A_1560 = arith.constant 0 : i32
        %dma_start3A_1561 = tpu.memref_slice %arg11[%dma_start3A_1554, %dma_start3A_1560] : memref<1x3840xf32, #tpu.memory_space<vmem>> -> memref<1x3840xf32, #tpu.memory_space<vmem>>
        %dma_start3A_1562 = tpu.memref_squeeze %dma_start3A_1561 : memref<1x3840xf32, #tpu.memory_space<vmem>> -> memref<3840xf32, #tpu.memory_space<vmem>>
        tpu.enqueue_dma source(%dma_start3A_1562 : memref<3840xf32, #tpu.memory_space<vmem>>) target(%dma_start3A_1559 : memref<3840xf32, #tpu.memory_space<vmem_shared>>) target_semaphore(%arg19 : memref<!tpu.dma_semaphore, #tpu.memory_space<semaphore_mem>>)
        %add3A_1563 = arith.constant 7680 : i32
        %add3A_1564 = arith.addi %mul3A_4, %add3A_1563 : i32
        %dma_wait3A_1565 = arith.constant 0 : i32
        %dma_wait3A_1566 = arith.constant 0 : i32
        %dma_wait3A_1567 = tpu.memref_slice %arg11[%dma_wait3A_1565, %dma_wait3A_1566] : memref<1x3840xf32, #tpu.memory_space<vmem>> -> memref<1x3840xf32, #tpu.memory_space<vmem>>
        %dma_wait3A_1568 = tpu.memref_squeeze %dma_wait3A_1567 : memref<1x3840xf32, #tpu.memory_space<vmem>> -> memref<3840xf32, #tpu.memory_space<vmem>>
        %dma_wait3A_1569 = tpu.memref_slice %arg6[%add3A_1564] : memref<1000008xf32, #tpu.memory_space<vmem_shared>> -> memref<3840xf32, #tpu.memory_space<vmem_shared>>
        %dma_wait3A_1570 = tpu.memref_slice %arg6[%add3A_1564] : memref<1000008xf32, #tpu.memory_space<vmem_shared>> -> memref<3840xf32, #tpu.memory_space<vmem_shared>>
        %dma_wait3A_1571 = arith.constant 0 : i32
        %dma_wait3A_1572 = tpu.memref_slice %arg11[%dma_wait3A_1565, %dma_wait3A_1571] : memref<1x3840xf32, #tpu.memory_space<vmem>> -> memref<1x3840xf32, #tpu.memory_space<vmem>>
        %dma_wait3A_1573 = tpu.memref_squeeze %dma_wait3A_1572 : memref<1x3840xf32, #tpu.memory_space<vmem>> -> memref<3840xf32, #tpu.memory_space<vmem>>
        tpu.wait_dma2 semaphore(%arg19 : memref<!tpu.dma_semaphore, #tpu.memory_space<semaphore_mem>>) src(%dma_wait3A_1573 : memref<3840xf32, #tpu.memory_space<vmem>>) dst(%dma_wait3A_1570 : memref<3840xf32, #tpu.memory_space<vmem_shared>>)
        %add3A_1574 = arith.constant 23040 : i32
        %add3A_1575 = arith.addi %mul3A_4, %add3A_1574 : i32
        %dma_start3A_1576 = arith.constant 0 : i32
        %dma_start3A_1577 = arith.constant 0 : i32
        %dma_start3A_1578 = tpu.memref_slice %arg11[%dma_start3A_1576, %dma_start3A_1577] : memref<1x3840xf32, #tpu.memory_space<vmem>> -> memref<1x3840xf32, #tpu.memory_space<vmem>>
        %dma_start3A_1579 = arith.constant 0 : i32
        %dma_start3A_1580 = tpu.memref_slice %arg13[%dma_start3A_1579] : memref<16xi32, #tpu.memory_space<vmem>> -> memref<1xi32, #tpu.memory_space<vmem>>
        %dma_start3A_1581 = arith.constant 0 : i32
        %dma_start3A_1582 = tpu.memref_slice %arg2[%dma_start3A_1581, %add3A_1575] : memref<300x1000008xf32, #tpu.memory_space<hbm>> -> memref<300x3840xf32, #tpu.memory_space<hbm>>
        tpu.enqueue_indirect_dma source(%dma_start3A_1582 : memref<300x3840xf32, #tpu.memory_space<hbm>>) target(%dma_start3A_1578 : memref<1x3840xf32, #tpu.memory_space<vmem>>) offsets(%dma_start3A_1580 : memref<1xi32, #tpu.memory_space<vmem>>) semaphore(%arg17 : memref<!tpu.dma_semaphore, #tpu.memory_space<semaphore_mem>>)
        %add3A_1583 = arith.constant 11520 : i32
        %add3A_1584 = arith.addi %mul3A_4, %add3A_1583 : i32
        %dma_wait3A_1585 = arith.constant 0 : i32
        %dma_wait3A_1586 = arith.constant 0 : i32
        %dma_wait3A_1587 = tpu.memref_slice %arg12[%dma_wait3A_1585, %dma_wait3A_1586] : memref<1x3840xf32, #tpu.memory_space<vmem>> -> memref<1x3840xf32, #tpu.memory_space<vmem>>
        %dma_wait3A_1588 = arith.constant 0 : i32
        %dma_wait3A_1589 = tpu.memref_slice %arg13[%dma_wait3A_1588] : memref<16xi32, #tpu.memory_space<vmem>> -> memref<1xi32, #tpu.memory_space<vmem>>
        %dma_wait3A_1590 = arith.constant 0 : i32
        %dma_wait3A_1591 = tpu.memref_slice %arg2[%dma_wait3A_1590, %add3A_1584] : memref<300x1000008xf32, #tpu.memory_space<hbm>> -> memref<300x3840xf32, #tpu.memory_space<hbm>>
        tpu.wait_indirect_dma semaphore(%arg18 : memref<!tpu.dma_semaphore, #tpu.memory_space<semaphore_mem>>) src(%dma_wait3A_1591 : memref<300x3840xf32, #tpu.memory_space<hbm>>) dst(%dma_wait3A_1587 : memref<1x3840xf32, #tpu.memory_space<vmem>>)
        %add3A_1592 = arith.constant 11520 : i32
        %add3A_1593 = arith.addi %mul3A_4, %add3A_1592 : i32
        %dma_start3A_1594 = arith.constant 0 : i32
        %dma_start3A_1595 = arith.constant 0 : i32
        %dma_start3A_1596 = tpu.memref_slice %arg12[%dma_start3A_1594, %dma_start3A_1595] : memref<1x3840xf32, #tpu.memory_space<vmem>> -> memref<1x3840xf32, #tpu.memory_space<vmem>>
        %dma_start3A_1597 = tpu.memref_squeeze %dma_start3A_1596 : memref<1x3840xf32, #tpu.memory_space<vmem>> -> memref<3840xf32, #tpu.memory_space<vmem>>
        %dma_start3A_1598 = tpu.memref_slice %arg6[%add3A_1593] : memref<1000008xf32, #tpu.memory_space<vmem_shared>> -> memref<3840xf32, #tpu.memory_space<vmem_shared>>
        %dma_start3A_1599 = tpu.memref_slice %arg6[%add3A_1593] : memref<1000008xf32, #tpu.memory_space<vmem_shared>> -> memref<3840xf32, #tpu.memory_space<vmem_shared>>
        %dma_start3A_1600 = arith.constant 0 : i32
        %dma_start3A_1601 = tpu.memref_slice %arg12[%dma_start3A_1594, %dma_start3A_1600] : memref<1x3840xf32, #tpu.memory_space<vmem>> -> memref<1x3840xf32, #tpu.memory_space<vmem>>
        %dma_start3A_1602 = tpu.memref_squeeze %dma_start3A_1601 : memref<1x3840xf32, #tpu.memory_space<vmem>> -> memref<3840xf32, #tpu.memory_space<vmem>>
        tpu.enqueue_dma source(%dma_start3A_1602 : memref<3840xf32, #tpu.memory_space<vmem>>) target(%dma_start3A_1599 : memref<3840xf32, #tpu.memory_space<vmem_shared>>) target_semaphore(%arg19 : memref<!tpu.dma_semaphore, #tpu.memory_space<semaphore_mem>>)
        %add3A_1603 = arith.constant 11520 : i32
        %add3A_1604 = arith.addi %mul3A_4, %add3A_1603 : i32
        %dma_wait3A_1605 = arith.constant 0 : i32
        %dma_wait3A_1606 = arith.constant 0 : i32
        %dma_wait3A_1607 = tpu.memref_slice %arg12[%dma_wait3A_1605, %dma_wait3A_1606] : memref<1x3840xf32, #tpu.memory_space<vmem>> -> memref<1x3840xf32, #tpu.memory_space<vmem>>
        %dma_wait3A_1608 = tpu.memref_squeeze %dma_wait3A_1607 : memref<1x3840xf32, #tpu.memory_space<vmem>> -> memref<3840xf32, #tpu.memory_space<vmem>>
        %dma_wait3A_1609 = tpu.memref_slice %arg6[%add3A_1604] : memref<1000008xf32, #tpu.memory_space<vmem_shared>> -> memref<3840xf32, #tpu.memory_space<vmem_shared>>
        %dma_wait3A_1610 = tpu.memref_slice %arg6[%add3A_1604] : memref<1000008xf32, #tpu.memory_space<vmem_shared>> -> memref<3840xf32, #tpu.memory_space<vmem_shared>>
        %dma_wait3A_1611 = arith.constant 0 : i32
        %dma_wait3A_1612 = tpu.memref_slice %arg12[%dma_wait3A_1605, %dma_wait3A_1611] : memref<1x3840xf32, #tpu.memory_space<vmem>> -> memref<1x3840xf32, #tpu.memory_space<vmem>>
        %dma_wait3A_1613 = tpu.memref_squeeze %dma_wait3A_1612 : memref<1x3840xf32, #tpu.memory_space<vmem>> -> memref<3840xf32, #tpu.memory_space<vmem>>
        tpu.wait_dma2 semaphore(%arg19 : memref<!tpu.dma_semaphore, #tpu.memory_space<semaphore_mem>>) src(%dma_wait3A_1613 : memref<3840xf32, #tpu.memory_space<vmem>>) dst(%dma_wait3A_1610 : memref<3840xf32, #tpu.memory_space<vmem_shared>>)
        %add3A_1614 = arith.constant 26880 : i32
        %add3A_1615 = arith.addi %mul3A_4, %add3A_1614 : i32
        %dma_start3A_1616 = arith.constant 0 : i32
        %dma_start3A_1617 = arith.constant 0 : i32
        %dma_start3A_1618 = tpu.memref_slice %arg12[%dma_start3A_1616, %dma_start3A_1617] : memref<1x3840xf32, #tpu.memory_space<vmem>> -> memref<1x3840xf32, #tpu.memory_space<vmem>>
        %dma_start3A_1619 = arith.constant 0 : i32
        %dma_start3A_1620 = tpu.memref_slice %arg13[%dma_start3A_1619] : memref<16xi32, #tpu.memory_space<vmem>> -> memref<1xi32, #tpu.memory_space<vmem>>
        %dma_start3A_1621 = arith.constant 0 : i32
        %dma_start3A_1622 = tpu.memref_slice %arg2[%dma_start3A_1621, %add3A_1615] : memref<300x1000008xf32, #tpu.memory_space<hbm>> -> memref<300x3840xf32, #tpu.memory_space<hbm>>
        tpu.enqueue_indirect_dma source(%dma_start3A_1622 : memref<300x3840xf32, #tpu.memory_space<hbm>>) target(%dma_start3A_1618 : memref<1x3840xf32, #tpu.memory_space<vmem>>) offsets(%dma_start3A_1620 : memref<1xi32, #tpu.memory_space<vmem>>) semaphore(%arg18 : memref<!tpu.dma_semaphore, #tpu.memory_space<semaphore_mem>>)
        %add3A_1623 = arith.constant 15360 : i32
        %add3A_1624 = arith.addi %mul3A_4, %add3A_1623 : i32
        %dma_wait3A_1625 = arith.constant 0 : i32
        %dma_wait3A_1626 = arith.constant 0 : i32
        %dma_wait3A_1627 = tpu.memref_slice %arg9[%dma_wait3A_1625, %dma_wait3A_1626] : memref<1x3840xf32, #tpu.memory_space<vmem>> -> memref<1x3840xf32, #tpu.memory_space<vmem>>
        %dma_wait3A_1628 = arith.constant 0 : i32
        %dma_wait3A_1629 = tpu.memref_slice %arg13[%dma_wait3A_1628] : memref<16xi32, #tpu.memory_space<vmem>> -> memref<1xi32, #tpu.memory_space<vmem>>
        %dma_wait3A_1630 = arith.constant 0 : i32
        %dma_wait3A_1631 = tpu.memref_slice %arg2[%dma_wait3A_1630, %add3A_1624] : memref<300x1000008xf32, #tpu.memory_space<hbm>> -> memref<300x3840xf32, #tpu.memory_space<hbm>>
        tpu.wait_indirect_dma semaphore(%arg15 : memref<!tpu.dma_semaphore, #tpu.memory_space<semaphore_mem>>) src(%dma_wait3A_1631 : memref<300x3840xf32, #tpu.memory_space<hbm>>) dst(%dma_wait3A_1627 : memref<1x3840xf32, #tpu.memory_space<vmem>>)
        %add3A_1632 = arith.constant 15360 : i32
        %add3A_1633 = arith.addi %mul3A_4, %add3A_1632 : i32
        %dma_start3A_1634 = arith.constant 0 : i32
        %dma_start3A_1635 = arith.constant 0 : i32
        %dma_start3A_1636 = tpu.memref_slice %arg9[%dma_start3A_1634, %dma_start3A_1635] : memref<1x3840xf32, #tpu.memory_space<vmem>> -> memref<1x3840xf32, #tpu.memory_space<vmem>>
        %dma_start3A_1637 = tpu.memref_squeeze %dma_start3A_1636 : memref<1x3840xf32, #tpu.memory_space<vmem>> -> memref<3840xf32, #tpu.memory_space<vmem>>
        %dma_start3A_1638 = tpu.memref_slice %arg6[%add3A_1633] : memref<1000008xf32, #tpu.memory_space<vmem_shared>> -> memref<3840xf32, #tpu.memory_space<vmem_shared>>
        %dma_start3A_1639 = tpu.memref_slice %arg6[%add3A_1633] : memref<1000008xf32, #tpu.memory_space<vmem_shared>> -> memref<3840xf32, #tpu.memory_space<vmem_shared>>
        %dma_start3A_1640 = arith.constant 0 : i32
        %dma_start3A_1641 = tpu.memref_slice %arg9[%dma_start3A_1634, %dma_start3A_1640] : memref<1x3840xf32, #tpu.memory_space<vmem>> -> memref<1x3840xf32, #tpu.memory_space<vmem>>
        %dma_start3A_1642 = tpu.memref_squeeze %dma_start3A_1641 : memref<1x3840xf32, #tpu.memory_space<vmem>> -> memref<3840xf32, #tpu.memory_space<vmem>>
        tpu.enqueue_dma source(%dma_start3A_1642 : memref<3840xf32, #tpu.memory_space<vmem>>) target(%dma_start3A_1639 : memref<3840xf32, #tpu.memory_space<vmem_shared>>) target_semaphore(%arg19 : memref<!tpu.dma_semaphore, #tpu.memory_space<semaphore_mem>>)
        %add3A_1643 = arith.constant 15360 : i32
        %add3A_1644 = arith.addi %mul3A_4, %add3A_1643 : i32
        %dma_wait3A_1645 = arith.constant 0 : i32
        %dma_wait3A_1646 = arith.constant 0 : i32
        %dma_wait3A_1647 = tpu.memref_slice %arg9[%dma_wait3A_1645, %dma_wait3A_1646] : memref<1x3840xf32, #tpu.memory_space<vmem>> -> memref<1x3840xf32, #tpu.memory_space<vmem>>
        %dma_wait3A_1648 = tpu.memref_squeeze %dma_wait3A_1647 : memref<1x3840xf32, #tpu.memory_space<vmem>> -> memref<3840xf32, #tpu.memory_space<vmem>>
        %dma_wait3A_1649 = tpu.memref_slice %arg6[%add3A_1644] : memref<1000008xf32, #tpu.memory_space<vmem_shared>> -> memref<3840xf32, #tpu.memory_space<vmem_shared>>
        %dma_wait3A_1650 = tpu.memref_slice %arg6[%add3A_1644] : memref<1000008xf32, #tpu.memory_space<vmem_shared>> -> memref<3840xf32, #tpu.memory_space<vmem_shared>>
        %dma_wait3A_1651 = arith.constant 0 : i32
        %dma_wait3A_1652 = tpu.memref_slice %arg9[%dma_wait3A_1645, %dma_wait3A_1651] : memref<1x3840xf32, #tpu.memory_space<vmem>> -> memref<1x3840xf32, #tpu.memory_space<vmem>>
        %dma_wait3A_1653 = tpu.memref_squeeze %dma_wait3A_1652 : memref<1x3840xf32, #tpu.memory_space<vmem>> -> memref<3840xf32, #tpu.memory_space<vmem>>
        tpu.wait_dma2 semaphore(%arg19 : memref<!tpu.dma_semaphore, #tpu.memory_space<semaphore_mem>>) src(%dma_wait3A_1653 : memref<3840xf32, #tpu.memory_space<vmem>>) dst(%dma_wait3A_1650 : memref<3840xf32, #tpu.memory_space<vmem_shared>>)
        %add3A_1654 = arith.constant 30720 : i32
        %add3A_1655 = arith.addi %mul3A_4, %add3A_1654 : i32
        %dma_start3A_1656 = arith.constant 0 : i32
        %dma_start3A_1657 = arith.constant 0 : i32
        %dma_start3A_1658 = tpu.memref_slice %arg9[%dma_start3A_1656, %dma_start3A_1657] : memref<1x3840xf32, #tpu.memory_space<vmem>> -> memref<1x3840xf32, #tpu.memory_space<vmem>>
        %dma_start3A_1659 = arith.constant 0 : i32
        %dma_start3A_1660 = tpu.memref_slice %arg13[%dma_start3A_1659] : memref<16xi32, #tpu.memory_space<vmem>> -> memref<1xi32, #tpu.memory_space<vmem>>
        %dma_start3A_1661 = arith.constant 0 : i32
        %dma_start3A_1662 = tpu.memref_slice %arg2[%dma_start3A_1661, %add3A_1655] : memref<300x1000008xf32, #tpu.memory_space<hbm>> -> memref<300x3840xf32, #tpu.memory_space<hbm>>
        tpu.enqueue_indirect_dma source(%dma_start3A_1662 : memref<300x3840xf32, #tpu.memory_space<hbm>>) target(%dma_start3A_1658 : memref<1x3840xf32, #tpu.memory_space<vmem>>) offsets(%dma_start3A_1660 : memref<1xi32, #tpu.memory_space<vmem>>) semaphore(%arg15 : memref<!tpu.dma_semaphore, #tpu.memory_space<semaphore_mem>>)
        %add3A_1663 = arith.constant 19200 : i32
        %add3A_1664 = arith.addi %mul3A_4, %add3A_1663 : i32
        %dma_wait3A_1665 = arith.constant 0 : i32
        %dma_wait3A_1666 = arith.constant 0 : i32
        %dma_wait3A_1667 = tpu.memref_slice %arg10[%dma_wait3A_1665, %dma_wait3A_1666] : memref<1x3840xf32, #tpu.memory_space<vmem>> -> memref<1x3840xf32, #tpu.memory_space<vmem>>
        %dma_wait3A_1668 = arith.constant 0 : i32
        %dma_wait3A_1669 = tpu.memref_slice %arg13[%dma_wait3A_1668] : memref<16xi32, #tpu.memory_space<vmem>> -> memref<1xi32, #tpu.memory_space<vmem>>
        %dma_wait3A_1670 = arith.constant 0 : i32
        %dma_wait3A_1671 = tpu.memref_slice %arg2[%dma_wait3A_1670, %add3A_1664] : memref<300x1000008xf32, #tpu.memory_space<hbm>> -> memref<300x3840xf32, #tpu.memory_space<hbm>>
        tpu.wait_indirect_dma semaphore(%arg16 : memref<!tpu.dma_semaphore, #tpu.memory_space<semaphore_mem>>) src(%dma_wait3A_1671 : memref<300x3840xf32, #tpu.memory_space<hbm>>) dst(%dma_wait3A_1667 : memref<1x3840xf32, #tpu.memory_space<vmem>>)
        %add3A_1672 = arith.constant 19200 : i32
        %add3A_1673 = arith.addi %mul3A_4, %add3A_1672 : i32
        %dma_start3A_1674 = arith.constant 0 : i32
        %dma_start3A_1675 = arith.constant 0 : i32
        %dma_start3A_1676 = tpu.memref_slice %arg10[%dma_start3A_1674, %dma_start3A_1675] : memref<1x3840xf32, #tpu.memory_space<vmem>> -> memref<1x3840xf32, #tpu.memory_space<vmem>>
        %dma_start3A_1677 = tpu.memref_squeeze %dma_start3A_1676 : memref<1x3840xf32, #tpu.memory_space<vmem>> -> memref<3840xf32, #tpu.memory_space<vmem>>
        %dma_start3A_1678 = tpu.memref_slice %arg6[%add3A_1673] : memref<1000008xf32, #tpu.memory_space<vmem_shared>> -> memref<3840xf32, #tpu.memory_space<vmem_shared>>
        %dma_start3A_1679 = tpu.memref_slice %arg6[%add3A_1673] : memref<1000008xf32, #tpu.memory_space<vmem_shared>> -> memref<3840xf32, #tpu.memory_space<vmem_shared>>
        %dma_start3A_1680 = arith.constant 0 : i32
        %dma_start3A_1681 = tpu.memref_slice %arg10[%dma_start3A_1674, %dma_start3A_1680] : memref<1x3840xf32, #tpu.memory_space<vmem>> -> memref<1x3840xf32, #tpu.memory_space<vmem>>
        %dma_start3A_1682 = tpu.memref_squeeze %dma_start3A_1681 : memref<1x3840xf32, #tpu.memory_space<vmem>> -> memref<3840xf32, #tpu.memory_space<vmem>>
        tpu.enqueue_dma source(%dma_start3A_1682 : memref<3840xf32, #tpu.memory_space<vmem>>) target(%dma_start3A_1679 : memref<3840xf32, #tpu.memory_space<vmem_shared>>) target_semaphore(%arg19 : memref<!tpu.dma_semaphore, #tpu.memory_space<semaphore_mem>>)
        %add3A_1683 = arith.constant 19200 : i32
        %add3A_1684 = arith.addi %mul3A_4, %add3A_1683 : i32
        %dma_wait3A_1685 = arith.constant 0 : i32
        %dma_wait3A_1686 = arith.constant 0 : i32
        %dma_wait3A_1687 = tpu.memref_slice %arg10[%dma_wait3A_1685, %dma_wait3A_1686] : memref<1x3840xf32, #tpu.memory_space<vmem>> -> memref<1x3840xf32, #tpu.memory_space<vmem>>
        %dma_wait3A_1688 = tpu.memref_squeeze %dma_wait3A_1687 : memref<1x3840xf32, #tpu.memory_space<vmem>> -> memref<3840xf32, #tpu.memory_space<vmem>>
        %dma_wait3A_1689 = tpu.memref_slice %arg6[%add3A_1684] : memref<1000008xf32, #tpu.memory_space<vmem_shared>> -> memref<3840xf32, #tpu.memory_space<vmem_shared>>
        %dma_wait3A_1690 = tpu.memref_slice %arg6[%add3A_1684] : memref<1000008xf32, #tpu.memory_space<vmem_shared>> -> memref<3840xf32, #tpu.memory_space<vmem_shared>>
        %dma_wait3A_1691 = arith.constant 0 : i32
        %dma_wait3A_1692 = tpu.memref_slice %arg10[%dma_wait3A_1685, %dma_wait3A_1691] : memref<1x3840xf32, #tpu.memory_space<vmem>> -> memref<1x3840xf32, #tpu.memory_space<vmem>>
        %dma_wait3A_1693 = tpu.memref_squeeze %dma_wait3A_1692 : memref<1x3840xf32, #tpu.memory_space<vmem>> -> memref<3840xf32, #tpu.memory_space<vmem>>
        tpu.wait_dma2 semaphore(%arg19 : memref<!tpu.dma_semaphore, #tpu.memory_space<semaphore_mem>>) src(%dma_wait3A_1693 : memref<3840xf32, #tpu.memory_space<vmem>>) dst(%dma_wait3A_1690 : memref<3840xf32, #tpu.memory_space<vmem_shared>>)
        %add3A_1694 = arith.constant 34560 : i32
        %add3A_1695 = arith.addi %mul3A_4, %add3A_1694 : i32
        %dma_start3A_1696 = arith.constant 0 : i32
        %dma_start3A_1697 = arith.constant 0 : i32
        %dma_start3A_1698 = tpu.memref_slice %arg10[%dma_start3A_1696, %dma_start3A_1697] : memref<1x3840xf32, #tpu.memory_space<vmem>> -> memref<1x3840xf32, #tpu.memory_space<vmem>>
        %dma_start3A_1699 = arith.constant 0 : i32
        %dma_start3A_1700 = tpu.memref_slice %arg13[%dma_start3A_1699] : memref<16xi32, #tpu.memory_space<vmem>> -> memref<1xi32, #tpu.memory_space<vmem>>
        %dma_start3A_1701 = arith.constant 0 : i32
        %dma_start3A_1702 = tpu.memref_slice %arg2[%dma_start3A_1701, %add3A_1695] : memref<300x1000008xf32, #tpu.memory_space<hbm>> -> memref<300x3840xf32, #tpu.memory_space<hbm>>
        tpu.enqueue_indirect_dma source(%dma_start3A_1702 : memref<300x3840xf32, #tpu.memory_space<hbm>>) target(%dma_start3A_1698 : memref<1x3840xf32, #tpu.memory_space<vmem>>) offsets(%dma_start3A_1700 : memref<1xi32, #tpu.memory_space<vmem>>) semaphore(%arg16 : memref<!tpu.dma_semaphore, #tpu.memory_space<semaphore_mem>>)
        %add3A_1703 = arith.constant 23040 : i32
        %add3A_1704 = arith.addi %mul3A_4, %add3A_1703 : i32
        %dma_wait3A_1705 = arith.constant 0 : i32
        %dma_wait3A_1706 = arith.constant 0 : i32
        %dma_wait3A_1707 = tpu.memref_slice %arg11[%dma_wait3A_1705, %dma_wait3A_1706] : memref<1x3840xf32, #tpu.memory_space<vmem>> -> memref<1x3840xf32, #tpu.memory_space<vmem>>
        %dma_wait3A_1708 = arith.constant 0 : i32
        %dma_wait3A_1709 = tpu.memref_slice %arg13[%dma_wait3A_1708] : memref<16xi32, #tpu.memory_space<vmem>> -> memref<1xi32, #tpu.memory_space<vmem>>
        %dma_wait3A_1710 = arith.constant 0 : i32
        %dma_wait3A_1711 = tpu.memref_slice %arg2[%dma_wait3A_1710, %add3A_1704] : memref<300x1000008xf32, #tpu.memory_space<hbm>> -> memref<300x3840xf32, #tpu.memory_space<hbm>>
        tpu.wait_indirect_dma semaphore(%arg17 : memref<!tpu.dma_semaphore, #tpu.memory_space<semaphore_mem>>) src(%dma_wait3A_1711 : memref<300x3840xf32, #tpu.memory_space<hbm>>) dst(%dma_wait3A_1707 : memref<1x3840xf32, #tpu.memory_space<vmem>>)
        %add3A_1712 = arith.constant 23040 : i32
        %add3A_1713 = arith.addi %mul3A_4, %add3A_1712 : i32
        %dma_start3A_1714 = arith.constant 0 : i32
        %dma_start3A_1715 = arith.constant 0 : i32
        %dma_start3A_1716 = tpu.memref_slice %arg11[%dma_start3A_1714, %dma_start3A_1715] : memref<1x3840xf32, #tpu.memory_space<vmem>> -> memref<1x3840xf32, #tpu.memory_space<vmem>>
        %dma_start3A_1717 = tpu.memref_squeeze %dma_start3A_1716 : memref<1x3840xf32, #tpu.memory_space<vmem>> -> memref<3840xf32, #tpu.memory_space<vmem>>
        %dma_start3A_1718 = tpu.memref_slice %arg6[%add3A_1713] : memref<1000008xf32, #tpu.memory_space<vmem_shared>> -> memref<3840xf32, #tpu.memory_space<vmem_shared>>
        %dma_start3A_1719 = tpu.memref_slice %arg6[%add3A_1713] : memref<1000008xf32, #tpu.memory_space<vmem_shared>> -> memref<3840xf32, #tpu.memory_space<vmem_shared>>
        %dma_start3A_1720 = arith.constant 0 : i32
        %dma_start3A_1721 = tpu.memref_slice %arg11[%dma_start3A_1714, %dma_start3A_1720] : memref<1x3840xf32, #tpu.memory_space<vmem>> -> memref<1x3840xf32, #tpu.memory_space<vmem>>
        %dma_start3A_1722 = tpu.memref_squeeze %dma_start3A_1721 : memref<1x3840xf32, #tpu.memory_space<vmem>> -> memref<3840xf32, #tpu.memory_space<vmem>>
        tpu.enqueue_dma source(%dma_start3A_1722 : memref<3840xf32, #tpu.memory_space<vmem>>) target(%dma_start3A_1719 : memref<3840xf32, #tpu.memory_space<vmem_shared>>) target_semaphore(%arg19 : memref<!tpu.dma_semaphore, #tpu.memory_space<semaphore_mem>>)
        %add3A_1723 = arith.constant 23040 : i32
        %add3A_1724 = arith.addi %mul3A_4, %add3A_1723 : i32
        %dma_wait3A_1725 = arith.constant 0 : i32
        %dma_wait3A_1726 = arith.constant 0 : i32
        %dma_wait3A_1727 = tpu.memref_slice %arg11[%dma_wait3A_1725, %dma_wait3A_1726] : memref<1x3840xf32, #tpu.memory_space<vmem>> -> memref<1x3840xf32, #tpu.memory_space<vmem>>
        %dma_wait3A_1728 = tpu.memref_squeeze %dma_wait3A_1727 : memref<1x3840xf32, #tpu.memory_space<vmem>> -> memref<3840xf32, #tpu.memory_space<vmem>>
        %dma_wait3A_1729 = tpu.memref_slice %arg6[%add3A_1724] : memref<1000008xf32, #tpu.memory_space<vmem_shared>> -> memref<3840xf32, #tpu.memory_space<vmem_shared>>
        %dma_wait3A_1730 = tpu.memref_slice %arg6[%add3A_1724] : memref<1000008xf32, #tpu.memory_space<vmem_shared>> -> memref<3840xf32, #tpu.memory_space<vmem_shared>>
        %dma_wait3A_1731 = arith.constant 0 : i32
        %dma_wait3A_1732 = tpu.memref_slice %arg11[%dma_wait3A_1725, %dma_wait3A_1731] : memref<1x3840xf32, #tpu.memory_space<vmem>> -> memref<1x3840xf32, #tpu.memory_space<vmem>>
        %dma_wait3A_1733 = tpu.memref_squeeze %dma_wait3A_1732 : memref<1x3840xf32, #tpu.memory_space<vmem>> -> memref<3840xf32, #tpu.memory_space<vmem>>
        tpu.wait_dma2 semaphore(%arg19 : memref<!tpu.dma_semaphore, #tpu.memory_space<semaphore_mem>>) src(%dma_wait3A_1733 : memref<3840xf32, #tpu.memory_space<vmem>>) dst(%dma_wait3A_1730 : memref<3840xf32, #tpu.memory_space<vmem_shared>>)
        %add3A_1734 = arith.constant 38400 : i32
        %add3A_1735 = arith.addi %mul3A_4, %add3A_1734 : i32
        %dma_start3A_1736 = arith.constant 0 : i32
        %dma_start3A_1737 = arith.constant 0 : i32
        %dma_start3A_1738 = tpu.memref_slice %arg11[%dma_start3A_1736, %dma_start3A_1737] : memref<1x3840xf32, #tpu.memory_space<vmem>> -> memref<1x3840xf32, #tpu.memory_space<vmem>>
        %dma_start3A_1739 = arith.constant 0 : i32
        %dma_start3A_1740 = tpu.memref_slice %arg13[%dma_start3A_1739] : memref<16xi32, #tpu.memory_space<vmem>> -> memref<1xi32, #tpu.memory_space<vmem>>
        %dma_start3A_1741 = arith.constant 0 : i32
        %dma_start3A_1742 = tpu.memref_slice %arg2[%dma_start3A_1741, %add3A_1735] : memref<300x1000008xf32, #tpu.memory_space<hbm>> -> memref<300x3840xf32, #tpu.memory_space<hbm>>
        tpu.enqueue_indirect_dma source(%dma_start3A_1742 : memref<300x3840xf32, #tpu.memory_space<hbm>>) target(%dma_start3A_1738 : memref<1x3840xf32, #tpu.memory_space<vmem>>) offsets(%dma_start3A_1740 : memref<1xi32, #tpu.memory_space<vmem>>) semaphore(%arg17 : memref<!tpu.dma_semaphore, #tpu.memory_space<semaphore_mem>>)
        %add3A_1743 = arith.constant 26880 : i32
        %add3A_1744 = arith.addi %mul3A_4, %add3A_1743 : i32
        %dma_wait3A_1745 = arith.constant 0 : i32
        %dma_wait3A_1746 = arith.constant 0 : i32
        %dma_wait3A_1747 = tpu.memref_slice %arg12[%dma_wait3A_1745, %dma_wait3A_1746] : memref<1x3840xf32, #tpu.memory_space<vmem>> -> memref<1x3840xf32, #tpu.memory_space<vmem>>
        %dma_wait3A_1748 = arith.constant 0 : i32
        %dma_wait3A_1749 = tpu.memref_slice %arg13[%dma_wait3A_1748] : memref<16xi32, #tpu.memory_space<vmem>> -> memref<1xi32, #tpu.memory_space<vmem>>
        %dma_wait3A_1750 = arith.constant 0 : i32
        %dma_wait3A_1751 = tpu.memref_slice %arg2[%dma_wait3A_1750, %add3A_1744] : memref<300x1000008xf32, #tpu.memory_space<hbm>> -> memref<300x3840xf32, #tpu.memory_space<hbm>>
        tpu.wait_indirect_dma semaphore(%arg18 : memref<!tpu.dma_semaphore, #tpu.memory_space<semaphore_mem>>) src(%dma_wait3A_1751 : memref<300x3840xf32, #tpu.memory_space<hbm>>) dst(%dma_wait3A_1747 : memref<1x3840xf32, #tpu.memory_space<vmem>>)
        %add3A_1752 = arith.constant 26880 : i32
        %add3A_1753 = arith.addi %mul3A_4, %add3A_1752 : i32
        %dma_start3A_1754 = arith.constant 0 : i32
        %dma_start3A_1755 = arith.constant 0 : i32
        %dma_start3A_1756 = tpu.memref_slice %arg12[%dma_start3A_1754, %dma_start3A_1755] : memref<1x3840xf32, #tpu.memory_space<vmem>> -> memref<1x3840xf32, #tpu.memory_space<vmem>>
        %dma_start3A_1757 = tpu.memref_squeeze %dma_start3A_1756 : memref<1x3840xf32, #tpu.memory_space<vmem>> -> memref<3840xf32, #tpu.memory_space<vmem>>
        %dma_start3A_1758 = tpu.memref_slice %arg6[%add3A_1753] : memref<1000008xf32, #tpu.memory_space<vmem_shared>> -> memref<3840xf32, #tpu.memory_space<vmem_shared>>
        %dma_start3A_1759 = tpu.memref_slice %arg6[%add3A_1753] : memref<1000008xf32, #tpu.memory_space<vmem_shared>> -> memref<3840xf32, #tpu.memory_space<vmem_shared>>
        %dma_start3A_1760 = arith.constant 0 : i32
        %dma_start3A_1761 = tpu.memref_slice %arg12[%dma_start3A_1754, %dma_start3A_1760] : memref<1x3840xf32, #tpu.memory_space<vmem>> -> memref<1x3840xf32, #tpu.memory_space<vmem>>
        %dma_start3A_1762 = tpu.memref_squeeze %dma_start3A_1761 : memref<1x3840xf32, #tpu.memory_space<vmem>> -> memref<3840xf32, #tpu.memory_space<vmem>>
        tpu.enqueue_dma source(%dma_start3A_1762 : memref<3840xf32, #tpu.memory_space<vmem>>) target(%dma_start3A_1759 : memref<3840xf32, #tpu.memory_space<vmem_shared>>) target_semaphore(%arg19 : memref<!tpu.dma_semaphore, #tpu.memory_space<semaphore_mem>>)
        %add3A_1763 = arith.constant 26880 : i32
        %add3A_1764 = arith.addi %mul3A_4, %add3A_1763 : i32
        %dma_wait3A_1765 = arith.constant 0 : i32
        %dma_wait3A_1766 = arith.constant 0 : i32
        %dma_wait3A_1767 = tpu.memref_slice %arg12[%dma_wait3A_1765, %dma_wait3A_1766] : memref<1x3840xf32, #tpu.memory_space<vmem>> -> memref<1x3840xf32, #tpu.memory_space<vmem>>
        %dma_wait3A_1768 = tpu.memref_squeeze %dma_wait3A_1767 : memref<1x3840xf32, #tpu.memory_space<vmem>> -> memref<3840xf32, #tpu.memory_space<vmem>>
        %dma_wait3A_1769 = tpu.memref_slice %arg6[%add3A_1764] : memref<1000008xf32, #tpu.memory_space<vmem_shared>> -> memref<3840xf32, #tpu.memory_space<vmem_shared>>
        %dma_wait3A_1770 = tpu.memref_slice %arg6[%add3A_1764] : memref<1000008xf32, #tpu.memory_space<vmem_shared>> -> memref<3840xf32, #tpu.memory_space<vmem_shared>>
        %dma_wait3A_1771 = arith.constant 0 : i32
        %dma_wait3A_1772 = tpu.memref_slice %arg12[%dma_wait3A_1765, %dma_wait3A_1771] : memref<1x3840xf32, #tpu.memory_space<vmem>> -> memref<1x3840xf32, #tpu.memory_space<vmem>>
        %dma_wait3A_1773 = tpu.memref_squeeze %dma_wait3A_1772 : memref<1x3840xf32, #tpu.memory_space<vmem>> -> memref<3840xf32, #tpu.memory_space<vmem>>
        tpu.wait_dma2 semaphore(%arg19 : memref<!tpu.dma_semaphore, #tpu.memory_space<semaphore_mem>>) src(%dma_wait3A_1773 : memref<3840xf32, #tpu.memory_space<vmem>>) dst(%dma_wait3A_1770 : memref<3840xf32, #tpu.memory_space<vmem_shared>>)
        %add3A_1774 = arith.constant 42240 : i32
        %add3A_1775 = arith.addi %mul3A_4, %add3A_1774 : i32
        %dma_start3A_1776 = arith.constant 0 : i32
        %dma_start3A_1777 = arith.constant 0 : i32
        %dma_start3A_1778 = tpu.memref_slice %arg12[%dma_start3A_1776, %dma_start3A_1777] : memref<1x3840xf32, #tpu.memory_space<vmem>> -> memref<1x3840xf32, #tpu.memory_space<vmem>>
        %dma_start3A_1779 = arith.constant 0 : i32
        %dma_start3A_1780 = tpu.memref_slice %arg13[%dma_start3A_1779] : memref<16xi32, #tpu.memory_space<vmem>> -> memref<1xi32, #tpu.memory_space<vmem>>
        %dma_start3A_1781 = arith.constant 0 : i32
        %dma_start3A_1782 = tpu.memref_slice %arg2[%dma_start3A_1781, %add3A_1775] : memref<300x1000008xf32, #tpu.memory_space<hbm>> -> memref<300x3840xf32, #tpu.memory_space<hbm>>
        tpu.enqueue_indirect_dma source(%dma_start3A_1782 : memref<300x3840xf32, #tpu.memory_space<hbm>>) target(%dma_start3A_1778 : memref<1x3840xf32, #tpu.memory_space<vmem>>) offsets(%dma_start3A_1780 : memref<1xi32, #tpu.memory_space<vmem>>) semaphore(%arg18 : memref<!tpu.dma_semaphore, #tpu.memory_space<semaphore_mem>>)
        %add3A_1783 = arith.constant 30720 : i32
        %add3A_1784 = arith.addi %mul3A_4, %add3A_1783 : i32
        %dma_wait3A_1785 = arith.constant 0 : i32
        %dma_wait3A_1786 = arith.constant 0 : i32
        %dma_wait3A_1787 = tpu.memref_slice %arg9[%dma_wait3A_1785, %dma_wait3A_1786] : memref<1x3840xf32, #tpu.memory_space<vmem>> -> memref<1x3840xf32, #tpu.memory_space<vmem>>
        %dma_wait3A_1788 = arith.constant 0 : i32
        %dma_wait3A_1789 = tpu.memref_slice %arg13[%dma_wait3A_1788] : memref<16xi32, #tpu.memory_space<vmem>> -> memref<1xi32, #tpu.memory_space<vmem>>
        %dma_wait3A_1790 = arith.constant 0 : i32
        %dma_wait3A_1791 = tpu.memref_slice %arg2[%dma_wait3A_1790, %add3A_1784] : memref<300x1000008xf32, #tpu.memory_space<hbm>> -> memref<300x3840xf32, #tpu.memory_space<hbm>>
        tpu.wait_indirect_dma semaphore(%arg15 : memref<!tpu.dma_semaphore, #tpu.memory_space<semaphore_mem>>) src(%dma_wait3A_1791 : memref<300x3840xf32, #tpu.memory_space<hbm>>) dst(%dma_wait3A_1787 : memref<1x3840xf32, #tpu.memory_space<vmem>>)
        %add3A_1792 = arith.constant 30720 : i32
        %add3A_1793 = arith.addi %mul3A_4, %add3A_1792 : i32
        %dma_start3A_1794 = arith.constant 0 : i32
        %dma_start3A_1795 = arith.constant 0 : i32
        %dma_start3A_1796 = tpu.memref_slice %arg9[%dma_start3A_1794, %dma_start3A_1795] : memref<1x3840xf32, #tpu.memory_space<vmem>> -> memref<1x3840xf32, #tpu.memory_space<vmem>>
        %dma_start3A_1797 = tpu.memref_squeeze %dma_start3A_1796 : memref<1x3840xf32, #tpu.memory_space<vmem>> -> memref<3840xf32, #tpu.memory_space<vmem>>
        %dma_start3A_1798 = tpu.memref_slice %arg6[%add3A_1793] : memref<1000008xf32, #tpu.memory_space<vmem_shared>> -> memref<3840xf32, #tpu.memory_space<vmem_shared>>
        %dma_start3A_1799 = tpu.memref_slice %arg6[%add3A_1793] : memref<1000008xf32, #tpu.memory_space<vmem_shared>> -> memref<3840xf32, #tpu.memory_space<vmem_shared>>
        %dma_start3A_1800 = arith.constant 0 : i32
        %dma_start3A_1801 = tpu.memref_slice %arg9[%dma_start3A_1794, %dma_start3A_1800] : memref<1x3840xf32, #tpu.memory_space<vmem>> -> memref<1x3840xf32, #tpu.memory_space<vmem>>
        %dma_start3A_1802 = tpu.memref_squeeze %dma_start3A_1801 : memref<1x3840xf32, #tpu.memory_space<vmem>> -> memref<3840xf32, #tpu.memory_space<vmem>>
        tpu.enqueue_dma source(%dma_start3A_1802 : memref<3840xf32, #tpu.memory_space<vmem>>) target(%dma_start3A_1799 : memref<3840xf32, #tpu.memory_space<vmem_shared>>) target_semaphore(%arg19 : memref<!tpu.dma_semaphore, #tpu.memory_space<semaphore_mem>>)
        %add3A_1803 = arith.constant 30720 : i32
        %add3A_1804 = arith.addi %mul3A_4, %add3A_1803 : i32
        %dma_wait3A_1805 = arith.constant 0 : i32
        %dma_wait3A_1806 = arith.constant 0 : i32
        %dma_wait3A_1807 = tpu.memref_slice %arg9[%dma_wait3A_1805, %dma_wait3A_1806] : memref<1x3840xf32, #tpu.memory_space<vmem>> -> memref<1x3840xf32, #tpu.memory_space<vmem>>
        %dma_wait3A_1808 = tpu.memref_squeeze %dma_wait3A_1807 : memref<1x3840xf32, #tpu.memory_space<vmem>> -> memref<3840xf32, #tpu.memory_space<vmem>>
        %dma_wait3A_1809 = tpu.memref_slice %arg6[%add3A_1804] : memref<1000008xf32, #tpu.memory_space<vmem_shared>> -> memref<3840xf32, #tpu.memory_space<vmem_shared>>
        %dma_wait3A_1810 = tpu.memref_slice %arg6[%add3A_1804] : memref<1000008xf32, #tpu.memory_space<vmem_shared>> -> memref<3840xf32, #tpu.memory_space<vmem_shared>>
        %dma_wait3A_1811 = arith.constant 0 : i32
        %dma_wait3A_1812 = tpu.memref_slice %arg9[%dma_wait3A_1805, %dma_wait3A_1811] : memref<1x3840xf32, #tpu.memory_space<vmem>> -> memref<1x3840xf32, #tpu.memory_space<vmem>>
        %dma_wait3A_1813 = tpu.memref_squeeze %dma_wait3A_1812 : memref<1x3840xf32, #tpu.memory_space<vmem>> -> memref<3840xf32, #tpu.memory_space<vmem>>
        tpu.wait_dma2 semaphore(%arg19 : memref<!tpu.dma_semaphore, #tpu.memory_space<semaphore_mem>>) src(%dma_wait3A_1813 : memref<3840xf32, #tpu.memory_space<vmem>>) dst(%dma_wait3A_1810 : memref<3840xf32, #tpu.memory_space<vmem_shared>>)
        %add3A_1814 = arith.constant 46080 : i32
        %add3A_1815 = arith.addi %mul3A_4, %add3A_1814 : i32
        %dma_start3A_1816 = arith.constant 0 : i32
        %dma_start3A_1817 = arith.constant 0 : i32
        %dma_start3A_1818 = tpu.memref_slice %arg9[%dma_start3A_1816, %dma_start3A_1817] : memref<1x3840xf32, #tpu.memory_space<vmem>> -> memref<1x3840xf32, #tpu.memory_space<vmem>>
        %dma_start3A_1819 = arith.constant 0 : i32
        %dma_start3A_1820 = tpu.memref_slice %arg13[%dma_start3A_1819] : memref<16xi32, #tpu.memory_space<vmem>> -> memref<1xi32, #tpu.memory_space<vmem>>
        %dma_start3A_1821 = arith.constant 0 : i32
        %dma_start3A_1822 = tpu.memref_slice %arg2[%dma_start3A_1821, %add3A_1815] : memref<300x1000008xf32, #tpu.memory_space<hbm>> -> memref<300x3840xf32, #tpu.memory_space<hbm>>
        tpu.enqueue_indirect_dma source(%dma_start3A_1822 : memref<300x3840xf32, #tpu.memory_space<hbm>>) target(%dma_start3A_1818 : memref<1x3840xf32, #tpu.memory_space<vmem>>) offsets(%dma_start3A_1820 : memref<1xi32, #tpu.memory_space<vmem>>) semaphore(%arg15 : memref<!tpu.dma_semaphore, #tpu.memory_space<semaphore_mem>>)
        %add3A_1823 = arith.constant 34560 : i32
        %add3A_1824 = arith.addi %mul3A_4, %add3A_1823 : i32
        %dma_wait3A_1825 = arith.constant 0 : i32
        %dma_wait3A_1826 = arith.constant 0 : i32
        %dma_wait3A_1827 = tpu.memref_slice %arg10[%dma_wait3A_1825, %dma_wait3A_1826] : memref<1x3840xf32, #tpu.memory_space<vmem>> -> memref<1x3840xf32, #tpu.memory_space<vmem>>
        %dma_wait3A_1828 = arith.constant 0 : i32
        %dma_wait3A_1829 = tpu.memref_slice %arg13[%dma_wait3A_1828] : memref<16xi32, #tpu.memory_space<vmem>> -> memref<1xi32, #tpu.memory_space<vmem>>
        %dma_wait3A_1830 = arith.constant 0 : i32
        %dma_wait3A_1831 = tpu.memref_slice %arg2[%dma_wait3A_1830, %add3A_1824] : memref<300x1000008xf32, #tpu.memory_space<hbm>> -> memref<300x3840xf32, #tpu.memory_space<hbm>>
        tpu.wait_indirect_dma semaphore(%arg16 : memref<!tpu.dma_semaphore, #tpu.memory_space<semaphore_mem>>) src(%dma_wait3A_1831 : memref<300x3840xf32, #tpu.memory_space<hbm>>) dst(%dma_wait3A_1827 : memref<1x3840xf32, #tpu.memory_space<vmem>>)
        %add3A_1832 = arith.constant 34560 : i32
        %add3A_1833 = arith.addi %mul3A_4, %add3A_1832 : i32
        %dma_start3A_1834 = arith.constant 0 : i32
        %dma_start3A_1835 = arith.constant 0 : i32
        %dma_start3A_1836 = tpu.memref_slice %arg10[%dma_start3A_1834, %dma_start3A_1835] : memref<1x3840xf32, #tpu.memory_space<vmem>> -> memref<1x3840xf32, #tpu.memory_space<vmem>>
        %dma_start3A_1837 = tpu.memref_squeeze %dma_start3A_1836 : memref<1x3840xf32, #tpu.memory_space<vmem>> -> memref<3840xf32, #tpu.memory_space<vmem>>
        %dma_start3A_1838 = tpu.memref_slice %arg6[%add3A_1833] : memref<1000008xf32, #tpu.memory_space<vmem_shared>> -> memref<3840xf32, #tpu.memory_space<vmem_shared>>
        %dma_start3A_1839 = tpu.memref_slice %arg6[%add3A_1833] : memref<1000008xf32, #tpu.memory_space<vmem_shared>> -> memref<3840xf32, #tpu.memory_space<vmem_shared>>
        %dma_start3A_1840 = arith.constant 0 : i32
        %dma_start3A_1841 = tpu.memref_slice %arg10[%dma_start3A_1834, %dma_start3A_1840] : memref<1x3840xf32, #tpu.memory_space<vmem>> -> memref<1x3840xf32, #tpu.memory_space<vmem>>
        %dma_start3A_1842 = tpu.memref_squeeze %dma_start3A_1841 : memref<1x3840xf32, #tpu.memory_space<vmem>> -> memref<3840xf32, #tpu.memory_space<vmem>>
        tpu.enqueue_dma source(%dma_start3A_1842 : memref<3840xf32, #tpu.memory_space<vmem>>) target(%dma_start3A_1839 : memref<3840xf32, #tpu.memory_space<vmem_shared>>) target_semaphore(%arg19 : memref<!tpu.dma_semaphore, #tpu.memory_space<semaphore_mem>>)
        %add3A_1843 = arith.constant 34560 : i32
        %add3A_1844 = arith.addi %mul3A_4, %add3A_1843 : i32
        %dma_wait3A_1845 = arith.constant 0 : i32
        %dma_wait3A_1846 = arith.constant 0 : i32
        %dma_wait3A_1847 = tpu.memref_slice %arg10[%dma_wait3A_1845, %dma_wait3A_1846] : memref<1x3840xf32, #tpu.memory_space<vmem>> -> memref<1x3840xf32, #tpu.memory_space<vmem>>
        %dma_wait3A_1848 = tpu.memref_squeeze %dma_wait3A_1847 : memref<1x3840xf32, #tpu.memory_space<vmem>> -> memref<3840xf32, #tpu.memory_space<vmem>>
        %dma_wait3A_1849 = tpu.memref_slice %arg6[%add3A_1844] : memref<1000008xf32, #tpu.memory_space<vmem_shared>> -> memref<3840xf32, #tpu.memory_space<vmem_shared>>
        %dma_wait3A_1850 = tpu.memref_slice %arg6[%add3A_1844] : memref<1000008xf32, #tpu.memory_space<vmem_shared>> -> memref<3840xf32, #tpu.memory_space<vmem_shared>>
        %dma_wait3A_1851 = arith.constant 0 : i32
        %dma_wait3A_1852 = tpu.memref_slice %arg10[%dma_wait3A_1845, %dma_wait3A_1851] : memref<1x3840xf32, #tpu.memory_space<vmem>> -> memref<1x3840xf32, #tpu.memory_space<vmem>>
        %dma_wait3A_1853 = tpu.memref_squeeze %dma_wait3A_1852 : memref<1x3840xf32, #tpu.memory_space<vmem>> -> memref<3840xf32, #tpu.memory_space<vmem>>
        tpu.wait_dma2 semaphore(%arg19 : memref<!tpu.dma_semaphore, #tpu.memory_space<semaphore_mem>>) src(%dma_wait3A_1853 : memref<3840xf32, #tpu.memory_space<vmem>>) dst(%dma_wait3A_1850 : memref<3840xf32, #tpu.memory_space<vmem_shared>>)
        %add3A_1854 = arith.constant 49920 : i32
        %add3A_1855 = arith.addi %mul3A_4, %add3A_1854 : i32
        %dma_start3A_1856 = arith.constant 0 : i32
        %dma_start3A_1857 = arith.constant 0 : i32
        %dma_start3A_1858 = tpu.memref_slice %arg10[%dma_start3A_1856, %dma_start3A_1857] : memref<1x3840xf32, #tpu.memory_space<vmem>> -> memref<1x3840xf32, #tpu.memory_space<vmem>>
        %dma_start3A_1859 = arith.constant 0 : i32
        %dma_start3A_1860 = tpu.memref_slice %arg13[%dma_start3A_1859] : memref<16xi32, #tpu.memory_space<vmem>> -> memref<1xi32, #tpu.memory_space<vmem>>
        %dma_start3A_1861 = arith.constant 0 : i32
        %dma_start3A_1862 = tpu.memref_slice %arg2[%dma_start3A_1861, %add3A_1855] : memref<300x1000008xf32, #tpu.memory_space<hbm>> -> memref<300x3840xf32, #tpu.memory_space<hbm>>
        tpu.enqueue_indirect_dma source(%dma_start3A_1862 : memref<300x3840xf32, #tpu.memory_space<hbm>>) target(%dma_start3A_1858 : memref<1x3840xf32, #tpu.memory_space<vmem>>) offsets(%dma_start3A_1860 : memref<1xi32, #tpu.memory_space<vmem>>) semaphore(%arg16 : memref<!tpu.dma_semaphore, #tpu.memory_space<semaphore_mem>>)
        %add3A_1863 = arith.constant 38400 : i32
        %add3A_1864 = arith.addi %mul3A_4, %add3A_1863 : i32
        %dma_wait3A_1865 = arith.constant 0 : i32
        %dma_wait3A_1866 = arith.constant 0 : i32
        %dma_wait3A_1867 = tpu.memref_slice %arg11[%dma_wait3A_1865, %dma_wait3A_1866] : memref<1x3840xf32, #tpu.memory_space<vmem>> -> memref<1x3840xf32, #tpu.memory_space<vmem>>
        %dma_wait3A_1868 = arith.constant 0 : i32
        %dma_wait3A_1869 = tpu.memref_slice %arg13[%dma_wait3A_1868] : memref<16xi32, #tpu.memory_space<vmem>> -> memref<1xi32, #tpu.memory_space<vmem>>
        %dma_wait3A_1870 = arith.constant 0 : i32
        %dma_wait3A_1871 = tpu.memref_slice %arg2[%dma_wait3A_1870, %add3A_1864] : memref<300x1000008xf32, #tpu.memory_space<hbm>> -> memref<300x3840xf32, #tpu.memory_space<hbm>>
        tpu.wait_indirect_dma semaphore(%arg17 : memref<!tpu.dma_semaphore, #tpu.memory_space<semaphore_mem>>) src(%dma_wait3A_1871 : memref<300x3840xf32, #tpu.memory_space<hbm>>) dst(%dma_wait3A_1867 : memref<1x3840xf32, #tpu.memory_space<vmem>>)
        %add3A_1872 = arith.constant 38400 : i32
        %add3A_1873 = arith.addi %mul3A_4, %add3A_1872 : i32
        %dma_start3A_1874 = arith.constant 0 : i32
        %dma_start3A_1875 = arith.constant 0 : i32
        %dma_start3A_1876 = tpu.memref_slice %arg11[%dma_start3A_1874, %dma_start3A_1875] : memref<1x3840xf32, #tpu.memory_space<vmem>> -> memref<1x3840xf32, #tpu.memory_space<vmem>>
        %dma_start3A_1877 = tpu.memref_squeeze %dma_start3A_1876 : memref<1x3840xf32, #tpu.memory_space<vmem>> -> memref<3840xf32, #tpu.memory_space<vmem>>
        %dma_start3A_1878 = tpu.memref_slice %arg6[%add3A_1873] : memref<1000008xf32, #tpu.memory_space<vmem_shared>> -> memref<3840xf32, #tpu.memory_space<vmem_shared>>
        %dma_start3A_1879 = tpu.memref_slice %arg6[%add3A_1873] : memref<1000008xf32, #tpu.memory_space<vmem_shared>> -> memref<3840xf32, #tpu.memory_space<vmem_shared>>
        %dma_start3A_1880 = arith.constant 0 : i32
        %dma_start3A_1881 = tpu.memref_slice %arg11[%dma_start3A_1874, %dma_start3A_1880] : memref<1x3840xf32, #tpu.memory_space<vmem>> -> memref<1x3840xf32, #tpu.memory_space<vmem>>
        %dma_start3A_1882 = tpu.memref_squeeze %dma_start3A_1881 : memref<1x3840xf32, #tpu.memory_space<vmem>> -> memref<3840xf32, #tpu.memory_space<vmem>>
        tpu.enqueue_dma source(%dma_start3A_1882 : memref<3840xf32, #tpu.memory_space<vmem>>) target(%dma_start3A_1879 : memref<3840xf32, #tpu.memory_space<vmem_shared>>) target_semaphore(%arg19 : memref<!tpu.dma_semaphore, #tpu.memory_space<semaphore_mem>>)
        %add3A_1883 = arith.constant 38400 : i32
        %add3A_1884 = arith.addi %mul3A_4, %add3A_1883 : i32
        %dma_wait3A_1885 = arith.constant 0 : i32
        %dma_wait3A_1886 = arith.constant 0 : i32
        %dma_wait3A_1887 = tpu.memref_slice %arg11[%dma_wait3A_1885, %dma_wait3A_1886] : memref<1x3840xf32, #tpu.memory_space<vmem>> -> memref<1x3840xf32, #tpu.memory_space<vmem>>
        %dma_wait3A_1888 = tpu.memref_squeeze %dma_wait3A_1887 : memref<1x3840xf32, #tpu.memory_space<vmem>> -> memref<3840xf32, #tpu.memory_space<vmem>>
        %dma_wait3A_1889 = tpu.memref_slice %arg6[%add3A_1884] : memref<1000008xf32, #tpu.memory_space<vmem_shared>> -> memref<3840xf32, #tpu.memory_space<vmem_shared>>
        %dma_wait3A_1890 = tpu.memref_slice %arg6[%add3A_1884] : memref<1000008xf32, #tpu.memory_space<vmem_shared>> -> memref<3840xf32, #tpu.memory_space<vmem_shared>>
        %dma_wait3A_1891 = arith.constant 0 : i32
        %dma_wait3A_1892 = tpu.memref_slice %arg11[%dma_wait3A_1885, %dma_wait3A_1891] : memref<1x3840xf32, #tpu.memory_space<vmem>> -> memref<1x3840xf32, #tpu.memory_space<vmem>>
        %dma_wait3A_1893 = tpu.memref_squeeze %dma_wait3A_1892 : memref<1x3840xf32, #tpu.memory_space<vmem>> -> memref<3840xf32, #tpu.memory_space<vmem>>
        tpu.wait_dma2 semaphore(%arg19 : memref<!tpu.dma_semaphore, #tpu.memory_space<semaphore_mem>>) src(%dma_wait3A_1893 : memref<3840xf32, #tpu.memory_space<vmem>>) dst(%dma_wait3A_1890 : memref<3840xf32, #tpu.memory_space<vmem_shared>>)
        %add3A_1894 = arith.constant 53760 : i32
        %add3A_1895 = arith.addi %mul3A_4, %add3A_1894 : i32
        %dma_start3A_1896 = arith.constant 0 : i32
        %dma_start3A_1897 = arith.constant 0 : i32
        %dma_start3A_1898 = tpu.memref_slice %arg11[%dma_start3A_1896, %dma_start3A_1897] : memref<1x3840xf32, #tpu.memory_space<vmem>> -> memref<1x3840xf32, #tpu.memory_space<vmem>>
        %dma_start3A_1899 = arith.constant 0 : i32
        %dma_start3A_1900 = tpu.memref_slice %arg13[%dma_start3A_1899] : memref<16xi32, #tpu.memory_space<vmem>> -> memref<1xi32, #tpu.memory_space<vmem>>
        %dma_start3A_1901 = arith.constant 0 : i32
        %dma_start3A_1902 = tpu.memref_slice %arg2[%dma_start3A_1901, %add3A_1895] : memref<300x1000008xf32, #tpu.memory_space<hbm>> -> memref<300x3840xf32, #tpu.memory_space<hbm>>
        tpu.enqueue_indirect_dma source(%dma_start3A_1902 : memref<300x3840xf32, #tpu.memory_space<hbm>>) target(%dma_start3A_1898 : memref<1x3840xf32, #tpu.memory_space<vmem>>) offsets(%dma_start3A_1900 : memref<1xi32, #tpu.memory_space<vmem>>) semaphore(%arg17 : memref<!tpu.dma_semaphore, #tpu.memory_space<semaphore_mem>>)
        %add3A_1903 = arith.constant 42240 : i32
        %add3A_1904 = arith.addi %mul3A_4, %add3A_1903 : i32
        %dma_wait3A_1905 = arith.constant 0 : i32
        %dma_wait3A_1906 = arith.constant 0 : i32
        %dma_wait3A_1907 = tpu.memref_slice %arg12[%dma_wait3A_1905, %dma_wait3A_1906] : memref<1x3840xf32, #tpu.memory_space<vmem>> -> memref<1x3840xf32, #tpu.memory_space<vmem>>
        %dma_wait3A_1908 = arith.constant 0 : i32
        %dma_wait3A_1909 = tpu.memref_slice %arg13[%dma_wait3A_1908] : memref<16xi32, #tpu.memory_space<vmem>> -> memref<1xi32, #tpu.memory_space<vmem>>
        %dma_wait3A_1910 = arith.constant 0 : i32
        %dma_wait3A_1911 = tpu.memref_slice %arg2[%dma_wait3A_1910, %add3A_1904] : memref<300x1000008xf32, #tpu.memory_space<hbm>> -> memref<300x3840xf32, #tpu.memory_space<hbm>>
        tpu.wait_indirect_dma semaphore(%arg18 : memref<!tpu.dma_semaphore, #tpu.memory_space<semaphore_mem>>) src(%dma_wait3A_1911 : memref<300x3840xf32, #tpu.memory_space<hbm>>) dst(%dma_wait3A_1907 : memref<1x3840xf32, #tpu.memory_space<vmem>>)
        %add3A_1912 = arith.constant 42240 : i32
        %add3A_1913 = arith.addi %mul3A_4, %add3A_1912 : i32
        %dma_start3A_1914 = arith.constant 0 : i32
        %dma_start3A_1915 = arith.constant 0 : i32
        %dma_start3A_1916 = tpu.memref_slice %arg12[%dma_start3A_1914, %dma_start3A_1915] : memref<1x3840xf32, #tpu.memory_space<vmem>> -> memref<1x3840xf32, #tpu.memory_space<vmem>>
        %dma_start3A_1917 = tpu.memref_squeeze %dma_start3A_1916 : memref<1x3840xf32, #tpu.memory_space<vmem>> -> memref<3840xf32, #tpu.memory_space<vmem>>
        %dma_start3A_1918 = tpu.memref_slice %arg6[%add3A_1913] : memref<1000008xf32, #tpu.memory_space<vmem_shared>> -> memref<3840xf32, #tpu.memory_space<vmem_shared>>
        %dma_start3A_1919 = tpu.memref_slice %arg6[%add3A_1913] : memref<1000008xf32, #tpu.memory_space<vmem_shared>> -> memref<3840xf32, #tpu.memory_space<vmem_shared>>
        %dma_start3A_1920 = arith.constant 0 : i32
        %dma_start3A_1921 = tpu.memref_slice %arg12[%dma_start3A_1914, %dma_start3A_1920] : memref<1x3840xf32, #tpu.memory_space<vmem>> -> memref<1x3840xf32, #tpu.memory_space<vmem>>
        %dma_start3A_1922 = tpu.memref_squeeze %dma_start3A_1921 : memref<1x3840xf32, #tpu.memory_space<vmem>> -> memref<3840xf32, #tpu.memory_space<vmem>>
        tpu.enqueue_dma source(%dma_start3A_1922 : memref<3840xf32, #tpu.memory_space<vmem>>) target(%dma_start3A_1919 : memref<3840xf32, #tpu.memory_space<vmem_shared>>) target_semaphore(%arg19 : memref<!tpu.dma_semaphore, #tpu.memory_space<semaphore_mem>>)
        %add3A_1923 = arith.constant 42240 : i32
        %add3A_1924 = arith.addi %mul3A_4, %add3A_1923 : i32
        %dma_wait3A_1925 = arith.constant 0 : i32
        %dma_wait3A_1926 = arith.constant 0 : i32
        %dma_wait3A_1927 = tpu.memref_slice %arg12[%dma_wait3A_1925, %dma_wait3A_1926] : memref<1x3840xf32, #tpu.memory_space<vmem>> -> memref<1x3840xf32, #tpu.memory_space<vmem>>
        %dma_wait3A_1928 = tpu.memref_squeeze %dma_wait3A_1927 : memref<1x3840xf32, #tpu.memory_space<vmem>> -> memref<3840xf32, #tpu.memory_space<vmem>>
        %dma_wait3A_1929 = tpu.memref_slice %arg6[%add3A_1924] : memref<1000008xf32, #tpu.memory_space<vmem_shared>> -> memref<3840xf32, #tpu.memory_space<vmem_shared>>
        %dma_wait3A_1930 = tpu.memref_slice %arg6[%add3A_1924] : memref<1000008xf32, #tpu.memory_space<vmem_shared>> -> memref<3840xf32, #tpu.memory_space<vmem_shared>>
        %dma_wait3A_1931 = arith.constant 0 : i32
        %dma_wait3A_1932 = tpu.memref_slice %arg12[%dma_wait3A_1925, %dma_wait3A_1931] : memref<1x3840xf32, #tpu.memory_space<vmem>> -> memref<1x3840xf32, #tpu.memory_space<vmem>>
        %dma_wait3A_1933 = tpu.memref_squeeze %dma_wait3A_1932 : memref<1x3840xf32, #tpu.memory_space<vmem>> -> memref<3840xf32, #tpu.memory_space<vmem>>
        tpu.wait_dma2 semaphore(%arg19 : memref<!tpu.dma_semaphore, #tpu.memory_space<semaphore_mem>>) src(%dma_wait3A_1933 : memref<3840xf32, #tpu.memory_space<vmem>>) dst(%dma_wait3A_1930 : memref<3840xf32, #tpu.memory_space<vmem_shared>>)
        %add3A_1934 = arith.constant 57600 : i32
        %add3A_1935 = arith.addi %mul3A_4, %add3A_1934 : i32
        %dma_start3A_1936 = arith.constant 0 : i32
        %dma_start3A_1937 = arith.constant 0 : i32
        %dma_start3A_1938 = tpu.memref_slice %arg12[%dma_start3A_1936, %dma_start3A_1937] : memref<1x3840xf32, #tpu.memory_space<vmem>> -> memref<1x3840xf32, #tpu.memory_space<vmem>>
        %dma_start3A_1939 = arith.constant 0 : i32
        %dma_start3A_1940 = tpu.memref_slice %arg13[%dma_start3A_1939] : memref<16xi32, #tpu.memory_space<vmem>> -> memref<1xi32, #tpu.memory_space<vmem>>
        %dma_start3A_1941 = arith.constant 0 : i32
        %dma_start3A_1942 = tpu.memref_slice %arg2[%dma_start3A_1941, %add3A_1935] : memref<300x1000008xf32, #tpu.memory_space<hbm>> -> memref<300x3840xf32, #tpu.memory_space<hbm>>
        tpu.enqueue_indirect_dma source(%dma_start3A_1942 : memref<300x3840xf32, #tpu.memory_space<hbm>>) target(%dma_start3A_1938 : memref<1x3840xf32, #tpu.memory_space<vmem>>) offsets(%dma_start3A_1940 : memref<1xi32, #tpu.memory_space<vmem>>) semaphore(%arg18 : memref<!tpu.dma_semaphore, #tpu.memory_space<semaphore_mem>>)
        %add3A_1943 = arith.constant 46080 : i32
        %add3A_1944 = arith.addi %mul3A_4, %add3A_1943 : i32
        %dma_wait3A_1945 = arith.constant 0 : i32
        %dma_wait3A_1946 = arith.constant 0 : i32
        %dma_wait3A_1947 = tpu.memref_slice %arg9[%dma_wait3A_1945, %dma_wait3A_1946] : memref<1x3840xf32, #tpu.memory_space<vmem>> -> memref<1x3840xf32, #tpu.memory_space<vmem>>
        %dma_wait3A_1948 = arith.constant 0 : i32
        %dma_wait3A_1949 = tpu.memref_slice %arg13[%dma_wait3A_1948] : memref<16xi32, #tpu.memory_space<vmem>> -> memref<1xi32, #tpu.memory_space<vmem>>
        %dma_wait3A_1950 = arith.constant 0 : i32
        %dma_wait3A_1951 = tpu.memref_slice %arg2[%dma_wait3A_1950, %add3A_1944] : memref<300x1000008xf32, #tpu.memory_space<hbm>> -> memref<300x3840xf32, #tpu.memory_space<hbm>>
        tpu.wait_indirect_dma semaphore(%arg15 : memref<!tpu.dma_semaphore, #tpu.memory_space<semaphore_mem>>) src(%dma_wait3A_1951 : memref<300x3840xf32, #tpu.memory_space<hbm>>) dst(%dma_wait3A_1947 : memref<1x3840xf32, #tpu.memory_space<vmem>>)
        %add3A_1952 = arith.constant 46080 : i32
        %add3A_1953 = arith.addi %mul3A_4, %add3A_1952 : i32
        %dma_start3A_1954 = arith.constant 0 : i32
        %dma_start3A_1955 = arith.constant 0 : i32
        %dma_start3A_1956 = tpu.memref_slice %arg9[%dma_start3A_1954, %dma_start3A_1955] : memref<1x3840xf32, #tpu.memory_space<vmem>> -> memref<1x3840xf32, #tpu.memory_space<vmem>>
        %dma_start3A_1957 = tpu.memref_squeeze %dma_start3A_1956 : memref<1x3840xf32, #tpu.memory_space<vmem>> -> memref<3840xf32, #tpu.memory_space<vmem>>
        %dma_start3A_1958 = tpu.memref_slice %arg6[%add3A_1953] : memref<1000008xf32, #tpu.memory_space<vmem_shared>> -> memref<3840xf32, #tpu.memory_space<vmem_shared>>
        %dma_start3A_1959 = tpu.memref_slice %arg6[%add3A_1953] : memref<1000008xf32, #tpu.memory_space<vmem_shared>> -> memref<3840xf32, #tpu.memory_space<vmem_shared>>
        %dma_start3A_1960 = arith.constant 0 : i32
        %dma_start3A_1961 = tpu.memref_slice %arg9[%dma_start3A_1954, %dma_start3A_1960] : memref<1x3840xf32, #tpu.memory_space<vmem>> -> memref<1x3840xf32, #tpu.memory_space<vmem>>
        %dma_start3A_1962 = tpu.memref_squeeze %dma_start3A_1961 : memref<1x3840xf32, #tpu.memory_space<vmem>> -> memref<3840xf32, #tpu.memory_space<vmem>>
        tpu.enqueue_dma source(%dma_start3A_1962 : memref<3840xf32, #tpu.memory_space<vmem>>) target(%dma_start3A_1959 : memref<3840xf32, #tpu.memory_space<vmem_shared>>) target_semaphore(%arg19 : memref<!tpu.dma_semaphore, #tpu.memory_space<semaphore_mem>>)
        %add3A_1963 = arith.constant 46080 : i32
        %add3A_1964 = arith.addi %mul3A_4, %add3A_1963 : i32
        %dma_wait3A_1965 = arith.constant 0 : i32
        %dma_wait3A_1966 = arith.constant 0 : i32
        %dma_wait3A_1967 = tpu.memref_slice %arg9[%dma_wait3A_1965, %dma_wait3A_1966] : memref<1x3840xf32, #tpu.memory_space<vmem>> -> memref<1x3840xf32, #tpu.memory_space<vmem>>
        %dma_wait3A_1968 = tpu.memref_squeeze %dma_wait3A_1967 : memref<1x3840xf32, #tpu.memory_space<vmem>> -> memref<3840xf32, #tpu.memory_space<vmem>>
        %dma_wait3A_1969 = tpu.memref_slice %arg6[%add3A_1964] : memref<1000008xf32, #tpu.memory_space<vmem_shared>> -> memref<3840xf32, #tpu.memory_space<vmem_shared>>
        %dma_wait3A_1970 = tpu.memref_slice %arg6[%add3A_1964] : memref<1000008xf32, #tpu.memory_space<vmem_shared>> -> memref<3840xf32, #tpu.memory_space<vmem_shared>>
        %dma_wait3A_1971 = arith.constant 0 : i32
        %dma_wait3A_1972 = tpu.memref_slice %arg9[%dma_wait3A_1965, %dma_wait3A_1971] : memref<1x3840xf32, #tpu.memory_space<vmem>> -> memref<1x3840xf32, #tpu.memory_space<vmem>>
        %dma_wait3A_1973 = tpu.memref_squeeze %dma_wait3A_1972 : memref<1x3840xf32, #tpu.memory_space<vmem>> -> memref<3840xf32, #tpu.memory_space<vmem>>
        tpu.wait_dma2 semaphore(%arg19 : memref<!tpu.dma_semaphore, #tpu.memory_space<semaphore_mem>>) src(%dma_wait3A_1973 : memref<3840xf32, #tpu.memory_space<vmem>>) dst(%dma_wait3A_1970 : memref<3840xf32, #tpu.memory_space<vmem_shared>>)
        %add3A_1974 = arith.constant 61440 : i32
        %add3A_1975 = arith.addi %mul3A_4, %add3A_1974 : i32
        %dma_start3A_1976 = arith.constant 0 : i32
        %dma_start3A_1977 = arith.constant 0 : i32
        %dma_start3A_1978 = tpu.memref_slice %arg9[%dma_start3A_1976, %dma_start3A_1977] : memref<1x3840xf32, #tpu.memory_space<vmem>> -> memref<1x1024xf32, #tpu.memory_space<vmem>>
        %dma_start3A_1979 = arith.constant 0 : i32
        %dma_start3A_1980 = tpu.memref_slice %arg13[%dma_start3A_1979] : memref<16xi32, #tpu.memory_space<vmem>> -> memref<1xi32, #tpu.memory_space<vmem>>
        %dma_start3A_1981 = arith.constant 0 : i32
        %dma_start3A_1982 = tpu.memref_slice %arg2[%dma_start3A_1981, %add3A_1975] : memref<300x1000008xf32, #tpu.memory_space<hbm>> -> memref<300x1024xf32, #tpu.memory_space<hbm>>
        tpu.enqueue_indirect_dma source(%dma_start3A_1982 : memref<300x1024xf32, #tpu.memory_space<hbm>>) target(%dma_start3A_1978 : memref<1x1024xf32, #tpu.memory_space<vmem>>) offsets(%dma_start3A_1980 : memref<1xi32, #tpu.memory_space<vmem>>) semaphore(%arg15 : memref<!tpu.dma_semaphore, #tpu.memory_space<semaphore_mem>>)
        %add3A_1983 = arith.constant 49920 : i32
        %add3A_1984 = arith.addi %mul3A_4, %add3A_1983 : i32
        %dma_wait3A_1985 = arith.constant 0 : i32
        %dma_wait3A_1986 = arith.constant 0 : i32
        %dma_wait3A_1987 = tpu.memref_slice %arg10[%dma_wait3A_1985, %dma_wait3A_1986] : memref<1x3840xf32, #tpu.memory_space<vmem>> -> memref<1x3840xf32, #tpu.memory_space<vmem>>
        %dma_wait3A_1988 = arith.constant 0 : i32
        %dma_wait3A_1989 = tpu.memref_slice %arg13[%dma_wait3A_1988] : memref<16xi32, #tpu.memory_space<vmem>> -> memref<1xi32, #tpu.memory_space<vmem>>
        %dma_wait3A_1990 = arith.constant 0 : i32
        %dma_wait3A_1991 = tpu.memref_slice %arg2[%dma_wait3A_1990, %add3A_1984] : memref<300x1000008xf32, #tpu.memory_space<hbm>> -> memref<300x3840xf32, #tpu.memory_space<hbm>>
        tpu.wait_indirect_dma semaphore(%arg16 : memref<!tpu.dma_semaphore, #tpu.memory_space<semaphore_mem>>) src(%dma_wait3A_1991 : memref<300x3840xf32, #tpu.memory_space<hbm>>) dst(%dma_wait3A_1987 : memref<1x3840xf32, #tpu.memory_space<vmem>>)
        %add3A_1992 = arith.constant 49920 : i32
        %add3A_1993 = arith.addi %mul3A_4, %add3A_1992 : i32
        %dma_start3A_1994 = arith.constant 0 : i32
        %dma_start3A_1995 = arith.constant 0 : i32
        %dma_start3A_1996 = tpu.memref_slice %arg10[%dma_start3A_1994, %dma_start3A_1995] : memref<1x3840xf32, #tpu.memory_space<vmem>> -> memref<1x3840xf32, #tpu.memory_space<vmem>>
        %dma_start3A_1997 = tpu.memref_squeeze %dma_start3A_1996 : memref<1x3840xf32, #tpu.memory_space<vmem>> -> memref<3840xf32, #tpu.memory_space<vmem>>
        %dma_start3A_1998 = tpu.memref_slice %arg6[%add3A_1993] : memref<1000008xf32, #tpu.memory_space<vmem_shared>> -> memref<3840xf32, #tpu.memory_space<vmem_shared>>
        %dma_start3A_1999 = tpu.memref_slice %arg6[%add3A_1993] : memref<1000008xf32, #tpu.memory_space<vmem_shared>> -> memref<3840xf32, #tpu.memory_space<vmem_shared>>
        %dma_start3A_2000 = arith.constant 0 : i32
        %dma_start3A_2001 = tpu.memref_slice %arg10[%dma_start3A_1994, %dma_start3A_2000] : memref<1x3840xf32, #tpu.memory_space<vmem>> -> memref<1x3840xf32, #tpu.memory_space<vmem>>
        %dma_start3A_2002 = tpu.memref_squeeze %dma_start3A_2001 : memref<1x3840xf32, #tpu.memory_space<vmem>> -> memref<3840xf32, #tpu.memory_space<vmem>>
        tpu.enqueue_dma source(%dma_start3A_2002 : memref<3840xf32, #tpu.memory_space<vmem>>) target(%dma_start3A_1999 : memref<3840xf32, #tpu.memory_space<vmem_shared>>) target_semaphore(%arg19 : memref<!tpu.dma_semaphore, #tpu.memory_space<semaphore_mem>>)
        %add3A_2003 = arith.constant 53760 : i32
        %add3A_2004 = arith.addi %mul3A_4, %add3A_2003 : i32
        %dma_wait3A_2005 = arith.constant 0 : i32
        %dma_wait3A_2006 = arith.constant 0 : i32
        %dma_wait3A_2007 = tpu.memref_slice %arg11[%dma_wait3A_2005, %dma_wait3A_2006] : memref<1x3840xf32, #tpu.memory_space<vmem>> -> memref<1x3840xf32, #tpu.memory_space<vmem>>
        %dma_wait3A_2008 = arith.constant 0 : i32
        %dma_wait3A_2009 = tpu.memref_slice %arg13[%dma_wait3A_2008] : memref<16xi32, #tpu.memory_space<vmem>> -> memref<1xi32, #tpu.memory_space<vmem>>
        %dma_wait3A_2010 = arith.constant 0 : i32
        %dma_wait3A_2011 = tpu.memref_slice %arg2[%dma_wait3A_2010, %add3A_2004] : memref<300x1000008xf32, #tpu.memory_space<hbm>> -> memref<300x3840xf32, #tpu.memory_space<hbm>>
        tpu.wait_indirect_dma semaphore(%arg17 : memref<!tpu.dma_semaphore, #tpu.memory_space<semaphore_mem>>) src(%dma_wait3A_2011 : memref<300x3840xf32, #tpu.memory_space<hbm>>) dst(%dma_wait3A_2007 : memref<1x3840xf32, #tpu.memory_space<vmem>>)
        %add3A_2012 = arith.constant 53760 : i32
        %add3A_2013 = arith.addi %mul3A_4, %add3A_2012 : i32
        %dma_start3A_2014 = arith.constant 0 : i32
        %dma_start3A_2015 = arith.constant 0 : i32
        %dma_start3A_2016 = tpu.memref_slice %arg11[%dma_start3A_2014, %dma_start3A_2015] : memref<1x3840xf32, #tpu.memory_space<vmem>> -> memref<1x3840xf32, #tpu.memory_space<vmem>>
        %dma_start3A_2017 = tpu.memref_squeeze %dma_start3A_2016 : memref<1x3840xf32, #tpu.memory_space<vmem>> -> memref<3840xf32, #tpu.memory_space<vmem>>
        %dma_start3A_2018 = tpu.memref_slice %arg6[%add3A_2013] : memref<1000008xf32, #tpu.memory_space<vmem_shared>> -> memref<3840xf32, #tpu.memory_space<vmem_shared>>
        %dma_start3A_2019 = tpu.memref_slice %arg6[%add3A_2013] : memref<1000008xf32, #tpu.memory_space<vmem_shared>> -> memref<3840xf32, #tpu.memory_space<vmem_shared>>
        %dma_start3A_2020 = arith.constant 0 : i32
        %dma_start3A_2021 = tpu.memref_slice %arg11[%dma_start3A_2014, %dma_start3A_2020] : memref<1x3840xf32, #tpu.memory_space<vmem>> -> memref<1x3840xf32, #tpu.memory_space<vmem>>
        %dma_start3A_2022 = tpu.memref_squeeze %dma_start3A_2021 : memref<1x3840xf32, #tpu.memory_space<vmem>> -> memref<3840xf32, #tpu.memory_space<vmem>>
        tpu.enqueue_dma source(%dma_start3A_2022 : memref<3840xf32, #tpu.memory_space<vmem>>) target(%dma_start3A_2019 : memref<3840xf32, #tpu.memory_space<vmem_shared>>) target_semaphore(%arg19 : memref<!tpu.dma_semaphore, #tpu.memory_space<semaphore_mem>>)
        %add3A_2023 = arith.constant 57600 : i32
        %add3A_2024 = arith.addi %mul3A_4, %add3A_2023 : i32
        %dma_wait3A_2025 = arith.constant 0 : i32
        %dma_wait3A_2026 = arith.constant 0 : i32
        %dma_wait3A_2027 = tpu.memref_slice %arg12[%dma_wait3A_2025, %dma_wait3A_2026] : memref<1x3840xf32, #tpu.memory_space<vmem>> -> memref<1x3840xf32, #tpu.memory_space<vmem>>
        %dma_wait3A_2028 = arith.constant 0 : i32
        %dma_wait3A_2029 = tpu.memref_slice %arg13[%dma_wait3A_2028] : memref<16xi32, #tpu.memory_space<vmem>> -> memref<1xi32, #tpu.memory_space<vmem>>
        %dma_wait3A_2030 = arith.constant 0 : i32
        %dma_wait3A_2031 = tpu.memref_slice %arg2[%dma_wait3A_2030, %add3A_2024] : memref<300x1000008xf32, #tpu.memory_space<hbm>> -> memref<300x3840xf32, #tpu.memory_space<hbm>>
        tpu.wait_indirect_dma semaphore(%arg18 : memref<!tpu.dma_semaphore, #tpu.memory_space<semaphore_mem>>) src(%dma_wait3A_2031 : memref<300x3840xf32, #tpu.memory_space<hbm>>) dst(%dma_wait3A_2027 : memref<1x3840xf32, #tpu.memory_space<vmem>>)
        %add3A_2032 = arith.constant 57600 : i32
        %add3A_2033 = arith.addi %mul3A_4, %add3A_2032 : i32
        %dma_start3A_2034 = arith.constant 0 : i32
        %dma_start3A_2035 = arith.constant 0 : i32
        %dma_start3A_2036 = tpu.memref_slice %arg12[%dma_start3A_2034, %dma_start3A_2035] : memref<1x3840xf32, #tpu.memory_space<vmem>> -> memref<1x3840xf32, #tpu.memory_space<vmem>>
        %dma_start3A_2037 = tpu.memref_squeeze %dma_start3A_2036 : memref<1x3840xf32, #tpu.memory_space<vmem>> -> memref<3840xf32, #tpu.memory_space<vmem>>
        %dma_start3A_2038 = tpu.memref_slice %arg6[%add3A_2033] : memref<1000008xf32, #tpu.memory_space<vmem_shared>> -> memref<3840xf32, #tpu.memory_space<vmem_shared>>
        %dma_start3A_2039 = tpu.memref_slice %arg6[%add3A_2033] : memref<1000008xf32, #tpu.memory_space<vmem_shared>> -> memref<3840xf32, #tpu.memory_space<vmem_shared>>
        %dma_start3A_2040 = arith.constant 0 : i32
        %dma_start3A_2041 = tpu.memref_slice %arg12[%dma_start3A_2034, %dma_start3A_2040] : memref<1x3840xf32, #tpu.memory_space<vmem>> -> memref<1x3840xf32, #tpu.memory_space<vmem>>
        %dma_start3A_2042 = tpu.memref_squeeze %dma_start3A_2041 : memref<1x3840xf32, #tpu.memory_space<vmem>> -> memref<3840xf32, #tpu.memory_space<vmem>>
        tpu.enqueue_dma source(%dma_start3A_2042 : memref<3840xf32, #tpu.memory_space<vmem>>) target(%dma_start3A_2039 : memref<3840xf32, #tpu.memory_space<vmem_shared>>) target_semaphore(%arg19 : memref<!tpu.dma_semaphore, #tpu.memory_space<semaphore_mem>>)
        %add3A_2043 = arith.constant 61440 : i32
        %add3A_2044 = arith.addi %mul3A_4, %add3A_2043 : i32
        %dma_wait3A_2045 = arith.constant 0 : i32
        %dma_wait3A_2046 = arith.constant 0 : i32
        %dma_wait3A_2047 = tpu.memref_slice %arg9[%dma_wait3A_2045, %dma_wait3A_2046] : memref<1x3840xf32, #tpu.memory_space<vmem>> -> memref<1x1024xf32, #tpu.memory_space<vmem>>
        %dma_wait3A_2048 = arith.constant 0 : i32
        %dma_wait3A_2049 = tpu.memref_slice %arg13[%dma_wait3A_2048] : memref<16xi32, #tpu.memory_space<vmem>> -> memref<1xi32, #tpu.memory_space<vmem>>
        %dma_wait3A_2050 = arith.constant 0 : i32
        %dma_wait3A_2051 = tpu.memref_slice %arg2[%dma_wait3A_2050, %add3A_2044] : memref<300x1000008xf32, #tpu.memory_space<hbm>> -> memref<300x1024xf32, #tpu.memory_space<hbm>>
        tpu.wait_indirect_dma semaphore(%arg15 : memref<!tpu.dma_semaphore, #tpu.memory_space<semaphore_mem>>) src(%dma_wait3A_2051 : memref<300x1024xf32, #tpu.memory_space<hbm>>) dst(%dma_wait3A_2047 : memref<1x1024xf32, #tpu.memory_space<vmem>>)
        %add3A_2052 = arith.constant 61440 : i32
        %add3A_2053 = arith.addi %mul3A_4, %add3A_2052 : i32
        %dma_start3A_2054 = arith.constant 0 : i32
        %dma_start3A_2055 = arith.constant 0 : i32
        %dma_start3A_2056 = tpu.memref_slice %arg9[%dma_start3A_2054, %dma_start3A_2055] : memref<1x3840xf32, #tpu.memory_space<vmem>> -> memref<1x1024xf32, #tpu.memory_space<vmem>>
        %dma_start3A_2057 = tpu.memref_squeeze %dma_start3A_2056 : memref<1x1024xf32, #tpu.memory_space<vmem>> -> memref<1024xf32, #tpu.memory_space<vmem>>
        %dma_start3A_2058 = tpu.memref_slice %arg6[%add3A_2053] : memref<1000008xf32, #tpu.memory_space<vmem_shared>> -> memref<1024xf32, #tpu.memory_space<vmem_shared>>
        %dma_start3A_2059 = tpu.memref_slice %arg6[%add3A_2053] : memref<1000008xf32, #tpu.memory_space<vmem_shared>> -> memref<1024xf32, #tpu.memory_space<vmem_shared>>
        %dma_start3A_2060 = arith.constant 0 : i32
        %dma_start3A_2061 = tpu.memref_slice %arg9[%dma_start3A_2054, %dma_start3A_2060] : memref<1x3840xf32, #tpu.memory_space<vmem>> -> memref<1x1024xf32, #tpu.memory_space<vmem>>
        %dma_start3A_2062 = tpu.memref_squeeze %dma_start3A_2061 : memref<1x1024xf32, #tpu.memory_space<vmem>> -> memref<1024xf32, #tpu.memory_space<vmem>>
        tpu.enqueue_dma source(%dma_start3A_2062 : memref<1024xf32, #tpu.memory_space<vmem>>) target(%dma_start3A_2059 : memref<1024xf32, #tpu.memory_space<vmem_shared>>) target_semaphore(%arg19 : memref<!tpu.dma_semaphore, #tpu.memory_space<semaphore_mem>>)
        %eq3A_2063 = arith.constant 15 : i32
        %eq3A_2064 = arith.cmpi eq, %arg1, %eq3A_2063 : i32
        %convert_element_type3A_2065 = arith.extui %eq3A_2064 : i1 to i32
        %cond3A_2066 = arith.constant 0 : i32
        %cond3A_2067 = arith.cmpi ne, %convert_element_type3A_2065, %cond3A_2066 : i32
        scf.if %cond3A_2067 {
          %add3A_2073 = arith.constant 49920 : i32
          %add3A_2074 = arith.addi %mul3A_4, %add3A_2073 : i32
          %dma_wait3A_2075 = arith.constant 0 : i32
          %dma_wait3A_2076 = arith.constant 0 : i32
          %dma_wait3A_2077 = tpu.memref_slice %arg10[%dma_wait3A_2075, %dma_wait3A_2076] : memref<1x3840xf32, #tpu.memory_space<vmem>> -> memref<1x3840xf32, #tpu.memory_space<vmem>>
          %dma_wait3A_2078 = tpu.memref_squeeze %dma_wait3A_2077 : memref<1x3840xf32, #tpu.memory_space<vmem>> -> memref<3840xf32, #tpu.memory_space<vmem>>
          %dma_wait3A_2079 = tpu.memref_slice %arg6[%add3A_2074] : memref<1000008xf32, #tpu.memory_space<vmem_shared>> -> memref<3840xf32, #tpu.memory_space<vmem_shared>>
          %dma_wait3A_2080 = tpu.memref_slice %arg6[%add3A_2074] : memref<1000008xf32, #tpu.memory_space<vmem_shared>> -> memref<3840xf32, #tpu.memory_space<vmem_shared>>
          %dma_wait3A_2081 = arith.constant 0 : i32
          %dma_wait3A_2082 = tpu.memref_slice %arg10[%dma_wait3A_2075, %dma_wait3A_2081] : memref<1x3840xf32, #tpu.memory_space<vmem>> -> memref<1x3840xf32, #tpu.memory_space<vmem>>
          %dma_wait3A_2083 = tpu.memref_squeeze %dma_wait3A_2082 : memref<1x3840xf32, #tpu.memory_space<vmem>> -> memref<3840xf32, #tpu.memory_space<vmem>>
          tpu.wait_dma2 semaphore(%arg19 : memref<!tpu.dma_semaphore, #tpu.memory_space<semaphore_mem>>) src(%dma_wait3A_2083 : memref<3840xf32, #tpu.memory_space<vmem>>) dst(%dma_wait3A_2080 : memref<3840xf32, #tpu.memory_space<vmem_shared>>)
          %dma_start3A_2084 = arith.constant 0 : i32
          %dma_start3A_2085 = arith.constant 0 : i32
          %dma_start3A_2086 = tpu.memref_slice %arg10[%dma_start3A_2084, %dma_start3A_2085] : memref<1x3840xf32, #tpu.memory_space<vmem>> -> memref<1x512xf32, #tpu.memory_space<vmem>>
          %dma_start3A_2087 = arith.constant 0 : i32
          %dma_start3A_2088 = tpu.memref_slice %arg13[%dma_start3A_2087] : memref<16xi32, #tpu.memory_space<vmem>> -> memref<1xi32, #tpu.memory_space<vmem>>
          %dma_start3A_2089 = arith.constant 0 : i32
          %dma_start3A_2090 = arith.constant 999424 : i32
          %dma_start3A_2091 = tpu.memref_slice %arg2[%dma_start3A_2089, %dma_start3A_2090] : memref<300x1000008xf32, #tpu.memory_space<hbm>> -> memref<300x512xf32, #tpu.memory_space<hbm>>
          tpu.enqueue_indirect_dma source(%dma_start3A_2091 : memref<300x512xf32, #tpu.memory_space<hbm>>) target(%dma_start3A_2086 : memref<1x512xf32, #tpu.memory_space<vmem>>) offsets(%dma_start3A_2088 : memref<1xi32, #tpu.memory_space<vmem>>) semaphore(%arg16 : memref<!tpu.dma_semaphore, #tpu.memory_space<semaphore_mem>>)
          %dma_wait3A_2092 = arith.constant 0 : i32
          %dma_wait3A_2093 = arith.constant 0 : i32
          %dma_wait3A_2094 = tpu.memref_slice %arg10[%dma_wait3A_2092, %dma_wait3A_2093] : memref<1x3840xf32, #tpu.memory_space<vmem>> -> memref<1x512xf32, #tpu.memory_space<vmem>>
          %dma_wait3A_2095 = arith.constant 0 : i32
          %dma_wait3A_2096 = tpu.memref_slice %arg13[%dma_wait3A_2095] : memref<16xi32, #tpu.memory_space<vmem>> -> memref<1xi32, #tpu.memory_space<vmem>>
          %dma_wait3A_2097 = arith.constant 0 : i32
          %dma_wait3A_2098 = arith.constant 999424 : i32
          %dma_wait3A_2099 = tpu.memref_slice %arg2[%dma_wait3A_2097, %dma_wait3A_2098] : memref<300x1000008xf32, #tpu.memory_space<hbm>> -> memref<300x512xf32, #tpu.memory_space<hbm>>
          tpu.wait_indirect_dma semaphore(%arg16 : memref<!tpu.dma_semaphore, #tpu.memory_space<semaphore_mem>>) src(%dma_wait3A_2099 : memref<300x512xf32, #tpu.memory_space<hbm>>) dst(%dma_wait3A_2094 : memref<1x512xf32, #tpu.memory_space<vmem>>)
          %dma_start3A_2100 = arith.constant 0 : i32
          %dma_start3A_2101 = tpu.memref_slice %arg10[%scan3A_654, %dma_start3A_2100] : memref<1x3840xf32, #tpu.memory_space<vmem>> -> memref<1x512xf32, #tpu.memory_space<vmem>>
          %dma_start3A_2102 = tpu.memref_squeeze %dma_start3A_2101 : memref<1x512xf32, #tpu.memory_space<vmem>> -> memref<512xf32, #tpu.memory_space<vmem>>
          %dma_start3A_2103 = arith.constant 999424 : i32
          %dma_start3A_2104 = tpu.memref_slice %arg6[%dma_start3A_2103] : memref<1000008xf32, #tpu.memory_space<vmem_shared>> -> memref<512xf32, #tpu.memory_space<vmem_shared>>
          %dma_start3A_2105 = arith.constant 999424 : i32
          %dma_start3A_2106 = tpu.memref_slice %arg6[%dma_start3A_2105] : memref<1000008xf32, #tpu.memory_space<vmem_shared>> -> memref<512xf32, #tpu.memory_space<vmem_shared>>
          %dma_start3A_2107 = arith.constant 0 : i32
          %dma_start3A_2108 = tpu.memref_slice %arg10[%scan3A_654, %dma_start3A_2107] : memref<1x3840xf32, #tpu.memory_space<vmem>> -> memref<1x512xf32, #tpu.memory_space<vmem>>
          %dma_start3A_2109 = tpu.memref_squeeze %dma_start3A_2108 : memref<1x512xf32, #tpu.memory_space<vmem>> -> memref<512xf32, #tpu.memory_space<vmem>>
          tpu.enqueue_dma source(%dma_start3A_2109 : memref<512xf32, #tpu.memory_space<vmem>>) target(%dma_start3A_2106 : memref<512xf32, #tpu.memory_space<vmem_shared>>) target_semaphore(%arg19 : memref<!tpu.dma_semaphore, #tpu.memory_space<semaphore_mem>>)
        } else {
        }
        %eq3A_2068 = arith.constant 0 : i32
        %eq3A_2069 = arith.cmpi eq, %arg1, %eq3A_2068 : i32
        %convert_element_type3A_2070 = arith.extui %eq3A_2069 : i1 to i32
        %cond3A_2071 = arith.constant 0 : i32
        %cond3A_2072 = arith.cmpi ne, %convert_element_type3A_2070, %cond3A_2071 : i32
        scf.if %cond3A_2072 {
          %mul3A_2073 = arith.constant 72 : i32
          %mul3A_2074 = arith.muli %add3A_1421, %mul3A_2073 : i32
          %dma_start3A_2075 = tpu.memref_slice %arg7[%mul3A_2074] : memref<21600xf32, #tpu.memory_space<vmem_shared>> -> memref<72xf32, #tpu.memory_space<vmem_shared>>
          %dma_start3A_2076 = tpu.memref_slice %arg7[%mul3A_2074] : memref<21600xf32, #tpu.memory_space<vmem_shared>> -> memref<72xf32, #tpu.memory_space<vmem_shared>>
          tpu.enqueue_dma source(%dma_start3A_2076 : memref<72xf32, #tpu.memory_space<vmem_shared>>) target(%arg14 : memref<72xf32, #tpu.memory_space<vmem>>) target_semaphore(%arg16 : memref<!tpu.dma_semaphore, #tpu.memory_space<semaphore_mem>>)
          %dma_wait3A_2077 = tpu.memref_slice %arg7[%mul3A_2074] : memref<21600xf32, #tpu.memory_space<vmem_shared>> -> memref<72xf32, #tpu.memory_space<vmem_shared>>
          %dma_wait3A_2078 = tpu.memref_slice %arg7[%mul3A_2074] : memref<21600xf32, #tpu.memory_space<vmem_shared>> -> memref<72xf32, #tpu.memory_space<vmem_shared>>
          tpu.wait_dma2 semaphore(%arg16 : memref<!tpu.dma_semaphore, #tpu.memory_space<semaphore_mem>>) src(%dma_wait3A_2078 : memref<72xf32, #tpu.memory_space<vmem_shared>>) dst(%arg14 : memref<72xf32, #tpu.memory_space<vmem>>)
          %dma_start3A_2079 = arith.constant 999936 : i32
          %dma_start3A_2080 = tpu.memref_slice %arg6[%dma_start3A_2079] : memref<1000008xf32, #tpu.memory_space<vmem_shared>> -> memref<72xf32, #tpu.memory_space<vmem_shared>>
          %dma_start3A_2081 = arith.constant 999936 : i32
          %dma_start3A_2082 = tpu.memref_slice %arg6[%dma_start3A_2081] : memref<1000008xf32, #tpu.memory_space<vmem_shared>> -> memref<72xf32, #tpu.memory_space<vmem_shared>>
          tpu.enqueue_dma source(%arg14 : memref<72xf32, #tpu.memory_space<vmem>>) target(%dma_start3A_2082 : memref<72xf32, #tpu.memory_space<vmem_shared>>) target_semaphore(%arg19 : memref<!tpu.dma_semaphore, #tpu.memory_space<semaphore_mem>>)
        } else {
        }
      } else {
      }
    }
    %scan3A_659 = arith.constant 150 : i32
    return
  }
}

</mosaic_0001>

<sc_bundles>
// kernel: kernel.3.cloned.1.call-start
scs
__scs_entry_jumppad:
0x0: {  	(pc) =	sbr.rel $0x88, $3  }
0x1: {  	(tag) =	ssettag $0x0;
	lr =	simm.s32 $0x1  }
0x2: {  	[smem:$0x3F9F] =	sst lr;
	_ =	strace $0xD0000000  }
0x3: {  	_ = 	snop  }
0x4: {  	_ = 	snop  }
0x5: {  	_ = 	snop  }
0x6: {  	_ = 	snop  }
0x7: {  	_ = 	snop  }
__scs_overlays_trampoline_lowered:
0x8: {  	[smem:$0x3FAE] =	sst s0  }
0x9: {  	[smem:$0x3FAF] =	sst s1  }
0xa: {  	[smem:$0x3FB0] =	sst s2  }
0xb: {  	[smem:$0x3FB1] =	sst s3  }
0xc: {  	[smem:$0x3FB2] =	sst s4  }
0xd: {  	[smem:$0x3FB3] =	sst s5  }
0xe: {  	[smem:$0x3FB4] =	sst s6  }
0xf: {  	[smem:$0x3FB5] =	sst s7  }
0x10: {  	[smem:$0x3FB6] =	sst s8  }
0x11: {  	[smem:$0x3FB7] =	sst s9;
	s0 =	simm.s32 @!p0 $0x0  }
0x12: {  	s1 =	sld [smem:$0x3F9D];
	s0 =	simm.s32 @p0 $0x1  }
0x13: {  	[smem:$0x3FB8] =	sst s0;
	s0 =	simm.s32 @!p1 $0x0  }
0x14: {  	s2 =	sld [smem:$0x3F9C];
	s0 =	simm.s32 @p1 $0x1  }
0x15: {  	[smem:$0x3FB9] =	sst s0;
	s0 =	simm.s32 @!p2 $0x0  }
0x16: {  	s3 =	sld [smem:$0x3FDB];
	s0 =	simm.s32 @p2 $0x1  }
0x17: {  	s4 =	simm.s32 $0x1BF5;
	[smem:$0x3FBB] =	sst s0  }
0x18: {  	s0 =	sld [smem:$0x3F9E];
	_ =	swait.ge [sflag:s4], $0x0  }
0x19: {  	s7 =	sld [smem:$0x3F9F]  }
0x1a: {  	s8 =	sadd.s32 $0xFFFFE003, lr  }
0x1b: {  	s9 =	sadd.s32 $0xFFFFFEF7, lr;
	s5 =	simm.s32 $0xFFFFFFFF;
	p2 =	slt.u32 s8, $0xFFFFF086  }
0x1c: {  	p1 =	slt.u32 s9, $0xF7A;
	s5 =	simm.s32 @!p2 $0x0  }
0x1d: {  	s5 =	simm.s32 @p1 $0x1;
	p0 =	seq.s32 s7, s2  }
0x1e: {  	s7 =	smul.u32 @!p0 $0xF7A, s2;
	p2 =	seq.s32 @!p0 s5, $0x0  }
0x1f: {  	s9 =	smul.u32 $0xF7A, s1;
	s8 =	simm.s32 @!p0 $0x1BF5;
	p2 =	por !p2, p0  }
0x20: {  	[sflag:s8] =	ssyncset.s32 @!p0 $0xFFFFF086;
	s6 =	sadd.s32 @!p0 s3, s7;
	s7 =	simm.s32 @!p0 $0x108  }
0x21: {  	s3 =	sadd.s32 s3, s9;
	s6 =	sadd.s32 @!p0 $0x88, s6;
	s7 =	simm.s32 @p2 $0x1082  }
0x22: {  	[simem:s7], [sflag:s8] =	dma.local @!p0 [hbm:s6], $0xF7A  }
0x23: {  	s9 =	sor.u32 $0xD0000000, s2;
	s6 =	simm.s32 $0x108;
	_ =	swait.ge @!p0 [sflag:s8], $0x0  }
0x24: {  	s3 =	sadd.s32 $0x88, s3;
	s6 =	simm.s32 @!p1 $0x1082;
	[sflag:s4] =	ssyncset.s32 $0xFFFFF086  }
0x25: {  	[simem:s6], [sflag:s4] =	dma.local [hbm:s3], $0xF7A  }
0x26: {  	[smem:$0x3F9F] =	sst s1;
	(tag) =	ssettag s2;
	_ =	strace s9  }
0x27: {  	s1 =	sld [smem:$0x3FAF]  }
0x28: {  	s2 =	sld [smem:$0x3FB0]  }
0x29: {  	s4 =	sld [smem:$0x3FB2]  }
0x2a: {  	p0 =	seq.s32 s5, $0x0;
	s5 =	sld [smem:$0x3FB3]  }
0x2b: {  	s6 =	sld [smem:$0x3FB4]  }
0x2c: {  	s7 =	sld [smem:$0x3FB5]  }
0x2d: {  	s3 =	simm.s32 $0x108;
	s8 =	sld [smem:$0x3FB6]  }
0x2e: {  	s3 =	simm.s32 @!p0 $0x1082;
	s9 =	sld [smem:$0x3FB7]  }
0x2f: {  	lr =	sadd.s32 s0, s3;
	s0 =	sld [smem:$0x3FAE]  }
0x30: {  	s3 =	sld [smem:$0x3FB1]  }
0x31: {  	[smem:$0x3FBA] =	sst s10  }
0x32: {  	s10 =	sld [smem:$0x3FB8];
	_ =	sdelay $0x3  }
0x33: {  	p0 =	seq.s32 s10, $0x1;
	s10 =	sld [smem:$0x3FBA];
	_ =	sdelay $0x3  }
0x34: {  	[smem:$0x3FBA] =	sst s10  }
0x35: {  	s10 =	sld [smem:$0x3FB9];
	_ =	sdelay $0x3  }
0x36: {  	p1 =	seq.s32 s10, $0x1;
	s10 =	sld [smem:$0x3FBA];
	_ =	sdelay $0x3  }
0x37: {  	[smem:$0x3FBA] =	sst s10  }
0x38: {  	s10 =	sld [smem:$0x3FBB]  }
0x39: {  	_ = 	snop;
	(pc) =	sbr.ind lr, $3  }
0x3a: {  	_ = 	snop  }
0x3b: {  	_ = 	snop  }
0x3c: {  	p2 =	seq.s32 s10, $0x1;
	s10 =	sld [smem:$0x3FBA]  }
0x3d: {  	_ =	shalt  }
0x3e: {  	_ =	shalt  }
0x3f: {  	_ =	shalt  }
0x40: {  	_ =	shalt  }
0x41: {  	_ =	shalt  }
0x42: {  	_ =	shalt  }
0x43: {  	_ =	shalt  }
0x44: {  	_ =	shalt  }
0x45: {  	_ =	shalt  }
0x46: {  	_ =	shalt  }
0x47: {  	_ =	shalt  }
0x48: {  	_ =	shalt  }
0x49: {  	_ =	shalt  }
0x4a: {  	_ =	shalt  }
0x4b: {  	_ =	shalt  }
0x4c: {  	_ =	shalt  }
0x4d: {  	_ =	shalt  }
0x4e: {  	_ =	shalt  }
0x4f: {  	_ =	shalt  }
0x50: {  	_ =	shalt  }
0x51: {  	_ =	shalt  }
0x52: {  	_ =	shalt  }
0x53: {  	_ =	shalt  }
0x54: {  	_ =	shalt  }
0x55: {  	_ =	shalt  }
0x56: {  	_ =	shalt  }
0x57: {  	_ =	shalt  }
0x58: {  	_ =	shalt  }
0x59: {  	_ =	shalt  }
0x5a: {  	_ =	shalt  }
0x5b: {  	_ =	shalt  }
0x5c: {  	_ =	shalt  }
0x5d: {  	_ =	shalt  }
0x5e: {  	_ =	shalt  }
0x5f: {  	_ =	shalt  }
0x60: {  	_ =	shalt  }
0x61: {  	_ =	shalt  }
0x62: {  	_ =	shalt  }
0x63: {  	_ =	shalt  }
0x64: {  	_ =	shalt  }
0x65: {  	_ =	shalt  }
0x66: {  	_ =	shalt  }
0x67: {  	_ =	shalt  }
0x68: {  	_ =	shalt  }
0x69: {  	_ =	shalt  }
0x6a: {  	_ =	shalt  }
0x6b: {  	_ =	shalt  }
0x6c: {  	_ =	shalt  }
0x6d: {  	_ =	shalt  }
0x6e: {  	_ =	shalt  }
0x6f: {  	_ =	shalt  }
0x70: {  	_ =	shalt  }
0x71: {  	_ =	shalt  }
0x72: {  	_ =	shalt  }
0x73: {  	_ =	shalt  }
0x74: {  	_ =	shalt  }
0x75: {  	_ =	shalt  }
0x76: {  	_ =	shalt  }
0x77: {  	_ =	shalt  }
0x78: {  	_ =	shalt  }
0x79: {  	_ =	shalt  }
0x7a: {  	_ =	shalt  }
0x7b: {  	_ =	shalt  }
0x7c: {  	_ =	shalt  }
0x7d: {  	_ =	shalt  }
0x7e: {  	_ =	shalt  }
0x7f: {  	_ =	shalt  }
0x80: {  	_ =	shalt  }
0x81: {  	_ =	shalt  }
0x82: {  	_ =	shalt  }
0x83: {  	_ =	shalt  }
0x84: {  	_ =	shalt  }
0x85: {  	_ =	shalt  }
0x86: {  	_ =	shalt  }
0x87: {  	_ =	shalt  }
.Lfunc_end0:
.L_simem_size_0:
called_computation_lowered:
.L_overlay_start_0:
0x88: {  	s2 =	sld [smem:$0x3FD9]  }
0x89: {  	s3 =	sld [smem:$0x3FFE];
	_ =	sdelay $0x1  }
0x8a: {  	s1 =	srdreg.scid  }
0x8b: {  	s0 =	sand.u32 $0x1, s1  }
0x8c: {  	s17 =	sshll.u32 s0, $0xA;
	s2 =	sadd.s32 s3, s2  }
0x8d: {  	s2 =	sadd.s32 s2, s17  }
0x8e: {  	[smem:$0x3FC6] =	sst s2  }
0x8f: {  	_ = 	snop  }
0x90: {  	s2 =	sld [smem:$0x3FC9]  }
0x91: {  	s18 =	sld [smem:$0x3FD0];
	(tm) =	ssettm $0x1  }
0x92: {  	s4 =	sld [smem:$0x3FFB];
	_ =	sdelay $0x3  }
0x93: {  	_ =	strace s4  }
0x94: {  	s4 =	sld [smem:$0x3FFC];
	_ =	sdelay $0x3  }
0x95: {  	_ =	strace s4  }
0x96: {  	s4 =	sld [smem:$0x3FFD];
	_ =	sdelay $0x3  }
0x97: {  	_ =	strace s4  }
0x98: {  	_ =	strace $0x8FFFFFFF  }
0x99: {  	s19 =	sld [smem:$0x3FDB];
	_ =	sdelay $0x1  }
0x9a: {  	s5 =	simm.s32 $_scs_section_size  }
0x9b: {  	s6 =	simm.s32 $_size__tile_overlayer_lowered;
	s7 =	simm.s32 $_tile_overlayer_lowered  }
0x9c: {  	s22 =	simm.s32 $0x1BFF;
	s21 =	sshll.u32 s7, $0x1;
	s4 =	sadd.s32 s5, s19  }
0x9d: {  	s8 =	simm.s32 $0x0;
	s20 =	sshll.u32 s6, $0x1;
	s6 =	sadd.s32 s21, s4  }
0x9e: {  	[timem:s8], [sflag:s22] =	dma.local [hbm:s6], s20  }
0x9f: {  	_ =	swait.ge [sflag:s22], s20  }
0xa0: {  	s5 =	ssub.s32 $0x0, s20;
	[sflag:s22] =	ssyncset.done $0x0  }
0xa1: {  	[sflag:s22] =	ssyncadd.s32 s5;
	_ =	sdelay $0x1  }
0xa2: {  	s23 =	simm.s32 $0x1B8B  }
0xa3: {  	_ =	swait.ge [sflag:s23], $0x1  }
0xa4: {  	[sflag:s23] =	ssyncset.done $0x0  }
0xa5: {  	s25 =	simm.s32 $0x1B8E;
	s24 =	sld [smem:$0x3FFE];
	[sflag:s23] =	ssyncadd.s32 $0xFFFFFFFF  }
0xa6: {  	s26 =	simm.s32 $execute0_lowered;
	[smem:$0x3FD2] =	sst s25  }
0xa7: {  	s6 =	sshll.u32 s26, $0x1;
	_ =	strace $0x80000046;
	[dreg:$0x1] =	wrdreg $0xFFFFFFFF  }
0xa8: {  	s28 =	simm.s32 $_size_execute0_lowered;
	s4 =	sadd.s32 s4, s6;
	[dreg:$0x0] =	wrdreg $0x0  }
0xa9: {  	s6 =	sshll.u32 s28, $0x1;
	[dreg:$0x2] =	wrdreg s4  }
0xaa: {  	[dreg:$0x3] =	wrdreg s6  }
0xab: {  	[dreg:$0x4] =	wrdreg $0xC0  }
0xac: {  	_ =	task [dreg:s8], $0x5FFFF  }
0xad: {  	[dreg:$0x1] =	wrdreg $0xFFFFFFFF  }
0xae: {  	[dreg:$0x0] =	wrdreg $0x60  }
0xaf: {  	[dreg:$0x2] =	wrdreg s2  }
0xb0: {  	[dreg:$0x3] =	wrdreg s18  }
0xb1: {  	[dreg:$0x4] =	wrdreg s24  }
0xb2: {  	[dreg:$0x5] =	wrdreg $0xF4280  }
0xb3: {  	[dreg:$0x6] =	wrdreg $0x0  }
0xb4: {  	[dreg:$0x7] =	wrdreg $0x9  }
0xb5: {  	_ =	task.clear_ibuf [dreg:s8], $0x8FFFF;
	_ =	strace $0x90000046  }
0xb6: {  	s29 =	simm.s32 $0x9;
	_ =	strace $0x80000048  }
0xb7: {  	_ =	swait.ge [sflag:s29], $0x1  }
0xb8: {  	[sflag:s29] =	ssyncadd.s32 $0xFFFFFFFF  }
0xb9: {  	_ =	strace $0x90000048  }
0xba: {  	_ =	sfence  }
0xbb: {  	s30 =	sld [smem:$0x0];
	_ =	sdelay $0x2  }
0xbc: {  	s31 =	sshll.u32 s1, $0xD;
	s1 =	sshrl.u32 s1, $0x2  }
0xbd: {  	s3 =	sand.u32 $0x4000, s31;
	s1 =	sadd.s32 s1, s30  }
0xbe: {  	s0 =	sor.u32 s3, s0;
	s1 =	sshll.u32 s1, $0x11  }
0xbf: {  	s0 =	sor.u32 s1, s0  }
0xc0: {  	s0 =	sadd.s32 $0x8F2B, s0  }
0xc1: {  	[sflag:s0] =	ssyncadd.remote.s32 $0x1  }
0xc2: {  	_ =	sfence.sel $0xFFFF  }
0xc3: {  	[dreg:$0x0] =	wrdreg $0xFFFFFFFF;
	(pc) =	sbr.abs _section_cstart, $3  }
0xc4: {  	[dreg:$0x1] =	wrdreg $0xFFFFFFFF  }
0xc5: {  	_ =	task.clear_ibuf [dreg:s8], $0x2FFFF;
	_ =	strace $0x9FFFFFFF  }
0xc6: {  	(tm) =	ssettm $0x7FFFFFFF  }
0xc7: {  	_ =	shalt  }
tec
execute0_lowered:
.L_overlay_start_1:
0x0: {  	(tag) =	ssettag $0x1  }
0x1: {  	s0 =	rddreg [dreg:$0x0]  }
0x2: {  	s7 =	rddreg [dreg:$0x1]  }
0x3: {  	s5 =	rddreg [dreg:$0x2];
	s1 =	srdreg.scid  }
0x4: {  	s6 =	stileid.u32;
	s14 =	rddreg [dreg:$0x3]  }
0x5: {  	s2 =	simm.s32 $0x0;
	s28 =	simm.s32 $0x1F670;
	s30 =	simm.s32 $0x1  }
0x6: {  	s3 =	sand.u32 $0x1, s1;
	s4 =	smul.u32 $0xC800, s6;
	s1 =	rddreg [dreg:$0x4]  }
0x7: {  	[smem:$0x7FF] =	sst s2;
	s9 =	sadd.s32 $0x1000, s5;
	p0 =	sne.s32 s6, $0x0  }
0x8: {  	p1 =	seq.s32 s6, $0x0;
	p2 =	seq.s32 s6, $0xF;
	s8 =	smul.u32 $0x7530000, s3  }
0x9: {  	s5 =	sadd.s32 $0x400, s5;
	s10 =	ssub.s32 $0x2, s3;
	s12 =	sshrl.u32 s4, $0x3  }
0xa: {  	s11 =	sshrl.u32 s10, $0x1;
	s8 =	sadd.s32 s4, s8;
	s7 =	sadd.s32 s7, s12  }
0xb: {  	s4 =	ssub.s32 s10, s11;
	s13 =	sshrl.u32 s8, $0x3;
	[dreg:$0x6] =	wrdreg s7  }
0xc: {  	s12 =	sadd.s32 $0xBB80, s8;
	s15 =	sadd.s32 $0xA280, s8;
	s18 =	sadd.s32 $0x9600, s8  }
0xd: {  	s19 =	sadd.s32 $0x8980, s8;
	s20 =	sadd.s32 $0x7D00, s8;
	s23 =	sadd.s32 $0x7080, s8  }
0xe: {  	s24 =	sadd.s32 $0x6400, s8;
	s25 =	sadd.s32 $0x5780, s8;
	s11 =	sadd.s32 s13, s9  }
0xf: {  	s13 =	sadd.s32 $0xAF00, s8;
	s7 =	sshrl.u32 s12, $0x3;
	s12 =	sadd.s32 $0x3E80, s8  }
0x10: {  	[dreg:$0x7] =	wrdreg s11;
	s10 =	sshrl.u32 s13, $0x3;
	s7 =	sadd.s32 s7, s9  }
0x11: {  	s11 =	sshrl.u32 s15, $0x3;
	s13 =	sadd.s32 $0x3200, s8;
	[dreg:$0x8] =	wrdreg s7  }
0x12: {  	s16 =	sadd.s32 s10, s9;
	s17 =	sadd.s32 s11, s9;
	s7 =	sshrl.u32 s18, $0x3  }
0x13: {  	s10 =	sshrl.u32 s19, $0x3;
	s11 =	sshrl.u32 s20, $0x3;
	[dreg:$0x9] =	wrdreg s16  }
0x14: {  	s18 =	sadd.s32 $0x1900, s8;
	[dreg:$0xa] =	wrdreg s17;
	s7 =	sadd.s32 s7, s9  }
0x15: {  	s21 =	sadd.s32 s10, s9;
	s22 =	sadd.s32 s11, s9;
	[dreg:$0xb] =	wrdreg s7  }
0x16: {  	s10 =	sshrl.u32 s24, $0x3;
	s11 =	sshrl.u32 s25, $0x3;
	[dreg:$0xc] =	wrdreg s21  }
0x17: {  	s17 =	sadd.s32 $0x2580, s8;
	[dreg:$0xd] =	wrdreg s22;
	s7 =	sshrl.u32 s23, $0x3  }
0x18: {  	s26 =	sadd.s32 s10, s9;
	s10 =	sadd.s32 s11, s9;
	s11 =	sadd.s32 $0x4B00, s8  }
0x19: {  	s8 =	sadd.s32 $0xC80, s8;
	s7 =	sadd.s32 s7, s9;
	[dreg:$0xf] =	wrdreg s26  }
0x1a: {  	[dreg:$0x10] =	wrdreg s10;
	s10 =	sshrl.u32 s12, $0x3;
	s8 =	sshrl.u32 s8, $0x3  }
0x1b: {  	[dreg:$0xe] =	wrdreg s7;
	s7 =	sshrl.u32 s11, $0x3;
	s15 =	sadd.s32 s10, s9  }
0x1c: {  	s11 =	sshrl.u32 s13, $0x3;
	s7 =	sadd.s32 s7, s9;
	[dreg:$0x12] =	wrdreg s15  }
0x1d: {  	s20 =	sadd.s32 s8, s9;
	[dreg:$0x11] =	wrdreg s7;
	s7 =	sshrl.u32 s17, $0x3  }
0x1e: {  	s10 =	sshrl.u32 s18, $0x3;
	[dreg:$0x16] =	wrdreg s20;
	s7 =	sadd.s32 s7, s9  }
0x1f: {  	s16 =	sadd.s32 s11, s9;
	[dreg:$0x14] =	wrdreg s7;
	s7 =	smul.u32 $0xF400, s6  }
0x20: {  	p3 =	sne.s32 @!p1 s6, $0xF;
	s19 =	sadd.s32 s10, s9;
	[dreg:$0x13] =	wrdreg s16  }
0x21: {  	p4 =	seq.s32 @!p2 s6, $0x0;
	[dreg:$0x15] =	wrdreg s19;
	s21 =	sadd.s32 $0xF00, s7  }
0x22: {  	_ =	strace $0x80000047;
	[dreg:$0x17] =	wrdreg s5;
	s22 =	sadd.s32 s0, s21  }
0x23: {  	s23 =	sadd.s32 $0x1E00, s7;
	s6 =	sadd.s32 s21, s1;
	[dreg:$0x18] =	wrdreg s22  }
0x24: {  	s29 =	simm.s32 $0x7;
	s24 =	sadd.s32 s0, s23;
	[dreg:$0x19] =	wrdreg s6  }
0x25: {  	s25 =	sadd.s32 $0x2D00, s7;
	s5 =	sadd.s32 s23, s1;
	[dreg:$0x1a] =	wrdreg s24  }
0x26: {  	s8 =	sadd.s32 $0x3C00, s7;
	s26 =	sadd.s32 s0, s25;
	[dreg:$0x1b] =	wrdreg s5  }
0x27: {  	s10 =	sadd.s32 $0x4B00, s7;
	s9 =	sadd.s32 s0, s8;
	[dreg:$0x1c] =	wrdreg s26  }
0x28: {  	s12 =	sadd.s32 $0x5A00, s7;
	s11 =	sadd.s32 s0, s10;
	[dreg:$0x1e] =	wrdreg s9  }
0x29: {  	s15 =	sadd.s32 $0x6900, s7;
	s13 =	sadd.s32 s0, s12;
	[smem:$0x7DD] =	sst s11  }
0x2a: {  	s17 =	sadd.s32 $0x7800, s7;
	s16 =	sadd.s32 s0, s15;
	[smem:$0x7DF] =	sst s13  }
0x2b: {  	s19 =	sadd.s32 $0x8700, s7;
	s18 =	sadd.s32 s0, s17;
	[smem:$0x7E1] =	sst s16  }
0x2c: {  	s31 =	simm.s32 $0xB;
	s20 =	sadd.s32 s0, s19;
	[smem:$0x7E3] =	sst s18  }
0x2d: {  	p3 =	por p3, p1;
	s6 =	sadd.s32 s25, s1;
	[smem:$0x7E5] =	sst s20  }
0x2e: {  	s21 =	sadd.s32 $0x9600, s7;
	s5 =	sadd.s32 s8, s1;
	[dreg:$0x1d] =	wrdreg s6  }
0x2f: {  	s23 =	sadd.s32 $0xA500, s7;
	s22 =	sadd.s32 s0, s21;
	[dreg:$0x1f] =	wrdreg s5  }
0x30: {  	p4 =	por !p4, p2;
	s24 =	sadd.s32 s0, s23;
	[smem:$0x7E7] =	sst s22  }
0x31: {  	s25 =	sadd.s32 $0xB400, s7;
	s8 =	sadd.s32 s0, s7;
	[smem:$0x7E9] =	sst s24  }
0x32: {  	s9 =	smul.u32 $0x96, s3;
	s6 =	sadd.s32 s10, s1;
	[smem:$0x7ED] =	sst s8  }
0x33: {  	s11 =	sadd.s32 $0xC300, s7;
	s5 =	sadd.s32 s12, s1;
	[smem:$0x7DE] =	sst s6  }
0x34: {  	s13 =	sadd.s32 $0xE100, s7;
	s26 =	sadd.s32 s0, s25;
	[smem:$0x7E0] =	sst s5  }
0x35: {  	s3 =	smul.u32 $0xA8C0, s3;
	s10 =	sadd.s32 s7, s1;
	[smem:$0x7EB] =	sst s26  }
0x36: {  	s12 =	sadd.s32 $0xD200, s7;
	s18 =	sadd.s32 s0, s13;
	[smem:$0x7EE] =	sst s10  }
0x37: {  	s7 =	sadd.s32 $0xF000, s7;
	s22 =	smax.u32 s4, $0x1;
	[smem:$0x7F3] =	sst s18  }
0x38: {  	s24 =	sadd.s32 $0xF4000, s1;
	s8 =	simm.s32 $0x1C170;
	[smem:$0x7F8] =	sst s22  }
0x39: {  	s4 =	simm.s32 $0xC80;
	s6 =	sadd.s32 s15, s1;
	[smem:$0x7FA] =	sst s24  }
0x3a: {  	s5 =	sadd.s32 s17, s1;
	s15 =	sadd.s32 s0, s11;
	[smem:$0x7E2] =	sst s6  }
0x3b: {  	s16 =	sadd.s32 s0, s12;
	s17 =	sadd.s32 s12, s1;
	[smem:$0x7E4] =	sst s5  }
0x3c: {  	s3 =	sshrl.u32 s3, $0x2;
	s20 =	sadd.s32 s0, s7;
	[smem:$0x7EF] =	sst s15  }
0x3d: {  	s0 =	sadd.s32 $0xF4000, s0;
	s26 =	sor.u32 $0x1, s9;
	[smem:$0x7F1] =	sst s16  }
0x3e: {  	s10 =	simm.s32 $0x1C970;
	s12 =	simm.s32 $0x1D070;
	[smem:$0x7F2] =	sst s17  }
0x3f: {  	s18 =	simm.s32 $0x1E770;
	s22 =	simm.s32 $0x2;
	[smem:$0x7F5] =	sst s20  }
0x40: {  	s24 =	simm.s32 $0x4;
	s6 =	sadd.s32 s19, s1;
	[smem:$0x7F7] =	sst s0  }
0x41: {  	s5 =	sadd.s32 s21, s1;
	s19 =	sadd.s32 s13, s1;
	[smem:$0x7FD] =	sst s26  }
0x42: {  	s21 =	sadd.s32 s7, s1;
	s3 =	sadd.s32 s3, s14;
	[smem:$0x7E6] =	sst s6  }
0x43: {  	s14 =	simm.s32 $0x1D870;
	s16 =	simm.s32 $0x1DF70;
	[smem:$0x7E8] =	sst s5  }
0x44: {  	s20 =	simm.s32 $0x5;
	s26 =	simm.s32 $0x6;
	[smem:$0x7F4] =	sst s19  }
0x45: {  	s0 =	simm.s32 $0x8;
	s7 =	simm.s32 $0xD;
	[smem:$0x7F6] =	sst s21  }
0x46: {  	s6 =	sadd.s32 s23, s1;
	s5 =	sadd.s32 s25, s1;
	[smem:$0x7FB] =	sst s3  }
.Ltmp0:
0x47: {  	s23 =	sadd.s32 $0xF4200, s1;
	[smem:$0x7EA] =	sst s6;
	(pc) =	sbr.rel .LBB2_1-.Ltmp0, $4  }
0x48: {  	s25 =	sadd.s32 $0x48, s3;
	s3 =	simm.s32 $0x3;
	[smem:$0x7EC] =	sst s5  }
0x49: {  	v2 =	vlaneseq.u32;
	v1 =	vimm.s32 $0x0;
	s21 =	simm.s32 $0xC;
	s5 =	sadd.s32 s11, s1;
	[smem:$0x7F9] =	sst s23  }
0x4a: {  	vm0 =	vmmov $0xffff;
	vm1 =	vmmov $0x3fff;
	vm2 =	vmmov $0xff;
	[smem:$0x7FC] =	sst s25;
	s23 =	simm.s32 $0x1EE70;
	s6 =	simm.s32 $0xA  }
0x4b: {  	v2 =	vmul.u32 $0x8, v2;
	vm3 =	vmmov @!p3 $0xf;
	v0 =	vmov s9;
	s11 =	simm.s32 $0x0;
	[smem:$0x7F0] =	sst s5;
	s5 =	simm.s32 $0x9  }
.LBB2_4:
0x4c: {  	s11 =	sld [smem:$0x7CD]  }
0x4d: {  	s9 =	sld [smem:$0x7F8];
	_ =	sdelay $0x1  }
0x4e: {  	s11 =	sadd.s32 $0x1, s11  }
0x4f: {  	p5 =	sne.s32 s11, s9  }
.Ltmp1:
0x50: {  	_ = 	snop;
	(pc) =	sbr.rel @!p5 .LBB2_5-.Ltmp1, $1  }
0x51: {  	_ =	sdelay $0x3  }
.LBB2_1:
0x52: {  	[smem:$0x7CD] =	sst s11  }
0x53: {  	s9 =	rddreg [dreg:$0x6];
	s25 =	simm.s32 $0xF970;
	s11 =	simm.s32 $0xE  }
0x54: {  	[tilespmem:s25], [sflag:$0xE] =	stream.linear.gather [hbm4b:s9+s2], $0xC800, $0x38;
	[tilespmem:$0x1FE70] =	vst v63  }
0x55: {  	_ =	swait.ge [sflag:s11], $0xC800  }
0x56: {  	[sflag:s11] =	ssyncset.done $0x0  }
0x57: {  	[sflag:s11] =	ssyncadd.s32 $0xFFFF3800  }
0x58: {  	s9 =	rddreg [dreg:$0x3]  }
0x59: {  	s13 =	rddreg [dreg:$0x17];
	s11 =	simm.s32 @!p0 $0x1C0E;
	s9 =	sshrl.u32 @!p0 s9, $0x3  }
0x5a: {  	[spmem:s9], [sflag:s11] =	dma.local @!p0 [hbm:s13], $0xA90  }
0x5b: {  	s9 =	simm.s32 @!p0 $0xE  }
0x5c: {  	_ =	swait.ge @!p0 [sflag:s9], $0xA90  }
0x5d: {  	[sflag:s9] =	ssyncset.done @!p0 $0x0  }
0x5e: {  	[sflag:s9] =	ssyncadd.s32 @!p0 $0xFFFFF570  }
0x5f: {  	[tilespmem:$0x1FD70] =	vst v0  }
0x60: {  	v3 =	vld.msk [tilespmem:$0x1FD70], $0x1;
	_ =	sdelay $0x4  }
0x61: {  	v4 =	vshrl.u32 v3, $0x3  }
0x62: {  	v4 =	vmul.u32 $0xF428, v4  }
0x63: {  	v3 =	vand.u32 $0x7, v3  }
0x64: {  	v3 =	vor.u32 v3, v4  }
0x65: {  	v3 =	vperm.xlane v3, v1;
	_ =	sdelay $0x1  }
0x66: {  	v3 =	vadd.s32 v2, v3;
	_ =	sdelay $0x1  }
0x67: {  	s13 =	sld [smem:$0x7ED];
	_ =	sdelay $0x2  }
0x68: {  	[tilespmem:s8], [sflag:$0x1] =	stream.indirect_vreg.gather [hbm4b:s13+s2], $0x80, v3, vm0, $0xb8;
	[tilespmem:$0x1FE70] =	vst v63  }
0x69: {  	s9 =	sadd.s32 $0x800, s13  }
0x6a: {  	[tilespmem:s10], [sflag:$0x1] =	stream.indirect_vreg.gather [hbm4b:s9+s2], $0x80, v3, vm1, $0xb8;
	[tilespmem:$0x1FE70] =	vst v63  }
0x6b: {  	v3 =	vld.msk [tilespmem:$0x1FD70], $0x1;
	_ =	sdelay $0x4  }
0x6c: {  	v48 =	vshrl.u32 v3, $0x3  }
0x6d: {  	v4 =	vmul.u32 $0xF428, v48  }
0x6e: {  	v3 =	vand.u32 $0x7, v3  }
0x6f: {  	v3 =	vor.u32 v3, v4  }
0x70: {  	v3 =	vperm.xlane v3, v1;
	_ =	sdelay $0x1  }
0x71: {  	v3 =	vadd.s32 v2, v3;
	_ =	sdelay $0x3  }
0x72: {  	s15 =	rddreg [dreg:$0x18]  }
0x73: {  	[tilespmem:s12], [sflag:$0x2] =	stream.indirect_vreg.gather [hbm4b:s15+s2], $0x80, v3, vm0, $0xb8;
	[tilespmem:$0x1FE70] =	vst v63  }
0x74: {  	[smem:$0x7CE] =	sst s9;
	s9 =	sadd.s32 $0x800, s15  }
0x75: {  	[tilespmem:s14], [sflag:$0x2] =	stream.indirect_vreg.gather [hbm4b:s9+s2], $0x80, v3, vm1, $0xb8;
	[tilespmem:$0x1FE70] =	vst v63  }
0x76: {  	v3 =	vld.msk [tilespmem:$0x1FD70], $0x1;
	_ =	sdelay $0x4  }
0x77: {  	v49 =	vshrl.u32 v3, $0x3  }
0x78: {  	v4 =	vmul.u32 $0xF428, v49  }
0x79: {  	v3 =	vand.u32 $0x7, v3  }
0x7a: {  	v3 =	vor.u32 v3, v4  }
0x7b: {  	v3 =	vperm.xlane v3, v1;
	_ =	sdelay $0x1  }
0x7c: {  	v3 =	vadd.s32 v2, v3;
	_ =	sdelay $0x3  }
0x7d: {  	s17 =	rddreg [dreg:$0x1a]  }
0x7e: {  	[tilespmem:s16], [sflag:$0x3] =	stream.indirect_vreg.gather [hbm4b:s17+s2], $0x80, v3, vm0, $0xb8;
	[tilespmem:$0x1FE70] =	vst v63  }
0x7f: {  	[smem:$0x7CF] =	sst s9;
	s9 =	sadd.s32 $0x800, s17  }
0x80: {  	[tilespmem:s18], [sflag:$0x3] =	stream.indirect_vreg.gather [hbm4b:s9+s2], $0x80, v3, vm1, $0xb8;
	[tilespmem:$0x1FE70] =	vst v63  }
0x81: {  	v3 =	vld.msk [tilespmem:$0x1FD70], $0x1;
	_ =	sdelay $0x4  }
0x82: {  	v50 =	vshrl.u32 v3, $0x3  }
0x83: {  	v4 =	vmul.u32 $0xF428, v50  }
0x84: {  	v3 =	vand.u32 $0x7, v3  }
0x85: {  	v3 =	vor.u32 v3, v4  }
0x86: {  	v3 =	vperm.xlane v3, v1;
	_ =	sdelay $0x1  }
0x87: {  	v3 =	vadd.s32 v2, v3;
	_ =	sdelay $0x2  }
0x88: {  	s19 =	rddreg [dreg:$0x1c]  }
0x89: {  	[smem:$0x7D0] =	sst s9;
	s9 =	sadd.s32 $0x800, s19  }
0x8a: {  	[tilespmem:s23], [sflag:$0x4] =	stream.indirect_vreg.gather [hbm4b:s19+s2], $0x80, v3, vm0, $0xb8;
	[tilespmem:$0x1FE70] =	vst v63  }
0x8b: {  	[smem:$0x7D1] =	sst s9  }
0x8c: {  	[tilespmem:s28], [sflag:$0x4] =	stream.indirect_vreg.gather [hbm4b:s9+s2], $0x80, v3, vm1, $0xb8;
	[tilespmem:$0x1FE70] =	vst v63  }
0x8d: {  	_ =	swait.ge [sflag:s30], $0xF00  }
0x8e: {  	s25 =	sld [smem:$0x7EE]  }
0x8f: {  	[sflag:s30] =	ssyncset.done $0x0  }
0x90: {  	[sflag:s30] =	ssyncadd.s32 $0xFFFFF100  }
0x91: {  	[spmem:s25] =	stream.linear.scatter [tilespmem:s8], [sflag:$0x5], $0xF00, $0x38;
	[tilespmem:$0x1FE70] =	vst v63  }
0x92: {  	_ =	swait.ge [sflag:s20], $0xF00  }
0x93: {  	[sflag:s20] =	ssyncset.done $0x0  }
0x94: {  	[sflag:s20] =	ssyncadd.s32 $0xFFFFF100  }
0x95: {  	v3 =	vld.msk [tilespmem:$0x1FD70], $0x1;
	_ =	sdelay $0x4  }
0x96: {  	v51 =	vshrl.u32 v3, $0x3  }
0x97: {  	v4 =	vmul.u32 $0xF428, v51  }
0x98: {  	v3 =	vand.u32 $0x7, v3  }
0x99: {  	v3 =	vor.u32 v3, v4  }
0x9a: {  	v3 =	vperm.xlane v3, v1;
	_ =	sdelay $0x1  }
0x9b: {  	v3 =	vadd.s32 v2, v3;
	_ =	sdelay $0x2  }
0x9c: {  	s11 =	rddreg [dreg:$0x1e]  }
0x9d: {  	s9 =	sadd.s32 $0x800, s11  }
0x9e: {  	[tilespmem:s8], [sflag:$0x1] =	stream.indirect_vreg.gather [hbm4b:s11+s2], $0x80, v3, vm0, $0xb8;
	[tilespmem:$0x1FE70] =	vst v63  }
0x9f: {  	[smem:$0x7D2] =	sst s9  }
0xa0: {  	[tilespmem:s10], [sflag:$0x1] =	stream.indirect_vreg.gather [hbm4b:s9+s2], $0x80, v3, vm1, $0xb8;
	[tilespmem:$0x1FE70] =	vst v63  }
0xa1: {  	_ =	swait.ge [sflag:s22], $0xF00  }
0xa2: {  	[sflag:s22] =	ssyncset.done $0x0  }
0xa3: {  	s13 =	rddreg [dreg:$0x19];
	[sflag:s22] =	ssyncadd.s32 $0xFFFFF100  }
0xa4: {  	[spmem:s13] =	stream.linear.scatter [tilespmem:s12], [sflag:$0x5], $0xF00, $0x38;
	[tilespmem:$0x1FE70] =	vst v63  }
0xa5: {  	_ =	swait.ge [sflag:s20], $0xF00  }
0xa6: {  	[sflag:s20] =	ssyncset.done $0x0  }
0xa7: {  	[sflag:s20] =	ssyncadd.s32 $0xFFFFF100  }
0xa8: {  	v3 =	vld.msk [tilespmem:$0x1FD70], $0x1;
	_ =	sdelay $0x4  }
0xa9: {  	v52 =	vshrl.u32 v3, $0x3  }
0xaa: {  	v4 =	vmul.u32 $0xF428, v52  }
0xab: {  	v3 =	vand.u32 $0x7, v3  }
0xac: {  	v3 =	vor.u32 v3, v4  }
0xad: {  	v3 =	vperm.xlane v3, v1;
	_ =	sdelay $0x1  }
0xae: {  	v3 =	vadd.s32 v2, v3  }
0xaf: {  	s15 =	sld [smem:$0x7DD];
	_ =	sdelay $0x2  }
0xb0: {  	s9 =	sadd.s32 $0x800, s15  }
0xb1: {  	[tilespmem:s12], [sflag:$0x2] =	stream.indirect_vreg.gather [hbm4b:s15+s2], $0x80, v3, vm0, $0xb8;
	[tilespmem:$0x1FE70] =	vst v63  }
0xb2: {  	[smem:$0x7D3] =	sst s9  }
0xb3: {  	[tilespmem:s14], [sflag:$0x2] =	stream.indirect_vreg.gather [hbm4b:s9+s2], $0x80, v3, vm1, $0xb8;
	[tilespmem:$0x1FE70] =	vst v63  }
0xb4: {  	_ =	swait.ge [sflag:s3], $0xF00  }
0xb5: {  	[sflag:s3] =	ssyncset.done $0x0  }
0xb6: {  	s17 =	rddreg [dreg:$0x1b];
	[sflag:s3] =	ssyncadd.s32 $0xFFFFF100  }
0xb7: {  	[spmem:s17] =	stream.linear.scatter [tilespmem:s16], [sflag:$0x5], $0xF00, $0x38;
	[tilespmem:$0x1FE70] =	vst v63  }
0xb8: {  	_ =	swait.ge [sflag:s20], $0xF00  }
0xb9: {  	[sflag:s20] =	ssyncset.done $0x0  }
0xba: {  	[sflag:s20] =	ssyncadd.s32 $0xFFFFF100  }
0xbb: {  	v3 =	vld.msk [tilespmem:$0x1FD70], $0x1;
	_ =	sdelay $0x4  }
0xbc: {  	v53 =	vshrl.u32 v3, $0x3  }
0xbd: {  	v4 =	vmul.u32 $0xF428, v53  }
0xbe: {  	v3 =	vand.u32 $0x7, v3  }
0xbf: {  	v3 =	vor.u32 v3, v4  }
0xc0: {  	v3 =	vperm.xlane v3, v1;
	_ =	sdelay $0x1  }
0xc1: {  	v3 =	vadd.s32 v2, v3  }
0xc2: {  	s19 =	sld [smem:$0x7DF];
	_ =	sdelay $0x2  }
0xc3: {  	s9 =	sadd.s32 $0x800, s19  }
0xc4: {  	[tilespmem:s16], [sflag:$0x3] =	stream.indirect_vreg.gather [hbm4b:s19+s2], $0x80, v3, vm0, $0xb8;
	[tilespmem:$0x1FE70] =	vst v63  }
0xc5: {  	[smem:$0x7D4] =	sst s9  }
0xc6: {  	[tilespmem:s18], [sflag:$0x3] =	stream.indirect_vreg.gather [hbm4b:s9+s2], $0x80, v3, vm1, $0xb8;
	[tilespmem:$0x1FE70] =	vst v63  }
0xc7: {  	_ =	swait.ge [sflag:s24], $0xF00  }
0xc8: {  	[sflag:s24] =	ssyncset.done $0x0  }
0xc9: {  	s25 =	rddreg [dreg:$0x1d];
	[sflag:s24] =	ssyncadd.s32 $0xFFFFF100  }
0xca: {  	[spmem:s25] =	stream.linear.scatter [tilespmem:s23], [sflag:$0x5], $0xF00, $0x38;
	[tilespmem:$0x1FE70] =	vst v63  }
0xcb: {  	_ =	swait.ge [sflag:s20], $0xF00  }
0xcc: {  	[sflag:s20] =	ssyncset.done $0x0  }
0xcd: {  	[sflag:s20] =	ssyncadd.s32 $0xFFFFF100  }
0xce: {  	v3 =	vld.msk [tilespmem:$0x1FD70], $0x1;
	_ =	sdelay $0x4  }
0xcf: {  	v54 =	vshrl.u32 v3, $0x3  }
0xd0: {  	v4 =	vmul.u32 $0xF428, v54  }
0xd1: {  	v3 =	vand.u32 $0x7, v3  }
0xd2: {  	v3 =	vor.u32 v3, v4  }
0xd3: {  	v3 =	vperm.xlane v3, v1;
	_ =	sdelay $0x1  }
0xd4: {  	v3 =	vadd.s32 v2, v3  }
0xd5: {  	s11 =	sld [smem:$0x7E1];
	_ =	sdelay $0x2  }
0xd6: {  	s9 =	sadd.s32 $0x800, s11  }
0xd7: {  	[tilespmem:s23], [sflag:$0x4] =	stream.indirect_vreg.gather [hbm4b:s11+s2], $0x80, v3, vm0, $0xb8;
	[tilespmem:$0x1FE70] =	vst v63  }
0xd8: {  	[smem:$0x7D5] =	sst s9  }
0xd9: {  	[tilespmem:s28], [sflag:$0x4] =	stream.indirect_vreg.gather [hbm4b:s9+s2], $0x80, v3, vm1, $0xb8;
	[tilespmem:$0x1FE70] =	vst v63  }
0xda: {  	_ =	swait.ge [sflag:s30], $0xF00  }
0xdb: {  	[sflag:s30] =	ssyncset.done $0x0  }
0xdc: {  	s13 =	rddreg [dreg:$0x1f];
	[sflag:s30] =	ssyncadd.s32 $0xFFFFF100  }
0xdd: {  	[spmem:s13] =	stream.linear.scatter [tilespmem:s8], [sflag:$0x5], $0xF00, $0x38;
	[tilespmem:$0x1FE70] =	vst v63  }
0xde: {  	_ =	swait.ge [sflag:s20], $0xF00  }
0xdf: {  	[sflag:s20] =	ssyncset.done $0x0  }
0xe0: {  	[sflag:s20] =	ssyncadd.s32 $0xFFFFF100  }
0xe1: {  	v3 =	vld.msk [tilespmem:$0x1FD70], $0x1;
	_ =	sdelay $0x4  }
0xe2: {  	v55 =	vshrl.u32 v3, $0x3  }
0xe3: {  	v4 =	vmul.u32 $0xF428, v55  }
0xe4: {  	v3 =	vand.u32 $0x7, v3  }
0xe5: {  	v3 =	vor.u32 v3, v4  }
0xe6: {  	v3 =	vperm.xlane v3, v1;
	_ =	sdelay $0x1  }
0xe7: {  	v3 =	vadd.s32 v2, v3  }
0xe8: {  	s15 =	sld [smem:$0x7E3];
	_ =	sdelay $0x2  }
0xe9: {  	s9 =	sadd.s32 $0x800, s15  }
0xea: {  	[tilespmem:s8], [sflag:$0x1] =	stream.indirect_vreg.gather [hbm4b:s15+s2], $0x80, v3, vm0, $0xb8;
	[tilespmem:$0x1FE70] =	vst v63  }
0xeb: {  	[smem:$0x7D6] =	sst s9  }
0xec: {  	[tilespmem:s10], [sflag:$0x1] =	stream.indirect_vreg.gather [hbm4b:s9+s2], $0x80, v3, vm1, $0xb8;
	[tilespmem:$0x1FE70] =	vst v63  }
0xed: {  	_ =	swait.ge [sflag:s22], $0xF00  }
0xee: {  	s17 =	sld [smem:$0x7DE]  }
0xef: {  	[sflag:s22] =	ssyncset.done $0x0  }
0xf0: {  	[sflag:s22] =	ssyncadd.s32 $0xFFFFF100  }
0xf1: {  	[spmem:s17] =	stream.linear.scatter [tilespmem:s12], [sflag:$0x5], $0xF00, $0x38;
	[tilespmem:$0x1FE70] =	vst v63  }
0xf2: {  	_ =	swait.ge [sflag:s20], $0xF00  }
0xf3: {  	[sflag:s20] =	ssyncset.done $0x0  }
0xf4: {  	[sflag:s20] =	ssyncadd.s32 $0xFFFFF100  }
0xf5: {  	v3 =	vld.msk [tilespmem:$0x1FD70], $0x1;
	_ =	sdelay $0x4  }
0xf6: {  	v56 =	vshrl.u32 v3, $0x3  }
0xf7: {  	v4 =	vmul.u32 $0xF428, v56  }
0xf8: {  	v3 =	vand.u32 $0x7, v3  }
0xf9: {  	v3 =	vor.u32 v3, v4  }
0xfa: {  	v3 =	vperm.xlane v3, v1;
	_ =	sdelay $0x1  }
0xfb: {  	v3 =	vadd.s32 v2, v3  }
0xfc: {  	s19 =	sld [smem:$0x7E5];
	_ =	sdelay $0x2  }
0xfd: {  	s9 =	sadd.s32 $0x800, s19  }
0xfe: {  	[tilespmem:s12], [sflag:$0x2] =	stream.indirect_vreg.gather [hbm4b:s19+s2], $0x80, v3, vm0, $0xb8;
	[tilespmem:$0x1FE70] =	vst v63  }
0xff: {  	[smem:$0x7D7] =	sst s9  }
0x100: {  	[tilespmem:s14], [sflag:$0x2] =	stream.indirect_vreg.gather [hbm4b:s9+s2], $0x80, v3, vm1, $0xb8;
	[tilespmem:$0x1FE70] =	vst v63  }
0x101: {  	_ =	swait.ge [sflag:s3], $0xF00  }
0x102: {  	s25 =	sld [smem:$0x7E0]  }
0x103: {  	[sflag:s3] =	ssyncset.done $0x0  }
0x104: {  	[sflag:s3] =	ssyncadd.s32 $0xFFFFF100  }
0x105: {  	[spmem:s25] =	stream.linear.scatter [tilespmem:s16], [sflag:$0x5], $0xF00, $0x38;
	[tilespmem:$0x1FE70] =	vst v63  }
0x106: {  	_ =	swait.ge [sflag:s20], $0xF00  }
0x107: {  	[sflag:s20] =	ssyncset.done $0x0  }
0x108: {  	[sflag:s20] =	ssyncadd.s32 $0xFFFFF100  }
0x109: {  	v3 =	vld.msk [tilespmem:$0x1FD70], $0x1;
	_ =	sdelay $0x4  }
0x10a: {  	v57 =	vshrl.u32 v3, $0x3  }
0x10b: {  	v4 =	vmul.u32 $0xF428, v57  }
0x10c: {  	v3 =	vand.u32 $0x7, v3  }
0x10d: {  	v3 =	vor.u32 v3, v4  }
0x10e: {  	v3 =	vperm.xlane v3, v1;
	_ =	sdelay $0x1  }
0x10f: {  	v3 =	vadd.s32 v2, v3  }
0x110: {  	s11 =	sld [smem:$0x7E7];
	_ =	sdelay $0x2  }
0x111: {  	s9 =	sadd.s32 $0x800, s11  }
0x112: {  	[tilespmem:s16], [sflag:$0x3] =	stream.indirect_vreg.gather [hbm4b:s11+s2], $0x80, v3, vm0, $0xb8;
	[tilespmem:$0x1FE70] =	vst v63  }
0x113: {  	[smem:$0x7D8] =	sst s9  }
0x114: {  	[tilespmem:s18], [sflag:$0x3] =	stream.indirect_vreg.gather [hbm4b:s9+s2], $0x80, v3, vm1, $0xb8;
	[tilespmem:$0x1FE70] =	vst v63  }
0x115: {  	_ =	swait.ge [sflag:s24], $0xF00  }
0x116: {  	s13 =	sld [smem:$0x7E2]  }
0x117: {  	[sflag:s24] =	ssyncset.done $0x0  }
0x118: {  	[sflag:s24] =	ssyncadd.s32 $0xFFFFF100  }
0x119: {  	[spmem:s13] =	stream.linear.scatter [tilespmem:s23], [sflag:$0x5], $0xF00, $0x38;
	[tilespmem:$0x1FE70] =	vst v63  }
0x11a: {  	_ =	swait.ge [sflag:s20], $0xF00  }
0x11b: {  	[sflag:s20] =	ssyncset.done $0x0  }
0x11c: {  	[sflag:s20] =	ssyncadd.s32 $0xFFFFF100  }
0x11d: {  	v3 =	vld.msk [tilespmem:$0x1FD70], $0x1;
	_ =	sdelay $0x4  }
0x11e: {  	v58 =	vshrl.u32 v3, $0x3  }
0x11f: {  	v4 =	vmul.u32 $0xF428, v58  }
0x120: {  	v3 =	vand.u32 $0x7, v3  }
0x121: {  	v3 =	vor.u32 v3, v4  }
0x122: {  	v3 =	vperm.xlane v3, v1;
	_ =	sdelay $0x1  }
0x123: {  	v3 =	vadd.s32 v2, v3  }
0x124: {  	s15 =	sld [smem:$0x7E9];
	_ =	sdelay $0x2  }
0x125: {  	s9 =	sadd.s32 $0x800, s15  }
0x126: {  	[tilespmem:s23], [sflag:$0x4] =	stream.indirect_vreg.gather [hbm4b:s15+s2], $0x80, v3, vm0, $0xb8;
	[tilespmem:$0x1FE70] =	vst v63  }
0x127: {  	[smem:$0x7D9] =	sst s9  }
0x128: {  	[tilespmem:s28], [sflag:$0x4] =	stream.indirect_vreg.gather [hbm4b:s9+s2], $0x80, v3, vm1, $0xb8;
	[tilespmem:$0x1FE70] =	vst v63  }
0x129: {  	_ =	swait.ge [sflag:s30], $0xF00  }
0x12a: {  	s17 =	sld [smem:$0x7E4]  }
0x12b: {  	[sflag:s30] =	ssyncset.done $0x0  }
0x12c: {  	[sflag:s30] =	ssyncadd.s32 $0xFFFFF100  }
0x12d: {  	[spmem:s17] =	stream.linear.scatter [tilespmem:s8], [sflag:$0x5], $0xF00, $0x38;
	[tilespmem:$0x1FE70] =	vst v63  }
0x12e: {  	_ =	swait.ge [sflag:s20], $0xF00  }
0x12f: {  	[sflag:s20] =	ssyncset.done $0x0  }
0x130: {  	[sflag:s20] =	ssyncadd.s32 $0xFFFFF100  }
0x131: {  	v3 =	vld.msk [tilespmem:$0x1FD70], $0x1;
	_ =	sdelay $0x4  }
0x132: {  	v59 =	vshrl.u32 v3, $0x3  }
0x133: {  	v4 =	vmul.u32 $0xF428, v59  }
0x134: {  	v3 =	vand.u32 $0x7, v3  }
0x135: {  	v3 =	vor.u32 v3, v4  }
0x136: {  	v3 =	vperm.xlane v3, v1;
	_ =	sdelay $0x1  }
0x137: {  	v3 =	vadd.s32 v2, v3  }
0x138: {  	s19 =	sld [smem:$0x7EB];
	_ =	sdelay $0x2  }
0x139: {  	s9 =	sadd.s32 $0x800, s19  }
0x13a: {  	[tilespmem:s8], [sflag:$0x1] =	stream.indirect_vreg.gather [hbm4b:s19+s2], $0x80, v3, vm0, $0xb8;
	[tilespmem:$0x1FE70] =	vst v63  }
0x13b: {  	[smem:$0x7DA] =	sst s9  }
0x13c: {  	[tilespmem:s10], [sflag:$0x1] =	stream.indirect_vreg.gather [hbm4b:s9+s2], $0x80, v3, vm1, $0xb8;
	[tilespmem:$0x1FE70] =	vst v63  }
0x13d: {  	_ =	swait.ge [sflag:s22], $0xF00  }
0x13e: {  	s25 =	sld [smem:$0x7E6]  }
0x13f: {  	[sflag:s22] =	ssyncset.done $0x0  }
0x140: {  	[sflag:s22] =	ssyncadd.s32 $0xFFFFF100  }
0x141: {  	[spmem:s25] =	stream.linear.scatter [tilespmem:s12], [sflag:$0x5], $0xF00, $0x38;
	[tilespmem:$0x1FE70] =	vst v63  }
0x142: {  	_ =	swait.ge [sflag:s20], $0xF00  }
0x143: {  	[sflag:s20] =	ssyncset.done $0x0  }
0x144: {  	[sflag:s20] =	ssyncadd.s32 $0xFFFFF100  }
0x145: {  	v3 =	vld.msk [tilespmem:$0x1FD70], $0x1;
	_ =	sdelay $0x4  }
0x146: {  	v60 =	vshrl.u32 v3, $0x3  }
0x147: {  	v4 =	vmul.u32 $0xF428, v60  }
0x148: {  	v3 =	vand.u32 $0x7, v3  }
0x149: {  	v3 =	vor.u32 v3, v4  }
0x14a: {  	v3 =	vperm.xlane v3, v1;
	_ =	sdelay $0x1  }
0x14b: {  	v3 =	vadd.s32 v2, v3  }
0x14c: {  	s11 =	sld [smem:$0x7EF];
	_ =	sdelay $0x2  }
0x14d: {  	s9 =	sadd.s32 $0x800, s11  }
0x14e: {  	[tilespmem:s12], [sflag:$0x2] =	stream.indirect_vreg.gather [hbm4b:s11+s2], $0x80, v3, vm0, $0xb8;
	[tilespmem:$0x1FE70] =	vst v63  }
0x14f: {  	[smem:$0x7DB] =	sst s9  }
0x150: {  	[tilespmem:s14], [sflag:$0x2] =	stream.indirect_vreg.gather [hbm4b:s9+s2], $0x80, v3, vm1, $0xb8;
	[tilespmem:$0x1FE70] =	vst v63  }
0x151: {  	_ =	swait.ge [sflag:s3], $0xF00  }
0x152: {  	s13 =	sld [smem:$0x7E8]  }
0x153: {  	[sflag:s3] =	ssyncset.done $0x0  }
0x154: {  	[sflag:s3] =	ssyncadd.s32 $0xFFFFF100  }
0x155: {  	[spmem:s13] =	stream.linear.scatter [tilespmem:s16], [sflag:$0x5], $0xF00, $0x38;
	[tilespmem:$0x1FE70] =	vst v63  }
0x156: {  	_ =	swait.ge [sflag:s20], $0xF00  }
0x157: {  	[sflag:s20] =	ssyncset.done $0x0  }
0x158: {  	[sflag:s20] =	ssyncadd.s32 $0xFFFFF100  }
0x159: {  	v3 =	vld.msk [tilespmem:$0x1FD70], $0x1;
	_ =	sdelay $0x4  }
0x15a: {  	v61 =	vshrl.u32 v3, $0x3  }
0x15b: {  	v4 =	vmul.u32 $0xF428, v61  }
0x15c: {  	v3 =	vand.u32 $0x7, v3  }
0x15d: {  	v3 =	vor.u32 v3, v4  }
0x15e: {  	v3 =	vperm.xlane v3, v1;
	_ =	sdelay $0x1  }
0x15f: {  	v3 =	vadd.s32 v2, v3  }
0x160: {  	s15 =	sld [smem:$0x7F1];
	_ =	sdelay $0x2  }
0x161: {  	s9 =	sadd.s32 $0x800, s15  }
0x162: {  	[tilespmem:s16], [sflag:$0x3] =	stream.indirect_vreg.gather [hbm4b:s15+s2], $0x80, v3, vm0, $0xb8;
	[tilespmem:$0x1FE70] =	vst v63  }
0x163: {  	[smem:$0x7DC] =	sst s9  }
0x164: {  	[tilespmem:s18], [sflag:$0x3] =	stream.indirect_vreg.gather [hbm4b:s9+s2], $0x80, v3, vm1, $0xb8;
	[tilespmem:$0x1FE70] =	vst v63  }
0x165: {  	_ =	swait.ge [sflag:s24], $0xF00  }
0x166: {  	s17 =	sld [smem:$0x7EA]  }
0x167: {  	[sflag:s24] =	ssyncset.done $0x0  }
0x168: {  	[sflag:s24] =	ssyncadd.s32 $0xFFFFF100  }
0x169: {  	[spmem:s17] =	stream.linear.scatter [tilespmem:s23], [sflag:$0x5], $0xF00, $0x38;
	[tilespmem:$0x1FE70] =	vst v63  }
0x16a: {  	_ =	swait.ge [sflag:s20], $0xF00  }
0x16b: {  	[sflag:s20] =	ssyncset.done $0x0  }
0x16c: {  	[sflag:s20] =	ssyncadd.s32 $0xFFFFF100  }
0x16d: {  	v3 =	vld.msk [tilespmem:$0x1FD70], $0x1;
	_ =	sdelay $0x4  }
0x16e: {  	v62 =	vshrl.u32 v3, $0x3  }
0x16f: {  	v4 =	vmul.u32 $0xF428, v62  }
0x170: {  	v3 =	vand.u32 $0x7, v3  }
0x171: {  	v3 =	vor.u32 v3, v4  }
0x172: {  	v3 =	vperm.xlane v3, v1;
	_ =	sdelay $0x1  }
0x173: {  	v3 =	vadd.s32 v2, v3;
	_ =	sdelay $0x1  }
0x174: {  	s19 =	sld [smem:$0x7F3];
	_ =	sdelay $0x2  }
0x175: {  	[tilespmem:s23], [sflag:$0x4] =	stream.indirect_vreg.gather [hbm4b:s19+s2], $0x80, v3, vm0, $0xb8;
	[tilespmem:$0x1FE70] =	vst v63  }
0x176: {  	s11 =	sadd.s32 $0x800, s19  }
0x177: {  	[tilespmem:s28], [sflag:$0x4] =	stream.indirect_vreg.gather [hbm4b:s11+s2], $0x80, v3, vm1, $0xb8;
	[tilespmem:$0x1FE70] =	vst v63  }
0x178: {  	_ =	swait.ge [sflag:s30], $0xF00  }
0x179: {  	s25 =	sld [smem:$0x7EC]  }
0x17a: {  	[sflag:s30] =	ssyncset.done $0x0  }
0x17b: {  	[sflag:s30] =	ssyncadd.s32 $0xFFFFF100  }
0x17c: {  	[spmem:s25] =	stream.linear.scatter [tilespmem:s8], [sflag:$0x5], $0xF00, $0x38;
	[tilespmem:$0x1FE70] =	vst v63  }
0x17d: {  	_ =	swait.ge [sflag:s20], $0xF00  }
0x17e: {  	[sflag:s20] =	ssyncset.done $0x0  }
0x17f: {  	[sflag:s20] =	ssyncadd.s32 $0xFFFFF100  }
0x180: {  	v3 =	vld.msk [tilespmem:$0x1FD70], $0x1;
	_ =	sdelay $0x4  }
0x181: {  	v63 =	vshrl.u32 v3, $0x3  }
0x182: {  	v4 =	vmul.u32 $0xF428, v63  }
0x183: {  	v3 =	vand.u32 $0x7, v3  }
0x184: {  	v3 =	vor.u32 v3, v4  }
0x185: {  	v3 =	vperm.xlane v3, v1;
	_ =	sdelay $0x1  }
0x186: {  	v3 =	vadd.s32 v2, v3;
	_ =	sdelay $0x1  }
0x187: {  	s9 =	sld [smem:$0x7F5];
	_ =	sdelay $0x2  }
0x188: {  	[tilespmem:s8], [sflag:$0x1] =	stream.indirect_vreg.gather [hbm4b:s9+s2], $0x80, v3, vm2, $0xb8;
	[tilespmem:$0x1FE70] =	vst v63  }
0x189: {  	_ =	swait.ge [sflag:s22], $0xF00  }
0x18a: {  	s15 =	sld [smem:$0x7F0]  }
0x18b: {  	[sflag:s22] =	ssyncset.done $0x0  }
0x18c: {  	[sflag:s22] =	ssyncadd.s32 $0xFFFFF100  }
0x18d: {  	[spmem:s15] =	stream.linear.scatter [tilespmem:s12], [sflag:$0x5], $0xF00, $0x38;
	[tilespmem:$0x1FE70] =	vst v63  }
0x18e: {  	_ =	swait.ge [sflag:s3], $0xF00  }
0x18f: {  	s17 =	sld [smem:$0x7F2]  }
0x190: {  	[sflag:s3] =	ssyncset.done $0x0  }
0x191: {  	[sflag:s3] =	ssyncadd.s32 $0xFFFFF100  }
0x192: {  	[spmem:s17] =	stream.linear.scatter [tilespmem:s16], [sflag:$0x5], $0xF00, $0x38;
	[tilespmem:$0x1FE70] =	vst v63  }
0x193: {  	_ =	swait.ge [sflag:s24], $0xF00  }
0x194: {  	s19 =	sld [smem:$0x7F4]  }
0x195: {  	[sflag:s24] =	ssyncset.done $0x0  }
0x196: {  	[sflag:s24] =	ssyncadd.s32 $0xFFFFF100  }
0x197: {  	[spmem:s19] =	stream.linear.scatter [tilespmem:s23], [sflag:$0x5], $0xF00, $0x38;
	[tilespmem:$0x1FE70] =	vst v63  }
0x198: {  	_ =	swait.ge [sflag:s30], $0x400  }
0x199: {  	s25 =	sld [smem:$0x7F6]  }
0x19a: {  	[sflag:s30] =	ssyncset.done $0x0  }
0x19b: {  	s15 =	sld [smem:$0x7FB];
	[sflag:s30] =	ssyncadd.s32 $0xFFFFFC00  }
0x19c: {  	[spmem:s25] =	stream.linear.scatter [tilespmem:s8], [sflag:$0x5], $0x400, $0x38;
	[tilespmem:$0x1FE70] =	vst v63  }
0x19d: {  	s13 =	simm.s32 @p1 $0x1FDF0  }
0x19e: {  	[tilespmem:s13], [sflag:$0x2] =	stream.linear.gather @p1 [spmem:s15], $0x48, $0x38;
	[tilespmem:$0x1FE70] =	vst v63  }
0x19f: {  	s15 =	simm.s32 @p1 $0x2  }
0x1a0: {  	_ =	swait.ge @p1 [sflag:s15], $0x48  }
0x1a1: {  	s9 =	sld [smem:$0x7F9]  }
0x1a2: {  	[sflag:s15] =	ssyncset.done @p1 $0x0  }
0x1a3: {  	[sflag:s15] =	ssyncadd.s32 @p1 $0xFFFFFFB8  }
0x1a4: {  	[spmem:s9] =	stream.linear.scatter @p1 [tilespmem:s13], [sflag:$0x5], $0x48, $0x38;
	[tilespmem:$0x1FE70] =	vst v63  }
0x1a5: {  	s13 =	simm.s32 @!p3 $0x5  }
0x1a6: {  	_ =	swait.ge @!p3 [sflag:s13], $0xF00  }
0x1a7: {  	[sflag:s13] =	ssyncset.done @!p3 $0x0  }
0x1a8: {  	[sflag:s13] =	ssyncadd.s32 @!p3 $0xFFFFF100  }
0x1a9: {  	v3 =	vld.msk @!p3 [tilespmem:$0x1FD70], $0x1;
	_ =	sdelay $0x4  }
0x1aa: {  	v4 =	vshrl.u32 @!p3 v3, $0x3  }
0x1ab: {  	v4 =	vmul.u32 @!p3 $0xF428, v4  }
0x1ac: {  	v3 =	vand.u32 @!p3 $0x7, v3  }
0x1ad: {  	v5 =	vlaneseq.u32 @!p3;
	v3 =	vor.u32 @!p3 v3, v4;
	v4 =	vimm.s32 @!p3 $0x0  }
0x1ae: {  	v3 =	vperm.xlane @!p3 v3, v4;
	v4 =	vmul.u32 @!p3 $0x8, v5;
	_ =	sdelay $0x1  }
0x1af: {  	v3 =	vadd.s32 @!p3 v4, v3;
	_ =	sdelay $0x1  }
0x1b0: {  	s17 =	sld [smem:$0x7F7];
	_ =	sdelay $0x1  }
0x1b1: {  	s15 =	simm.s32 @!p3 $0x1D070;
	s13 =	simm.s32 @!p3 $0x0  }
0x1b2: {  	[tilespmem:s15], [sflag:$0x2] =	stream.indirect_vreg.gather @!p3 [hbm4b:s17+s13], $0x80, v3, vm3, $0xb8;
	[tilespmem:$0x1FE70] =	vst v63  }
0x1b3: {  	s13 =	simm.s32 @!p3 $0x2  }
0x1b4: {  	_ =	swait.ge @!p3 [sflag:s13], $0x200  }
0x1b5: {  	s9 =	sld [smem:$0x7FA]  }
0x1b6: {  	[sflag:s13] =	ssyncset.done @!p3 $0x0  }
0x1b7: {  	[sflag:s13] =	ssyncadd.s32 @!p3 $0xFFFFFE00;
	s13 =	sld [smem:$0x7FD]  }
0x1b8: {  	[spmem:s9] =	stream.linear.scatter @!p3 [tilespmem:s15], [sflag:$0x5], $0x200, $0x38;
	[tilespmem:$0x1FE70] =	vst v63  }
0x1b9: {  	s17 =	simm.s32 $0x0;
	s15 =	sld [smem:$0x7FC]  }
.LBB2_2:
0x1ba: {  	_ =	swait.ge [sflag:s20], $0xF00  }
0x1bb: {  	[sflag:s20] =	ssyncset.done $0x0  }
0x1bc: {  	[sflag:s20] =	ssyncadd.s32 $0xFFFFF100  }
0x1bd: {  	_ =	swait.ge [sflag:s20], $0xF00  }
0x1be: {  	[sflag:s20] =	ssyncset.done $0x0  }
0x1bf: {  	s19 =	simm.s32 @p2 $0x5;
	[sflag:s20] =	ssyncadd.s32 $0xFFFFF100  }
0x1c0: {  	_ =	swait.ge @p2 [sflag:s19], $0x400  }
0x1c1: {  	[sflag:s19] =	ssyncset.done @p2 $0x0  }
0x1c2: {  	[sflag:s19] =	ssyncadd.s32 @p2 $0xFFFFFC00  }
0x1c3: {  	_ =	swait.ge @p2 [sflag:s19], $0x200  }
0x1c4: {  	[sflag:s19] =	ssyncset.done @p2 $0x0  }
0x1c5: {  	[sflag:s19] =	ssyncadd.s32 @p2 $0xFFFFFE00;
	s19 =	simm.s32 @!p2 $0x5  }
0x1c6: {  	_ =	swait.ge @!p2 [sflag:s19], $0xF00  }
0x1c7: {  	[sflag:s19] =	ssyncset.done @!p2 $0x0  }
0x1c8: {  	[sflag:s19] =	ssyncadd.s32 @!p2 $0xFFFFF100  }
0x1c9: {  	_ =	swait.ge @!p2 [sflag:s19], $0x400  }
0x1ca: {  	[sflag:s19] =	ssyncset.done @!p2 $0x0  }
0x1cb: {  	[sflag:s19] =	ssyncadd.s32 @!p2 $0xFFFFFC00;
	s19 =	simm.s32 @!p4 $0x5  }
0x1cc: {  	_ =	swait.ge @!p4 [sflag:s19], $0x48  }
0x1cd: {  	[sflag:s19] =	ssyncset.done @!p4 $0x0  }
0x1ce: {  	[sflag:s19] =	ssyncadd.s32 @!p4 $0xFFFFFFB8  }
0x1cf: {  	s9 =	simm.s32 $0xF970;
	[bflag:$0x0] =	sbarrier.arrive $0xFFFF  }
0x1d0: {  	[tilespmem:s8], [sflag:$0x6] =	stream.indirect.gather [spmem:s1], $0x1, s9, s4, $0xb8;
	[tilespmem:$0x1FE70] =	vst v63  }
0x1d1: {  	s25 =	simm.s32 $0x105F0  }
0x1d2: {  	[tilespmem:s12], [sflag:$0x7] =	stream.indirect.gather [spmem:s1], $0x1, s25, s4, $0xb8;
	[tilespmem:$0x1FE70] =	vst v63  }
0x1d3: {  	s19 =	simm.s32 $0x11270  }
0x1d4: {  	[tilespmem:s16], [sflag:$0x8] =	stream.indirect.gather [spmem:s1], $0x1, s19, s4, $0xb8;
	[tilespmem:$0x1FE70] =	vst v63  }
0x1d5: {  	s25 =	simm.s32 $0x11EF0  }
0x1d6: {  	[tilespmem:s23], [sflag:$0x9] =	stream.indirect.gather [spmem:s1], $0x1, s25, s4, $0xb8;
	[tilespmem:$0x1FE70] =	vst v63  }
0x1d7: {  	_ =	swait.ge [sflag:s26], $0xC80  }
0x1d8: {  	[sflag:s26] =	ssyncset.done $0x0;
	s9 =	rddreg [dreg:$0x7]  }
0x1d9: {  	[sflag:s26] =	ssyncadd.s32 $0xFFFFF380;
	s19 =	sadd.s32 s17, s9  }
0x1da: {  	[hbm4b:s19+s2] =	stream.linear.scatter [tilespmem:s8], [sflag:$0xA], $0xC80, $0x38;
	[tilespmem:$0x1FE70] =	vst v63  }
0x1db: {  	_ =	swait.ge [sflag:s6], $0xC80  }
0x1dc: {  	[sflag:s6] =	ssyncset.done $0x0  }
0x1dd: {  	s25 =	simm.s32 $0x12B70;
	[sflag:s6] =	ssyncadd.s32 $0xFFFFF380  }
0x1de: {  	[tilespmem:s8], [sflag:$0x6] =	stream.indirect.gather [spmem:s1], $0x1, s25, s4, $0xb8;
	[tilespmem:$0x1FE70] =	vst v63  }
0x1df: {  	_ =	swait.ge [sflag:s29], $0xC80  }
0x1e0: {  	[sflag:s29] =	ssyncset.done $0x0;
	s9 =	rddreg [dreg:$0x16]  }
0x1e1: {  	[sflag:s29] =	ssyncadd.s32 $0xFFFFF380;
	s19 =	sadd.s32 s17, s9  }
0x1e2: {  	[hbm4b:s19+s2] =	stream.linear.scatter [tilespmem:s12], [sflag:$0xB], $0xC80, $0x38;
	[tilespmem:$0x1FE70] =	vst v63  }
0x1e3: {  	_ =	swait.ge [sflag:s31], $0xC80  }
0x1e4: {  	[sflag:s31] =	ssyncset.done $0x0  }
0x1e5: {  	s25 =	simm.s32 $0x137F0;
	[sflag:s31] =	ssyncadd.s32 $0xFFFFF380  }
0x1e6: {  	[tilespmem:s12], [sflag:$0x7] =	stream.indirect.gather [spmem:s1], $0x1, s25, s4, $0xb8;
	[tilespmem:$0x1FE70] =	vst v63  }
0x1e7: {  	_ =	swait.ge [sflag:s0], $0xC80  }
0x1e8: {  	[sflag:s0] =	ssyncset.done $0x0;
	s9 =	rddreg [dreg:$0x15]  }
0x1e9: {  	[sflag:s0] =	ssyncadd.s32 $0xFFFFF380;
	s19 =	sadd.s32 s17, s9  }
0x1ea: {  	[hbm4b:s19+s2] =	stream.linear.scatter [tilespmem:s16], [sflag:$0xC], $0xC80, $0x38;
	[tilespmem:$0x1FE70] =	vst v63  }
0x1eb: {  	_ =	swait.ge [sflag:s21], $0xC80  }
0x1ec: {  	[sflag:s21] =	ssyncset.done $0x0  }
0x1ed: {  	s25 =	simm.s32 $0x14470;
	[sflag:s21] =	ssyncadd.s32 $0xFFFFF380  }
0x1ee: {  	[tilespmem:s16], [sflag:$0x8] =	stream.indirect.gather [spmem:s1], $0x1, s25, s4, $0xb8;
	[tilespmem:$0x1FE70] =	vst v63  }
0x1ef: {  	_ =	swait.ge [sflag:s5], $0xC80  }
0x1f0: {  	[sflag:s5] =	ssyncset.done $0x0;
	s9 =	rddreg [dreg:$0x14]  }
0x1f1: {  	[sflag:s5] =	ssyncadd.s32 $0xFFFFF380;
	s19 =	sadd.s32 s17, s9  }
0x1f2: {  	[hbm4b:s19+s2] =	stream.linear.scatter [tilespmem:s23], [sflag:$0xD], $0xC80, $0x38;
	[tilespmem:$0x1FE70] =	vst v63  }
0x1f3: {  	_ =	swait.ge [sflag:s7], $0xC80  }
0x1f4: {  	[sflag:s7] =	ssyncset.done $0x0  }
0x1f5: {  	s25 =	simm.s32 $0x150F0;
	[sflag:s7] =	ssyncadd.s32 $0xFFFFF380  }
0x1f6: {  	[tilespmem:s23], [sflag:$0x9] =	stream.indirect.gather [spmem:s1], $0x1, s25, s4, $0xb8;
	[tilespmem:$0x1FE70] =	vst v63  }
0x1f7: {  	_ =	swait.ge [sflag:s26], $0xC80  }
0x1f8: {  	[sflag:s26] =	ssyncset.done $0x0;
	s9 =	rddreg [dreg:$0x13]  }
0x1f9: {  	[sflag:s26] =	ssyncadd.s32 $0xFFFFF380;
	s19 =	sadd.s32 s17, s9  }
0x1fa: {  	[hbm4b:s19+s2] =	stream.linear.scatter [tilespmem:s8], [sflag:$0xA], $0xC80, $0x38;
	[tilespmem:$0x1FE70] =	vst v63  }
0x1fb: {  	_ =	swait.ge [sflag:s6], $0xC80  }
0x1fc: {  	[sflag:s6] =	ssyncset.done $0x0  }
0x1fd: {  	s25 =	simm.s32 $0x15D70;
	[sflag:s6] =	ssyncadd.s32 $0xFFFFF380  }
0x1fe: {  	[tilespmem:s8], [sflag:$0x6] =	stream.indirect.gather [spmem:s1], $0x1, s25, s4, $0xb8;
	[tilespmem:$0x1FE70] =	vst v63  }
0x1ff: {  	_ =	swait.ge [sflag:s29], $0xC80  }
0x200: {  	[sflag:s29] =	ssyncset.done $0x0;
	s9 =	rddreg [dreg:$0x12]  }
0x201: {  	[sflag:s29] =	ssyncadd.s32 $0xFFFFF380;
	s19 =	sadd.s32 s17, s9  }
0x202: {  	[hbm4b:s19+s2] =	stream.linear.scatter [tilespmem:s12], [sflag:$0xB], $0xC80, $0x38;
	[tilespmem:$0x1FE70] =	vst v63  }
0x203: {  	_ =	swait.ge [sflag:s31], $0xC80  }
0x204: {  	[sflag:s31] =	ssyncset.done $0x0  }
0x205: {  	s25 =	simm.s32 $0x169F0;
	[sflag:s31] =	ssyncadd.s32 $0xFFFFF380  }
0x206: {  	[tilespmem:s12], [sflag:$0x7] =	stream.indirect.gather [spmem:s1], $0x1, s25, s4, $0xb8;
	[tilespmem:$0x1FE70] =	vst v63  }
0x207: {  	_ =	swait.ge [sflag:s0], $0xC80  }
0x208: {  	[sflag:s0] =	ssyncset.done $0x0;
	s9 =	rddreg [dreg:$0x11]  }
0x209: {  	[sflag:s0] =	ssyncadd.s32 $0xFFFFF380;
	s19 =	sadd.s32 s17, s9  }
0x20a: {  	[hbm4b:s19+s2] =	stream.linear.scatter [tilespmem:s16], [sflag:$0xC], $0xC80, $0x38;
	[tilespmem:$0x1FE70] =	vst v63  }
0x20b: {  	_ =	swait.ge [sflag:s21], $0xC80  }
0x20c: {  	[sflag:s21] =	ssyncset.done $0x0  }
0x20d: {  	s25 =	simm.s32 $0x17670;
	[sflag:s21] =	ssyncadd.s32 $0xFFFFF380  }
0x20e: {  	[tilespmem:s16], [sflag:$0x8] =	stream.indirect.gather [spmem:s1], $0x1, s25, s4, $0xb8;
	[tilespmem:$0x1FE70] =	vst v63  }
0x20f: {  	_ =	swait.ge [sflag:s5], $0xC80  }
0x210: {  	[sflag:s5] =	ssyncset.done $0x0;
	s9 =	rddreg [dreg:$0x10]  }
0x211: {  	[sflag:s5] =	ssyncadd.s32 $0xFFFFF380;
	s19 =	sadd.s32 s17, s9  }
0x212: {  	[hbm4b:s19+s2] =	stream.linear.scatter [tilespmem:s23], [sflag:$0xD], $0xC80, $0x38;
	[tilespmem:$0x1FE70] =	vst v63  }
0x213: {  	_ =	swait.ge [sflag:s7], $0xC80  }
0x214: {  	[sflag:s7] =	ssyncset.done $0x0  }
0x215: {  	s25 =	simm.s32 $0x182F0;
	[sflag:s7] =	ssyncadd.s32 $0xFFFFF380  }
0x216: {  	[tilespmem:s23], [sflag:$0x9] =	stream.indirect.gather [spmem:s1], $0x1, s25, s4, $0xb8;
	[tilespmem:$0x1FE70] =	vst v63  }
0x217: {  	_ =	swait.ge [sflag:s26], $0xC80  }
0x218: {  	[sflag:s26] =	ssyncset.done $0x0;
	s9 =	rddreg [dreg:$0xf]  }
0x219: {  	[sflag:s26] =	ssyncadd.s32 $0xFFFFF380;
	s19 =	sadd.s32 s17, s9  }
0x21a: {  	[hbm4b:s19+s2] =	stream.linear.scatter [tilespmem:s8], [sflag:$0xA], $0xC80, $0x38;
	[tilespmem:$0x1FE70] =	vst v63  }
0x21b: {  	_ =	swait.ge [sflag:s6], $0xC80  }
0x21c: {  	[sflag:s6] =	ssyncset.done $0x0  }
0x21d: {  	s25 =	simm.s32 $0x18F70;
	[sflag:s6] =	ssyncadd.s32 $0xFFFFF380  }
0x21e: {  	[tilespmem:s8], [sflag:$0x6] =	stream.indirect.gather [spmem:s1], $0x1, s25, s4, $0xb8;
	[tilespmem:$0x1FE70] =	vst v63  }
0x21f: {  	_ =	swait.ge [sflag:s29], $0xC80  }
0x220: {  	[sflag:s29] =	ssyncset.done $0x0;
	s9 =	rddreg [dreg:$0xe]  }
0x221: {  	[sflag:s29] =	ssyncadd.s32 $0xFFFFF380;
	s19 =	sadd.s32 s17, s9  }
0x222: {  	[hbm4b:s19+s2] =	stream.linear.scatter [tilespmem:s12], [sflag:$0xB], $0xC80, $0x38;
	[tilespmem:$0x1FE70] =	vst v63  }
0x223: {  	_ =	swait.ge [sflag:s31], $0xC80  }
0x224: {  	[sflag:s31] =	ssyncset.done $0x0  }
0x225: {  	s25 =	simm.s32 $0x19BF0;
	[sflag:s31] =	ssyncadd.s32 $0xFFFFF380  }
0x226: {  	[tilespmem:s12], [sflag:$0x7] =	stream.indirect.gather [spmem:s1], $0x1, s25, s4, $0xb8;
	[tilespmem:$0x1FE70] =	vst v63  }
0x227: {  	_ =	swait.ge [sflag:s0], $0xC80  }
0x228: {  	[sflag:s0] =	ssyncset.done $0x0;
	s9 =	rddreg [dreg:$0xd]  }
0x229: {  	[sflag:s0] =	ssyncadd.s32 $0xFFFFF380;
	s19 =	sadd.s32 s17, s9  }
0x22a: {  	[hbm4b:s19+s2] =	stream.linear.scatter [tilespmem:s16], [sflag:$0xC], $0xC80, $0x38;
	[tilespmem:$0x1FE70] =	vst v63  }
0x22b: {  	_ =	swait.ge [sflag:s21], $0xC80  }
0x22c: {  	[sflag:s21] =	ssyncset.done $0x0  }
0x22d: {  	s25 =	simm.s32 $0x1A870;
	[sflag:s21] =	ssyncadd.s32 $0xFFFFF380  }
0x22e: {  	[tilespmem:s16], [sflag:$0x8] =	stream.indirect.gather [spmem:s1], $0x1, s25, s4, $0xb8;
	[tilespmem:$0x1FE70] =	vst v63  }
0x22f: {  	_ =	swait.ge [sflag:s5], $0xC80  }
0x230: {  	[sflag:s5] =	ssyncset.done $0x0;
	s9 =	rddreg [dreg:$0xc]  }
0x231: {  	[sflag:s5] =	ssyncadd.s32 $0xFFFFF380;
	s19 =	sadd.s32 s17, s9  }
0x232: {  	[hbm4b:s19+s2] =	stream.linear.scatter [tilespmem:s23], [sflag:$0xD], $0xC80, $0x38;
	[tilespmem:$0x1FE70] =	vst v63  }
0x233: {  	_ =	swait.ge [sflag:s7], $0xC80  }
0x234: {  	[sflag:s7] =	ssyncset.done $0x0  }
0x235: {  	s25 =	simm.s32 $0x1B4F0;
	[sflag:s7] =	ssyncadd.s32 $0xFFFFF380  }
0x236: {  	[tilespmem:s23], [sflag:$0x9] =	stream.indirect.gather [spmem:s1], $0x1, s25, s4, $0xb8;
	[tilespmem:$0x1FE70] =	vst v63  }
0x237: {  	_ =	swait.ge [sflag:s26], $0xC80  }
0x238: {  	[sflag:s26] =	ssyncset.done $0x0;
	s9 =	rddreg [dreg:$0xb]  }
0x239: {  	[sflag:s26] =	ssyncadd.s32 $0xFFFFF380;
	s19 =	sadd.s32 s17, s9  }
0x23a: {  	[hbm4b:s19+s2] =	stream.linear.scatter [tilespmem:s8], [sflag:$0xA], $0xC80, $0x38;
	[tilespmem:$0x1FE70] =	vst v63  }
0x23b: {  	_ =	swait.ge [sflag:s29], $0xC80  }
0x23c: {  	[sflag:s29] =	ssyncset.done $0x0;
	s25 =	rddreg [dreg:$0xa]  }
0x23d: {  	[sflag:s29] =	ssyncadd.s32 $0xFFFFF380;
	s19 =	sadd.s32 s17, s25  }
0x23e: {  	[hbm4b:s19+s2] =	stream.linear.scatter [tilespmem:s12], [sflag:$0xB], $0xC80, $0x38;
	[tilespmem:$0x1FE70] =	vst v63  }
0x23f: {  	_ =	swait.ge [sflag:s0], $0xC80  }
0x240: {  	[sflag:s0] =	ssyncset.done $0x0;
	s9 =	rddreg [dreg:$0x9]  }
0x241: {  	[sflag:s0] =	ssyncadd.s32 $0xFFFFF380;
	s19 =	sadd.s32 s17, s9  }
0x242: {  	[hbm4b:s19+s2] =	stream.linear.scatter [tilespmem:s16], [sflag:$0xC], $0xC80, $0x38;
	[tilespmem:$0x1FE70] =	vst v63  }
0x243: {  	_ =	swait.ge [sflag:s5], $0xC80  }
0x244: {  	[sflag:s5] =	ssyncset.done $0x0;
	s25 =	rddreg [dreg:$0x8]  }
0x245: {  	[sflag:s5] =	ssyncadd.s32 $0xFFFFF380;
	s19 =	sadd.s32 s17, s25  }
0x246: {  	[hbm4b:s19+s2] =	stream.linear.scatter [tilespmem:s23], [sflag:$0xD], $0xC80, $0x38;
	[tilespmem:$0x1FE70] =	vst v63  }
0x247: {  	_ =	swait.ge [sflag:s6], $0xC80  }
0x248: {  	[sflag:s6] =	ssyncset.done $0x0  }
0x249: {  	[sflag:s6] =	ssyncadd.s32 $0xFFFFF380  }
0x24a: {  	_ =	swait.ge [sflag:s31], $0xC80  }
0x24b: {  	[sflag:s31] =	ssyncset.done $0x0  }
0x24c: {  	[sflag:s31] =	ssyncadd.s32 $0xFFFFF380  }
0x24d: {  	_ =	swait.ge [sflag:s21], $0xC80  }
0x24e: {  	[sflag:s21] =	ssyncset.done $0x0  }
0x24f: {  	p5 =	seq.s32 s17, $0xE8D000;
	[sflag:s21] =	ssyncadd.s32 $0xFFFFF380  }
.Ltmp2:
0x250: {  	_ =	swait.ge [sflag:s7], $0xC80;
	(pc) =	sbr.rel @p5 .LBB2_4-.Ltmp2, $3  }
0x251: {  	[sflag:s7] =	ssyncset.done $0x0  }
0x252: {  	[sflag:s7] =	ssyncadd.s32 $0xFFFFF380  }
0x253: {  	[bflag:$0x0] =	sbarrier.arrive $0xFFFF;
	_ =	sdelay $0x1  }
0x254: {  	v3 =	vmov s13  }
0x255: {  	[tilespmem:$0x1FD70] =	vst v3  }
0x256: {  	v3 =	vld.msk [tilespmem:$0x1FD70], $0x1;
	_ =	sdelay $0x4  }
0x257: {  	v4 =	vshrl.u32 v3, $0x3  }
0x258: {  	v4 =	vmul.u32 $0xF428, v4  }
0x259: {  	v3 =	vand.u32 $0x7, v3  }
0x25a: {  	v3 =	vor.u32 v3, v4  }
0x25b: {  	v3 =	vperm.xlane v3, v1;
	_ =	sdelay $0x1  }
0x25c: {  	v3 =	vadd.s32 v2, v3;
	_ =	sdelay $0x1  }
0x25d: {  	s19 =	sld [smem:$0x7ED];
	_ =	sdelay $0x1  }
0x25e: {  	s9 =	sld [smem:$0x7CE]  }
0x25f: {  	[tilespmem:s8], [sflag:$0x1] =	stream.indirect_vreg.gather [hbm4b:s19+s2], $0x80, v3, vm0, $0xb8;
	[tilespmem:$0x1FE70] =	vst v63  }
0x260: {  	_ = 	snop  }
0x261: {  	[tilespmem:s10], [sflag:$0x1] =	stream.indirect_vreg.gather [hbm4b:s9+s2], $0x80, v3, vm1, $0xb8;
	[tilespmem:$0x1FE70] =	vst v63  }
0x262: {  	v3 =	vld.msk [tilespmem:$0x1FD70], $0x1;
	_ =	sdelay $0x4  }
0x263: {  	v48 =	vshrl.u32 v3, $0x3  }
0x264: {  	v4 =	vmul.u32 $0xF428, v48  }
0x265: {  	v3 =	vand.u32 $0x7, v3  }
0x266: {  	v3 =	vor.u32 v3, v4  }
0x267: {  	v3 =	vperm.xlane v3, v1;
	_ =	sdelay $0x1  }
0x268: {  	v3 =	vadd.s32 v2, v3;
	_ =	sdelay $0x2  }
0x269: {  	s25 =	sld [smem:$0x7CF]  }
0x26a: {  	s9 =	rddreg [dreg:$0x18]  }
0x26b: {  	[tilespmem:s12], [sflag:$0x2] =	stream.indirect_vreg.gather [hbm4b:s9+s2], $0x80, v3, vm0, $0xb8;
	[tilespmem:$0x1FE70] =	vst v63  }
0x26c: {  	_ = 	snop  }
0x26d: {  	[tilespmem:s14], [sflag:$0x2] =	stream.indirect_vreg.gather [hbm4b:s25+s2], $0x80, v3, vm1, $0xb8;
	[tilespmem:$0x1FE70] =	vst v63  }
0x26e: {  	v3 =	vld.msk [tilespmem:$0x1FD70], $0x1;
	_ =	sdelay $0x4  }
0x26f: {  	v49 =	vshrl.u32 v3, $0x3  }
0x270: {  	v4 =	vmul.u32 $0xF428, v49  }
0x271: {  	v3 =	vand.u32 $0x7, v3  }
0x272: {  	v3 =	vor.u32 v3, v4  }
0x273: {  	v3 =	vperm.xlane v3, v1;
	_ =	sdelay $0x1  }
0x274: {  	v3 =	vadd.s32 v2, v3;
	_ =	sdelay $0x2  }
0x275: {  	s9 =	rddreg [dreg:$0x1a]  }
0x276: {  	s25 =	sld [smem:$0x7D0]  }
0x277: {  	[tilespmem:s16], [sflag:$0x3] =	stream.indirect_vreg.gather [hbm4b:s9+s2], $0x80, v3, vm0, $0xb8;
	[tilespmem:$0x1FE70] =	vst v63  }
0x278: {  	_ = 	snop  }
0x279: {  	[tilespmem:s18], [sflag:$0x3] =	stream.indirect_vreg.gather [hbm4b:s25+s2], $0x80, v3, vm1, $0xb8;
	[tilespmem:$0x1FE70] =	vst v63  }
0x27a: {  	v3 =	vld.msk [tilespmem:$0x1FD70], $0x1;
	_ =	sdelay $0x4  }
0x27b: {  	v50 =	vshrl.u32 v3, $0x3  }
0x27c: {  	v4 =	vmul.u32 $0xF428, v50  }
0x27d: {  	v3 =	vand.u32 $0x7, v3  }
0x27e: {  	v3 =	vor.u32 v3, v4  }
0x27f: {  	v3 =	vperm.xlane v3, v1;
	_ =	sdelay $0x1  }
0x280: {  	v3 =	vadd.s32 v2, v3;
	_ =	sdelay $0x2  }
0x281: {  	s19 =	sld [smem:$0x7D1]  }
0x282: {  	s9 =	rddreg [dreg:$0x1c]  }
0x283: {  	[tilespmem:s23], [sflag:$0x4] =	stream.indirect_vreg.gather [hbm4b:s9+s2], $0x80, v3, vm0, $0xb8;
	[tilespmem:$0x1FE70] =	vst v63  }
0x284: {  	_ = 	snop  }
0x285: {  	[tilespmem:s28], [sflag:$0x4] =	stream.indirect_vreg.gather [hbm4b:s19+s2], $0x80, v3, vm1, $0xb8;
	[tilespmem:$0x1FE70] =	vst v63  }
0x286: {  	_ =	swait.ge [sflag:s30], $0xF00  }
0x287: {  	s25 =	sld [smem:$0x7EE]  }
0x288: {  	[sflag:s30] =	ssyncset.done $0x0  }
0x289: {  	[sflag:s30] =	ssyncadd.s32 $0xFFFFF100  }
0x28a: {  	[spmem:s25] =	stream.linear.scatter [tilespmem:s8], [sflag:$0x5], $0xF00, $0x38;
	[tilespmem:$0x1FE70] =	vst v63  }
0x28b: {  	_ =	swait.ge [sflag:s20], $0xF00  }
0x28c: {  	[sflag:s20] =	ssyncset.done $0x0  }
0x28d: {  	[sflag:s20] =	ssyncadd.s32 $0xFFFFF100  }
0x28e: {  	v3 =	vld.msk [tilespmem:$0x1FD70], $0x1;
	_ =	sdelay $0x4  }
0x28f: {  	v51 =	vshrl.u32 v3, $0x3  }
0x290: {  	v4 =	vmul.u32 $0xF428, v51  }
0x291: {  	v3 =	vand.u32 $0x7, v3  }
0x292: {  	v3 =	vor.u32 v3, v4  }
0x293: {  	v3 =	vperm.xlane v3, v1;
	_ =	sdelay $0x1  }
0x294: {  	v3 =	vadd.s32 v2, v3;
	_ =	sdelay $0x2  }
0x295: {  	s9 =	rddreg [dreg:$0x1e]  }
0x296: {  	s19 =	sld [smem:$0x7D2]  }
0x297: {  	[tilespmem:s8], [sflag:$0x1] =	stream.indirect_vreg.gather [hbm4b:s9+s2], $0x80, v3, vm0, $0xb8;
	[tilespmem:$0x1FE70] =	vst v63  }
0x298: {  	_ = 	snop  }
0x299: {  	[tilespmem:s10], [sflag:$0x1] =	stream.indirect_vreg.gather [hbm4b:s19+s2], $0x80, v3, vm1, $0xb8;
	[tilespmem:$0x1FE70] =	vst v63  }
0x29a: {  	_ =	swait.ge [sflag:s22], $0xF00  }
0x29b: {  	[sflag:s22] =	ssyncset.done $0x0  }
0x29c: {  	s25 =	rddreg [dreg:$0x19];
	[sflag:s22] =	ssyncadd.s32 $0xFFFFF100  }
0x29d: {  	[spmem:s25] =	stream.linear.scatter [tilespmem:s12], [sflag:$0x5], $0xF00, $0x38;
	[tilespmem:$0x1FE70] =	vst v63  }
0x29e: {  	_ =	swait.ge [sflag:s20], $0xF00  }
0x29f: {  	[sflag:s20] =	ssyncset.done $0x0  }
0x2a0: {  	[sflag:s20] =	ssyncadd.s32 $0xFFFFF100  }
0x2a1: {  	v3 =	vld.msk [tilespmem:$0x1FD70], $0x1;
	_ =	sdelay $0x4  }
0x2a2: {  	v52 =	vshrl.u32 v3, $0x3  }
0x2a3: {  	v4 =	vmul.u32 $0xF428, v52  }
0x2a4: {  	v3 =	vand.u32 $0x7, v3  }
0x2a5: {  	v3 =	vor.u32 v3, v4  }
0x2a6: {  	v3 =	vperm.xlane v3, v1;
	_ =	sdelay $0x1  }
0x2a7: {  	v3 =	vadd.s32 v2, v3;
	_ =	sdelay $0x1  }
0x2a8: {  	s9 =	sld [smem:$0x7DD];
	_ =	sdelay $0x1  }
0x2a9: {  	s19 =	sld [smem:$0x7D3]  }
0x2aa: {  	[tilespmem:s12], [sflag:$0x2] =	stream.indirect_vreg.gather [hbm4b:s9+s2], $0x80, v3, vm0, $0xb8;
	[tilespmem:$0x1FE70] =	vst v63  }
0x2ab: {  	_ = 	snop  }
0x2ac: {  	[tilespmem:s14], [sflag:$0x2] =	stream.indirect_vreg.gather [hbm4b:s19+s2], $0x80, v3, vm1, $0xb8;
	[tilespmem:$0x1FE70] =	vst v63  }
0x2ad: {  	_ =	swait.ge [sflag:s3], $0xF00  }
0x2ae: {  	[sflag:s3] =	ssyncset.done $0x0  }
0x2af: {  	s25 =	rddreg [dreg:$0x1b];
	[sflag:s3] =	ssyncadd.s32 $0xFFFFF100  }
0x2b0: {  	[spmem:s25] =	stream.linear.scatter [tilespmem:s16], [sflag:$0x5], $0xF00, $0x38;
	[tilespmem:$0x1FE70] =	vst v63  }
0x2b1: {  	_ =	swait.ge [sflag:s20], $0xF00  }
0x2b2: {  	[sflag:s20] =	ssyncset.done $0x0  }
0x2b3: {  	[sflag:s20] =	ssyncadd.s32 $0xFFFFF100  }
0x2b4: {  	v3 =	vld.msk [tilespmem:$0x1FD70], $0x1;
	_ =	sdelay $0x4  }
0x2b5: {  	v53 =	vshrl.u32 v3, $0x3  }
0x2b6: {  	v4 =	vmul.u32 $0xF428, v53  }
0x2b7: {  	v3 =	vand.u32 $0x7, v3  }
0x2b8: {  	v3 =	vor.u32 v3, v4  }
0x2b9: {  	v3 =	vperm.xlane v3, v1;
	_ =	sdelay $0x1  }
0x2ba: {  	v3 =	vadd.s32 v2, v3;
	_ =	sdelay $0x1  }
0x2bb: {  	s9 =	sld [smem:$0x7DF];
	_ =	sdelay $0x1  }
0x2bc: {  	s19 =	sld [smem:$0x7D4]  }
0x2bd: {  	[tilespmem:s16], [sflag:$0x3] =	stream.indirect_vreg.gather [hbm4b:s9+s2], $0x80, v3, vm0, $0xb8;
	[tilespmem:$0x1FE70] =	vst v63  }
0x2be: {  	_ = 	snop  }
0x2bf: {  	[tilespmem:s18], [sflag:$0x3] =	stream.indirect_vreg.gather [hbm4b:s19+s2], $0x80, v3, vm1, $0xb8;
	[tilespmem:$0x1FE70] =	vst v63  }
0x2c0: {  	_ =	swait.ge [sflag:s24], $0xF00  }
0x2c1: {  	[sflag:s24] =	ssyncset.done $0x0  }
0x2c2: {  	s25 =	rddreg [dreg:$0x1d];
	[sflag:s24] =	ssyncadd.s32 $0xFFFFF100  }
0x2c3: {  	[spmem:s25] =	stream.linear.scatter [tilespmem:s23], [sflag:$0x5], $0xF00, $0x38;
	[tilespmem:$0x1FE70] =	vst v63  }
0x2c4: {  	_ =	swait.ge [sflag:s20], $0xF00  }
0x2c5: {  	[sflag:s20] =	ssyncset.done $0x0  }
0x2c6: {  	[sflag:s20] =	ssyncadd.s32 $0xFFFFF100  }
0x2c7: {  	v3 =	vld.msk [tilespmem:$0x1FD70], $0x1;
	_ =	sdelay $0x4  }
0x2c8: {  	v54 =	vshrl.u32 v3, $0x3  }
0x2c9: {  	v4 =	vmul.u32 $0xF428, v54  }
0x2ca: {  	v3 =	vand.u32 $0x7, v3  }
0x2cb: {  	v3 =	vor.u32 v3, v4  }
0x2cc: {  	v3 =	vperm.xlane v3, v1;
	_ =	sdelay $0x1  }
0x2cd: {  	v3 =	vadd.s32 v2, v3;
	_ =	sdelay $0x1  }
0x2ce: {  	s9 =	sld [smem:$0x7E1];
	_ =	sdelay $0x1  }
0x2cf: {  	s19 =	sld [smem:$0x7D5]  }
0x2d0: {  	[tilespmem:s23], [sflag:$0x4] =	stream.indirect_vreg.gather [hbm4b:s9+s2], $0x80, v3, vm0, $0xb8;
	[tilespmem:$0x1FE70] =	vst v63  }
0x2d1: {  	_ = 	snop  }
0x2d2: {  	[tilespmem:s28], [sflag:$0x4] =	stream.indirect_vreg.gather [hbm4b:s19+s2], $0x80, v3, vm1, $0xb8;
	[tilespmem:$0x1FE70] =	vst v63  }
0x2d3: {  	_ =	swait.ge [sflag:s30], $0xF00  }
0x2d4: {  	[sflag:s30] =	ssyncset.done $0x0  }
0x2d5: {  	s25 =	rddreg [dreg:$0x1f];
	[sflag:s30] =	ssyncadd.s32 $0xFFFFF100  }
0x2d6: {  	[spmem:s25] =	stream.linear.scatter [tilespmem:s8], [sflag:$0x5], $0xF00, $0x38;
	[tilespmem:$0x1FE70] =	vst v63  }
0x2d7: {  	_ =	swait.ge [sflag:s20], $0xF00  }
0x2d8: {  	[sflag:s20] =	ssyncset.done $0x0  }
0x2d9: {  	[sflag:s20] =	ssyncadd.s32 $0xFFFFF100  }
0x2da: {  	v3 =	vld.msk [tilespmem:$0x1FD70], $0x1;
	_ =	sdelay $0x4  }
0x2db: {  	v55 =	vshrl.u32 v3, $0x3  }
0x2dc: {  	v4 =	vmul.u32 $0xF428, v55  }
0x2dd: {  	v3 =	vand.u32 $0x7, v3  }
0x2de: {  	v3 =	vor.u32 v3, v4  }
0x2df: {  	v3 =	vperm.xlane v3, v1;
	_ =	sdelay $0x1  }
0x2e0: {  	v3 =	vadd.s32 v2, v3;
	_ =	sdelay $0x1  }
0x2e1: {  	s9 =	sld [smem:$0x7E3];
	_ =	sdelay $0x1  }
0x2e2: {  	s19 =	sld [smem:$0x7D6]  }
0x2e3: {  	[tilespmem:s8], [sflag:$0x1] =	stream.indirect_vreg.gather [hbm4b:s9+s2], $0x80, v3, vm0, $0xb8;
	[tilespmem:$0x1FE70] =	vst v63  }
0x2e4: {  	_ = 	snop  }
0x2e5: {  	[tilespmem:s10], [sflag:$0x1] =	stream.indirect_vreg.gather [hbm4b:s19+s2], $0x80, v3, vm1, $0xb8;
	[tilespmem:$0x1FE70] =	vst v63  }
0x2e6: {  	_ =	swait.ge [sflag:s22], $0xF00  }
0x2e7: {  	s25 =	sld [smem:$0x7DE]  }
0x2e8: {  	[sflag:s22] =	ssyncset.done $0x0  }
0x2e9: {  	[sflag:s22] =	ssyncadd.s32 $0xFFFFF100  }
0x2ea: {  	[spmem:s25] =	stream.linear.scatter [tilespmem:s12], [sflag:$0x5], $0xF00, $0x38;
	[tilespmem:$0x1FE70] =	vst v63  }
0x2eb: {  	_ =	swait.ge [sflag:s20], $0xF00  }
0x2ec: {  	[sflag:s20] =	ssyncset.done $0x0  }
0x2ed: {  	[sflag:s20] =	ssyncadd.s32 $0xFFFFF100  }
0x2ee: {  	v3 =	vld.msk [tilespmem:$0x1FD70], $0x1;
	_ =	sdelay $0x4  }
0x2ef: {  	v56 =	vshrl.u32 v3, $0x3  }
0x2f0: {  	v4 =	vmul.u32 $0xF428, v56  }
0x2f1: {  	v3 =	vand.u32 $0x7, v3  }
0x2f2: {  	v3 =	vor.u32 v3, v4  }
0x2f3: {  	v3 =	vperm.xlane v3, v1;
	_ =	sdelay $0x1  }
0x2f4: {  	v3 =	vadd.s32 v2, v3;
	_ =	sdelay $0x1  }
0x2f5: {  	s9 =	sld [smem:$0x7E5];
	_ =	sdelay $0x1  }
0x2f6: {  	s19 =	sld [smem:$0x7D7]  }
0x2f7: {  	[tilespmem:s12], [sflag:$0x2] =	stream.indirect_vreg.gather [hbm4b:s9+s2], $0x80, v3, vm0, $0xb8;
	[tilespmem:$0x1FE70] =	vst v63  }
0x2f8: {  	_ = 	snop  }
0x2f9: {  	[tilespmem:s14], [sflag:$0x2] =	stream.indirect_vreg.gather [hbm4b:s19+s2], $0x80, v3, vm1, $0xb8;
	[tilespmem:$0x1FE70] =	vst v63  }
0x2fa: {  	_ =	swait.ge [sflag:s3], $0xF00  }
0x2fb: {  	s25 =	sld [smem:$0x7E0]  }
0x2fc: {  	[sflag:s3] =	ssyncset.done $0x0  }
0x2fd: {  	[sflag:s3] =	ssyncadd.s32 $0xFFFFF100  }
0x2fe: {  	[spmem:s25] =	stream.linear.scatter [tilespmem:s16], [sflag:$0x5], $0xF00, $0x38;
	[tilespmem:$0x1FE70] =	vst v63  }
0x2ff: {  	_ =	swait.ge [sflag:s20], $0xF00  }
0x300: {  	[sflag:s20] =	ssyncset.done $0x0  }
0x301: {  	[sflag:s20] =	ssyncadd.s32 $0xFFFFF100  }
0x302: {  	v3 =	vld.msk [tilespmem:$0x1FD70], $0x1;
	_ =	sdelay $0x4  }
0x303: {  	v57 =	vshrl.u32 v3, $0x3  }
0x304: {  	v4 =	vmul.u32 $0xF428, v57  }
0x305: {  	v3 =	vand.u32 $0x7, v3  }
0x306: {  	v3 =	vor.u32 v3, v4  }
0x307: {  	v3 =	vperm.xlane v3, v1;
	_ =	sdelay $0x1  }
0x308: {  	v3 =	vadd.s32 v2, v3;
	_ =	sdelay $0x1  }
0x309: {  	s9 =	sld [smem:$0x7E7];
	_ =	sdelay $0x1  }
0x30a: {  	s19 =	sld [smem:$0x7D8]  }
0x30b: {  	[tilespmem:s16], [sflag:$0x3] =	stream.indirect_vreg.gather [hbm4b:s9+s2], $0x80, v3, vm0, $0xb8;
	[tilespmem:$0x1FE70] =	vst v63  }
0x30c: {  	_ = 	snop  }
0x30d: {  	[tilespmem:s18], [sflag:$0x3] =	stream.indirect_vreg.gather [hbm4b:s19+s2], $0x80, v3, vm1, $0xb8;
	[tilespmem:$0x1FE70] =	vst v63  }
0x30e: {  	_ =	swait.ge [sflag:s24], $0xF00  }
0x30f: {  	s25 =	sld [smem:$0x7E2]  }
0x310: {  	[sflag:s24] =	ssyncset.done $0x0  }
0x311: {  	[sflag:s24] =	ssyncadd.s32 $0xFFFFF100  }
0x312: {  	[spmem:s25] =	stream.linear.scatter [tilespmem:s23], [sflag:$0x5], $0xF00, $0x38;
	[tilespmem:$0x1FE70] =	vst v63  }
0x313: {  	_ =	swait.ge [sflag:s20], $0xF00  }
0x314: {  	[sflag:s20] =	ssyncset.done $0x0  }
0x315: {  	[sflag:s20] =	ssyncadd.s32 $0xFFFFF100  }
0x316: {  	v3 =	vld.msk [tilespmem:$0x1FD70], $0x1;
	_ =	sdelay $0x4  }
0x317: {  	v58 =	vshrl.u32 v3, $0x3  }
0x318: {  	v4 =	vmul.u32 $0xF428, v58  }
0x319: {  	v3 =	vand.u32 $0x7, v3  }
0x31a: {  	v3 =	vor.u32 v3, v4  }
0x31b: {  	v3 =	vperm.xlane v3, v1;
	_ =	sdelay $0x1  }
0x31c: {  	v3 =	vadd.s32 v2, v3;
	_ =	sdelay $0x1  }
0x31d: {  	s9 =	sld [smem:$0x7E9];
	_ =	sdelay $0x1  }
0x31e: {  	s19 =	sld [smem:$0x7D9]  }
0x31f: {  	[tilespmem:s23], [sflag:$0x4] =	stream.indirect_vreg.gather [hbm4b:s9+s2], $0x80, v3, vm0, $0xb8;
	[tilespmem:$0x1FE70] =	vst v63  }
0x320: {  	_ = 	snop  }
0x321: {  	[tilespmem:s28], [sflag:$0x4] =	stream.indirect_vreg.gather [hbm4b:s19+s2], $0x80, v3, vm1, $0xb8;
	[tilespmem:$0x1FE70] =	vst v63  }
0x322: {  	_ =	swait.ge [sflag:s30], $0xF00  }
0x323: {  	s25 =	sld [smem:$0x7E4]  }
0x324: {  	[sflag:s30] =	ssyncset.done $0x0  }
0x325: {  	[sflag:s30] =	ssyncadd.s32 $0xFFFFF100  }
0x326: {  	[spmem:s25] =	stream.linear.scatter [tilespmem:s8], [sflag:$0x5], $0xF00, $0x38;
	[tilespmem:$0x1FE70] =	vst v63  }
0x327: {  	_ =	swait.ge [sflag:s20], $0xF00  }
0x328: {  	[sflag:s20] =	ssyncset.done $0x0  }
0x329: {  	[sflag:s20] =	ssyncadd.s32 $0xFFFFF100  }
0x32a: {  	v3 =	vld.msk [tilespmem:$0x1FD70], $0x1;
	_ =	sdelay $0x4  }
0x32b: {  	v59 =	vshrl.u32 v3, $0x3  }
0x32c: {  	v4 =	vmul.u32 $0xF428, v59  }
0x32d: {  	v3 =	vand.u32 $0x7, v3  }
0x32e: {  	v3 =	vor.u32 v3, v4  }
0x32f: {  	v3 =	vperm.xlane v3, v1;
	_ =	sdelay $0x1  }
0x330: {  	v3 =	vadd.s32 v2, v3;
	_ =	sdelay $0x1  }
0x331: {  	s9 =	sld [smem:$0x7EB];
	_ =	sdelay $0x1  }
0x332: {  	s19 =	sld [smem:$0x7DA]  }
0x333: {  	[tilespmem:s8], [sflag:$0x1] =	stream.indirect_vreg.gather [hbm4b:s9+s2], $0x80, v3, vm0, $0xb8;
	[tilespmem:$0x1FE70] =	vst v63  }
0x334: {  	_ = 	snop  }
0x335: {  	[tilespmem:s10], [sflag:$0x1] =	stream.indirect_vreg.gather [hbm4b:s19+s2], $0x80, v3, vm1, $0xb8;
	[tilespmem:$0x1FE70] =	vst v63  }
0x336: {  	_ =	swait.ge [sflag:s22], $0xF00  }
0x337: {  	s25 =	sld [smem:$0x7E6]  }
0x338: {  	[sflag:s22] =	ssyncset.done $0x0  }
0x339: {  	[sflag:s22] =	ssyncadd.s32 $0xFFFFF100  }
0x33a: {  	[spmem:s25] =	stream.linear.scatter [tilespmem:s12], [sflag:$0x5], $0xF00, $0x38;
	[tilespmem:$0x1FE70] =	vst v63  }
0x33b: {  	_ =	swait.ge [sflag:s20], $0xF00  }
0x33c: {  	[sflag:s20] =	ssyncset.done $0x0  }
0x33d: {  	[sflag:s20] =	ssyncadd.s32 $0xFFFFF100  }
0x33e: {  	v3 =	vld.msk [tilespmem:$0x1FD70], $0x1;
	_ =	sdelay $0x4  }
0x33f: {  	v60 =	vshrl.u32 v3, $0x3  }
0x340: {  	v4 =	vmul.u32 $0xF428, v60  }
0x341: {  	v3 =	vand.u32 $0x7, v3  }
0x342: {  	v3 =	vor.u32 v3, v4  }
0x343: {  	v3 =	vperm.xlane v3, v1;
	_ =	sdelay $0x1  }
0x344: {  	v3 =	vadd.s32 v2, v3;
	_ =	sdelay $0x1  }
0x345: {  	s9 =	sld [smem:$0x7EF];
	_ =	sdelay $0x1  }
0x346: {  	s19 =	sld [smem:$0x7DB]  }
0x347: {  	[tilespmem:s12], [sflag:$0x2] =	stream.indirect_vreg.gather [hbm4b:s9+s2], $0x80, v3, vm0, $0xb8;
	[tilespmem:$0x1FE70] =	vst v63  }
0x348: {  	_ = 	snop  }
0x349: {  	[tilespmem:s14], [sflag:$0x2] =	stream.indirect_vreg.gather [hbm4b:s19+s2], $0x80, v3, vm1, $0xb8;
	[tilespmem:$0x1FE70] =	vst v63  }
0x34a: {  	_ =	swait.ge [sflag:s3], $0xF00  }
0x34b: {  	s25 =	sld [smem:$0x7E8]  }
0x34c: {  	[sflag:s3] =	ssyncset.done $0x0  }
0x34d: {  	[sflag:s3] =	ssyncadd.s32 $0xFFFFF100  }
0x34e: {  	[spmem:s25] =	stream.linear.scatter [tilespmem:s16], [sflag:$0x5], $0xF00, $0x38;
	[tilespmem:$0x1FE70] =	vst v63  }
0x34f: {  	_ =	swait.ge [sflag:s20], $0xF00  }
0x350: {  	[sflag:s20] =	ssyncset.done $0x0  }
0x351: {  	[sflag:s20] =	ssyncadd.s32 $0xFFFFF100  }
0x352: {  	v3 =	vld.msk [tilespmem:$0x1FD70], $0x1;
	_ =	sdelay $0x4  }
0x353: {  	v61 =	vshrl.u32 v3, $0x3  }
0x354: {  	v4 =	vmul.u32 $0xF428, v61  }
0x355: {  	v3 =	vand.u32 $0x7, v3  }
0x356: {  	v3 =	vor.u32 v3, v4  }
0x357: {  	v3 =	vperm.xlane v3, v1;
	_ =	sdelay $0x1  }
0x358: {  	v3 =	vadd.s32 v2, v3;
	_ =	sdelay $0x1  }
0x359: {  	s9 =	sld [smem:$0x7F1];
	_ =	sdelay $0x1  }
0x35a: {  	s25 =	sld [smem:$0x7DC]  }
0x35b: {  	[tilespmem:s16], [sflag:$0x3] =	stream.indirect_vreg.gather [hbm4b:s9+s2], $0x80, v3, vm0, $0xb8;
	[tilespmem:$0x1FE70] =	vst v63  }
0x35c: {  	_ = 	snop  }
0x35d: {  	[tilespmem:s18], [sflag:$0x3] =	stream.indirect_vreg.gather [hbm4b:s25+s2], $0x80, v3, vm1, $0xb8;
	[tilespmem:$0x1FE70] =	vst v63  }
0x35e: {  	_ =	swait.ge [sflag:s24], $0xF00  }
0x35f: {  	s9 =	sld [smem:$0x7EA]  }
0x360: {  	[sflag:s24] =	ssyncset.done $0x0  }
0x361: {  	[sflag:s24] =	ssyncadd.s32 $0xFFFFF100  }
0x362: {  	[spmem:s9] =	stream.linear.scatter [tilespmem:s23], [sflag:$0x5], $0xF00, $0x38;
	[tilespmem:$0x1FE70] =	vst v63  }
0x363: {  	_ =	swait.ge [sflag:s20], $0xF00  }
0x364: {  	[sflag:s20] =	ssyncset.done $0x0  }
0x365: {  	[sflag:s20] =	ssyncadd.s32 $0xFFFFF100  }
0x366: {  	v3 =	vld.msk [tilespmem:$0x1FD70], $0x1;
	_ =	sdelay $0x4  }
0x367: {  	v62 =	vshrl.u32 v3, $0x3  }
0x368: {  	v4 =	vmul.u32 $0xF428, v62  }
0x369: {  	v3 =	vand.u32 $0x7, v3  }
0x36a: {  	v3 =	vor.u32 v3, v4  }
0x36b: {  	v3 =	vperm.xlane v3, v1;
	_ =	sdelay $0x1  }
0x36c: {  	v3 =	vadd.s32 v2, v3;
	_ =	sdelay $0x1  }
0x36d: {  	s25 =	sld [smem:$0x7F3];
	_ =	sdelay $0x2  }
0x36e: {  	[tilespmem:s23], [sflag:$0x4] =	stream.indirect_vreg.gather [hbm4b:s25+s2], $0x80, v3, vm0, $0xb8;
	[tilespmem:$0x1FE70] =	vst v63  }
0x36f: {  	_ = 	snop  }
0x370: {  	[tilespmem:s28], [sflag:$0x4] =	stream.indirect_vreg.gather [hbm4b:s11+s2], $0x80, v3, vm1, $0xb8;
	[tilespmem:$0x1FE70] =	vst v63  }
0x371: {  	_ =	swait.ge [sflag:s30], $0xF00  }
0x372: {  	s9 =	sld [smem:$0x7EC]  }
0x373: {  	[sflag:s30] =	ssyncset.done $0x0  }
0x374: {  	[sflag:s30] =	ssyncadd.s32 $0xFFFFF100  }
0x375: {  	[spmem:s9] =	stream.linear.scatter [tilespmem:s8], [sflag:$0x5], $0xF00, $0x38;
	[tilespmem:$0x1FE70] =	vst v63  }
0x376: {  	_ =	swait.ge [sflag:s20], $0xF00  }
0x377: {  	[sflag:s20] =	ssyncset.done $0x0  }
0x378: {  	[sflag:s20] =	ssyncadd.s32 $0xFFFFF100  }
0x379: {  	v3 =	vld.msk [tilespmem:$0x1FD70], $0x1;
	_ =	sdelay $0x4  }
0x37a: {  	v63 =	vshrl.u32 v3, $0x3  }
0x37b: {  	v4 =	vmul.u32 $0xF428, v63  }
0x37c: {  	v3 =	vand.u32 $0x7, v3  }
0x37d: {  	v3 =	vor.u32 v3, v4  }
0x37e: {  	v3 =	vperm.xlane v3, v1;
	_ =	sdelay $0x1  }
0x37f: {  	v3 =	vadd.s32 v2, v3;
	_ =	sdelay $0x1  }
0x380: {  	s25 =	sld [smem:$0x7F5];
	_ =	sdelay $0x2  }
0x381: {  	[tilespmem:s8], [sflag:$0x1] =	stream.indirect_vreg.gather [hbm4b:s25+s2], $0x80, v3, vm2, $0xb8;
	[tilespmem:$0x1FE70] =	vst v63  }
0x382: {  	_ =	swait.ge [sflag:s22], $0xF00  }
0x383: {  	s9 =	sld [smem:$0x7F0]  }
0x384: {  	[sflag:s22] =	ssyncset.done $0x0  }
0x385: {  	[sflag:s22] =	ssyncadd.s32 $0xFFFFF100  }
0x386: {  	[spmem:s9] =	stream.linear.scatter [tilespmem:s12], [sflag:$0x5], $0xF00, $0x38;
	[tilespmem:$0x1FE70] =	vst v63  }
0x387: {  	_ =	swait.ge [sflag:s3], $0xF00  }
0x388: {  	s25 =	sld [smem:$0x7F2]  }
0x389: {  	[sflag:s3] =	ssyncset.done $0x0  }
0x38a: {  	[sflag:s3] =	ssyncadd.s32 $0xFFFFF100  }
0x38b: {  	[spmem:s25] =	stream.linear.scatter [tilespmem:s16], [sflag:$0x5], $0xF00, $0x38;
	[tilespmem:$0x1FE70] =	vst v63  }
0x38c: {  	_ =	swait.ge [sflag:s24], $0xF00  }
0x38d: {  	s9 =	sld [smem:$0x7F4]  }
0x38e: {  	[sflag:s24] =	ssyncset.done $0x0  }
0x38f: {  	[sflag:s24] =	ssyncadd.s32 $0xFFFFF100  }
0x390: {  	[spmem:s9] =	stream.linear.scatter [tilespmem:s23], [sflag:$0x5], $0xF00, $0x38;
	[tilespmem:$0x1FE70] =	vst v63  }
0x391: {  	_ =	swait.ge [sflag:s30], $0x400  }
0x392: {  	s25 =	sld [smem:$0x7F6]  }
0x393: {  	[sflag:s30] =	ssyncset.done $0x0  }
0x394: {  	[sflag:s30] =	ssyncadd.s32 $0xFFFFFC00  }
0x395: {  	[spmem:s25] =	stream.linear.scatter [tilespmem:s8], [sflag:$0x5], $0x400, $0x38;
	[tilespmem:$0x1FE70] =	vst v63  }
0x396: {  	s19 =	simm.s32 @p1 $0x1FDF0;
	s25 =	simm.s32 @p1 $0x2  }
0x397: {  	[tilespmem:s19], [sflag:$0x2] =	stream.linear.gather @p1 [spmem:s15], $0x48, $0x38;
	[tilespmem:$0x1FE70] =	vst v63  }
0x398: {  	_ =	swait.ge @p1 [sflag:s25], $0x48  }
0x399: {  	s9 =	sld [smem:$0x7F9]  }
0x39a: {  	[sflag:s25] =	ssyncset.done @p1 $0x0  }
0x39b: {  	[sflag:s25] =	ssyncadd.s32 @p1 $0xFFFFFFB8  }
0x39c: {  	[spmem:s9] =	stream.linear.scatter @p1 [tilespmem:s19], [sflag:$0x5], $0x48, $0x38;
	[tilespmem:$0x1FE70] =	vst v63  }
0x39d: {  	s19 =	simm.s32 @!p3 $0x5  }
0x39e: {  	_ =	swait.ge @!p3 [sflag:s19], $0xF00  }
0x39f: {  	[sflag:s19] =	ssyncset.done @!p3 $0x0  }
0x3a0: {  	[sflag:s19] =	ssyncadd.s32 @!p3 $0xFFFFF100  }
0x3a1: {  	v3 =	vld.msk @!p3 [tilespmem:$0x1FD70], $0x1;
	_ =	sdelay $0x4  }
0x3a2: {  	v4 =	vshrl.u32 @!p3 v3, $0x3  }
0x3a3: {  	v4 =	vmul.u32 @!p3 $0xF428, v4  }
0x3a4: {  	v3 =	vand.u32 @!p3 $0x7, v3  }
0x3a5: {  	v5 =	vlaneseq.u32 @!p3;
	v3 =	vor.u32 @!p3 v3, v4;
	v4 =	vimm.s32 @!p3 $0x0  }
0x3a6: {  	v3 =	vperm.xlane @!p3 v3, v4;
	v4 =	vmul.u32 @!p3 $0x8, v5;
	_ =	sdelay $0x1  }
0x3a7: {  	v3 =	vadd.s32 @!p3 v4, v3;
	_ =	sdelay $0x1  }
0x3a8: {  	s9 =	sld [smem:$0x7F7];
	_ =	sdelay $0x1  }
0x3a9: {  	s17 =	sadd.s32 $0x19000, s17;
	s25 =	simm.s32 @!p3 $0x1D070;
	s19 =	simm.s32 @!p3 $0x0  }
0x3aa: {  	[tilespmem:s25], [sflag:$0x2] =	stream.indirect_vreg.gather @!p3 [hbm4b:s9+s19], $0x80, v3, vm3, $0xb8;
	[tilespmem:$0x1FE70] =	vst v63  }
0x3ab: {  	p5 =	sne.s32 s17, $0xEA6000;
	s19 =	simm.s32 @!p3 $0x2  }
.Ltmp3:
0x3ac: {  	_ =	swait.ge @!p3 [sflag:s19], $0x200;
	(pc) =	sbr.rel @p5 .LBB2_2-.Ltmp3, $4  }
.Ltmp4:
0x3ad: {  	s9 =	sld [smem:$0x7FA];
	(pc) =	sbr.rel @!p5 .LBB2_4-.Ltmp4, $4  }
0x3ae: {  	[sflag:s19] =	ssyncset.done @!p3 $0x0  }
0x3af: {  	s13 =	sadd.s32 $0x1, s13;
	s15 =	sadd.s32 $0x48, s15;
	[sflag:s19] =	ssyncadd.s32 @!p3 $0xFFFFFE00  }
0x3b0: {  	[spmem:s9] =	stream.linear.scatter @!p3 [tilespmem:s25], [sflag:$0x5], $0x200, $0x38;
	[tilespmem:$0x1FE70] =	vst v63  }
0x3b1: {  	_ = 	snop  }
.LBB2_5:
0x3b2: {  	_ =	sfence.sel $0x180000  }
0x3b3: {  	[bflag:$0x0] =	sbarrier.arrive $0xFFFF  }
0x3b4: {  	_ =	strace $0x90000047  }
0x3b5: {  	[bflag:$0x2] =	sbarrier.arrive $0xFFFF  }
0x3b6: {  	s0 =	rddreg [dreg:$0x5]  }
0x3b7: {  	s0 =	sadd.s32 @!p0 $0x100000, s0  }
0x3b8: {  	[sflag:s0] =	ssyncadd.tile.s32 @!p0 $0x1;
	_ =	shalt  }
.Lfunc_end2:
_tile_overlayer_lowered:
.L_overlay_start_2:
0x3b9: {  	(tag) =	ssettag $0x2  }
0x3ba: {  	s0 =	rddreg [dreg:$0x0];
	s2 =	stileid.u32  }
0x3bb: {  	s1 =	rddreg [dreg:$0x1];
	p0 =	sne.s32 s2, $0x0  }
0x3bc: {  	s3 =	rddreg [dreg:$0x2];
	[bflag:$0x3] =	sbarrier.arrive $0xFFFF;
	s2 =	simm.s32 @!p0 $0x1C0E  }
0x3bd: {  	[timem:s3], [sflag:s2] =	dma.local @!p0 [hbm:s0], s1  }
0x3be: {  	s0 =	simm.s32 @!p0 $0xE  }
0x3bf: {  	_ =	swait.ge @!p0 [sflag:s0], s1  }
0x3c0: {  	s1 =	ssub.s32 @!p0 $0x0, s1;
	[sflag:s0] =	ssyncset.done @!p0 $0x0  }
0x3c1: {  	[sflag:s0] =	ssyncadd.s32 @!p0 s1  }
0x3c2: {  	[bflag:$0x3] =	sbarrier.arrive $0xFFFF  }
0x3c3: {  	_ =	shalt  }

</sc_bundles>
